<compile_context>
chip_gen: v7x
topology: tpu7x:2x2x1
jax: 0.10.2.dev20260603
libtpu: 0.0.44.dev20260713+nightly
codegen_flags: <defaults>
</compile_context>

<pallas_src>
import functools

import jax
import jax.numpy as jnp
from jax import lax
from jax.experimental import pallas as pl
from jax.experimental.pallas import tpu as pltpu
from jax.experimental.pallas import tpu_sc as plsc

TOPIC_K = 128
BATCH = 4096
DEG1 = 32
DEG2 = 64
LANES = 16
SEG = TOPIC_K // LANES

NC = 2
NS = 16
NW = NC * NS
PER_W = BATCH // NW
CH = 1
NCH = PER_W // CH
NBUF = 4


def _softmax_rows_accumulate(rows_ref, row0, nrows, ninv, acc_ref, out_row):

    ninv_vec = jnp.full((LANES,), ninv, jnp.float32)
    zeros = tuple(jnp.zeros((LANES,), jnp.float32) for _ in range(SEG))

    @plsc.parallel_loop(0, nrows, carry=zeros)
    def accs(r, accs):
        evs = []
        tot = None
        for s in range(SEG):
            x = rows_ref[row0 + r, pl.ds(s * LANES, LANES)]
            e = jnp.exp(x)
            evs.append(e)
            tot = e if tot is None else tot + e
        ssum = jnp.sum(tot)
        scale = ninv_vec / lax.broadcast(ssum, (LANES,))
        return tuple(a + e * scale for a, e in zip(accs, evs))
    for s in range(SEG):
        acc_ref[out_row, pl.ds(s * LANES, LANES)] = accs[s]


def _sc_body(v_hbm, h1_hbm, h2_hbm, edoc_hbm, eword_hbm,
             selfout_hbm, agg1_hbm, agg2_hbm,
             idx_self, idx1, idx2, self_rows, buf1, buf2, acc1, acc2,
             sem_self, sem1_0, sem1_1, sem1_2, sem1_3,
             sem2_0, sem2_1, sem2_2, sem2_3):
    cid = lax.axis_index("c")
    sid = lax.axis_index("s")
    wid = sid * NC + cid
    base = wid * PER_W

    pltpu.sync_copy(v_hbm.at[pl.ds(base, PER_W)], idx_self)
    pltpu.sync_copy(h1_hbm.at[pl.ds(base * DEG1, PER_W * DEG1)], idx1)
    pltpu.sync_copy(h2_hbm.at[pl.ds(base * DEG2, PER_W * DEG2)], idx2)

    pltpu.async_copy(edoc_hbm.at[idx_self], self_rows, sem_self)

    sems1 = (sem1_0, sem1_1, sem1_2, sem1_3)
    sems2 = (sem2_0, sem2_1, sem2_2, sem2_3)

    def chunk_slices(c):
        return (idx1.at[pl.ds(c * CH * DEG1, CH * DEG1)],
                idx2.at[pl.ds(c * CH * DEG2, CH * DEG2)])

    def start_chunk(c, b):
        s1, s2 = chunk_slices(c)
        pltpu.async_copy(eword_hbm.at[s1], buf1.at[b], sems1[b])
        pltpu.async_copy(edoc_hbm.at[s2], buf2.at[b], sems2[b])

    def wait_chunk(c, b):
        s1, s2 = chunk_slices(c)
        pltpu.make_async_copy(eword_hbm.at[s1], buf1.at[b], sems1[b]).wait()
        pltpu.make_async_copy(edoc_hbm.at[s2], buf2.at[b], sems2[b]).wait()

    for b in range(NBUF):
        start_chunk(b, b)

    def outer(i, carry):
        for b in range(NBUF):
            c = NBUF * i + b
            wait_chunk(c, b)
            for j in range(CH):
                e = c * CH + j
                _softmax_rows_accumulate(buf1.at[b], j * DEG1, DEG1,
                                         1.0 / DEG1, acc1, e)
                _softmax_rows_accumulate(buf2.at[b], j * DEG2, DEG2,
                                         1.0 / DEG2, acc2, e)
            nc = c + NBUF

            @pl.when(nc < NCH)
            def _():
                start_chunk(nc, b)
        return carry

    lax.fori_loop(0, NCH // NBUF, outer, 0)

    pltpu.make_async_copy(edoc_hbm.at[idx_self], self_rows, sem_self).wait()
    pltpu.sync_copy(self_rows, selfout_hbm.at[pl.ds(base, PER_W)])
    pltpu.sync_copy(acc1, agg1_hbm.at[pl.ds(base, PER_W)])
    pltpu.sync_copy(acc2, agg2_hbm.at[pl.ds(base, PER_W)])


@functools.cache
def _build_sc_gather():
    mesh = plsc.VectorSubcoreMesh(core_axis_name="c", subcore_axis_name="s")
    out = jax.ShapeDtypeStruct((BATCH, TOPIC_K), jnp.float32)
    return pl.kernel(
        _sc_body,
        mesh=mesh,
        compiler_params=pltpu.CompilerParams(needs_layout_passes=False),
        out_type=(out, out, out),
        scratch_types=(
            pltpu.VMEM((PER_W,), jnp.int32),
            pltpu.VMEM((PER_W * DEG1,), jnp.int32),
            pltpu.VMEM((PER_W * DEG2,), jnp.int32),
            pltpu.VMEM((PER_W, TOPIC_K), jnp.float32),
            pltpu.VMEM((NBUF, CH * DEG1, TOPIC_K), jnp.float32),
            pltpu.VMEM((NBUF, CH * DEG2, TOPIC_K), jnp.float32),
            pltpu.VMEM((PER_W, TOPIC_K), jnp.float32),
            pltpu.VMEM((PER_W, TOPIC_K), jnp.float32),
        ) + (pltpu.SemaphoreType.DMA,) * (1 + 2 * NBUF),
    )


def _tc_body(self_ref, a1_ref, a2_ref, ws_ref, w1_ref, w2_ref, out_ref):
    x = self_ref[...]
    x = x - jnp.max(x, axis=-1, keepdims=True)
    e = jnp.exp(x)
    h = e / jnp.sum(e, axis=-1, keepdims=True)
    acc = jnp.dot(h, ws_ref[...], preferred_element_type=jnp.float32)
    acc = acc + jnp.dot(a1_ref[...], w1_ref[...],
                        preferred_element_type=jnp.float32)
    acc = acc + jnp.dot(a2_ref[...], w2_ref[...],
                        preferred_element_type=jnp.float32)
    acc = acc - jnp.max(acc, axis=-1, keepdims=True)
    ee = jnp.exp(acc)
    out_ref[...] = ee / jnp.sum(ee, axis=-1, keepdims=True)


def _tc_combine(self_raw, a1, a2, ws, w1, w2):
    bb = 512
    row_spec = pl.BlockSpec((bb, TOPIC_K), lambda i: (i, 0))
    w_spec = pl.BlockSpec((TOPIC_K, TOPIC_K), lambda i: (0, 0))
    return pl.pallas_call(
        _tc_body,
        grid=(BATCH // bb,),
        in_specs=[row_spec, row_spec, row_spec, w_spec, w_spec, w_spec],
        out_specs=row_spec,
        out_shape=jax.ShapeDtypeStruct((BATCH, TOPIC_K), jnp.float32),
    )(self_raw, a1, a2, ws, w1, w2)


def kernel(v, one_hop_list, two_hop_list, E_doc, E_word,
           W_self, W_hop1, W_hop2):
    v32 = v.astype(jnp.int32)
    h1 = one_hop_list.reshape(-1).astype(jnp.int32)
    h2 = two_hop_list.reshape(-1).astype(jnp.int32)
    self_raw, agg1, agg2 = _build_sc_gather()(v32, h1, h2, E_doc, E_word)
    return _tc_combine(self_raw, agg1, agg2, W_self, W_hop1, W_hop2)

# --- scband reference (transcript-rebuilt; emitter-appended) ---
"""Pipeline reference for scband-topic-modeling-65884798321220 (READ-ONLY COPY).

The authoritative reference and input builder live on the scoring server;
editing this copy changes nothing except your own understanding.
"""

import jax, jax.numpy as jnp
import numpy as np

TOPIC_K = 128
DOC_NUM = 100000
WORD_NUM = 100000
BATCH = 4096
DEG1 = 32
DEG2 = 64


def setup_inputs(seed: int = 0) -> dict:
    key = jax.random.key(seed)
    ks = jax.random.split(key, 8)
    v = jax.random.randint(ks[0], (BATCH,), 0, DOC_NUM, dtype=jnp.int64 if jax.config.jax_enable_x64 else jnp.int32)
    one_hop_list = jax.random.randint(ks[1], (BATCH, DEG1), 0, WORD_NUM)
    two_hop_list = jax.random.randint(ks[2], (BATCH, DEG2), 0, DOC_NUM)
    E_doc = jax.random.normal(ks[3], (DOC_NUM, TOPIC_K), dtype=jnp.float32) * 0.02
    E_word = jax.random.normal(ks[4], (WORD_NUM, TOPIC_K), dtype=jnp.float32) * 0.02
    scale = 1.0 / np.sqrt(TOPIC_K)
    W_self = jax.random.normal(ks[5], (TOPIC_K, TOPIC_K), dtype=jnp.float32) * scale
    W_hop1 = jax.random.normal(ks[6], (TOPIC_K, TOPIC_K), dtype=jnp.float32) * scale
    W_hop2 = jax.random.normal(ks[7], (TOPIC_K, TOPIC_K), dtype=jnp.float32) * scale
    return {
        'v': v,
        'one_hop_list': one_hop_list,
        'two_hop_list': two_hop_list,
        'E_doc': E_doc,
        'E_word': E_word,
        'W_self': W_self,
        'W_hop1': W_hop1,
        'W_hop2': W_hop2,
    }


def reference(v, one_hop_list, two_hop_list, E_doc, E_word, W_self, W_hop1, W_hop2):
    # 'd' branch of TopicModeling.forward:
    # mat = Word_Stack.topic_dist(range(word_num)) -> full word-topic distribution
    mat = jax.nn.softmax(E_word, axis=-1)
    # Document_Stack(v, one_hop_list, two_hop_list, mat):
    # self topic distribution for the seed docs (embedding gather + softmax)
    h_self = jax.nn.softmax(jnp.take(E_doc, v, axis=0), axis=-1)
    # one-hop neighbors are words: gather rows of the word topic matrix and mean-pool
    agg1 = jnp.mean(jnp.take(mat, one_hop_list, axis=0), axis=1)
    # two-hop neighbors are docs: gather doc topic distributions and mean-pool
    agg2 = jnp.mean(jax.nn.softmax(jnp.take(E_doc, two_hop_list, axis=0), axis=-1), axis=1)
    out = h_self @ W_self + agg1 @ W_hop1 + agg2 @ W_hop2
    return jax.nn.softmax(out, axis=-1)

if __name__ == "__main__":
    import jax
    _d = setup_inputs()
    print(jax.jit(kernel)(*tuple(_d.values())))

</pallas_src>

<mosaic_0001>
#map = affine_map<(d0, d1) -> (0)>
#map1 = affine_map<(d0, d1) -> (0, 0)>
module attributes {stable_mosaic.version = 14 : i64} {
  func.func @_sc_body(%arg0: i32, %arg1: i32, %arg2: memref<4096xi32, #tpu.memory_space<hbm>>, %arg3: memref<131072xi32, #tpu.memory_space<hbm>>, %arg4: memref<262144xi32, #tpu.memory_space<hbm>>, %arg5: memref<100000x128xf32, #tpu.memory_space<hbm>>, %arg6: memref<100000x128xf32, #tpu.memory_space<hbm>>, %arg7: memref<4096x128xf32, #tpu.memory_space<hbm>>, %arg8: memref<4096x128xf32, #tpu.memory_space<hbm>>, %arg9: memref<4096x128xf32, #tpu.memory_space<hbm>>, %arg10: memref<128xi32, #tpu.memory_space<vmem>>, %arg11: memref<4096xi32, #tpu.memory_space<vmem>>, %arg12: memref<8192xi32, #tpu.memory_space<vmem>>, %arg13: memref<128x128xf32, #tpu.memory_space<vmem>>, %arg14: memref<4x32x128xf32, #tpu.memory_space<vmem>>, %arg15: memref<4x64x128xf32, #tpu.memory_space<vmem>>, %arg16: memref<128x128xf32, #tpu.memory_space<vmem>>, %arg17: memref<128x128xf32, #tpu.memory_space<vmem>>, %arg18: memref<!tpu.dma_semaphore, #tpu.memory_space<semaphore_mem>>, %arg19: memref<!tpu.dma_semaphore, #tpu.memory_space<semaphore_mem>>, %arg20: memref<!tpu.dma_semaphore, #tpu.memory_space<semaphore_mem>>, %arg21: memref<!tpu.dma_semaphore, #tpu.memory_space<semaphore_mem>>, %arg22: memref<!tpu.dma_semaphore, #tpu.memory_space<semaphore_mem>>, %arg23: memref<!tpu.dma_semaphore, #tpu.memory_space<semaphore_mem>>, %arg24: memref<!tpu.dma_semaphore, #tpu.memory_space<semaphore_mem>>, %arg25: memref<!tpu.dma_semaphore, #tpu.memory_space<semaphore_mem>>, %arg26: memref<!tpu.dma_semaphore, #tpu.memory_space<semaphore_mem>>) attributes {dimension_semantics = [#tpu.dimension_semantics<core_parallel>, #tpu.dimension_semantics<subcore_parallel>], iteration_bounds = array<i64: 2, 16>, scalar_prefetch = 0 : i64, scratch_operands = 17 : i64, tpu.core_type = #tpu.core_type<sc_vector_subcore>, window_params = [{transform_indices = #map}, {transform_indices = #map}, {transform_indices = #map}, {transform_indices = #map1}, {transform_indices = #map1}, {transform_indices = #map1}, {transform_indices = #map1}, {transform_indices = #map1}]} {
    %mul3A = arith.constant 2 : i32
    %mul3A_0 = arith.muli %arg1, %mul3A : i32
    %add3A = arith.addi %mul3A_0, %arg0 : i32
    %mul3A_1 = arith.constant 128 : i32
    %mul3A_2 = arith.muli %add3A, %mul3A_1 : i32
    "tpu.region"() ({
      %run_scoped3A = tpu.sem_alloc : memref<!tpu.dma_semaphore, #tpu.memory_space<semaphore_mem>>
      %dma_start3A_96 = tpu.memref_slice %arg2[%mul3A_2] : memref<4096xi32, #tpu.memory_space<hbm>> -> memref<128xi32, #tpu.memory_space<hbm>>
      %dma_start3A_97 = tpu.memref_slice %arg2[%mul3A_2] : memref<4096xi32, #tpu.memory_space<hbm>> -> memref<128xi32, #tpu.memory_space<hbm>>
      tpu.enqueue_dma source(%dma_start3A_97 : memref<128xi32, #tpu.memory_space<hbm>>) target(%arg10 : memref<128xi32, #tpu.memory_space<vmem>>) target_semaphore(%run_scoped3A : memref<!tpu.dma_semaphore, #tpu.memory_space<semaphore_mem>>)
      %dma_wait3A_98 = tpu.memref_slice %arg2[%mul3A_2] : memref<4096xi32, #tpu.memory_space<hbm>> -> memref<128xi32, #tpu.memory_space<hbm>>
      %dma_wait3A_99 = tpu.memref_slice %arg2[%mul3A_2] : memref<4096xi32, #tpu.memory_space<hbm>> -> memref<128xi32, #tpu.memory_space<hbm>>
      tpu.wait_dma2 semaphore(%run_scoped3A : memref<!tpu.dma_semaphore, #tpu.memory_space<semaphore_mem>>) src(%dma_wait3A_99 : memref<128xi32, #tpu.memory_space<hbm>>) dst(%arg10 : memref<128xi32, #tpu.memory_space<vmem>>)
      tpu.yield
    }) : () -> ()
    %mul3A_3 = arith.constant 32 : i32
    %mul3A_4 = arith.muli %mul3A_2, %mul3A_3 : i32
    "tpu.region"() ({
      %run_scoped3A = tpu.sem_alloc : memref<!tpu.dma_semaphore, #tpu.memory_space<semaphore_mem>>
      %dma_start3A_96 = tpu.memref_slice %arg3[%mul3A_4] : memref<131072xi32, #tpu.memory_space<hbm>> -> memref<4096xi32, #tpu.memory_space<hbm>>
      %dma_start3A_97 = tpu.memref_slice %arg3[%mul3A_4] : memref<131072xi32, #tpu.memory_space<hbm>> -> memref<4096xi32, #tpu.memory_space<hbm>>
      tpu.enqueue_dma source(%dma_start3A_97 : memref<4096xi32, #tpu.memory_space<hbm>>) target(%arg11 : memref<4096xi32, #tpu.memory_space<vmem>>) target_semaphore(%run_scoped3A : memref<!tpu.dma_semaphore, #tpu.memory_space<semaphore_mem>>)
      %dma_wait3A_98 = tpu.memref_slice %arg3[%mul3A_4] : memref<131072xi32, #tpu.memory_space<hbm>> -> memref<4096xi32, #tpu.memory_space<hbm>>
      %dma_wait3A_99 = tpu.memref_slice %arg3[%mul3A_4] : memref<131072xi32, #tpu.memory_space<hbm>> -> memref<4096xi32, #tpu.memory_space<hbm>>
      tpu.wait_dma2 semaphore(%run_scoped3A : memref<!tpu.dma_semaphore, #tpu.memory_space<semaphore_mem>>) src(%dma_wait3A_99 : memref<4096xi32, #tpu.memory_space<hbm>>) dst(%arg11 : memref<4096xi32, #tpu.memory_space<vmem>>)
      tpu.yield
    }) : () -> ()
    %mul3A_5 = arith.constant 64 : i32
    %mul3A_6 = arith.muli %mul3A_2, %mul3A_5 : i32
    "tpu.region"() ({
      %run_scoped3A = tpu.sem_alloc : memref<!tpu.dma_semaphore, #tpu.memory_space<semaphore_mem>>
      %dma_start3A_96 = tpu.memref_slice %arg4[%mul3A_6] : memref<262144xi32, #tpu.memory_space<hbm>> -> memref<8192xi32, #tpu.memory_space<hbm>>
      %dma_start3A_97 = tpu.memref_slice %arg4[%mul3A_6] : memref<262144xi32, #tpu.memory_space<hbm>> -> memref<8192xi32, #tpu.memory_space<hbm>>
      tpu.enqueue_dma source(%dma_start3A_97 : memref<8192xi32, #tpu.memory_space<hbm>>) target(%arg12 : memref<8192xi32, #tpu.memory_space<vmem>>) target_semaphore(%run_scoped3A : memref<!tpu.dma_semaphore, #tpu.memory_space<semaphore_mem>>)
      %dma_wait3A_98 = tpu.memref_slice %arg4[%mul3A_6] : memref<262144xi32, #tpu.memory_space<hbm>> -> memref<8192xi32, #tpu.memory_space<hbm>>
      %dma_wait3A_99 = tpu.memref_slice %arg4[%mul3A_6] : memref<262144xi32, #tpu.memory_space<hbm>> -> memref<8192xi32, #tpu.memory_space<hbm>>
      tpu.wait_dma2 semaphore(%run_scoped3A : memref<!tpu.dma_semaphore, #tpu.memory_space<semaphore_mem>>) src(%dma_wait3A_99 : memref<8192xi32, #tpu.memory_space<hbm>>) dst(%arg12 : memref<8192xi32, #tpu.memory_space<vmem>>)
      tpu.yield
    }) : () -> ()
    %dma_start3A = arith.constant 0 : i32
    %dma_start3A_7 = arith.constant 0 : i32
    %dma_start3A_8 = tpu.memref_slice %arg5[%dma_start3A, %dma_start3A_7] : memref<100000x128xf32, #tpu.memory_space<hbm>> -> memref<100000x128xf32, #tpu.memory_space<hbm>>
    tpu.enqueue_indirect_dma source(%dma_start3A_8 : memref<100000x128xf32, #tpu.memory_space<hbm>>) target(%arg13 : memref<128x128xf32, #tpu.memory_space<vmem>>) offsets(%arg10 : memref<128xi32, #tpu.memory_space<vmem>>) semaphore(%arg18 : memref<!tpu.dma_semaphore, #tpu.memory_space<semaphore_mem>>)
    %dma_start3A_9 = arith.constant 0 : i32
    %dma_start3A_10 = arith.constant 0 : i32
    %dma_start3A_11 = arith.constant 0 : i32
    %dma_start3A_12 = tpu.memref_slice %arg14[%dma_start3A_9, %dma_start3A_10, %dma_start3A_11] : memref<4x32x128xf32, #tpu.memory_space<vmem>> -> memref<1x32x128xf32, #tpu.memory_space<vmem>>
    %dma_start3A_13 = tpu.memref_squeeze %dma_start3A_12 : memref<1x32x128xf32, #tpu.memory_space<vmem>> -> memref<32x128xf32, #tpu.memory_space<vmem>>
    %dma_start3A_14 = arith.constant 0 : i32
    %dma_start3A_15 = tpu.memref_slice %arg11[%dma_start3A_14] : memref<4096xi32, #tpu.memory_space<vmem>> -> memref<32xi32, #tpu.memory_space<vmem>>
    %dma_start3A_16 = arith.constant 0 : i32
    %dma_start3A_17 = arith.constant 0 : i32
    %dma_start3A_18 = tpu.memref_slice %arg6[%dma_start3A_16, %dma_start3A_17] : memref<100000x128xf32, #tpu.memory_space<hbm>> -> memref<100000x128xf32, #tpu.memory_space<hbm>>
    tpu.enqueue_indirect_dma source(%dma_start3A_18 : memref<100000x128xf32, #tpu.memory_space<hbm>>) target(%dma_start3A_13 : memref<32x128xf32, #tpu.memory_space<vmem>>) offsets(%dma_start3A_15 : memref<32xi32, #tpu.memory_space<vmem>>) semaphore(%arg19 : memref<!tpu.dma_semaphore, #tpu.memory_space<semaphore_mem>>)
    %dma_start3A_19 = arith.constant 0 : i32
    %dma_start3A_20 = arith.constant 0 : i32
    %dma_start3A_21 = arith.constant 0 : i32
    %dma_start3A_22 = tpu.memref_slice %arg15[%dma_start3A_19, %dma_start3A_20, %dma_start3A_21] : memref<4x64x128xf32, #tpu.memory_space<vmem>> -> memref<1x64x128xf32, #tpu.memory_space<vmem>>
    %dma_start3A_23 = tpu.memref_squeeze %dma_start3A_22 : memref<1x64x128xf32, #tpu.memory_space<vmem>> -> memref<64x128xf32, #tpu.memory_space<vmem>>
    %dma_start3A_24 = arith.constant 0 : i32
    %dma_start3A_25 = tpu.memref_slice %arg12[%dma_start3A_24] : memref<8192xi32, #tpu.memory_space<vmem>> -> memref<64xi32, #tpu.memory_space<vmem>>
    %dma_start3A_26 = arith.constant 0 : i32
    %dma_start3A_27 = arith.constant 0 : i32
    %dma_start3A_28 = tpu.memref_slice %arg5[%dma_start3A_26, %dma_start3A_27] : memref<100000x128xf32, #tpu.memory_space<hbm>> -> memref<100000x128xf32, #tpu.memory_space<hbm>>
    tpu.enqueue_indirect_dma source(%dma_start3A_28 : memref<100000x128xf32, #tpu.memory_space<hbm>>) target(%dma_start3A_23 : memref<64x128xf32, #tpu.memory_space<vmem>>) offsets(%dma_start3A_25 : memref<64xi32, #tpu.memory_space<vmem>>) semaphore(%arg23 : memref<!tpu.dma_semaphore, #tpu.memory_space<semaphore_mem>>)
    %dma_start3A_29 = arith.constant 1 : i32
    %dma_start3A_30 = arith.constant 0 : i32
    %dma_start3A_31 = arith.constant 0 : i32
    %dma_start3A_32 = tpu.memref_slice %arg14[%dma_start3A_29, %dma_start3A_30, %dma_start3A_31] : memref<4x32x128xf32, #tpu.memory_space<vmem>> -> memref<1x32x128xf32, #tpu.memory_space<vmem>>
    %dma_start3A_33 = tpu.memref_squeeze %dma_start3A_32 : memref<1x32x128xf32, #tpu.memory_space<vmem>> -> memref<32x128xf32, #tpu.memory_space<vmem>>
    %dma_start3A_34 = arith.constant 32 : i32
    %dma_start3A_35 = tpu.memref_slice %arg11[%dma_start3A_34] : memref<4096xi32, #tpu.memory_space<vmem>> -> memref<32xi32, #tpu.memory_space<vmem>>
    %dma_start3A_36 = arith.constant 0 : i32
    %dma_start3A_37 = arith.constant 0 : i32
    %dma_start3A_38 = tpu.memref_slice %arg6[%dma_start3A_36, %dma_start3A_37] : memref<100000x128xf32, #tpu.memory_space<hbm>> -> memref<100000x128xf32, #tpu.memory_space<hbm>>
    tpu.enqueue_indirect_dma source(%dma_start3A_38 : memref<100000x128xf32, #tpu.memory_space<hbm>>) target(%dma_start3A_33 : memref<32x128xf32, #tpu.memory_space<vmem>>) offsets(%dma_start3A_35 : memref<32xi32, #tpu.memory_space<vmem>>) semaphore(%arg20 : memref<!tpu.dma_semaphore, #tpu.memory_space<semaphore_mem>>)
    %dma_start3A_39 = arith.constant 1 : i32
    %dma_start3A_40 = arith.constant 0 : i32
    %dma_start3A_41 = arith.constant 0 : i32
    %dma_start3A_42 = tpu.memref_slice %arg15[%dma_start3A_39, %dma_start3A_40, %dma_start3A_41] : memref<4x64x128xf32, #tpu.memory_space<vmem>> -> memref<1x64x128xf32, #tpu.memory_space<vmem>>
    %dma_start3A_43 = tpu.memref_squeeze %dma_start3A_42 : memref<1x64x128xf32, #tpu.memory_space<vmem>> -> memref<64x128xf32, #tpu.memory_space<vmem>>
    %dma_start3A_44 = arith.constant 64 : i32
    %dma_start3A_45 = tpu.memref_slice %arg12[%dma_start3A_44] : memref<8192xi32, #tpu.memory_space<vmem>> -> memref<64xi32, #tpu.memory_space<vmem>>
    %dma_start3A_46 = arith.constant 0 : i32
    %dma_start3A_47 = arith.constant 0 : i32
    %dma_start3A_48 = tpu.memref_slice %arg5[%dma_start3A_46, %dma_start3A_47] : memref<100000x128xf32, #tpu.memory_space<hbm>> -> memref<100000x128xf32, #tpu.memory_space<hbm>>
    tpu.enqueue_indirect_dma source(%dma_start3A_48 : memref<100000x128xf32, #tpu.memory_space<hbm>>) target(%dma_start3A_43 : memref<64x128xf32, #tpu.memory_space<vmem>>) offsets(%dma_start3A_45 : memref<64xi32, #tpu.memory_space<vmem>>) semaphore(%arg24 : memref<!tpu.dma_semaphore, #tpu.memory_space<semaphore_mem>>)
    %dma_start3A_49 = arith.constant 2 : i32
    %dma_start3A_50 = arith.constant 0 : i32
    %dma_start3A_51 = arith.constant 0 : i32
    %dma_start3A_52 = tpu.memref_slice %arg14[%dma_start3A_49, %dma_start3A_50, %dma_start3A_51] : memref<4x32x128xf32, #tpu.memory_space<vmem>> -> memref<1x32x128xf32, #tpu.memory_space<vmem>>
    %dma_start3A_53 = tpu.memref_squeeze %dma_start3A_52 : memref<1x32x128xf32, #tpu.memory_space<vmem>> -> memref<32x128xf32, #tpu.memory_space<vmem>>
    %dma_start3A_54 = arith.constant 64 : i32
    %dma_start3A_55 = tpu.memref_slice %arg11[%dma_start3A_54] : memref<4096xi32, #tpu.memory_space<vmem>> -> memref<32xi32, #tpu.memory_space<vmem>>
    %dma_start3A_56 = arith.constant 0 : i32
    %dma_start3A_57 = arith.constant 0 : i32
    %dma_start3A_58 = tpu.memref_slice %arg6[%dma_start3A_56, %dma_start3A_57] : memref<100000x128xf32, #tpu.memory_space<hbm>> -> memref<100000x128xf32, #tpu.memory_space<hbm>>
    tpu.enqueue_indirect_dma source(%dma_start3A_58 : memref<100000x128xf32, #tpu.memory_space<hbm>>) target(%dma_start3A_53 : memref<32x128xf32, #tpu.memory_space<vmem>>) offsets(%dma_start3A_55 : memref<32xi32, #tpu.memory_space<vmem>>) semaphore(%arg21 : memref<!tpu.dma_semaphore, #tpu.memory_space<semaphore_mem>>)
    %dma_start3A_59 = arith.constant 2 : i32
    %dma_start3A_60 = arith.constant 0 : i32
    %dma_start3A_61 = arith.constant 0 : i32
    %dma_start3A_62 = tpu.memref_slice %arg15[%dma_start3A_59, %dma_start3A_60, %dma_start3A_61] : memref<4x64x128xf32, #tpu.memory_space<vmem>> -> memref<1x64x128xf32, #tpu.memory_space<vmem>>
    %dma_start3A_63 = tpu.memref_squeeze %dma_start3A_62 : memref<1x64x128xf32, #tpu.memory_space<vmem>> -> memref<64x128xf32, #tpu.memory_space<vmem>>
    %dma_start3A_64 = arith.constant 128 : i32
    %dma_start3A_65 = tpu.memref_slice %arg12[%dma_start3A_64] : memref<8192xi32, #tpu.memory_space<vmem>> -> memref<64xi32, #tpu.memory_space<vmem>>
    %dma_start3A_66 = arith.constant 0 : i32
    %dma_start3A_67 = arith.constant 0 : i32
    %dma_start3A_68 = tpu.memref_slice %arg5[%dma_start3A_66, %dma_start3A_67] : memref<100000x128xf32, #tpu.memory_space<hbm>> -> memref<100000x128xf32, #tpu.memory_space<hbm>>
    tpu.enqueue_indirect_dma source(%dma_start3A_68 : memref<100000x128xf32, #tpu.memory_space<hbm>>) target(%dma_start3A_63 : memref<64x128xf32, #tpu.memory_space<vmem>>) offsets(%dma_start3A_65 : memref<64xi32, #tpu.memory_space<vmem>>) semaphore(%arg25 : memref<!tpu.dma_semaphore, #tpu.memory_space<semaphore_mem>>)
    %dma_start3A_69 = arith.constant 3 : i32
    %dma_start3A_70 = arith.constant 0 : i32
    %dma_start3A_71 = arith.constant 0 : i32
    %dma_start3A_72 = tpu.memref_slice %arg14[%dma_start3A_69, %dma_start3A_70, %dma_start3A_71] : memref<4x32x128xf32, #tpu.memory_space<vmem>> -> memref<1x32x128xf32, #tpu.memory_space<vmem>>
    %dma_start3A_73 = tpu.memref_squeeze %dma_start3A_72 : memref<1x32x128xf32, #tpu.memory_space<vmem>> -> memref<32x128xf32, #tpu.memory_space<vmem>>
    %dma_start3A_74 = arith.constant 96 : i32
    %dma_start3A_75 = tpu.memref_slice %arg11[%dma_start3A_74] : memref<4096xi32, #tpu.memory_space<vmem>> -> memref<32xi32, #tpu.memory_space<vmem>>
    %dma_start3A_76 = arith.constant 0 : i32
    %dma_start3A_77 = arith.constant 0 : i32
    %dma_start3A_78 = tpu.memref_slice %arg6[%dma_start3A_76, %dma_start3A_77] : memref<100000x128xf32, #tpu.memory_space<hbm>> -> memref<100000x128xf32, #tpu.memory_space<hbm>>
    tpu.enqueue_indirect_dma source(%dma_start3A_78 : memref<100000x128xf32, #tpu.memory_space<hbm>>) target(%dma_start3A_73 : memref<32x128xf32, #tpu.memory_space<vmem>>) offsets(%dma_start3A_75 : memref<32xi32, #tpu.memory_space<vmem>>) semaphore(%arg22 : memref<!tpu.dma_semaphore, #tpu.memory_space<semaphore_mem>>)
    %dma_start3A_79 = arith.constant 3 : i32
    %dma_start3A_80 = arith.constant 0 : i32
    %dma_start3A_81 = arith.constant 0 : i32
    %dma_start3A_82 = tpu.memref_slice %arg15[%dma_start3A_79, %dma_start3A_80, %dma_start3A_81] : memref<4x64x128xf32, #tpu.memory_space<vmem>> -> memref<1x64x128xf32, #tpu.memory_space<vmem>>
    %dma_start3A_83 = tpu.memref_squeeze %dma_start3A_82 : memref<1x64x128xf32, #tpu.memory_space<vmem>> -> memref<64x128xf32, #tpu.memory_space<vmem>>
    %dma_start3A_84 = arith.constant 192 : i32
    %dma_start3A_85 = tpu.memref_slice %arg12[%dma_start3A_84] : memref<8192xi32, #tpu.memory_space<vmem>> -> memref<64xi32, #tpu.memory_space<vmem>>
    %dma_start3A_86 = arith.constant 0 : i32
    %dma_start3A_87 = arith.constant 0 : i32
    %dma_start3A_88 = tpu.memref_slice %arg5[%dma_start3A_86, %dma_start3A_87] : memref<100000x128xf32, #tpu.memory_space<hbm>> -> memref<100000x128xf32, #tpu.memory_space<hbm>>
    tpu.enqueue_indirect_dma source(%dma_start3A_88 : memref<100000x128xf32, #tpu.memory_space<hbm>>) target(%dma_start3A_83 : memref<64x128xf32, #tpu.memory_space<vmem>>) offsets(%dma_start3A_85 : memref<64xi32, #tpu.memory_space<vmem>>) semaphore(%arg26 : memref<!tpu.dma_semaphore, #tpu.memory_space<semaphore_mem>>)
    %scan3A = arith.constant 0 : i32
    %scan3A_89 = arith.constant 0 : i32
    %scan3A_90 = arith.constant 32 : i32
    %scan3A_91 = arith.addi %scan3A_89, %scan3A_90 : i32
    %scan3A_92 = arith.constant 1 : i32
    scf.for %scan3A_96 = %scan3A_89 to %scan3A_91 step %scan3A_92  : i32 {
      %mul3A_97 = arith.constant 4 : i32
      %mul3A_98 = arith.muli %mul3A_97, %scan3A_96 : i32
      %add3A_99 = arith.constant 0 : i32
      %add3A_100 = arith.addi %mul3A_98, %add3A_99 : i32
      %mul3A_101 = arith.constant 1 : i32
      %mul3A_102 = arith.muli %add3A_100, %mul3A_101 : i32
      %mul3A_103 = arith.constant 32 : i32
      %mul3A_104 = arith.muli %mul3A_102, %mul3A_103 : i32
      %mul3A_105 = arith.constant 1 : i32
      %mul3A_106 = arith.muli %add3A_100, %mul3A_105 : i32
      %mul3A_107 = arith.constant 64 : i32
      %mul3A_108 = arith.muli %mul3A_106, %mul3A_107 : i32
      %dma_wait3A_109 = arith.constant 0 : i32
      %dma_wait3A_110 = arith.constant 0 : i32
      %dma_wait3A_111 = arith.constant 0 : i32
      %dma_wait3A_112 = tpu.memref_slice %arg14[%dma_wait3A_109, %dma_wait3A_110, %dma_wait3A_111] : memref<4x32x128xf32, #tpu.memory_space<vmem>> -> memref<1x32x128xf32, #tpu.memory_space<vmem>>
      %dma_wait3A_113 = tpu.memref_squeeze %dma_wait3A_112 : memref<1x32x128xf32, #tpu.memory_space<vmem>> -> memref<32x128xf32, #tpu.memory_space<vmem>>
      %dma_wait3A_114 = tpu.memref_slice %arg11[%mul3A_104] : memref<4096xi32, #tpu.memory_space<vmem>> -> memref<32xi32, #tpu.memory_space<vmem>>
      %dma_wait3A_115 = arith.constant 0 : i32
      %dma_wait3A_116 = arith.constant 0 : i32
      %dma_wait3A_117 = tpu.memref_slice %arg6[%dma_wait3A_115, %dma_wait3A_116] : memref<100000x128xf32, #tpu.memory_space<hbm>> -> memref<100000x128xf32, #tpu.memory_space<hbm>>
      tpu.wait_indirect_dma semaphore(%arg19 : memref<!tpu.dma_semaphore, #tpu.memory_space<semaphore_mem>>) src(%dma_wait3A_117 : memref<100000x128xf32, #tpu.memory_space<hbm>>) dst(%dma_wait3A_113 : memref<32x128xf32, #tpu.memory_space<vmem>>)
      %dma_wait3A_118 = arith.constant 0 : i32
      %dma_wait3A_119 = arith.constant 0 : i32
      %dma_wait3A_120 = arith.constant 0 : i32
      %dma_wait3A_121 = tpu.memref_slice %arg15[%dma_wait3A_118, %dma_wait3A_119, %dma_wait3A_120] : memref<4x64x128xf32, #tpu.memory_space<vmem>> -> memref<1x64x128xf32, #tpu.memory_space<vmem>>
      %dma_wait3A_122 = tpu.memref_squeeze %dma_wait3A_121 : memref<1x64x128xf32, #tpu.memory_space<vmem>> -> memref<64x128xf32, #tpu.memory_space<vmem>>
      %dma_wait3A_123 = tpu.memref_slice %arg12[%mul3A_108] : memref<8192xi32, #tpu.memory_space<vmem>> -> memref<64xi32, #tpu.memory_space<vmem>>
      %dma_wait3A_124 = arith.constant 0 : i32
      %dma_wait3A_125 = arith.constant 0 : i32
      %dma_wait3A_126 = tpu.memref_slice %arg5[%dma_wait3A_124, %dma_wait3A_125] : memref<100000x128xf32, #tpu.memory_space<hbm>> -> memref<100000x128xf32, #tpu.memory_space<hbm>>
      tpu.wait_indirect_dma semaphore(%arg23 : memref<!tpu.dma_semaphore, #tpu.memory_space<semaphore_mem>>) src(%dma_wait3A_126 : memref<100000x128xf32, #tpu.memory_space<hbm>>) dst(%dma_wait3A_122 : memref<64x128xf32, #tpu.memory_space<vmem>>)
      %mul3A_127 = arith.constant 1 : i32
      %mul3A_128 = arith.muli %add3A_100, %mul3A_127 : i32
      %add3A_129 = arith.constant 0 : i32
      %add3A_130 = arith.addi %mul3A_128, %add3A_129 : i32
      %broadcast_in_dim3A = arith.constant 3.125000e-02 : f32
      %broadcast_in_dim3A_131 = vector.broadcast %broadcast_in_dim3A : f32 to vector<16xf32>
      %broadcast_in_dim3A_132 = arith.constant 0.000000e+00 : f32
      %broadcast_in_dim3A_133 = vector.broadcast %broadcast_in_dim3A_132 : f32 to vector<16xf32>
      %broadcast_in_dim3A_134 = arith.constant 0.000000e+00 : f32
      %broadcast_in_dim3A_135 = vector.broadcast %broadcast_in_dim3A_134 : f32 to vector<16xf32>
      %broadcast_in_dim3A_136 = arith.constant 0.000000e+00 : f32
      %broadcast_in_dim3A_137 = vector.broadcast %broadcast_in_dim3A_136 : f32 to vector<16xf32>
      %broadcast_in_dim3A_138 = arith.constant 0.000000e+00 : f32
      %broadcast_in_dim3A_139 = vector.broadcast %broadcast_in_dim3A_138 : f32 to vector<16xf32>
      %broadcast_in_dim3A_140 = arith.constant 0.000000e+00 : f32
      %broadcast_in_dim3A_141 = vector.broadcast %broadcast_in_dim3A_140 : f32 to vector<16xf32>
      %broadcast_in_dim3A_142 = arith.constant 0.000000e+00 : f32
      %broadcast_in_dim3A_143 = vector.broadcast %broadcast_in_dim3A_142 : f32 to vector<16xf32>
      %broadcast_in_dim3A_144 = arith.constant 0.000000e+00 : f32
      %broadcast_in_dim3A_145 = vector.broadcast %broadcast_in_dim3A_144 : f32 to vector<16xf32>
      %broadcast_in_dim3A_146 = arith.constant 0.000000e+00 : f32
      %broadcast_in_dim3A_147 = vector.broadcast %broadcast_in_dim3A_146 : f32 to vector<16xf32>
      %parallel_loop3A = arith.constant 0 : i32
      %parallel_loop3A_148 = arith.constant 32 : i32
      %parallel_loop3A_149 = arith.constant 1 : i32
      %parallel_loop3A_150 = arith.constant 0 : i32
      %parallel_loop3A_151:8 = scf.for %parallel_loop3A_631 = %parallel_loop3A to %parallel_loop3A_148 step %parallel_loop3A_149 iter_args(%parallel_loop3A_632 = %broadcast_in_dim3A_133, %parallel_loop3A_633 = %broadcast_in_dim3A_135, %parallel_loop3A_634 = %broadcast_in_dim3A_137, %parallel_loop3A_635 = %broadcast_in_dim3A_139, %parallel_loop3A_636 = %broadcast_in_dim3A_141, %parallel_loop3A_637 = %broadcast_in_dim3A_143, %parallel_loop3A_638 = %broadcast_in_dim3A_145, %parallel_loop3A_639 = %broadcast_in_dim3A_147) -> (vector<16xf32>, vector<16xf32>, vector<16xf32>, vector<16xf32>, vector<16xf32>, vector<16xf32>, vector<16xf32>, vector<16xf32>)  : i32 {
        %parallel_loop3A_640 = arith.constant 0 : i32
        %parallel_loop3A_641 = arith.addi %parallel_loop3A_640, %parallel_loop3A_631 : i32
        %parallel_loop3A_642 = arith.constant 0 : i32
        %parallel_loop3A_643 = arith.constant 0 : i32
        %parallel_loop3A_644 = tpu.memref_slice %arg14[%parallel_loop3A_150, %parallel_loop3A_642, %parallel_loop3A_643] : memref<4x32x128xf32, #tpu.memory_space<vmem>> -> memref<1x32x128xf32, #tpu.memory_space<vmem>>
        %parallel_loop3A_645 = tpu.memref_squeeze %parallel_loop3A_644 : memref<1x32x128xf32, #tpu.memory_space<vmem>> -> memref<32x128xf32, #tpu.memory_space<vmem>>
        %parallel_loop3A_646 = arith.index_cast %parallel_loop3A_641 : i32 to index
        %parallel_loop3A_647 = arith.constant 0 : index
        %parallel_loop3A_648 = tpu.vector_load %parallel_loop3A_645[%parallel_loop3A_646, %parallel_loop3A_647] {strides = array<i32>} : memref<32x128xf32, #tpu.memory_space<vmem>>, vector<16xf32>,
        %parallel_loop3A_649 = math.exp %parallel_loop3A_648 : vector<16xf32>
        %parallel_loop3A_650 = arith.constant 0 : i32
        %parallel_loop3A_651 = arith.addi %parallel_loop3A_650, %parallel_loop3A_631 : i32
        %parallel_loop3A_652 = arith.constant 0 : i32
        %parallel_loop3A_653 = arith.constant 0 : i32
        %parallel_loop3A_654 = tpu.memref_slice %arg14[%parallel_loop3A_150, %parallel_loop3A_652, %parallel_loop3A_653] : memref<4x32x128xf32, #tpu.memory_space<vmem>> -> memref<1x32x128xf32, #tpu.memory_space<vmem>>
        %parallel_loop3A_655 = tpu.memref_squeeze %parallel_loop3A_654 : memref<1x32x128xf32, #tpu.memory_space<vmem>> -> memref<32x128xf32, #tpu.memory_space<vmem>>
        %parallel_loop3A_656 = arith.index_cast %parallel_loop3A_651 : i32 to index
        %parallel_loop3A_657 = arith.constant 16 : index
        %parallel_loop3A_658 = tpu.vector_load %parallel_loop3A_655[%parallel_loop3A_656, %parallel_loop3A_657] {strides = array<i32>} : memref<32x128xf32, #tpu.memory_space<vmem>>, vector<16xf32>,
        %parallel_loop3A_659 = math.exp %parallel_loop3A_658 : vector<16xf32>
        %parallel_loop3A_660 = arith.addf %parallel_loop3A_649, %parallel_loop3A_659 : vector<16xf32>
        %parallel_loop3A_661 = arith.constant 0 : i32
        %parallel_loop3A_662 = arith.addi %parallel_loop3A_661, %parallel_loop3A_631 : i32
        %parallel_loop3A_663 = arith.constant 0 : i32
        %parallel_loop3A_664 = arith.constant 0 : i32
        %parallel_loop3A_665 = tpu.memref_slice %arg14[%parallel_loop3A_150, %parallel_loop3A_663, %parallel_loop3A_664] : memref<4x32x128xf32, #tpu.memory_space<vmem>> -> memref<1x32x128xf32, #tpu.memory_space<vmem>>
        %parallel_loop3A_666 = tpu.memref_squeeze %parallel_loop3A_665 : memref<1x32x128xf32, #tpu.memory_space<vmem>> -> memref<32x128xf32, #tpu.memory_space<vmem>>
        %parallel_loop3A_667 = arith.index_cast %parallel_loop3A_662 : i32 to index
        %parallel_loop3A_668 = arith.constant 32 : index
        %parallel_loop3A_669 = tpu.vector_load %parallel_loop3A_666[%parallel_loop3A_667, %parallel_loop3A_668] {strides = array<i32>} : memref<32x128xf32, #tpu.memory_space<vmem>>, vector<16xf32>,
        %parallel_loop3A_670 = math.exp %parallel_loop3A_669 : vector<16xf32>
        %parallel_loop3A_671 = arith.addf %parallel_loop3A_660, %parallel_loop3A_670 : vector<16xf32>
        %parallel_loop3A_672 = arith.constant 0 : i32
        %parallel_loop3A_673 = arith.addi %parallel_loop3A_672, %parallel_loop3A_631 : i32
        %parallel_loop3A_674 = arith.constant 0 : i32
        %parallel_loop3A_675 = arith.constant 0 : i32
        %parallel_loop3A_676 = tpu.memref_slice %arg14[%parallel_loop3A_150, %parallel_loop3A_674, %parallel_loop3A_675] : memref<4x32x128xf32, #tpu.memory_space<vmem>> -> memref<1x32x128xf32, #tpu.memory_space<vmem>>
        %parallel_loop3A_677 = tpu.memref_squeeze %parallel_loop3A_676 : memref<1x32x128xf32, #tpu.memory_space<vmem>> -> memref<32x128xf32, #tpu.memory_space<vmem>>
        %parallel_loop3A_678 = arith.index_cast %parallel_loop3A_673 : i32 to index
        %parallel_loop3A_679 = arith.constant 48 : index
        %parallel_loop3A_680 = tpu.vector_load %parallel_loop3A_677[%parallel_loop3A_678, %parallel_loop3A_679] {strides = array<i32>} : memref<32x128xf32, #tpu.memory_space<vmem>>, vector<16xf32>,
        %parallel_loop3A_681 = math.exp %parallel_loop3A_680 : vector<16xf32>
        %parallel_loop3A_682 = arith.addf %parallel_loop3A_671, %parallel_loop3A_681 : vector<16xf32>
        %parallel_loop3A_683 = arith.constant 0 : i32
        %parallel_loop3A_684 = arith.addi %parallel_loop3A_683, %parallel_loop3A_631 : i32
        %parallel_loop3A_685 = arith.constant 0 : i32
        %parallel_loop3A_686 = arith.constant 0 : i32
        %parallel_loop3A_687 = tpu.memref_slice %arg14[%parallel_loop3A_150, %parallel_loop3A_685, %parallel_loop3A_686] : memref<4x32x128xf32, #tpu.memory_space<vmem>> -> memref<1x32x128xf32, #tpu.memory_space<vmem>>
        %parallel_loop3A_688 = tpu.memref_squeeze %parallel_loop3A_687 : memref<1x32x128xf32, #tpu.memory_space<vmem>> -> memref<32x128xf32, #tpu.memory_space<vmem>>
        %parallel_loop3A_689 = arith.index_cast %parallel_loop3A_684 : i32 to index
        %parallel_loop3A_690 = arith.constant 64 : index
        %parallel_loop3A_691 = tpu.vector_load %parallel_loop3A_688[%parallel_loop3A_689, %parallel_loop3A_690] {strides = array<i32>} : memref<32x128xf32, #tpu.memory_space<vmem>>, vector<16xf32>,
        %parallel_loop3A_692 = math.exp %parallel_loop3A_691 : vector<16xf32>
        %parallel_loop3A_693 = arith.addf %parallel_loop3A_682, %parallel_loop3A_692 : vector<16xf32>
        %parallel_loop3A_694 = arith.constant 0 : i32
        %parallel_loop3A_695 = arith.addi %parallel_loop3A_694, %parallel_loop3A_631 : i32
        %parallel_loop3A_696 = arith.constant 0 : i32
        %parallel_loop3A_697 = arith.constant 0 : i32
        %parallel_loop3A_698 = tpu.memref_slice %arg14[%parallel_loop3A_150, %parallel_loop3A_696, %parallel_loop3A_697] : memref<4x32x128xf32, #tpu.memory_space<vmem>> -> memref<1x32x128xf32, #tpu.memory_space<vmem>>
        %parallel_loop3A_699 = tpu.memref_squeeze %parallel_loop3A_698 : memref<1x32x128xf32, #tpu.memory_space<vmem>> -> memref<32x128xf32, #tpu.memory_space<vmem>>
        %parallel_loop3A_700 = arith.index_cast %parallel_loop3A_695 : i32 to index
        %parallel_loop3A_701 = arith.constant 80 : index
        %parallel_loop3A_702 = tpu.vector_load %parallel_loop3A_699[%parallel_loop3A_700, %parallel_loop3A_701] {strides = array<i32>} : memref<32x128xf32, #tpu.memory_space<vmem>>, vector<16xf32>,
        %parallel_loop3A_703 = math.exp %parallel_loop3A_702 : vector<16xf32>
        %parallel_loop3A_704 = arith.addf %parallel_loop3A_693, %parallel_loop3A_703 : vector<16xf32>
        %parallel_loop3A_705 = arith.constant 0 : i32
        %parallel_loop3A_706 = arith.addi %parallel_loop3A_705, %parallel_loop3A_631 : i32
        %parallel_loop3A_707 = arith.constant 0 : i32
        %parallel_loop3A_708 = arith.constant 0 : i32
        %parallel_loop3A_709 = tpu.memref_slice %arg14[%parallel_loop3A_150, %parallel_loop3A_707, %parallel_loop3A_708] : memref<4x32x128xf32, #tpu.memory_space<vmem>> -> memref<1x32x128xf32, #tpu.memory_space<vmem>>
        %parallel_loop3A_710 = tpu.memref_squeeze %parallel_loop3A_709 : memref<1x32x128xf32, #tpu.memory_space<vmem>> -> memref<32x128xf32, #tpu.memory_space<vmem>>
        %parallel_loop3A_711 = arith.index_cast %parallel_loop3A_706 : i32 to index
        %parallel_loop3A_712 = arith.constant 96 : index
        %parallel_loop3A_713 = tpu.vector_load %parallel_loop3A_710[%parallel_loop3A_711, %parallel_loop3A_712] {strides = array<i32>} : memref<32x128xf32, #tpu.memory_space<vmem>>, vector<16xf32>,
        %parallel_loop3A_714 = math.exp %parallel_loop3A_713 : vector<16xf32>
        %parallel_loop3A_715 = arith.addf %parallel_loop3A_704, %parallel_loop3A_714 : vector<16xf32>
        %parallel_loop3A_716 = arith.constant 0 : i32
        %parallel_loop3A_717 = arith.addi %parallel_loop3A_716, %parallel_loop3A_631 : i32
        %parallel_loop3A_718 = arith.constant 0 : i32
        %parallel_loop3A_719 = arith.constant 0 : i32
        %parallel_loop3A_720 = tpu.memref_slice %arg14[%parallel_loop3A_150, %parallel_loop3A_718, %parallel_loop3A_719] : memref<4x32x128xf32, #tpu.memory_space<vmem>> -> memref<1x32x128xf32, #tpu.memory_space<vmem>>
        %parallel_loop3A_721 = tpu.memref_squeeze %parallel_loop3A_720 : memref<1x32x128xf32, #tpu.memory_space<vmem>> -> memref<32x128xf32, #tpu.memory_space<vmem>>
        %parallel_loop3A_722 = arith.index_cast %parallel_loop3A_717 : i32 to index
        %parallel_loop3A_723 = arith.constant 112 : index
        %parallel_loop3A_724 = tpu.vector_load %parallel_loop3A_721[%parallel_loop3A_722, %parallel_loop3A_723] {strides = array<i32>} : memref<32x128xf32, #tpu.memory_space<vmem>>, vector<16xf32>,
        %parallel_loop3A_725 = math.exp %parallel_loop3A_724 : vector<16xf32>
        %parallel_loop3A_726 = arith.addf %parallel_loop3A_715, %parallel_loop3A_725 : vector<16xf32>
        %parallel_loop3A_727 = arith.constant true
        %parallel_loop3A_728 = vector.broadcast %parallel_loop3A_727 : i1 to vector<16xi1>
        %parallel_loop3A_729 = tpu.scan <sum>, %parallel_loop3A_726 masked %parallel_loop3A_728 : vector<16xf32>, vector<16xi1> -> vector<16xf32>
        %parallel_loop3A_730 = vector.extract %parallel_loop3A_729[15] : f32 from vector<16xf32>
        %parallel_loop3A_731 = vector.broadcast %parallel_loop3A_730 : f32 to vector<16xf32>
        %parallel_loop3A_732 = arith.divf %broadcast_in_dim3A_131, %parallel_loop3A_731 : vector<16xf32>
        %parallel_loop3A_733 = arith.mulf %parallel_loop3A_649, %parallel_loop3A_732 : vector<16xf32>
        %parallel_loop3A_734 = arith.addf %parallel_loop3A_632, %parallel_loop3A_733 : vector<16xf32>
        %parallel_loop3A_735 = arith.mulf %parallel_loop3A_659, %parallel_loop3A_732 : vector<16xf32>
        %parallel_loop3A_736 = arith.addf %parallel_loop3A_633, %parallel_loop3A_735 : vector<16xf32>
        %parallel_loop3A_737 = arith.mulf %parallel_loop3A_670, %parallel_loop3A_732 : vector<16xf32>
        %parallel_loop3A_738 = arith.addf %parallel_loop3A_634, %parallel_loop3A_737 : vector<16xf32>
        %parallel_loop3A_739 = arith.mulf %parallel_loop3A_681, %parallel_loop3A_732 : vector<16xf32>
        %parallel_loop3A_740 = arith.addf %parallel_loop3A_635, %parallel_loop3A_739 : vector<16xf32>
        %parallel_loop3A_741 = arith.mulf %parallel_loop3A_692, %parallel_loop3A_732 : vector<16xf32>
        %parallel_loop3A_742 = arith.addf %parallel_loop3A_636, %parallel_loop3A_741 : vector<16xf32>
        %parallel_loop3A_743 = arith.mulf %parallel_loop3A_703, %parallel_loop3A_732 : vector<16xf32>
        %parallel_loop3A_744 = arith.addf %parallel_loop3A_637, %parallel_loop3A_743 : vector<16xf32>
        %parallel_loop3A_745 = arith.mulf %parallel_loop3A_714, %parallel_loop3A_732 : vector<16xf32>
        %parallel_loop3A_746 = arith.addf %parallel_loop3A_638, %parallel_loop3A_745 : vector<16xf32>
        %parallel_loop3A_747 = arith.mulf %parallel_loop3A_725, %parallel_loop3A_732 : vector<16xf32>
        %parallel_loop3A_748 = arith.addf %parallel_loop3A_639, %parallel_loop3A_747 : vector<16xf32>
        scf.yield %parallel_loop3A_734, %parallel_loop3A_736, %parallel_loop3A_738, %parallel_loop3A_740, %parallel_loop3A_742, %parallel_loop3A_744, %parallel_loop3A_746, %parallel_loop3A_748 : vector<16xf32>, vector<16xf32>, vector<16xf32>, vector<16xf32>, vector<16xf32>, vector<16xf32>, vector<16xf32>, vector<16xf32>
      } {sc.loop_unroll_factor = 1 : i64, sc.parallel_access}
      %swap3A = arith.index_cast %add3A_130 : i32 to index
      %swap3A_152 = arith.constant 0 : index
      %swap3A_153 = tpu.vector_load %arg16[%swap3A, %swap3A_152] {strides = array<i32>} : memref<128x128xf32, #tpu.memory_space<vmem>>, vector<16xf32>,
      tpu.vector_store %arg16[%swap3A, %swap3A_152], %parallel_loop3A_151#0 {strides = array<i32>} : memref<128x128xf32, #tpu.memory_space<vmem>>, vector<16xf32>,
      %swap3A_154 = arith.index_cast %add3A_130 : i32 to index
      %swap3A_155 = arith.constant 16 : index
      %swap3A_156 = tpu.vector_load %arg16[%swap3A_154, %swap3A_155] {strides = array<i32>} : memref<128x128xf32, #tpu.memory_space<vmem>>, vector<16xf32>,
      tpu.vector_store %arg16[%swap3A_154, %swap3A_155], %parallel_loop3A_151#1 {strides = array<i32>} : memref<128x128xf32, #tpu.memory_space<vmem>>, vector<16xf32>,
      %swap3A_157 = arith.index_cast %add3A_130 : i32 to index
      %swap3A_158 = arith.constant 32 : index
      %swap3A_159 = tpu.vector_load %arg16[%swap3A_157, %swap3A_158] {strides = array<i32>} : memref<128x128xf32, #tpu.memory_space<vmem>>, vector<16xf32>,
      tpu.vector_store %arg16[%swap3A_157, %swap3A_158], %parallel_loop3A_151#2 {strides = array<i32>} : memref<128x128xf32, #tpu.memory_space<vmem>>, vector<16xf32>,
      %swap3A_160 = arith.index_cast %add3A_130 : i32 to index
      %swap3A_161 = arith.constant 48 : index
      %swap3A_162 = tpu.vector_load %arg16[%swap3A_160, %swap3A_161] {strides = array<i32>} : memref<128x128xf32, #tpu.memory_space<vmem>>, vector<16xf32>,
      tpu.vector_store %arg16[%swap3A_160, %swap3A_161], %parallel_loop3A_151#3 {strides = array<i32>} : memref<128x128xf32, #tpu.memory_space<vmem>>, vector<16xf32>,
      %swap3A_163 = arith.index_cast %add3A_130 : i32 to index
      %swap3A_164 = arith.constant 64 : index
      %swap3A_165 = tpu.vector_load %arg16[%swap3A_163, %swap3A_164] {strides = array<i32>} : memref<128x128xf32, #tpu.memory_space<vmem>>, vector<16xf32>,
      tpu.vector_store %arg16[%swap3A_163, %swap3A_164], %parallel_loop3A_151#4 {strides = array<i32>} : memref<128x128xf32, #tpu.memory_space<vmem>>, vector<16xf32>,
      %swap3A_166 = arith.index_cast %add3A_130 : i32 to index
      %swap3A_167 = arith.constant 80 : index
      %swap3A_168 = tpu.vector_load %arg16[%swap3A_166, %swap3A_167] {strides = array<i32>} : memref<128x128xf32, #tpu.memory_space<vmem>>, vector<16xf32>,
      tpu.vector_store %arg16[%swap3A_166, %swap3A_167], %parallel_loop3A_151#5 {strides = array<i32>} : memref<128x128xf32, #tpu.memory_space<vmem>>, vector<16xf32>,
      %swap3A_169 = arith.index_cast %add3A_130 : i32 to index
      %swap3A_170 = arith.constant 96 : index
      %swap3A_171 = tpu.vector_load %arg16[%swap3A_169, %swap3A_170] {strides = array<i32>} : memref<128x128xf32, #tpu.memory_space<vmem>>, vector<16xf32>,
      tpu.vector_store %arg16[%swap3A_169, %swap3A_170], %parallel_loop3A_151#6 {strides = array<i32>} : memref<128x128xf32, #tpu.memory_space<vmem>>, vector<16xf32>,
      %swap3A_172 = arith.index_cast %add3A_130 : i32 to index
      %swap3A_173 = arith.constant 112 : index
      %swap3A_174 = tpu.vector_load %arg16[%swap3A_172, %swap3A_173] {strides = array<i32>} : memref<128x128xf32, #tpu.memory_space<vmem>>, vector<16xf32>,
      tpu.vector_store %arg16[%swap3A_172, %swap3A_173], %parallel_loop3A_151#7 {strides = array<i32>} : memref<128x128xf32, #tpu.memory_space<vmem>>, vector<16xf32>,
      %broadcast_in_dim3A_175 = arith.constant 1.562500e-02 : f32
      %broadcast_in_dim3A_176 = vector.broadcast %broadcast_in_dim3A_175 : f32 to vector<16xf32>
      %broadcast_in_dim3A_177 = arith.constant 0.000000e+00 : f32
      %broadcast_in_dim3A_178 = vector.broadcast %broadcast_in_dim3A_177 : f32 to vector<16xf32>
      %broadcast_in_dim3A_179 = arith.constant 0.000000e+00 : f32
      %broadcast_in_dim3A_180 = vector.broadcast %broadcast_in_dim3A_179 : f32 to vector<16xf32>
      %broadcast_in_dim3A_181 = arith.constant 0.000000e+00 : f32
      %broadcast_in_dim3A_182 = vector.broadcast %broadcast_in_dim3A_181 : f32 to vector<16xf32>
      %broadcast_in_dim3A_183 = arith.constant 0.000000e+00 : f32
      %broadcast_in_dim3A_184 = vector.broadcast %broadcast_in_dim3A_183 : f32 to vector<16xf32>
      %broadcast_in_dim3A_185 = arith.constant 0.000000e+00 : f32
      %broadcast_in_dim3A_186 = vector.broadcast %broadcast_in_dim3A_185 : f32 to vector<16xf32>
      %broadcast_in_dim3A_187 = arith.constant 0.000000e+00 : f32
      %broadcast_in_dim3A_188 = vector.broadcast %broadcast_in_dim3A_187 : f32 to vector<16xf32>
      %broadcast_in_dim3A_189 = arith.constant 0.000000e+00 : f32
      %broadcast_in_dim3A_190 = vector.broadcast %broadcast_in_dim3A_189 : f32 to vector<16xf32>
      %broadcast_in_dim3A_191 = arith.constant 0.000000e+00 : f32
      %broadcast_in_dim3A_192 = vector.broadcast %broadcast_in_dim3A_191 : f32 to vector<16xf32>
      %parallel_loop3A_193 = arith.constant 0 : i32
      %parallel_loop3A_194 = arith.constant 64 : i32
      %parallel_loop3A_195 = arith.constant 1 : i32
      %parallel_loop3A_196 = arith.constant 0 : i32
      %parallel_loop3A_197:8 = scf.for %parallel_loop3A_631 = %parallel_loop3A_193 to %parallel_loop3A_194 step %parallel_loop3A_195 iter_args(%parallel_loop3A_632 = %broadcast_in_dim3A_178, %parallel_loop3A_633 = %broadcast_in_dim3A_180, %parallel_loop3A_634 = %broadcast_in_dim3A_182, %parallel_loop3A_635 = %broadcast_in_dim3A_184, %parallel_loop3A_636 = %broadcast_in_dim3A_186, %parallel_loop3A_637 = %broadcast_in_dim3A_188, %parallel_loop3A_638 = %broadcast_in_dim3A_190, %parallel_loop3A_639 = %broadcast_in_dim3A_192) -> (vector<16xf32>, vector<16xf32>, vector<16xf32>, vector<16xf32>, vector<16xf32>, vector<16xf32>, vector<16xf32>, vector<16xf32>)  : i32 {
        %parallel_loop3A_640 = arith.constant 0 : i32
        %parallel_loop3A_641 = arith.addi %parallel_loop3A_640, %parallel_loop3A_631 : i32
        %parallel_loop3A_642 = arith.constant 0 : i32
        %parallel_loop3A_643 = arith.constant 0 : i32
        %parallel_loop3A_644 = tpu.memref_slice %arg15[%parallel_loop3A_196, %parallel_loop3A_642, %parallel_loop3A_643] : memref<4x64x128xf32, #tpu.memory_space<vmem>> -> memref<1x64x128xf32, #tpu.memory_space<vmem>>
        %parallel_loop3A_645 = tpu.memref_squeeze %parallel_loop3A_644 : memref<1x64x128xf32, #tpu.memory_space<vmem>> -> memref<64x128xf32, #tpu.memory_space<vmem>>
        %parallel_loop3A_646 = arith.index_cast %parallel_loop3A_641 : i32 to index
        %parallel_loop3A_647 = arith.constant 0 : index
        %parallel_loop3A_648 = tpu.vector_load %parallel_loop3A_645[%parallel_loop3A_646, %parallel_loop3A_647] {strides = array<i32>} : memref<64x128xf32, #tpu.memory_space<vmem>>, vector<16xf32>,
        %parallel_loop3A_649 = math.exp %parallel_loop3A_648 : vector<16xf32>
        %parallel_loop3A_650 = arith.constant 0 : i32
        %parallel_loop3A_651 = arith.addi %parallel_loop3A_650, %parallel_loop3A_631 : i32
        %parallel_loop3A_652 = arith.constant 0 : i32
        %parallel_loop3A_653 = arith.constant 0 : i32
        %parallel_loop3A_654 = tpu.memref_slice %arg15[%parallel_loop3A_196, %parallel_loop3A_652, %parallel_loop3A_653] : memref<4x64x128xf32, #tpu.memory_space<vmem>> -> memref<1x64x128xf32, #tpu.memory_space<vmem>>
        %parallel_loop3A_655 = tpu.memref_squeeze %parallel_loop3A_654 : memref<1x64x128xf32, #tpu.memory_space<vmem>> -> memref<64x128xf32, #tpu.memory_space<vmem>>
        %parallel_loop3A_656 = arith.index_cast %parallel_loop3A_651 : i32 to index
        %parallel_loop3A_657 = arith.constant 16 : index
        %parallel_loop3A_658 = tpu.vector_load %parallel_loop3A_655[%parallel_loop3A_656, %parallel_loop3A_657] {strides = array<i32>} : memref<64x128xf32, #tpu.memory_space<vmem>>, vector<16xf32>,
        %parallel_loop3A_659 = math.exp %parallel_loop3A_658 : vector<16xf32>
        %parallel_loop3A_660 = arith.addf %parallel_loop3A_649, %parallel_loop3A_659 : vector<16xf32>
        %parallel_loop3A_661 = arith.constant 0 : i32
        %parallel_loop3A_662 = arith.addi %parallel_loop3A_661, %parallel_loop3A_631 : i32
        %parallel_loop3A_663 = arith.constant 0 : i32
        %parallel_loop3A_664 = arith.constant 0 : i32
        %parallel_loop3A_665 = tpu.memref_slice %arg15[%parallel_loop3A_196, %parallel_loop3A_663, %parallel_loop3A_664] : memref<4x64x128xf32, #tpu.memory_space<vmem>> -> memref<1x64x128xf32, #tpu.memory_space<vmem>>
        %parallel_loop3A_666 = tpu.memref_squeeze %parallel_loop3A_665 : memref<1x64x128xf32, #tpu.memory_space<vmem>> -> memref<64x128xf32, #tpu.memory_space<vmem>>
        %parallel_loop3A_667 = arith.index_cast %parallel_loop3A_662 : i32 to index
        %parallel_loop3A_668 = arith.constant 32 : index
        %parallel_loop3A_669 = tpu.vector_load %parallel_loop3A_666[%parallel_loop3A_667, %parallel_loop3A_668] {strides = array<i32>} : memref<64x128xf32, #tpu.memory_space<vmem>>, vector<16xf32>,
        %parallel_loop3A_670 = math.exp %parallel_loop3A_669 : vector<16xf32>
        %parallel_loop3A_671 = arith.addf %parallel_loop3A_660, %parallel_loop3A_670 : vector<16xf32>
        %parallel_loop3A_672 = arith.constant 0 : i32
        %parallel_loop3A_673 = arith.addi %parallel_loop3A_672, %parallel_loop3A_631 : i32
        %parallel_loop3A_674 = arith.constant 0 : i32
        %parallel_loop3A_675 = arith.constant 0 : i32
        %parallel_loop3A_676 = tpu.memref_slice %arg15[%parallel_loop3A_196, %parallel_loop3A_674, %parallel_loop3A_675] : memref<4x64x128xf32, #tpu.memory_space<vmem>> -> memref<1x64x128xf32, #tpu.memory_space<vmem>>
        %parallel_loop3A_677 = tpu.memref_squeeze %parallel_loop3A_676 : memref<1x64x128xf32, #tpu.memory_space<vmem>> -> memref<64x128xf32, #tpu.memory_space<vmem>>
        %parallel_loop3A_678 = arith.index_cast %parallel_loop3A_673 : i32 to index
        %parallel_loop3A_679 = arith.constant 48 : index
        %parallel_loop3A_680 = tpu.vector_load %parallel_loop3A_677[%parallel_loop3A_678, %parallel_loop3A_679] {strides = array<i32>} : memref<64x128xf32, #tpu.memory_space<vmem>>, vector<16xf32>,
        %parallel_loop3A_681 = math.exp %parallel_loop3A_680 : vector<16xf32>
        %parallel_loop3A_682 = arith.addf %parallel_loop3A_671, %parallel_loop3A_681 : vector<16xf32>
        %parallel_loop3A_683 = arith.constant 0 : i32
        %parallel_loop3A_684 = arith.addi %parallel_loop3A_683, %parallel_loop3A_631 : i32
        %parallel_loop3A_685 = arith.constant 0 : i32
        %parallel_loop3A_686 = arith.constant 0 : i32
        %parallel_loop3A_687 = tpu.memref_slice %arg15[%parallel_loop3A_196, %parallel_loop3A_685, %parallel_loop3A_686] : memref<4x64x128xf32, #tpu.memory_space<vmem>> -> memref<1x64x128xf32, #tpu.memory_space<vmem>>
        %parallel_loop3A_688 = tpu.memref_squeeze %parallel_loop3A_687 : memref<1x64x128xf32, #tpu.memory_space<vmem>> -> memref<64x128xf32, #tpu.memory_space<vmem>>
        %parallel_loop3A_689 = arith.index_cast %parallel_loop3A_684 : i32 to index
        %parallel_loop3A_690 = arith.constant 64 : index
        %parallel_loop3A_691 = tpu.vector_load %parallel_loop3A_688[%parallel_loop3A_689, %parallel_loop3A_690] {strides = array<i32>} : memref<64x128xf32, #tpu.memory_space<vmem>>, vector<16xf32>,
        %parallel_loop3A_692 = math.exp %parallel_loop3A_691 : vector<16xf32>
        %parallel_loop3A_693 = arith.addf %parallel_loop3A_682, %parallel_loop3A_692 : vector<16xf32>
        %parallel_loop3A_694 = arith.constant 0 : i32
        %parallel_loop3A_695 = arith.addi %parallel_loop3A_694, %parallel_loop3A_631 : i32
        %parallel_loop3A_696 = arith.constant 0 : i32
        %parallel_loop3A_697 = arith.constant 0 : i32
        %parallel_loop3A_698 = tpu.memref_slice %arg15[%parallel_loop3A_196, %parallel_loop3A_696, %parallel_loop3A_697] : memref<4x64x128xf32, #tpu.memory_space<vmem>> -> memref<1x64x128xf32, #tpu.memory_space<vmem>>
        %parallel_loop3A_699 = tpu.memref_squeeze %parallel_loop3A_698 : memref<1x64x128xf32, #tpu.memory_space<vmem>> -> memref<64x128xf32, #tpu.memory_space<vmem>>
        %parallel_loop3A_700 = arith.index_cast %parallel_loop3A_695 : i32 to index
        %parallel_loop3A_701 = arith.constant 80 : index
        %parallel_loop3A_702 = tpu.vector_load %parallel_loop3A_699[%parallel_loop3A_700, %parallel_loop3A_701] {strides = array<i32>} : memref<64x128xf32, #tpu.memory_space<vmem>>, vector<16xf32>,
        %parallel_loop3A_703 = math.exp %parallel_loop3A_702 : vector<16xf32>
        %parallel_loop3A_704 = arith.addf %parallel_loop3A_693, %parallel_loop3A_703 : vector<16xf32>
        %parallel_loop3A_705 = arith.constant 0 : i32
        %parallel_loop3A_706 = arith.addi %parallel_loop3A_705, %parallel_loop3A_631 : i32
        %parallel_loop3A_707 = arith.constant 0 : i32
        %parallel_loop3A_708 = arith.constant 0 : i32
        %parallel_loop3A_709 = tpu.memref_slice %arg15[%parallel_loop3A_196, %parallel_loop3A_707, %parallel_loop3A_708] : memref<4x64x128xf32, #tpu.memory_space<vmem>> -> memref<1x64x128xf32, #tpu.memory_space<vmem>>
        %parallel_loop3A_710 = tpu.memref_squeeze %parallel_loop3A_709 : memref<1x64x128xf32, #tpu.memory_space<vmem>> -> memref<64x128xf32, #tpu.memory_space<vmem>>
        %parallel_loop3A_711 = arith.index_cast %parallel_loop3A_706 : i32 to index
        %parallel_loop3A_712 = arith.constant 96 : index
        %parallel_loop3A_713 = tpu.vector_load %parallel_loop3A_710[%parallel_loop3A_711, %parallel_loop3A_712] {strides = array<i32>} : memref<64x128xf32, #tpu.memory_space<vmem>>, vector<16xf32>,
        %parallel_loop3A_714 = math.exp %parallel_loop3A_713 : vector<16xf32>
        %parallel_loop3A_715 = arith.addf %parallel_loop3A_704, %parallel_loop3A_714 : vector<16xf32>
        %parallel_loop3A_716 = arith.constant 0 : i32
        %parallel_loop3A_717 = arith.addi %parallel_loop3A_716, %parallel_loop3A_631 : i32
        %parallel_loop3A_718 = arith.constant 0 : i32
        %parallel_loop3A_719 = arith.constant 0 : i32
        %parallel_loop3A_720 = tpu.memref_slice %arg15[%parallel_loop3A_196, %parallel_loop3A_718, %parallel_loop3A_719] : memref<4x64x128xf32, #tpu.memory_space<vmem>> -> memref<1x64x128xf32, #tpu.memory_space<vmem>>
        %parallel_loop3A_721 = tpu.memref_squeeze %parallel_loop3A_720 : memref<1x64x128xf32, #tpu.memory_space<vmem>> -> memref<64x128xf32, #tpu.memory_space<vmem>>
        %parallel_loop3A_722 = arith.index_cast %parallel_loop3A_717 : i32 to index
        %parallel_loop3A_723 = arith.constant 112 : index
        %parallel_loop3A_724 = tpu.vector_load %parallel_loop3A_721[%parallel_loop3A_722, %parallel_loop3A_723] {strides = array<i32>} : memref<64x128xf32, #tpu.memory_space<vmem>>, vector<16xf32>,
        %parallel_loop3A_725 = math.exp %parallel_loop3A_724 : vector<16xf32>
        %parallel_loop3A_726 = arith.addf %parallel_loop3A_715, %parallel_loop3A_725 : vector<16xf32>
        %parallel_loop3A_727 = arith.constant true
        %parallel_loop3A_728 = vector.broadcast %parallel_loop3A_727 : i1 to vector<16xi1>
        %parallel_loop3A_729 = tpu.scan <sum>, %parallel_loop3A_726 masked %parallel_loop3A_728 : vector<16xf32>, vector<16xi1> -> vector<16xf32>
        %parallel_loop3A_730 = vector.extract %parallel_loop3A_729[15] : f32 from vector<16xf32>
        %parallel_loop3A_731 = vector.broadcast %parallel_loop3A_730 : f32 to vector<16xf32>
        %parallel_loop3A_732 = arith.divf %broadcast_in_dim3A_176, %parallel_loop3A_731 : vector<16xf32>
        %parallel_loop3A_733 = arith.mulf %parallel_loop3A_649, %parallel_loop3A_732 : vector<16xf32>
        %parallel_loop3A_734 = arith.addf %parallel_loop3A_632, %parallel_loop3A_733 : vector<16xf32>
        %parallel_loop3A_735 = arith.mulf %parallel_loop3A_659, %parallel_loop3A_732 : vector<16xf32>
        %parallel_loop3A_736 = arith.addf %parallel_loop3A_633, %parallel_loop3A_735 : vector<16xf32>
        %parallel_loop3A_737 = arith.mulf %parallel_loop3A_670, %parallel_loop3A_732 : vector<16xf32>
        %parallel_loop3A_738 = arith.addf %parallel_loop3A_634, %parallel_loop3A_737 : vector<16xf32>
        %parallel_loop3A_739 = arith.mulf %parallel_loop3A_681, %parallel_loop3A_732 : vector<16xf32>
        %parallel_loop3A_740 = arith.addf %parallel_loop3A_635, %parallel_loop3A_739 : vector<16xf32>
        %parallel_loop3A_741 = arith.mulf %parallel_loop3A_692, %parallel_loop3A_732 : vector<16xf32>
        %parallel_loop3A_742 = arith.addf %parallel_loop3A_636, %parallel_loop3A_741 : vector<16xf32>
        %parallel_loop3A_743 = arith.mulf %parallel_loop3A_703, %parallel_loop3A_732 : vector<16xf32>
        %parallel_loop3A_744 = arith.addf %parallel_loop3A_637, %parallel_loop3A_743 : vector<16xf32>
        %parallel_loop3A_745 = arith.mulf %parallel_loop3A_714, %parallel_loop3A_732 : vector<16xf32>
        %parallel_loop3A_746 = arith.addf %parallel_loop3A_638, %parallel_loop3A_745 : vector<16xf32>
        %parallel_loop3A_747 = arith.mulf %parallel_loop3A_725, %parallel_loop3A_732 : vector<16xf32>
        %parallel_loop3A_748 = arith.addf %parallel_loop3A_639, %parallel_loop3A_747 : vector<16xf32>
        scf.yield %parallel_loop3A_734, %parallel_loop3A_736, %parallel_loop3A_738, %parallel_loop3A_740, %parallel_loop3A_742, %parallel_loop3A_744, %parallel_loop3A_746, %parallel_loop3A_748 : vector<16xf32>, vector<16xf32>, vector<16xf32>, vector<16xf32>, vector<16xf32>, vector<16xf32>, vector<16xf32>, vector<16xf32>
      } {sc.loop_unroll_factor = 1 : i64, sc.parallel_access}
      %swap3A_198 = arith.index_cast %add3A_130 : i32 to index
      %swap3A_199 = arith.constant 0 : index
      %swap3A_200 = tpu.vector_load %arg17[%swap3A_198, %swap3A_199] {strides = array<i32>} : memref<128x128xf32, #tpu.memory_space<vmem>>, vector<16xf32>,
      tpu.vector_store %arg17[%swap3A_198, %swap3A_199], %parallel_loop3A_197#0 {strides = array<i32>} : memref<128x128xf32, #tpu.memory_space<vmem>>, vector<16xf32>,
      %swap3A_201 = arith.index_cast %add3A_130 : i32 to index
      %swap3A_202 = arith.constant 16 : index
      %swap3A_203 = tpu.vector_load %arg17[%swap3A_201, %swap3A_202] {strides = array<i32>} : memref<128x128xf32, #tpu.memory_space<vmem>>, vector<16xf32>,
      tpu.vector_store %arg17[%swap3A_201, %swap3A_202], %parallel_loop3A_197#1 {strides = array<i32>} : memref<128x128xf32, #tpu.memory_space<vmem>>, vector<16xf32>,
      %swap3A_204 = arith.index_cast %add3A_130 : i32 to index
      %swap3A_205 = arith.constant 32 : index
      %swap3A_206 = tpu.vector_load %arg17[%swap3A_204, %swap3A_205] {strides = array<i32>} : memref<128x128xf32, #tpu.memory_space<vmem>>, vector<16xf32>,
      tpu.vector_store %arg17[%swap3A_204, %swap3A_205], %parallel_loop3A_197#2 {strides = array<i32>} : memref<128x128xf32, #tpu.memory_space<vmem>>, vector<16xf32>,
      %swap3A_207 = arith.index_cast %add3A_130 : i32 to index
      %swap3A_208 = arith.constant 48 : index
      %swap3A_209 = tpu.vector_load %arg17[%swap3A_207, %swap3A_208] {strides = array<i32>} : memref<128x128xf32, #tpu.memory_space<vmem>>, vector<16xf32>,
      tpu.vector_store %arg17[%swap3A_207, %swap3A_208], %parallel_loop3A_197#3 {strides = array<i32>} : memref<128x128xf32, #tpu.memory_space<vmem>>, vector<16xf32>,
      %swap3A_210 = arith.index_cast %add3A_130 : i32 to index
      %swap3A_211 = arith.constant 64 : index
      %swap3A_212 = tpu.vector_load %arg17[%swap3A_210, %swap3A_211] {strides = array<i32>} : memref<128x128xf32, #tpu.memory_space<vmem>>, vector<16xf32>,
      tpu.vector_store %arg17[%swap3A_210, %swap3A_211], %parallel_loop3A_197#4 {strides = array<i32>} : memref<128x128xf32, #tpu.memory_space<vmem>>, vector<16xf32>,
      %swap3A_213 = arith.index_cast %add3A_130 : i32 to index
      %swap3A_214 = arith.constant 80 : index
      %swap3A_215 = tpu.vector_load %arg17[%swap3A_213, %swap3A_214] {strides = array<i32>} : memref<128x128xf32, #tpu.memory_space<vmem>>, vector<16xf32>,
      tpu.vector_store %arg17[%swap3A_213, %swap3A_214], %parallel_loop3A_197#5 {strides = array<i32>} : memref<128x128xf32, #tpu.memory_space<vmem>>, vector<16xf32>,
      %swap3A_216 = arith.index_cast %add3A_130 : i32 to index
      %swap3A_217 = arith.constant 96 : index
      %swap3A_218 = tpu.vector_load %arg17[%swap3A_216, %swap3A_217] {strides = array<i32>} : memref<128x128xf32, #tpu.memory_space<vmem>>, vector<16xf32>,
      tpu.vector_store %arg17[%swap3A_216, %swap3A_217], %parallel_loop3A_197#6 {strides = array<i32>} : memref<128x128xf32, #tpu.memory_space<vmem>>, vector<16xf32>,
      %swap3A_219 = arith.index_cast %add3A_130 : i32 to index
      %swap3A_220 = arith.constant 112 : index
      %swap3A_221 = tpu.vector_load %arg17[%swap3A_219, %swap3A_220] {strides = array<i32>} : memref<128x128xf32, #tpu.memory_space<vmem>>, vector<16xf32>,
      tpu.vector_store %arg17[%swap3A_219, %swap3A_220], %parallel_loop3A_197#7 {strides = array<i32>} : memref<128x128xf32, #tpu.memory_space<vmem>>, vector<16xf32>,
      %add3A_222 = arith.constant 4 : i32
      %add3A_223 = arith.addi %add3A_100, %add3A_222 : i32
      %lt3A = arith.constant 128 : i32
      %lt3A_224 = arith.cmpi slt, %add3A_223, %lt3A : i32
      %convert_element_type3A = arith.extui %lt3A_224 : i1 to i32
      %cond3A = arith.constant 0 : i32
      %cond3A_225 = arith.cmpi ne, %convert_element_type3A, %cond3A : i32
      scf.if %cond3A_225 {
        %mul3A_631 = arith.constant 1 : i32
        %mul3A_632 = arith.muli %add3A_223, %mul3A_631 : i32
        %mul3A_633 = arith.constant 32 : i32
        %mul3A_634 = arith.muli %mul3A_632, %mul3A_633 : i32
        %mul3A_635 = arith.constant 1 : i32
        %mul3A_636 = arith.muli %add3A_223, %mul3A_635 : i32
        %mul3A_637 = arith.constant 64 : i32
        %mul3A_638 = arith.muli %mul3A_636, %mul3A_637 : i32
        %dma_start3A_639 = arith.constant 0 : i32
        %dma_start3A_640 = arith.constant 0 : i32
        %dma_start3A_641 = arith.constant 0 : i32
        %dma_start3A_642 = tpu.memref_slice %arg14[%dma_start3A_639, %dma_start3A_640, %dma_start3A_641] : memref<4x32x128xf32, #tpu.memory_space<vmem>> -> memref<1x32x128xf32, #tpu.memory_space<vmem>>
        %dma_start3A_643 = tpu.memref_squeeze %dma_start3A_642 : memref<1x32x128xf32, #tpu.memory_space<vmem>> -> memref<32x128xf32, #tpu.memory_space<vmem>>
        %dma_start3A_644 = tpu.memref_slice %arg11[%mul3A_634] : memref<4096xi32, #tpu.memory_space<vmem>> -> memref<32xi32, #tpu.memory_space<vmem>>
        %dma_start3A_645 = arith.constant 0 : i32
        %dma_start3A_646 = arith.constant 0 : i32
        %dma_start3A_647 = tpu.memref_slice %arg6[%dma_start3A_645, %dma_start3A_646] : memref<100000x128xf32, #tpu.memory_space<hbm>> -> memref<100000x128xf32, #tpu.memory_space<hbm>>
        tpu.enqueue_indirect_dma source(%dma_start3A_647 : memref<100000x128xf32, #tpu.memory_space<hbm>>) target(%dma_start3A_643 : memref<32x128xf32, #tpu.memory_space<vmem>>) offsets(%dma_start3A_644 : memref<32xi32, #tpu.memory_space<vmem>>) semaphore(%arg19 : memref<!tpu.dma_semaphore, #tpu.memory_space<semaphore_mem>>)
        %dma_start3A_648 = arith.constant 0 : i32
        %dma_start3A_649 = arith.constant 0 : i32
        %dma_start3A_650 = arith.constant 0 : i32
        %dma_start3A_651 = tpu.memref_slice %arg15[%dma_start3A_648, %dma_start3A_649, %dma_start3A_650] : memref<4x64x128xf32, #tpu.memory_space<vmem>> -> memref<1x64x128xf32, #tpu.memory_space<vmem>>
        %dma_start3A_652 = tpu.memref_squeeze %dma_start3A_651 : memref<1x64x128xf32, #tpu.memory_space<vmem>> -> memref<64x128xf32, #tpu.memory_space<vmem>>
        %dma_start3A_653 = tpu.memref_slice %arg12[%mul3A_638] : memref<8192xi32, #tpu.memory_space<vmem>> -> memref<64xi32, #tpu.memory_space<vmem>>
        %dma_start3A_654 = arith.constant 0 : i32
        %dma_start3A_655 = arith.constant 0 : i32
        %dma_start3A_656 = tpu.memref_slice %arg5[%dma_start3A_654, %dma_start3A_655] : memref<100000x128xf32, #tpu.memory_space<hbm>> -> memref<100000x128xf32, #tpu.memory_space<hbm>>
        tpu.enqueue_indirect_dma source(%dma_start3A_656 : memref<100000x128xf32, #tpu.memory_space<hbm>>) target(%dma_start3A_652 : memref<64x128xf32, #tpu.memory_space<vmem>>) offsets(%dma_start3A_653 : memref<64xi32, #tpu.memory_space<vmem>>) semaphore(%arg23 : memref<!tpu.dma_semaphore, #tpu.memory_space<semaphore_mem>>)
      } else {
      }
      %mul3A_226 = arith.constant 4 : i32
      %mul3A_227 = arith.muli %mul3A_226, %scan3A_96 : i32
      %add3A_228 = arith.constant 1 : i32
      %add3A_229 = arith.addi %mul3A_227, %add3A_228 : i32
      %mul3A_230 = arith.constant 1 : i32
      %mul3A_231 = arith.muli %add3A_229, %mul3A_230 : i32
      %mul3A_232 = arith.constant 32 : i32
      %mul3A_233 = arith.muli %mul3A_231, %mul3A_232 : i32
      %mul3A_234 = arith.constant 1 : i32
      %mul3A_235 = arith.muli %add3A_229, %mul3A_234 : i32
      %mul3A_236 = arith.constant 64 : i32
      %mul3A_237 = arith.muli %mul3A_235, %mul3A_236 : i32
      %dma_wait3A_238 = arith.constant 1 : i32
      %dma_wait3A_239 = arith.constant 0 : i32
      %dma_wait3A_240 = arith.constant 0 : i32
      %dma_wait3A_241 = tpu.memref_slice %arg14[%dma_wait3A_238, %dma_wait3A_239, %dma_wait3A_240] : memref<4x32x128xf32, #tpu.memory_space<vmem>> -> memref<1x32x128xf32, #tpu.memory_space<vmem>>
      %dma_wait3A_242 = tpu.memref_squeeze %dma_wait3A_241 : memref<1x32x128xf32, #tpu.memory_space<vmem>> -> memref<32x128xf32, #tpu.memory_space<vmem>>
      %dma_wait3A_243 = tpu.memref_slice %arg11[%mul3A_233] : memref<4096xi32, #tpu.memory_space<vmem>> -> memref<32xi32, #tpu.memory_space<vmem>>
      %dma_wait3A_244 = arith.constant 0 : i32
      %dma_wait3A_245 = arith.constant 0 : i32
      %dma_wait3A_246 = tpu.memref_slice %arg6[%dma_wait3A_244, %dma_wait3A_245] : memref<100000x128xf32, #tpu.memory_space<hbm>> -> memref<100000x128xf32, #tpu.memory_space<hbm>>
      tpu.wait_indirect_dma semaphore(%arg20 : memref<!tpu.dma_semaphore, #tpu.memory_space<semaphore_mem>>) src(%dma_wait3A_246 : memref<100000x128xf32, #tpu.memory_space<hbm>>) dst(%dma_wait3A_242 : memref<32x128xf32, #tpu.memory_space<vmem>>)
      %dma_wait3A_247 = arith.constant 1 : i32
      %dma_wait3A_248 = arith.constant 0 : i32
      %dma_wait3A_249 = arith.constant 0 : i32
      %dma_wait3A_250 = tpu.memref_slice %arg15[%dma_wait3A_247, %dma_wait3A_248, %dma_wait3A_249] : memref<4x64x128xf32, #tpu.memory_space<vmem>> -> memref<1x64x128xf32, #tpu.memory_space<vmem>>
      %dma_wait3A_251 = tpu.memref_squeeze %dma_wait3A_250 : memref<1x64x128xf32, #tpu.memory_space<vmem>> -> memref<64x128xf32, #tpu.memory_space<vmem>>
      %dma_wait3A_252 = tpu.memref_slice %arg12[%mul3A_237] : memref<8192xi32, #tpu.memory_space<vmem>> -> memref<64xi32, #tpu.memory_space<vmem>>
      %dma_wait3A_253 = arith.constant 0 : i32
      %dma_wait3A_254 = arith.constant 0 : i32
      %dma_wait3A_255 = tpu.memref_slice %arg5[%dma_wait3A_253, %dma_wait3A_254] : memref<100000x128xf32, #tpu.memory_space<hbm>> -> memref<100000x128xf32, #tpu.memory_space<hbm>>
      tpu.wait_indirect_dma semaphore(%arg24 : memref<!tpu.dma_semaphore, #tpu.memory_space<semaphore_mem>>) src(%dma_wait3A_255 : memref<100000x128xf32, #tpu.memory_space<hbm>>) dst(%dma_wait3A_251 : memref<64x128xf32, #tpu.memory_space<vmem>>)
      %mul3A_256 = arith.constant 1 : i32
      %mul3A_257 = arith.muli %add3A_229, %mul3A_256 : i32
      %add3A_258 = arith.constant 0 : i32
      %add3A_259 = arith.addi %mul3A_257, %add3A_258 : i32
      %broadcast_in_dim3A_260 = arith.constant 3.125000e-02 : f32
      %broadcast_in_dim3A_261 = vector.broadcast %broadcast_in_dim3A_260 : f32 to vector<16xf32>
      %broadcast_in_dim3A_262 = arith.constant 0.000000e+00 : f32
      %broadcast_in_dim3A_263 = vector.broadcast %broadcast_in_dim3A_262 : f32 to vector<16xf32>
      %broadcast_in_dim3A_264 = arith.constant 0.000000e+00 : f32
      %broadcast_in_dim3A_265 = vector.broadcast %broadcast_in_dim3A_264 : f32 to vector<16xf32>
      %broadcast_in_dim3A_266 = arith.constant 0.000000e+00 : f32
      %broadcast_in_dim3A_267 = vector.broadcast %broadcast_in_dim3A_266 : f32 to vector<16xf32>
      %broadcast_in_dim3A_268 = arith.constant 0.000000e+00 : f32
      %broadcast_in_dim3A_269 = vector.broadcast %broadcast_in_dim3A_268 : f32 to vector<16xf32>
      %broadcast_in_dim3A_270 = arith.constant 0.000000e+00 : f32
      %broadcast_in_dim3A_271 = vector.broadcast %broadcast_in_dim3A_270 : f32 to vector<16xf32>
      %broadcast_in_dim3A_272 = arith.constant 0.000000e+00 : f32
      %broadcast_in_dim3A_273 = vector.broadcast %broadcast_in_dim3A_272 : f32 to vector<16xf32>
      %broadcast_in_dim3A_274 = arith.constant 0.000000e+00 : f32
      %broadcast_in_dim3A_275 = vector.broadcast %broadcast_in_dim3A_274 : f32 to vector<16xf32>
      %broadcast_in_dim3A_276 = arith.constant 0.000000e+00 : f32
      %broadcast_in_dim3A_277 = vector.broadcast %broadcast_in_dim3A_276 : f32 to vector<16xf32>
      %parallel_loop3A_278 = arith.constant 0 : i32
      %parallel_loop3A_279 = arith.constant 32 : i32
      %parallel_loop3A_280 = arith.constant 1 : i32
      %parallel_loop3A_281 = arith.constant 1 : i32
      %parallel_loop3A_282:8 = scf.for %parallel_loop3A_631 = %parallel_loop3A_278 to %parallel_loop3A_279 step %parallel_loop3A_280 iter_args(%parallel_loop3A_632 = %broadcast_in_dim3A_263, %parallel_loop3A_633 = %broadcast_in_dim3A_265, %parallel_loop3A_634 = %broadcast_in_dim3A_267, %parallel_loop3A_635 = %broadcast_in_dim3A_269, %parallel_loop3A_636 = %broadcast_in_dim3A_271, %parallel_loop3A_637 = %broadcast_in_dim3A_273, %parallel_loop3A_638 = %broadcast_in_dim3A_275, %parallel_loop3A_639 = %broadcast_in_dim3A_277) -> (vector<16xf32>, vector<16xf32>, vector<16xf32>, vector<16xf32>, vector<16xf32>, vector<16xf32>, vector<16xf32>, vector<16xf32>)  : i32 {
        %parallel_loop3A_640 = arith.constant 0 : i32
        %parallel_loop3A_641 = arith.addi %parallel_loop3A_640, %parallel_loop3A_631 : i32
        %parallel_loop3A_642 = arith.constant 0 : i32
        %parallel_loop3A_643 = arith.constant 0 : i32
        %parallel_loop3A_644 = tpu.memref_slice %arg14[%parallel_loop3A_281, %parallel_loop3A_642, %parallel_loop3A_643] : memref<4x32x128xf32, #tpu.memory_space<vmem>> -> memref<1x32x128xf32, #tpu.memory_space<vmem>>
        %parallel_loop3A_645 = tpu.memref_squeeze %parallel_loop3A_644 : memref<1x32x128xf32, #tpu.memory_space<vmem>> -> memref<32x128xf32, #tpu.memory_space<vmem>>
        %parallel_loop3A_646 = arith.index_cast %parallel_loop3A_641 : i32 to index
        %parallel_loop3A_647 = arith.constant 0 : index
        %parallel_loop3A_648 = tpu.vector_load %parallel_loop3A_645[%parallel_loop3A_646, %parallel_loop3A_647] {strides = array<i32>} : memref<32x128xf32, #tpu.memory_space<vmem>>, vector<16xf32>,
        %parallel_loop3A_649 = math.exp %parallel_loop3A_648 : vector<16xf32>
        %parallel_loop3A_650 = arith.constant 0 : i32
        %parallel_loop3A_651 = arith.addi %parallel_loop3A_650, %parallel_loop3A_631 : i32
        %parallel_loop3A_652 = arith.constant 0 : i32
        %parallel_loop3A_653 = arith.constant 0 : i32
        %parallel_loop3A_654 = tpu.memref_slice %arg14[%parallel_loop3A_281, %parallel_loop3A_652, %parallel_loop3A_653] : memref<4x32x128xf32, #tpu.memory_space<vmem>> -> memref<1x32x128xf32, #tpu.memory_space<vmem>>
        %parallel_loop3A_655 = tpu.memref_squeeze %parallel_loop3A_654 : memref<1x32x128xf32, #tpu.memory_space<vmem>> -> memref<32x128xf32, #tpu.memory_space<vmem>>
        %parallel_loop3A_656 = arith.index_cast %parallel_loop3A_651 : i32 to index
        %parallel_loop3A_657 = arith.constant 16 : index
        %parallel_loop3A_658 = tpu.vector_load %parallel_loop3A_655[%parallel_loop3A_656, %parallel_loop3A_657] {strides = array<i32>} : memref<32x128xf32, #tpu.memory_space<vmem>>, vector<16xf32>,
        %parallel_loop3A_659 = math.exp %parallel_loop3A_658 : vector<16xf32>
        %parallel_loop3A_660 = arith.addf %parallel_loop3A_649, %parallel_loop3A_659 : vector<16xf32>
        %parallel_loop3A_661 = arith.constant 0 : i32
        %parallel_loop3A_662 = arith.addi %parallel_loop3A_661, %parallel_loop3A_631 : i32
        %parallel_loop3A_663 = arith.constant 0 : i32
        %parallel_loop3A_664 = arith.constant 0 : i32
        %parallel_loop3A_665 = tpu.memref_slice %arg14[%parallel_loop3A_281, %parallel_loop3A_663, %parallel_loop3A_664] : memref<4x32x128xf32, #tpu.memory_space<vmem>> -> memref<1x32x128xf32, #tpu.memory_space<vmem>>
        %parallel_loop3A_666 = tpu.memref_squeeze %parallel_loop3A_665 : memref<1x32x128xf32, #tpu.memory_space<vmem>> -> memref<32x128xf32, #tpu.memory_space<vmem>>
        %parallel_loop3A_667 = arith.index_cast %parallel_loop3A_662 : i32 to index
        %parallel_loop3A_668 = arith.constant 32 : index
        %parallel_loop3A_669 = tpu.vector_load %parallel_loop3A_666[%parallel_loop3A_667, %parallel_loop3A_668] {strides = array<i32>} : memref<32x128xf32, #tpu.memory_space<vmem>>, vector<16xf32>,
        %parallel_loop3A_670 = math.exp %parallel_loop3A_669 : vector<16xf32>
        %parallel_loop3A_671 = arith.addf %parallel_loop3A_660, %parallel_loop3A_670 : vector<16xf32>
        %parallel_loop3A_672 = arith.constant 0 : i32
        %parallel_loop3A_673 = arith.addi %parallel_loop3A_672, %parallel_loop3A_631 : i32
        %parallel_loop3A_674 = arith.constant 0 : i32
        %parallel_loop3A_675 = arith.constant 0 : i32
        %parallel_loop3A_676 = tpu.memref_slice %arg14[%parallel_loop3A_281, %parallel_loop3A_674, %parallel_loop3A_675] : memref<4x32x128xf32, #tpu.memory_space<vmem>> -> memref<1x32x128xf32, #tpu.memory_space<vmem>>
        %parallel_loop3A_677 = tpu.memref_squeeze %parallel_loop3A_676 : memref<1x32x128xf32, #tpu.memory_space<vmem>> -> memref<32x128xf32, #tpu.memory_space<vmem>>
        %parallel_loop3A_678 = arith.index_cast %parallel_loop3A_673 : i32 to index
        %parallel_loop3A_679 = arith.constant 48 : index
        %parallel_loop3A_680 = tpu.vector_load %parallel_loop3A_677[%parallel_loop3A_678, %parallel_loop3A_679] {strides = array<i32>} : memref<32x128xf32, #tpu.memory_space<vmem>>, vector<16xf32>,
        %parallel_loop3A_681 = math.exp %parallel_loop3A_680 : vector<16xf32>
        %parallel_loop3A_682 = arith.addf %parallel_loop3A_671, %parallel_loop3A_681 : vector<16xf32>
        %parallel_loop3A_683 = arith.constant 0 : i32
        %parallel_loop3A_684 = arith.addi %parallel_loop3A_683, %parallel_loop3A_631 : i32
        %parallel_loop3A_685 = arith.constant 0 : i32
        %parallel_loop3A_686 = arith.constant 0 : i32
        %parallel_loop3A_687 = tpu.memref_slice %arg14[%parallel_loop3A_281, %parallel_loop3A_685, %parallel_loop3A_686] : memref<4x32x128xf32, #tpu.memory_space<vmem>> -> memref<1x32x128xf32, #tpu.memory_space<vmem>>
        %parallel_loop3A_688 = tpu.memref_squeeze %parallel_loop3A_687 : memref<1x32x128xf32, #tpu.memory_space<vmem>> -> memref<32x128xf32, #tpu.memory_space<vmem>>
        %parallel_loop3A_689 = arith.index_cast %parallel_loop3A_684 : i32 to index
        %parallel_loop3A_690 = arith.constant 64 : index
        %parallel_loop3A_691 = tpu.vector_load %parallel_loop3A_688[%parallel_loop3A_689, %parallel_loop3A_690] {strides = array<i32>} : memref<32x128xf32, #tpu.memory_space<vmem>>, vector<16xf32>,
        %parallel_loop3A_692 = math.exp %parallel_loop3A_691 : vector<16xf32>
        %parallel_loop3A_693 = arith.addf %parallel_loop3A_682, %parallel_loop3A_692 : vector<16xf32>
        %parallel_loop3A_694 = arith.constant 0 : i32
        %parallel_loop3A_695 = arith.addi %parallel_loop3A_694, %parallel_loop3A_631 : i32
        %parallel_loop3A_696 = arith.constant 0 : i32
        %parallel_loop3A_697 = arith.constant 0 : i32
        %parallel_loop3A_698 = tpu.memref_slice %arg14[%parallel_loop3A_281, %parallel_loop3A_696, %parallel_loop3A_697] : memref<4x32x128xf32, #tpu.memory_space<vmem>> -> memref<1x32x128xf32, #tpu.memory_space<vmem>>
        %parallel_loop3A_699 = tpu.memref_squeeze %parallel_loop3A_698 : memref<1x32x128xf32, #tpu.memory_space<vmem>> -> memref<32x128xf32, #tpu.memory_space<vmem>>
        %parallel_loop3A_700 = arith.index_cast %parallel_loop3A_695 : i32 to index
        %parallel_loop3A_701 = arith.constant 80 : index
        %parallel_loop3A_702 = tpu.vector_load %parallel_loop3A_699[%parallel_loop3A_700, %parallel_loop3A_701] {strides = array<i32>} : memref<32x128xf32, #tpu.memory_space<vmem>>, vector<16xf32>,
        %parallel_loop3A_703 = math.exp %parallel_loop3A_702 : vector<16xf32>
        %parallel_loop3A_704 = arith.addf %parallel_loop3A_693, %parallel_loop3A_703 : vector<16xf32>
        %parallel_loop3A_705 = arith.constant 0 : i32
        %parallel_loop3A_706 = arith.addi %parallel_loop3A_705, %parallel_loop3A_631 : i32
        %parallel_loop3A_707 = arith.constant 0 : i32
        %parallel_loop3A_708 = arith.constant 0 : i32
        %parallel_loop3A_709 = tpu.memref_slice %arg14[%parallel_loop3A_281, %parallel_loop3A_707, %parallel_loop3A_708] : memref<4x32x128xf32, #tpu.memory_space<vmem>> -> memref<1x32x128xf32, #tpu.memory_space<vmem>>
        %parallel_loop3A_710 = tpu.memref_squeeze %parallel_loop3A_709 : memref<1x32x128xf32, #tpu.memory_space<vmem>> -> memref<32x128xf32, #tpu.memory_space<vmem>>
        %parallel_loop3A_711 = arith.index_cast %parallel_loop3A_706 : i32 to index
        %parallel_loop3A_712 = arith.constant 96 : index
        %parallel_loop3A_713 = tpu.vector_load %parallel_loop3A_710[%parallel_loop3A_711, %parallel_loop3A_712] {strides = array<i32>} : memref<32x128xf32, #tpu.memory_space<vmem>>, vector<16xf32>,
        %parallel_loop3A_714 = math.exp %parallel_loop3A_713 : vector<16xf32>
        %parallel_loop3A_715 = arith.addf %parallel_loop3A_704, %parallel_loop3A_714 : vector<16xf32>
        %parallel_loop3A_716 = arith.constant 0 : i32
        %parallel_loop3A_717 = arith.addi %parallel_loop3A_716, %parallel_loop3A_631 : i32
        %parallel_loop3A_718 = arith.constant 0 : i32
        %parallel_loop3A_719 = arith.constant 0 : i32
        %parallel_loop3A_720 = tpu.memref_slice %arg14[%parallel_loop3A_281, %parallel_loop3A_718, %parallel_loop3A_719] : memref<4x32x128xf32, #tpu.memory_space<vmem>> -> memref<1x32x128xf32, #tpu.memory_space<vmem>>
        %parallel_loop3A_721 = tpu.memref_squeeze %parallel_loop3A_720 : memref<1x32x128xf32, #tpu.memory_space<vmem>> -> memref<32x128xf32, #tpu.memory_space<vmem>>
        %parallel_loop3A_722 = arith.index_cast %parallel_loop3A_717 : i32 to index
        %parallel_loop3A_723 = arith.constant 112 : index
        %parallel_loop3A_724 = tpu.vector_load %parallel_loop3A_721[%parallel_loop3A_722, %parallel_loop3A_723] {strides = array<i32>} : memref<32x128xf32, #tpu.memory_space<vmem>>, vector<16xf32>,
        %parallel_loop3A_725 = math.exp %parallel_loop3A_724 : vector<16xf32>
        %parallel_loop3A_726 = arith.addf %parallel_loop3A_715, %parallel_loop3A_725 : vector<16xf32>
        %parallel_loop3A_727 = arith.constant true
        %parallel_loop3A_728 = vector.broadcast %parallel_loop3A_727 : i1 to vector<16xi1>
        %parallel_loop3A_729 = tpu.scan <sum>, %parallel_loop3A_726 masked %parallel_loop3A_728 : vector<16xf32>, vector<16xi1> -> vector<16xf32>
        %parallel_loop3A_730 = vector.extract %parallel_loop3A_729[15] : f32 from vector<16xf32>
        %parallel_loop3A_731 = vector.broadcast %parallel_loop3A_730 : f32 to vector<16xf32>
        %parallel_loop3A_732 = arith.divf %broadcast_in_dim3A_261, %parallel_loop3A_731 : vector<16xf32>
        %parallel_loop3A_733 = arith.mulf %parallel_loop3A_649, %parallel_loop3A_732 : vector<16xf32>
        %parallel_loop3A_734 = arith.addf %parallel_loop3A_632, %parallel_loop3A_733 : vector<16xf32>
        %parallel_loop3A_735 = arith.mulf %parallel_loop3A_659, %parallel_loop3A_732 : vector<16xf32>
        %parallel_loop3A_736 = arith.addf %parallel_loop3A_633, %parallel_loop3A_735 : vector<16xf32>
        %parallel_loop3A_737 = arith.mulf %parallel_loop3A_670, %parallel_loop3A_732 : vector<16xf32>
        %parallel_loop3A_738 = arith.addf %parallel_loop3A_634, %parallel_loop3A_737 : vector<16xf32>
        %parallel_loop3A_739 = arith.mulf %parallel_loop3A_681, %parallel_loop3A_732 : vector<16xf32>
        %parallel_loop3A_740 = arith.addf %parallel_loop3A_635, %parallel_loop3A_739 : vector<16xf32>
        %parallel_loop3A_741 = arith.mulf %parallel_loop3A_692, %parallel_loop3A_732 : vector<16xf32>
        %parallel_loop3A_742 = arith.addf %parallel_loop3A_636, %parallel_loop3A_741 : vector<16xf32>
        %parallel_loop3A_743 = arith.mulf %parallel_loop3A_703, %parallel_loop3A_732 : vector<16xf32>
        %parallel_loop3A_744 = arith.addf %parallel_loop3A_637, %parallel_loop3A_743 : vector<16xf32>
        %parallel_loop3A_745 = arith.mulf %parallel_loop3A_714, %parallel_loop3A_732 : vector<16xf32>
        %parallel_loop3A_746 = arith.addf %parallel_loop3A_638, %parallel_loop3A_745 : vector<16xf32>
        %parallel_loop3A_747 = arith.mulf %parallel_loop3A_725, %parallel_loop3A_732 : vector<16xf32>
        %parallel_loop3A_748 = arith.addf %parallel_loop3A_639, %parallel_loop3A_747 : vector<16xf32>
        scf.yield %parallel_loop3A_734, %parallel_loop3A_736, %parallel_loop3A_738, %parallel_loop3A_740, %parallel_loop3A_742, %parallel_loop3A_744, %parallel_loop3A_746, %parallel_loop3A_748 : vector<16xf32>, vector<16xf32>, vector<16xf32>, vector<16xf32>, vector<16xf32>, vector<16xf32>, vector<16xf32>, vector<16xf32>
      } {sc.loop_unroll_factor = 1 : i64, sc.parallel_access}
      %swap3A_283 = arith.index_cast %add3A_259 : i32 to index
      %swap3A_284 = arith.constant 0 : index
      %swap3A_285 = tpu.vector_load %arg16[%swap3A_283, %swap3A_284] {strides = array<i32>} : memref<128x128xf32, #tpu.memory_space<vmem>>, vector<16xf32>,
      tpu.vector_store %arg16[%swap3A_283, %swap3A_284], %parallel_loop3A_282#0 {strides = array<i32>} : memref<128x128xf32, #tpu.memory_space<vmem>>, vector<16xf32>,
      %swap3A_286 = arith.index_cast %add3A_259 : i32 to index
      %swap3A_287 = arith.constant 16 : index
      %swap3A_288 = tpu.vector_load %arg16[%swap3A_286, %swap3A_287] {strides = array<i32>} : memref<128x128xf32, #tpu.memory_space<vmem>>, vector<16xf32>,
      tpu.vector_store %arg16[%swap3A_286, %swap3A_287], %parallel_loop3A_282#1 {strides = array<i32>} : memref<128x128xf32, #tpu.memory_space<vmem>>, vector<16xf32>,
      %swap3A_289 = arith.index_cast %add3A_259 : i32 to index
      %swap3A_290 = arith.constant 32 : index
      %swap3A_291 = tpu.vector_load %arg16[%swap3A_289, %swap3A_290] {strides = array<i32>} : memref<128x128xf32, #tpu.memory_space<vmem>>, vector<16xf32>,
      tpu.vector_store %arg16[%swap3A_289, %swap3A_290], %parallel_loop3A_282#2 {strides = array<i32>} : memref<128x128xf32, #tpu.memory_space<vmem>>, vector<16xf32>,
      %swap3A_292 = arith.index_cast %add3A_259 : i32 to index
      %swap3A_293 = arith.constant 48 : index
      %swap3A_294 = tpu.vector_load %arg16[%swap3A_292, %swap3A_293] {strides = array<i32>} : memref<128x128xf32, #tpu.memory_space<vmem>>, vector<16xf32>,
      tpu.vector_store %arg16[%swap3A_292, %swap3A_293], %parallel_loop3A_282#3 {strides = array<i32>} : memref<128x128xf32, #tpu.memory_space<vmem>>, vector<16xf32>,
      %swap3A_295 = arith.index_cast %add3A_259 : i32 to index
      %swap3A_296 = arith.constant 64 : index
      %swap3A_297 = tpu.vector_load %arg16[%swap3A_295, %swap3A_296] {strides = array<i32>} : memref<128x128xf32, #tpu.memory_space<vmem>>, vector<16xf32>,
      tpu.vector_store %arg16[%swap3A_295, %swap3A_296], %parallel_loop3A_282#4 {strides = array<i32>} : memref<128x128xf32, #tpu.memory_space<vmem>>, vector<16xf32>,
      %swap3A_298 = arith.index_cast %add3A_259 : i32 to index
      %swap3A_299 = arith.constant 80 : index
      %swap3A_300 = tpu.vector_load %arg16[%swap3A_298, %swap3A_299] {strides = array<i32>} : memref<128x128xf32, #tpu.memory_space<vmem>>, vector<16xf32>,
      tpu.vector_store %arg16[%swap3A_298, %swap3A_299], %parallel_loop3A_282#5 {strides = array<i32>} : memref<128x128xf32, #tpu.memory_space<vmem>>, vector<16xf32>,
      %swap3A_301 = arith.index_cast %add3A_259 : i32 to index
      %swap3A_302 = arith.constant 96 : index
      %swap3A_303 = tpu.vector_load %arg16[%swap3A_301, %swap3A_302] {strides = array<i32>} : memref<128x128xf32, #tpu.memory_space<vmem>>, vector<16xf32>,
      tpu.vector_store %arg16[%swap3A_301, %swap3A_302], %parallel_loop3A_282#6 {strides = array<i32>} : memref<128x128xf32, #tpu.memory_space<vmem>>, vector<16xf32>,
      %swap3A_304 = arith.index_cast %add3A_259 : i32 to index
      %swap3A_305 = arith.constant 112 : index
      %swap3A_306 = tpu.vector_load %arg16[%swap3A_304, %swap3A_305] {strides = array<i32>} : memref<128x128xf32, #tpu.memory_space<vmem>>, vector<16xf32>,
      tpu.vector_store %arg16[%swap3A_304, %swap3A_305], %parallel_loop3A_282#7 {strides = array<i32>} : memref<128x128xf32, #tpu.memory_space<vmem>>, vector<16xf32>,
      %broadcast_in_dim3A_307 = arith.constant 1.562500e-02 : f32
      %broadcast_in_dim3A_308 = vector.broadcast %broadcast_in_dim3A_307 : f32 to vector<16xf32>
      %broadcast_in_dim3A_309 = arith.constant 0.000000e+00 : f32
      %broadcast_in_dim3A_310 = vector.broadcast %broadcast_in_dim3A_309 : f32 to vector<16xf32>
      %broadcast_in_dim3A_311 = arith.constant 0.000000e+00 : f32
      %broadcast_in_dim3A_312 = vector.broadcast %broadcast_in_dim3A_311 : f32 to vector<16xf32>
      %broadcast_in_dim3A_313 = arith.constant 0.000000e+00 : f32
      %broadcast_in_dim3A_314 = vector.broadcast %broadcast_in_dim3A_313 : f32 to vector<16xf32>
      %broadcast_in_dim3A_315 = arith.constant 0.000000e+00 : f32
      %broadcast_in_dim3A_316 = vector.broadcast %broadcast_in_dim3A_315 : f32 to vector<16xf32>
      %broadcast_in_dim3A_317 = arith.constant 0.000000e+00 : f32
      %broadcast_in_dim3A_318 = vector.broadcast %broadcast_in_dim3A_317 : f32 to vector<16xf32>
      %broadcast_in_dim3A_319 = arith.constant 0.000000e+00 : f32
      %broadcast_in_dim3A_320 = vector.broadcast %broadcast_in_dim3A_319 : f32 to vector<16xf32>
      %broadcast_in_dim3A_321 = arith.constant 0.000000e+00 : f32
      %broadcast_in_dim3A_322 = vector.broadcast %broadcast_in_dim3A_321 : f32 to vector<16xf32>
      %broadcast_in_dim3A_323 = arith.constant 0.000000e+00 : f32
      %broadcast_in_dim3A_324 = vector.broadcast %broadcast_in_dim3A_323 : f32 to vector<16xf32>
      %parallel_loop3A_325 = arith.constant 0 : i32
      %parallel_loop3A_326 = arith.constant 64 : i32
      %parallel_loop3A_327 = arith.constant 1 : i32
      %parallel_loop3A_328 = arith.constant 1 : i32
      %parallel_loop3A_329:8 = scf.for %parallel_loop3A_631 = %parallel_loop3A_325 to %parallel_loop3A_326 step %parallel_loop3A_327 iter_args(%parallel_loop3A_632 = %broadcast_in_dim3A_310, %parallel_loop3A_633 = %broadcast_in_dim3A_312, %parallel_loop3A_634 = %broadcast_in_dim3A_314, %parallel_loop3A_635 = %broadcast_in_dim3A_316, %parallel_loop3A_636 = %broadcast_in_dim3A_318, %parallel_loop3A_637 = %broadcast_in_dim3A_320, %parallel_loop3A_638 = %broadcast_in_dim3A_322, %parallel_loop3A_639 = %broadcast_in_dim3A_324) -> (vector<16xf32>, vector<16xf32>, vector<16xf32>, vector<16xf32>, vector<16xf32>, vector<16xf32>, vector<16xf32>, vector<16xf32>)  : i32 {
        %parallel_loop3A_640 = arith.constant 0 : i32
        %parallel_loop3A_641 = arith.addi %parallel_loop3A_640, %parallel_loop3A_631 : i32
        %parallel_loop3A_642 = arith.constant 0 : i32
        %parallel_loop3A_643 = arith.constant 0 : i32
        %parallel_loop3A_644 = tpu.memref_slice %arg15[%parallel_loop3A_328, %parallel_loop3A_642, %parallel_loop3A_643] : memref<4x64x128xf32, #tpu.memory_space<vmem>> -> memref<1x64x128xf32, #tpu.memory_space<vmem>>
        %parallel_loop3A_645 = tpu.memref_squeeze %parallel_loop3A_644 : memref<1x64x128xf32, #tpu.memory_space<vmem>> -> memref<64x128xf32, #tpu.memory_space<vmem>>
        %parallel_loop3A_646 = arith.index_cast %parallel_loop3A_641 : i32 to index
        %parallel_loop3A_647 = arith.constant 0 : index
        %parallel_loop3A_648 = tpu.vector_load %parallel_loop3A_645[%parallel_loop3A_646, %parallel_loop3A_647] {strides = array<i32>} : memref<64x128xf32, #tpu.memory_space<vmem>>, vector<16xf32>,
        %parallel_loop3A_649 = math.exp %parallel_loop3A_648 : vector<16xf32>
        %parallel_loop3A_650 = arith.constant 0 : i32
        %parallel_loop3A_651 = arith.addi %parallel_loop3A_650, %parallel_loop3A_631 : i32
        %parallel_loop3A_652 = arith.constant 0 : i32
        %parallel_loop3A_653 = arith.constant 0 : i32
        %parallel_loop3A_654 = tpu.memref_slice %arg15[%parallel_loop3A_328, %parallel_loop3A_652, %parallel_loop3A_653] : memref<4x64x128xf32, #tpu.memory_space<vmem>> -> memref<1x64x128xf32, #tpu.memory_space<vmem>>
        %parallel_loop3A_655 = tpu.memref_squeeze %parallel_loop3A_654 : memref<1x64x128xf32, #tpu.memory_space<vmem>> -> memref<64x128xf32, #tpu.memory_space<vmem>>
        %parallel_loop3A_656 = arith.index_cast %parallel_loop3A_651 : i32 to index
        %parallel_loop3A_657 = arith.constant 16 : index
        %parallel_loop3A_658 = tpu.vector_load %parallel_loop3A_655[%parallel_loop3A_656, %parallel_loop3A_657] {strides = array<i32>} : memref<64x128xf32, #tpu.memory_space<vmem>>, vector<16xf32>,
        %parallel_loop3A_659 = math.exp %parallel_loop3A_658 : vector<16xf32>
        %parallel_loop3A_660 = arith.addf %parallel_loop3A_649, %parallel_loop3A_659 : vector<16xf32>
        %parallel_loop3A_661 = arith.constant 0 : i32
        %parallel_loop3A_662 = arith.addi %parallel_loop3A_661, %parallel_loop3A_631 : i32
        %parallel_loop3A_663 = arith.constant 0 : i32
        %parallel_loop3A_664 = arith.constant 0 : i32
        %parallel_loop3A_665 = tpu.memref_slice %arg15[%parallel_loop3A_328, %parallel_loop3A_663, %parallel_loop3A_664] : memref<4x64x128xf32, #tpu.memory_space<vmem>> -> memref<1x64x128xf32, #tpu.memory_space<vmem>>
        %parallel_loop3A_666 = tpu.memref_squeeze %parallel_loop3A_665 : memref<1x64x128xf32, #tpu.memory_space<vmem>> -> memref<64x128xf32, #tpu.memory_space<vmem>>
        %parallel_loop3A_667 = arith.index_cast %parallel_loop3A_662 : i32 to index
        %parallel_loop3A_668 = arith.constant 32 : index
        %parallel_loop3A_669 = tpu.vector_load %parallel_loop3A_666[%parallel_loop3A_667, %parallel_loop3A_668] {strides = array<i32>} : memref<64x128xf32, #tpu.memory_space<vmem>>, vector<16xf32>,
        %parallel_loop3A_670 = math.exp %parallel_loop3A_669 : vector<16xf32>
        %parallel_loop3A_671 = arith.addf %parallel_loop3A_660, %parallel_loop3A_670 : vector<16xf32>
        %parallel_loop3A_672 = arith.constant 0 : i32
        %parallel_loop3A_673 = arith.addi %parallel_loop3A_672, %parallel_loop3A_631 : i32
        %parallel_loop3A_674 = arith.constant 0 : i32
        %parallel_loop3A_675 = arith.constant 0 : i32
        %parallel_loop3A_676 = tpu.memref_slice %arg15[%parallel_loop3A_328, %parallel_loop3A_674, %parallel_loop3A_675] : memref<4x64x128xf32, #tpu.memory_space<vmem>> -> memref<1x64x128xf32, #tpu.memory_space<vmem>>
        %parallel_loop3A_677 = tpu.memref_squeeze %parallel_loop3A_676 : memref<1x64x128xf32, #tpu.memory_space<vmem>> -> memref<64x128xf32, #tpu.memory_space<vmem>>
        %parallel_loop3A_678 = arith.index_cast %parallel_loop3A_673 : i32 to index
        %parallel_loop3A_679 = arith.constant 48 : index
        %parallel_loop3A_680 = tpu.vector_load %parallel_loop3A_677[%parallel_loop3A_678, %parallel_loop3A_679] {strides = array<i32>} : memref<64x128xf32, #tpu.memory_space<vmem>>, vector<16xf32>,
        %parallel_loop3A_681 = math.exp %parallel_loop3A_680 : vector<16xf32>
        %parallel_loop3A_682 = arith.addf %parallel_loop3A_671, %parallel_loop3A_681 : vector<16xf32>
        %parallel_loop3A_683 = arith.constant 0 : i32
        %parallel_loop3A_684 = arith.addi %parallel_loop3A_683, %parallel_loop3A_631 : i32
        %parallel_loop3A_685 = arith.constant 0 : i32
        %parallel_loop3A_686 = arith.constant 0 : i32
        %parallel_loop3A_687 = tpu.memref_slice %arg15[%parallel_loop3A_328, %parallel_loop3A_685, %parallel_loop3A_686] : memref<4x64x128xf32, #tpu.memory_space<vmem>> -> memref<1x64x128xf32, #tpu.memory_space<vmem>>
        %parallel_loop3A_688 = tpu.memref_squeeze %parallel_loop3A_687 : memref<1x64x128xf32, #tpu.memory_space<vmem>> -> memref<64x128xf32, #tpu.memory_space<vmem>>
        %parallel_loop3A_689 = arith.index_cast %parallel_loop3A_684 : i32 to index
        %parallel_loop3A_690 = arith.constant 64 : index
        %parallel_loop3A_691 = tpu.vector_load %parallel_loop3A_688[%parallel_loop3A_689, %parallel_loop3A_690] {strides = array<i32>} : memref<64x128xf32, #tpu.memory_space<vmem>>, vector<16xf32>,
        %parallel_loop3A_692 = math.exp %parallel_loop3A_691 : vector<16xf32>
        %parallel_loop3A_693 = arith.addf %parallel_loop3A_682, %parallel_loop3A_692 : vector<16xf32>
        %parallel_loop3A_694 = arith.constant 0 : i32
        %parallel_loop3A_695 = arith.addi %parallel_loop3A_694, %parallel_loop3A_631 : i32
        %parallel_loop3A_696 = arith.constant 0 : i32
        %parallel_loop3A_697 = arith.constant 0 : i32
        %parallel_loop3A_698 = tpu.memref_slice %arg15[%parallel_loop3A_328, %parallel_loop3A_696, %parallel_loop3A_697] : memref<4x64x128xf32, #tpu.memory_space<vmem>> -> memref<1x64x128xf32, #tpu.memory_space<vmem>>
        %parallel_loop3A_699 = tpu.memref_squeeze %parallel_loop3A_698 : memref<1x64x128xf32, #tpu.memory_space<vmem>> -> memref<64x128xf32, #tpu.memory_space<vmem>>
        %parallel_loop3A_700 = arith.index_cast %parallel_loop3A_695 : i32 to index
        %parallel_loop3A_701 = arith.constant 80 : index
        %parallel_loop3A_702 = tpu.vector_load %parallel_loop3A_699[%parallel_loop3A_700, %parallel_loop3A_701] {strides = array<i32>} : memref<64x128xf32, #tpu.memory_space<vmem>>, vector<16xf32>,
        %parallel_loop3A_703 = math.exp %parallel_loop3A_702 : vector<16xf32>
        %parallel_loop3A_704 = arith.addf %parallel_loop3A_693, %parallel_loop3A_703 : vector<16xf32>
        %parallel_loop3A_705 = arith.constant 0 : i32
        %parallel_loop3A_706 = arith.addi %parallel_loop3A_705, %parallel_loop3A_631 : i32
        %parallel_loop3A_707 = arith.constant 0 : i32
        %parallel_loop3A_708 = arith.constant 0 : i32
        %parallel_loop3A_709 = tpu.memref_slice %arg15[%parallel_loop3A_328, %parallel_loop3A_707, %parallel_loop3A_708] : memref<4x64x128xf32, #tpu.memory_space<vmem>> -> memref<1x64x128xf32, #tpu.memory_space<vmem>>
        %parallel_loop3A_710 = tpu.memref_squeeze %parallel_loop3A_709 : memref<1x64x128xf32, #tpu.memory_space<vmem>> -> memref<64x128xf32, #tpu.memory_space<vmem>>
        %parallel_loop3A_711 = arith.index_cast %parallel_loop3A_706 : i32 to index
        %parallel_loop3A_712 = arith.constant 96 : index
        %parallel_loop3A_713 = tpu.vector_load %parallel_loop3A_710[%parallel_loop3A_711, %parallel_loop3A_712] {strides = array<i32>} : memref<64x128xf32, #tpu.memory_space<vmem>>, vector<16xf32>,
        %parallel_loop3A_714 = math.exp %parallel_loop3A_713 : vector<16xf32>
        %parallel_loop3A_715 = arith.addf %parallel_loop3A_704, %parallel_loop3A_714 : vector<16xf32>
        %parallel_loop3A_716 = arith.constant 0 : i32
        %parallel_loop3A_717 = arith.addi %parallel_loop3A_716, %parallel_loop3A_631 : i32
        %parallel_loop3A_718 = arith.constant 0 : i32
        %parallel_loop3A_719 = arith.constant 0 : i32
        %parallel_loop3A_720 = tpu.memref_slice %arg15[%parallel_loop3A_328, %parallel_loop3A_718, %parallel_loop3A_719] : memref<4x64x128xf32, #tpu.memory_space<vmem>> -> memref<1x64x128xf32, #tpu.memory_space<vmem>>
        %parallel_loop3A_721 = tpu.memref_squeeze %parallel_loop3A_720 : memref<1x64x128xf32, #tpu.memory_space<vmem>> -> memref<64x128xf32, #tpu.memory_space<vmem>>
        %parallel_loop3A_722 = arith.index_cast %parallel_loop3A_717 : i32 to index
        %parallel_loop3A_723 = arith.constant 112 : index
        %parallel_loop3A_724 = tpu.vector_load %parallel_loop3A_721[%parallel_loop3A_722, %parallel_loop3A_723] {strides = array<i32>} : memref<64x128xf32, #tpu.memory_space<vmem>>, vector<16xf32>,
        %parallel_loop3A_725 = math.exp %parallel_loop3A_724 : vector<16xf32>
        %parallel_loop3A_726 = arith.addf %parallel_loop3A_715, %parallel_loop3A_725 : vector<16xf32>
        %parallel_loop3A_727 = arith.constant true
        %parallel_loop3A_728 = vector.broadcast %parallel_loop3A_727 : i1 to vector<16xi1>
        %parallel_loop3A_729 = tpu.scan <sum>, %parallel_loop3A_726 masked %parallel_loop3A_728 : vector<16xf32>, vector<16xi1> -> vector<16xf32>
        %parallel_loop3A_730 = vector.extract %parallel_loop3A_729[15] : f32 from vector<16xf32>
        %parallel_loop3A_731 = vector.broadcast %parallel_loop3A_730 : f32 to vector<16xf32>
        %parallel_loop3A_732 = arith.divf %broadcast_in_dim3A_308, %parallel_loop3A_731 : vector<16xf32>
        %parallel_loop3A_733 = arith.mulf %parallel_loop3A_649, %parallel_loop3A_732 : vector<16xf32>
        %parallel_loop3A_734 = arith.addf %parallel_loop3A_632, %parallel_loop3A_733 : vector<16xf32>
        %parallel_loop3A_735 = arith.mulf %parallel_loop3A_659, %parallel_loop3A_732 : vector<16xf32>
        %parallel_loop3A_736 = arith.addf %parallel_loop3A_633, %parallel_loop3A_735 : vector<16xf32>
        %parallel_loop3A_737 = arith.mulf %parallel_loop3A_670, %parallel_loop3A_732 : vector<16xf32>
        %parallel_loop3A_738 = arith.addf %parallel_loop3A_634, %parallel_loop3A_737 : vector<16xf32>
        %parallel_loop3A_739 = arith.mulf %parallel_loop3A_681, %parallel_loop3A_732 : vector<16xf32>
        %parallel_loop3A_740 = arith.addf %parallel_loop3A_635, %parallel_loop3A_739 : vector<16xf32>
        %parallel_loop3A_741 = arith.mulf %parallel_loop3A_692, %parallel_loop3A_732 : vector<16xf32>
        %parallel_loop3A_742 = arith.addf %parallel_loop3A_636, %parallel_loop3A_741 : vector<16xf32>
        %parallel_loop3A_743 = arith.mulf %parallel_loop3A_703, %parallel_loop3A_732 : vector<16xf32>
        %parallel_loop3A_744 = arith.addf %parallel_loop3A_637, %parallel_loop3A_743 : vector<16xf32>
        %parallel_loop3A_745 = arith.mulf %parallel_loop3A_714, %parallel_loop3A_732 : vector<16xf32>
        %parallel_loop3A_746 = arith.addf %parallel_loop3A_638, %parallel_loop3A_745 : vector<16xf32>
        %parallel_loop3A_747 = arith.mulf %parallel_loop3A_725, %parallel_loop3A_732 : vector<16xf32>
        %parallel_loop3A_748 = arith.addf %parallel_loop3A_639, %parallel_loop3A_747 : vector<16xf32>
        scf.yield %parallel_loop3A_734, %parallel_loop3A_736, %parallel_loop3A_738, %parallel_loop3A_740, %parallel_loop3A_742, %parallel_loop3A_744, %parallel_loop3A_746, %parallel_loop3A_748 : vector<16xf32>, vector<16xf32>, vector<16xf32>, vector<16xf32>, vector<16xf32>, vector<16xf32>, vector<16xf32>, vector<16xf32>
      } {sc.loop_unroll_factor = 1 : i64, sc.parallel_access}
      %swap3A_330 = arith.index_cast %add3A_259 : i32 to index
      %swap3A_331 = arith.constant 0 : index
      %swap3A_332 = tpu.vector_load %arg17[%swap3A_330, %swap3A_331] {strides = array<i32>} : memref<128x128xf32, #tpu.memory_space<vmem>>, vector<16xf32>,
      tpu.vector_store %arg17[%swap3A_330, %swap3A_331], %parallel_loop3A_329#0 {strides = array<i32>} : memref<128x128xf32, #tpu.memory_space<vmem>>, vector<16xf32>,
      %swap3A_333 = arith.index_cast %add3A_259 : i32 to index
      %swap3A_334 = arith.constant 16 : index
      %swap3A_335 = tpu.vector_load %arg17[%swap3A_333, %swap3A_334] {strides = array<i32>} : memref<128x128xf32, #tpu.memory_space<vmem>>, vector<16xf32>,
      tpu.vector_store %arg17[%swap3A_333, %swap3A_334], %parallel_loop3A_329#1 {strides = array<i32>} : memref<128x128xf32, #tpu.memory_space<vmem>>, vector<16xf32>,
      %swap3A_336 = arith.index_cast %add3A_259 : i32 to index
      %swap3A_337 = arith.constant 32 : index
      %swap3A_338 = tpu.vector_load %arg17[%swap3A_336, %swap3A_337] {strides = array<i32>} : memref<128x128xf32, #tpu.memory_space<vmem>>, vector<16xf32>,
      tpu.vector_store %arg17[%swap3A_336, %swap3A_337], %parallel_loop3A_329#2 {strides = array<i32>} : memref<128x128xf32, #tpu.memory_space<vmem>>, vector<16xf32>,
      %swap3A_339 = arith.index_cast %add3A_259 : i32 to index
      %swap3A_340 = arith.constant 48 : index
      %swap3A_341 = tpu.vector_load %arg17[%swap3A_339, %swap3A_340] {strides = array<i32>} : memref<128x128xf32, #tpu.memory_space<vmem>>, vector<16xf32>,
      tpu.vector_store %arg17[%swap3A_339, %swap3A_340], %parallel_loop3A_329#3 {strides = array<i32>} : memref<128x128xf32, #tpu.memory_space<vmem>>, vector<16xf32>,
      %swap3A_342 = arith.index_cast %add3A_259 : i32 to index
      %swap3A_343 = arith.constant 64 : index
      %swap3A_344 = tpu.vector_load %arg17[%swap3A_342, %swap3A_343] {strides = array<i32>} : memref<128x128xf32, #tpu.memory_space<vmem>>, vector<16xf32>,
      tpu.vector_store %arg17[%swap3A_342, %swap3A_343], %parallel_loop3A_329#4 {strides = array<i32>} : memref<128x128xf32, #tpu.memory_space<vmem>>, vector<16xf32>,
      %swap3A_345 = arith.index_cast %add3A_259 : i32 to index
      %swap3A_346 = arith.constant 80 : index
      %swap3A_347 = tpu.vector_load %arg17[%swap3A_345, %swap3A_346] {strides = array<i32>} : memref<128x128xf32, #tpu.memory_space<vmem>>, vector<16xf32>,
      tpu.vector_store %arg17[%swap3A_345, %swap3A_346], %parallel_loop3A_329#5 {strides = array<i32>} : memref<128x128xf32, #tpu.memory_space<vmem>>, vector<16xf32>,
      %swap3A_348 = arith.index_cast %add3A_259 : i32 to index
      %swap3A_349 = arith.constant 96 : index
      %swap3A_350 = tpu.vector_load %arg17[%swap3A_348, %swap3A_349] {strides = array<i32>} : memref<128x128xf32, #tpu.memory_space<vmem>>, vector<16xf32>,
      tpu.vector_store %arg17[%swap3A_348, %swap3A_349], %parallel_loop3A_329#6 {strides = array<i32>} : memref<128x128xf32, #tpu.memory_space<vmem>>, vector<16xf32>,
      %swap3A_351 = arith.index_cast %add3A_259 : i32 to index
      %swap3A_352 = arith.constant 112 : index
      %swap3A_353 = tpu.vector_load %arg17[%swap3A_351, %swap3A_352] {strides = array<i32>} : memref<128x128xf32, #tpu.memory_space<vmem>>, vector<16xf32>,
      tpu.vector_store %arg17[%swap3A_351, %swap3A_352], %parallel_loop3A_329#7 {strides = array<i32>} : memref<128x128xf32, #tpu.memory_space<vmem>>, vector<16xf32>,
      %add3A_354 = arith.constant 4 : i32
      %add3A_355 = arith.addi %add3A_229, %add3A_354 : i32
      %lt3A_356 = arith.constant 128 : i32
      %lt3A_357 = arith.cmpi slt, %add3A_355, %lt3A_356 : i32
      %convert_element_type3A_358 = arith.extui %lt3A_357 : i1 to i32
      %cond3A_359 = arith.constant 0 : i32
      %cond3A_360 = arith.cmpi ne, %convert_element_type3A_358, %cond3A_359 : i32
      scf.if %cond3A_360 {
        %mul3A_631 = arith.constant 1 : i32
        %mul3A_632 = arith.muli %add3A_355, %mul3A_631 : i32
        %mul3A_633 = arith.constant 32 : i32
        %mul3A_634 = arith.muli %mul3A_632, %mul3A_633 : i32
        %mul3A_635 = arith.constant 1 : i32
        %mul3A_636 = arith.muli %add3A_355, %mul3A_635 : i32
        %mul3A_637 = arith.constant 64 : i32
        %mul3A_638 = arith.muli %mul3A_636, %mul3A_637 : i32
        %dma_start3A_639 = arith.constant 1 : i32
        %dma_start3A_640 = arith.constant 0 : i32
        %dma_start3A_641 = arith.constant 0 : i32
        %dma_start3A_642 = tpu.memref_slice %arg14[%dma_start3A_639, %dma_start3A_640, %dma_start3A_641] : memref<4x32x128xf32, #tpu.memory_space<vmem>> -> memref<1x32x128xf32, #tpu.memory_space<vmem>>
        %dma_start3A_643 = tpu.memref_squeeze %dma_start3A_642 : memref<1x32x128xf32, #tpu.memory_space<vmem>> -> memref<32x128xf32, #tpu.memory_space<vmem>>
        %dma_start3A_644 = tpu.memref_slice %arg11[%mul3A_634] : memref<4096xi32, #tpu.memory_space<vmem>> -> memref<32xi32, #tpu.memory_space<vmem>>
        %dma_start3A_645 = arith.constant 0 : i32
        %dma_start3A_646 = arith.constant 0 : i32
        %dma_start3A_647 = tpu.memref_slice %arg6[%dma_start3A_645, %dma_start3A_646] : memref<100000x128xf32, #tpu.memory_space<hbm>> -> memref<100000x128xf32, #tpu.memory_space<hbm>>
        tpu.enqueue_indirect_dma source(%dma_start3A_647 : memref<100000x128xf32, #tpu.memory_space<hbm>>) target(%dma_start3A_643 : memref<32x128xf32, #tpu.memory_space<vmem>>) offsets(%dma_start3A_644 : memref<32xi32, #tpu.memory_space<vmem>>) semaphore(%arg20 : memref<!tpu.dma_semaphore, #tpu.memory_space<semaphore_mem>>)
        %dma_start3A_648 = arith.constant 1 : i32
        %dma_start3A_649 = arith.constant 0 : i32
        %dma_start3A_650 = arith.constant 0 : i32
        %dma_start3A_651 = tpu.memref_slice %arg15[%dma_start3A_648, %dma_start3A_649, %dma_start3A_650] : memref<4x64x128xf32, #tpu.memory_space<vmem>> -> memref<1x64x128xf32, #tpu.memory_space<vmem>>
        %dma_start3A_652 = tpu.memref_squeeze %dma_start3A_651 : memref<1x64x128xf32, #tpu.memory_space<vmem>> -> memref<64x128xf32, #tpu.memory_space<vmem>>
        %dma_start3A_653 = tpu.memref_slice %arg12[%mul3A_638] : memref<8192xi32, #tpu.memory_space<vmem>> -> memref<64xi32, #tpu.memory_space<vmem>>
        %dma_start3A_654 = arith.constant 0 : i32
        %dma_start3A_655 = arith.constant 0 : i32
        %dma_start3A_656 = tpu.memref_slice %arg5[%dma_start3A_654, %dma_start3A_655] : memref<100000x128xf32, #tpu.memory_space<hbm>> -> memref<100000x128xf32, #tpu.memory_space<hbm>>
        tpu.enqueue_indirect_dma source(%dma_start3A_656 : memref<100000x128xf32, #tpu.memory_space<hbm>>) target(%dma_start3A_652 : memref<64x128xf32, #tpu.memory_space<vmem>>) offsets(%dma_start3A_653 : memref<64xi32, #tpu.memory_space<vmem>>) semaphore(%arg24 : memref<!tpu.dma_semaphore, #tpu.memory_space<semaphore_mem>>)
      } else {
      }
      %mul3A_361 = arith.constant 4 : i32
      %mul3A_362 = arith.muli %mul3A_361, %scan3A_96 : i32
      %add3A_363 = arith.constant 2 : i32
      %add3A_364 = arith.addi %mul3A_362, %add3A_363 : i32
      %mul3A_365 = arith.constant 1 : i32
      %mul3A_366 = arith.muli %add3A_364, %mul3A_365 : i32
      %mul3A_367 = arith.constant 32 : i32
      %mul3A_368 = arith.muli %mul3A_366, %mul3A_367 : i32
      %mul3A_369 = arith.constant 1 : i32
      %mul3A_370 = arith.muli %add3A_364, %mul3A_369 : i32
      %mul3A_371 = arith.constant 64 : i32
      %mul3A_372 = arith.muli %mul3A_370, %mul3A_371 : i32
      %dma_wait3A_373 = arith.constant 2 : i32
      %dma_wait3A_374 = arith.constant 0 : i32
      %dma_wait3A_375 = arith.constant 0 : i32
      %dma_wait3A_376 = tpu.memref_slice %arg14[%dma_wait3A_373, %dma_wait3A_374, %dma_wait3A_375] : memref<4x32x128xf32, #tpu.memory_space<vmem>> -> memref<1x32x128xf32, #tpu.memory_space<vmem>>
      %dma_wait3A_377 = tpu.memref_squeeze %dma_wait3A_376 : memref<1x32x128xf32, #tpu.memory_space<vmem>> -> memref<32x128xf32, #tpu.memory_space<vmem>>
      %dma_wait3A_378 = tpu.memref_slice %arg11[%mul3A_368] : memref<4096xi32, #tpu.memory_space<vmem>> -> memref<32xi32, #tpu.memory_space<vmem>>
      %dma_wait3A_379 = arith.constant 0 : i32
      %dma_wait3A_380 = arith.constant 0 : i32
      %dma_wait3A_381 = tpu.memref_slice %arg6[%dma_wait3A_379, %dma_wait3A_380] : memref<100000x128xf32, #tpu.memory_space<hbm>> -> memref<100000x128xf32, #tpu.memory_space<hbm>>
      tpu.wait_indirect_dma semaphore(%arg21 : memref<!tpu.dma_semaphore, #tpu.memory_space<semaphore_mem>>) src(%dma_wait3A_381 : memref<100000x128xf32, #tpu.memory_space<hbm>>) dst(%dma_wait3A_377 : memref<32x128xf32, #tpu.memory_space<vmem>>)
      %dma_wait3A_382 = arith.constant 2 : i32
      %dma_wait3A_383 = arith.constant 0 : i32
      %dma_wait3A_384 = arith.constant 0 : i32
      %dma_wait3A_385 = tpu.memref_slice %arg15[%dma_wait3A_382, %dma_wait3A_383, %dma_wait3A_384] : memref<4x64x128xf32, #tpu.memory_space<vmem>> -> memref<1x64x128xf32, #tpu.memory_space<vmem>>
      %dma_wait3A_386 = tpu.memref_squeeze %dma_wait3A_385 : memref<1x64x128xf32, #tpu.memory_space<vmem>> -> memref<64x128xf32, #tpu.memory_space<vmem>>
      %dma_wait3A_387 = tpu.memref_slice %arg12[%mul3A_372] : memref<8192xi32, #tpu.memory_space<vmem>> -> memref<64xi32, #tpu.memory_space<vmem>>
      %dma_wait3A_388 = arith.constant 0 : i32
      %dma_wait3A_389 = arith.constant 0 : i32
      %dma_wait3A_390 = tpu.memref_slice %arg5[%dma_wait3A_388, %dma_wait3A_389] : memref<100000x128xf32, #tpu.memory_space<hbm>> -> memref<100000x128xf32, #tpu.memory_space<hbm>>
      tpu.wait_indirect_dma semaphore(%arg25 : memref<!tpu.dma_semaphore, #tpu.memory_space<semaphore_mem>>) src(%dma_wait3A_390 : memref<100000x128xf32, #tpu.memory_space<hbm>>) dst(%dma_wait3A_386 : memref<64x128xf32, #tpu.memory_space<vmem>>)
      %mul3A_391 = arith.constant 1 : i32
      %mul3A_392 = arith.muli %add3A_364, %mul3A_391 : i32
      %add3A_393 = arith.constant 0 : i32
      %add3A_394 = arith.addi %mul3A_392, %add3A_393 : i32
      %broadcast_in_dim3A_395 = arith.constant 3.125000e-02 : f32
      %broadcast_in_dim3A_396 = vector.broadcast %broadcast_in_dim3A_395 : f32 to vector<16xf32>
      %broadcast_in_dim3A_397 = arith.constant 0.000000e+00 : f32
      %broadcast_in_dim3A_398 = vector.broadcast %broadcast_in_dim3A_397 : f32 to vector<16xf32>
      %broadcast_in_dim3A_399 = arith.constant 0.000000e+00 : f32
      %broadcast_in_dim3A_400 = vector.broadcast %broadcast_in_dim3A_399 : f32 to vector<16xf32>
      %broadcast_in_dim3A_401 = arith.constant 0.000000e+00 : f32
      %broadcast_in_dim3A_402 = vector.broadcast %broadcast_in_dim3A_401 : f32 to vector<16xf32>
      %broadcast_in_dim3A_403 = arith.constant 0.000000e+00 : f32
      %broadcast_in_dim3A_404 = vector.broadcast %broadcast_in_dim3A_403 : f32 to vector<16xf32>
      %broadcast_in_dim3A_405 = arith.constant 0.000000e+00 : f32
      %broadcast_in_dim3A_406 = vector.broadcast %broadcast_in_dim3A_405 : f32 to vector<16xf32>
      %broadcast_in_dim3A_407 = arith.constant 0.000000e+00 : f32
      %broadcast_in_dim3A_408 = vector.broadcast %broadcast_in_dim3A_407 : f32 to vector<16xf32>
      %broadcast_in_dim3A_409 = arith.constant 0.000000e+00 : f32
      %broadcast_in_dim3A_410 = vector.broadcast %broadcast_in_dim3A_409 : f32 to vector<16xf32>
      %broadcast_in_dim3A_411 = arith.constant 0.000000e+00 : f32
      %broadcast_in_dim3A_412 = vector.broadcast %broadcast_in_dim3A_411 : f32 to vector<16xf32>
      %parallel_loop3A_413 = arith.constant 0 : i32
      %parallel_loop3A_414 = arith.constant 32 : i32
      %parallel_loop3A_415 = arith.constant 1 : i32
      %parallel_loop3A_416 = arith.constant 2 : i32
      %parallel_loop3A_417:8 = scf.for %parallel_loop3A_631 = %parallel_loop3A_413 to %parallel_loop3A_414 step %parallel_loop3A_415 iter_args(%parallel_loop3A_632 = %broadcast_in_dim3A_398, %parallel_loop3A_633 = %broadcast_in_dim3A_400, %parallel_loop3A_634 = %broadcast_in_dim3A_402, %parallel_loop3A_635 = %broadcast_in_dim3A_404, %parallel_loop3A_636 = %broadcast_in_dim3A_406, %parallel_loop3A_637 = %broadcast_in_dim3A_408, %parallel_loop3A_638 = %broadcast_in_dim3A_410, %parallel_loop3A_639 = %broadcast_in_dim3A_412) -> (vector<16xf32>, vector<16xf32>, vector<16xf32>, vector<16xf32>, vector<16xf32>, vector<16xf32>, vector<16xf32>, vector<16xf32>)  : i32 {
        %parallel_loop3A_640 = arith.constant 0 : i32
        %parallel_loop3A_641 = arith.addi %parallel_loop3A_640, %parallel_loop3A_631 : i32
        %parallel_loop3A_642 = arith.constant 0 : i32
        %parallel_loop3A_643 = arith.constant 0 : i32
        %parallel_loop3A_644 = tpu.memref_slice %arg14[%parallel_loop3A_416, %parallel_loop3A_642, %parallel_loop3A_643] : memref<4x32x128xf32, #tpu.memory_space<vmem>> -> memref<1x32x128xf32, #tpu.memory_space<vmem>>
        %parallel_loop3A_645 = tpu.memref_squeeze %parallel_loop3A_644 : memref<1x32x128xf32, #tpu.memory_space<vmem>> -> memref<32x128xf32, #tpu.memory_space<vmem>>
        %parallel_loop3A_646 = arith.index_cast %parallel_loop3A_641 : i32 to index
        %parallel_loop3A_647 = arith.constant 0 : index
        %parallel_loop3A_648 = tpu.vector_load %parallel_loop3A_645[%parallel_loop3A_646, %parallel_loop3A_647] {strides = array<i32>} : memref<32x128xf32, #tpu.memory_space<vmem>>, vector<16xf32>,
        %parallel_loop3A_649 = math.exp %parallel_loop3A_648 : vector<16xf32>
        %parallel_loop3A_650 = arith.constant 0 : i32
        %parallel_loop3A_651 = arith.addi %parallel_loop3A_650, %parallel_loop3A_631 : i32
        %parallel_loop3A_652 = arith.constant 0 : i32
        %parallel_loop3A_653 = arith.constant 0 : i32
        %parallel_loop3A_654 = tpu.memref_slice %arg14[%parallel_loop3A_416, %parallel_loop3A_652, %parallel_loop3A_653] : memref<4x32x128xf32, #tpu.memory_space<vmem>> -> memref<1x32x128xf32, #tpu.memory_space<vmem>>
        %parallel_loop3A_655 = tpu.memref_squeeze %parallel_loop3A_654 : memref<1x32x128xf32, #tpu.memory_space<vmem>> -> memref<32x128xf32, #tpu.memory_space<vmem>>
        %parallel_loop3A_656 = arith.index_cast %parallel_loop3A_651 : i32 to index
        %parallel_loop3A_657 = arith.constant 16 : index
        %parallel_loop3A_658 = tpu.vector_load %parallel_loop3A_655[%parallel_loop3A_656, %parallel_loop3A_657] {strides = array<i32>} : memref<32x128xf32, #tpu.memory_space<vmem>>, vector<16xf32>,
        %parallel_loop3A_659 = math.exp %parallel_loop3A_658 : vector<16xf32>
        %parallel_loop3A_660 = arith.addf %parallel_loop3A_649, %parallel_loop3A_659 : vector<16xf32>
        %parallel_loop3A_661 = arith.constant 0 : i32
        %parallel_loop3A_662 = arith.addi %parallel_loop3A_661, %parallel_loop3A_631 : i32
        %parallel_loop3A_663 = arith.constant 0 : i32
        %parallel_loop3A_664 = arith.constant 0 : i32
        %parallel_loop3A_665 = tpu.memref_slice %arg14[%parallel_loop3A_416, %parallel_loop3A_663, %parallel_loop3A_664] : memref<4x32x128xf32, #tpu.memory_space<vmem>> -> memref<1x32x128xf32, #tpu.memory_space<vmem>>
        %parallel_loop3A_666 = tpu.memref_squeeze %parallel_loop3A_665 : memref<1x32x128xf32, #tpu.memory_space<vmem>> -> memref<32x128xf32, #tpu.memory_space<vmem>>
        %parallel_loop3A_667 = arith.index_cast %parallel_loop3A_662 : i32 to index
        %parallel_loop3A_668 = arith.constant 32 : index
        %parallel_loop3A_669 = tpu.vector_load %parallel_loop3A_666[%parallel_loop3A_667, %parallel_loop3A_668] {strides = array<i32>} : memref<32x128xf32, #tpu.memory_space<vmem>>, vector<16xf32>,
        %parallel_loop3A_670 = math.exp %parallel_loop3A_669 : vector<16xf32>
        %parallel_loop3A_671 = arith.addf %parallel_loop3A_660, %parallel_loop3A_670 : vector<16xf32>
        %parallel_loop3A_672 = arith.constant 0 : i32
        %parallel_loop3A_673 = arith.addi %parallel_loop3A_672, %parallel_loop3A_631 : i32
        %parallel_loop3A_674 = arith.constant 0 : i32
        %parallel_loop3A_675 = arith.constant 0 : i32
        %parallel_loop3A_676 = tpu.memref_slice %arg14[%parallel_loop3A_416, %parallel_loop3A_674, %parallel_loop3A_675] : memref<4x32x128xf32, #tpu.memory_space<vmem>> -> memref<1x32x128xf32, #tpu.memory_space<vmem>>
        %parallel_loop3A_677 = tpu.memref_squeeze %parallel_loop3A_676 : memref<1x32x128xf32, #tpu.memory_space<vmem>> -> memref<32x128xf32, #tpu.memory_space<vmem>>
        %parallel_loop3A_678 = arith.index_cast %parallel_loop3A_673 : i32 to index
        %parallel_loop3A_679 = arith.constant 48 : index
        %parallel_loop3A_680 = tpu.vector_load %parallel_loop3A_677[%parallel_loop3A_678, %parallel_loop3A_679] {strides = array<i32>} : memref<32x128xf32, #tpu.memory_space<vmem>>, vector<16xf32>,
        %parallel_loop3A_681 = math.exp %parallel_loop3A_680 : vector<16xf32>
        %parallel_loop3A_682 = arith.addf %parallel_loop3A_671, %parallel_loop3A_681 : vector<16xf32>
        %parallel_loop3A_683 = arith.constant 0 : i32
        %parallel_loop3A_684 = arith.addi %parallel_loop3A_683, %parallel_loop3A_631 : i32
        %parallel_loop3A_685 = arith.constant 0 : i32
        %parallel_loop3A_686 = arith.constant 0 : i32
        %parallel_loop3A_687 = tpu.memref_slice %arg14[%parallel_loop3A_416, %parallel_loop3A_685, %parallel_loop3A_686] : memref<4x32x128xf32, #tpu.memory_space<vmem>> -> memref<1x32x128xf32, #tpu.memory_space<vmem>>
        %parallel_loop3A_688 = tpu.memref_squeeze %parallel_loop3A_687 : memref<1x32x128xf32, #tpu.memory_space<vmem>> -> memref<32x128xf32, #tpu.memory_space<vmem>>
        %parallel_loop3A_689 = arith.index_cast %parallel_loop3A_684 : i32 to index
        %parallel_loop3A_690 = arith.constant 64 : index
        %parallel_loop3A_691 = tpu.vector_load %parallel_loop3A_688[%parallel_loop3A_689, %parallel_loop3A_690] {strides = array<i32>} : memref<32x128xf32, #tpu.memory_space<vmem>>, vector<16xf32>,
        %parallel_loop3A_692 = math.exp %parallel_loop3A_691 : vector<16xf32>
        %parallel_loop3A_693 = arith.addf %parallel_loop3A_682, %parallel_loop3A_692 : vector<16xf32>
        %parallel_loop3A_694 = arith.constant 0 : i32
        %parallel_loop3A_695 = arith.addi %parallel_loop3A_694, %parallel_loop3A_631 : i32
        %parallel_loop3A_696 = arith.constant 0 : i32
        %parallel_loop3A_697 = arith.constant 0 : i32
        %parallel_loop3A_698 = tpu.memref_slice %arg14[%parallel_loop3A_416, %parallel_loop3A_696, %parallel_loop3A_697] : memref<4x32x128xf32, #tpu.memory_space<vmem>> -> memref<1x32x128xf32, #tpu.memory_space<vmem>>
        %parallel_loop3A_699 = tpu.memref_squeeze %parallel_loop3A_698 : memref<1x32x128xf32, #tpu.memory_space<vmem>> -> memref<32x128xf32, #tpu.memory_space<vmem>>
        %parallel_loop3A_700 = arith.index_cast %parallel_loop3A_695 : i32 to index
        %parallel_loop3A_701 = arith.constant 80 : index
        %parallel_loop3A_702 = tpu.vector_load %parallel_loop3A_699[%parallel_loop3A_700, %parallel_loop3A_701] {strides = array<i32>} : memref<32x128xf32, #tpu.memory_space<vmem>>, vector<16xf32>,
        %parallel_loop3A_703 = math.exp %parallel_loop3A_702 : vector<16xf32>
        %parallel_loop3A_704 = arith.addf %parallel_loop3A_693, %parallel_loop3A_703 : vector<16xf32>
        %parallel_loop3A_705 = arith.constant 0 : i32
        %parallel_loop3A_706 = arith.addi %parallel_loop3A_705, %parallel_loop3A_631 : i32
        %parallel_loop3A_707 = arith.constant 0 : i32
        %parallel_loop3A_708 = arith.constant 0 : i32
        %parallel_loop3A_709 = tpu.memref_slice %arg14[%parallel_loop3A_416, %parallel_loop3A_707, %parallel_loop3A_708] : memref<4x32x128xf32, #tpu.memory_space<vmem>> -> memref<1x32x128xf32, #tpu.memory_space<vmem>>
        %parallel_loop3A_710 = tpu.memref_squeeze %parallel_loop3A_709 : memref<1x32x128xf32, #tpu.memory_space<vmem>> -> memref<32x128xf32, #tpu.memory_space<vmem>>
        %parallel_loop3A_711 = arith.index_cast %parallel_loop3A_706 : i32 to index
        %parallel_loop3A_712 = arith.constant 96 : index
        %parallel_loop3A_713 = tpu.vector_load %parallel_loop3A_710[%parallel_loop3A_711, %parallel_loop3A_712] {strides = array<i32>} : memref<32x128xf32, #tpu.memory_space<vmem>>, vector<16xf32>,
        %parallel_loop3A_714 = math.exp %parallel_loop3A_713 : vector<16xf32>
        %parallel_loop3A_715 = arith.addf %parallel_loop3A_704, %parallel_loop3A_714 : vector<16xf32>
        %parallel_loop3A_716 = arith.constant 0 : i32
        %parallel_loop3A_717 = arith.addi %parallel_loop3A_716, %parallel_loop3A_631 : i32
        %parallel_loop3A_718 = arith.constant 0 : i32
        %parallel_loop3A_719 = arith.constant 0 : i32
        %parallel_loop3A_720 = tpu.memref_slice %arg14[%parallel_loop3A_416, %parallel_loop3A_718, %parallel_loop3A_719] : memref<4x32x128xf32, #tpu.memory_space<vmem>> -> memref<1x32x128xf32, #tpu.memory_space<vmem>>
        %parallel_loop3A_721 = tpu.memref_squeeze %parallel_loop3A_720 : memref<1x32x128xf32, #tpu.memory_space<vmem>> -> memref<32x128xf32, #tpu.memory_space<vmem>>
        %parallel_loop3A_722 = arith.index_cast %parallel_loop3A_717 : i32 to index
        %parallel_loop3A_723 = arith.constant 112 : index
        %parallel_loop3A_724 = tpu.vector_load %parallel_loop3A_721[%parallel_loop3A_722, %parallel_loop3A_723] {strides = array<i32>} : memref<32x128xf32, #tpu.memory_space<vmem>>, vector<16xf32>,
        %parallel_loop3A_725 = math.exp %parallel_loop3A_724 : vector<16xf32>
        %parallel_loop3A_726 = arith.addf %parallel_loop3A_715, %parallel_loop3A_725 : vector<16xf32>
        %parallel_loop3A_727 = arith.constant true
        %parallel_loop3A_728 = vector.broadcast %parallel_loop3A_727 : i1 to vector<16xi1>
        %parallel_loop3A_729 = tpu.scan <sum>, %parallel_loop3A_726 masked %parallel_loop3A_728 : vector<16xf32>, vector<16xi1> -> vector<16xf32>
        %parallel_loop3A_730 = vector.extract %parallel_loop3A_729[15] : f32 from vector<16xf32>
        %parallel_loop3A_731 = vector.broadcast %parallel_loop3A_730 : f32 to vector<16xf32>
        %parallel_loop3A_732 = arith.divf %broadcast_in_dim3A_396, %parallel_loop3A_731 : vector<16xf32>
        %parallel_loop3A_733 = arith.mulf %parallel_loop3A_649, %parallel_loop3A_732 : vector<16xf32>
        %parallel_loop3A_734 = arith.addf %parallel_loop3A_632, %parallel_loop3A_733 : vector<16xf32>
        %parallel_loop3A_735 = arith.mulf %parallel_loop3A_659, %parallel_loop3A_732 : vector<16xf32>
        %parallel_loop3A_736 = arith.addf %parallel_loop3A_633, %parallel_loop3A_735 : vector<16xf32>
        %parallel_loop3A_737 = arith.mulf %parallel_loop3A_670, %parallel_loop3A_732 : vector<16xf32>
        %parallel_loop3A_738 = arith.addf %parallel_loop3A_634, %parallel_loop3A_737 : vector<16xf32>
        %parallel_loop3A_739 = arith.mulf %parallel_loop3A_681, %parallel_loop3A_732 : vector<16xf32>
        %parallel_loop3A_740 = arith.addf %parallel_loop3A_635, %parallel_loop3A_739 : vector<16xf32>
        %parallel_loop3A_741 = arith.mulf %parallel_loop3A_692, %parallel_loop3A_732 : vector<16xf32>
        %parallel_loop3A_742 = arith.addf %parallel_loop3A_636, %parallel_loop3A_741 : vector<16xf32>
        %parallel_loop3A_743 = arith.mulf %parallel_loop3A_703, %parallel_loop3A_732 : vector<16xf32>
        %parallel_loop3A_744 = arith.addf %parallel_loop3A_637, %parallel_loop3A_743 : vector<16xf32>
        %parallel_loop3A_745 = arith.mulf %parallel_loop3A_714, %parallel_loop3A_732 : vector<16xf32>
        %parallel_loop3A_746 = arith.addf %parallel_loop3A_638, %parallel_loop3A_745 : vector<16xf32>
        %parallel_loop3A_747 = arith.mulf %parallel_loop3A_725, %parallel_loop3A_732 : vector<16xf32>
        %parallel_loop3A_748 = arith.addf %parallel_loop3A_639, %parallel_loop3A_747 : vector<16xf32>
        scf.yield %parallel_loop3A_734, %parallel_loop3A_736, %parallel_loop3A_738, %parallel_loop3A_740, %parallel_loop3A_742, %parallel_loop3A_744, %parallel_loop3A_746, %parallel_loop3A_748 : vector<16xf32>, vector<16xf32>, vector<16xf32>, vector<16xf32>, vector<16xf32>, vector<16xf32>, vector<16xf32>, vector<16xf32>
      } {sc.loop_unroll_factor = 1 : i64, sc.parallel_access}
      %swap3A_418 = arith.index_cast %add3A_394 : i32 to index
      %swap3A_419 = arith.constant 0 : index
      %swap3A_420 = tpu.vector_load %arg16[%swap3A_418, %swap3A_419] {strides = array<i32>} : memref<128x128xf32, #tpu.memory_space<vmem>>, vector<16xf32>,
      tpu.vector_store %arg16[%swap3A_418, %swap3A_419], %parallel_loop3A_417#0 {strides = array<i32>} : memref<128x128xf32, #tpu.memory_space<vmem>>, vector<16xf32>,
      %swap3A_421 = arith.index_cast %add3A_394 : i32 to index
      %swap3A_422 = arith.constant 16 : index
      %swap3A_423 = tpu.vector_load %arg16[%swap3A_421, %swap3A_422] {strides = array<i32>} : memref<128x128xf32, #tpu.memory_space<vmem>>, vector<16xf32>,
      tpu.vector_store %arg16[%swap3A_421, %swap3A_422], %parallel_loop3A_417#1 {strides = array<i32>} : memref<128x128xf32, #tpu.memory_space<vmem>>, vector<16xf32>,
      %swap3A_424 = arith.index_cast %add3A_394 : i32 to index
      %swap3A_425 = arith.constant 32 : index
      %swap3A_426 = tpu.vector_load %arg16[%swap3A_424, %swap3A_425] {strides = array<i32>} : memref<128x128xf32, #tpu.memory_space<vmem>>, vector<16xf32>,
      tpu.vector_store %arg16[%swap3A_424, %swap3A_425], %parallel_loop3A_417#2 {strides = array<i32>} : memref<128x128xf32, #tpu.memory_space<vmem>>, vector<16xf32>,
      %swap3A_427 = arith.index_cast %add3A_394 : i32 to index
      %swap3A_428 = arith.constant 48 : index
      %swap3A_429 = tpu.vector_load %arg16[%swap3A_427, %swap3A_428] {strides = array<i32>} : memref<128x128xf32, #tpu.memory_space<vmem>>, vector<16xf32>,
      tpu.vector_store %arg16[%swap3A_427, %swap3A_428], %parallel_loop3A_417#3 {strides = array<i32>} : memref<128x128xf32, #tpu.memory_space<vmem>>, vector<16xf32>,
      %swap3A_430 = arith.index_cast %add3A_394 : i32 to index
      %swap3A_431 = arith.constant 64 : index
      %swap3A_432 = tpu.vector_load %arg16[%swap3A_430, %swap3A_431] {strides = array<i32>} : memref<128x128xf32, #tpu.memory_space<vmem>>, vector<16xf32>,
      tpu.vector_store %arg16[%swap3A_430, %swap3A_431], %parallel_loop3A_417#4 {strides = array<i32>} : memref<128x128xf32, #tpu.memory_space<vmem>>, vector<16xf32>,
      %swap3A_433 = arith.index_cast %add3A_394 : i32 to index
      %swap3A_434 = arith.constant 80 : index
      %swap3A_435 = tpu.vector_load %arg16[%swap3A_433, %swap3A_434] {strides = array<i32>} : memref<128x128xf32, #tpu.memory_space<vmem>>, vector<16xf32>,
      tpu.vector_store %arg16[%swap3A_433, %swap3A_434], %parallel_loop3A_417#5 {strides = array<i32>} : memref<128x128xf32, #tpu.memory_space<vmem>>, vector<16xf32>,
      %swap3A_436 = arith.index_cast %add3A_394 : i32 to index
      %swap3A_437 = arith.constant 96 : index
      %swap3A_438 = tpu.vector_load %arg16[%swap3A_436, %swap3A_437] {strides = array<i32>} : memref<128x128xf32, #tpu.memory_space<vmem>>, vector<16xf32>,
      tpu.vector_store %arg16[%swap3A_436, %swap3A_437], %parallel_loop3A_417#6 {strides = array<i32>} : memref<128x128xf32, #tpu.memory_space<vmem>>, vector<16xf32>,
      %swap3A_439 = arith.index_cast %add3A_394 : i32 to index
      %swap3A_440 = arith.constant 112 : index
      %swap3A_441 = tpu.vector_load %arg16[%swap3A_439, %swap3A_440] {strides = array<i32>} : memref<128x128xf32, #tpu.memory_space<vmem>>, vector<16xf32>,
      tpu.vector_store %arg16[%swap3A_439, %swap3A_440], %parallel_loop3A_417#7 {strides = array<i32>} : memref<128x128xf32, #tpu.memory_space<vmem>>, vector<16xf32>,
      %broadcast_in_dim3A_442 = arith.constant 1.562500e-02 : f32
      %broadcast_in_dim3A_443 = vector.broadcast %broadcast_in_dim3A_442 : f32 to vector<16xf32>
      %broadcast_in_dim3A_444 = arith.constant 0.000000e+00 : f32
      %broadcast_in_dim3A_445 = vector.broadcast %broadcast_in_dim3A_444 : f32 to vector<16xf32>
      %broadcast_in_dim3A_446 = arith.constant 0.000000e+00 : f32
      %broadcast_in_dim3A_447 = vector.broadcast %broadcast_in_dim3A_446 : f32 to vector<16xf32>
      %broadcast_in_dim3A_448 = arith.constant 0.000000e+00 : f32
      %broadcast_in_dim3A_449 = vector.broadcast %broadcast_in_dim3A_448 : f32 to vector<16xf32>
      %broadcast_in_dim3A_450 = arith.constant 0.000000e+00 : f32
      %broadcast_in_dim3A_451 = vector.broadcast %broadcast_in_dim3A_450 : f32 to vector<16xf32>
      %broadcast_in_dim3A_452 = arith.constant 0.000000e+00 : f32
      %broadcast_in_dim3A_453 = vector.broadcast %broadcast_in_dim3A_452 : f32 to vector<16xf32>
      %broadcast_in_dim3A_454 = arith.constant 0.000000e+00 : f32
      %broadcast_in_dim3A_455 = vector.broadcast %broadcast_in_dim3A_454 : f32 to vector<16xf32>
      %broadcast_in_dim3A_456 = arith.constant 0.000000e+00 : f32
      %broadcast_in_dim3A_457 = vector.broadcast %broadcast_in_dim3A_456 : f32 to vector<16xf32>
      %broadcast_in_dim3A_458 = arith.constant 0.000000e+00 : f32
      %broadcast_in_dim3A_459 = vector.broadcast %broadcast_in_dim3A_458 : f32 to vector<16xf32>
      %parallel_loop3A_460 = arith.constant 0 : i32
      %parallel_loop3A_461 = arith.constant 64 : i32
      %parallel_loop3A_462 = arith.constant 1 : i32
      %parallel_loop3A_463 = arith.constant 2 : i32
      %parallel_loop3A_464:8 = scf.for %parallel_loop3A_631 = %parallel_loop3A_460 to %parallel_loop3A_461 step %parallel_loop3A_462 iter_args(%parallel_loop3A_632 = %broadcast_in_dim3A_445, %parallel_loop3A_633 = %broadcast_in_dim3A_447, %parallel_loop3A_634 = %broadcast_in_dim3A_449, %parallel_loop3A_635 = %broadcast_in_dim3A_451, %parallel_loop3A_636 = %broadcast_in_dim3A_453, %parallel_loop3A_637 = %broadcast_in_dim3A_455, %parallel_loop3A_638 = %broadcast_in_dim3A_457, %parallel_loop3A_639 = %broadcast_in_dim3A_459) -> (vector<16xf32>, vector<16xf32>, vector<16xf32>, vector<16xf32>, vector<16xf32>, vector<16xf32>, vector<16xf32>, vector<16xf32>)  : i32 {
        %parallel_loop3A_640 = arith.constant 0 : i32
        %parallel_loop3A_641 = arith.addi %parallel_loop3A_640, %parallel_loop3A_631 : i32
        %parallel_loop3A_642 = arith.constant 0 : i32
        %parallel_loop3A_643 = arith.constant 0 : i32
        %parallel_loop3A_644 = tpu.memref_slice %arg15[%parallel_loop3A_463, %parallel_loop3A_642, %parallel_loop3A_643] : memref<4x64x128xf32, #tpu.memory_space<vmem>> -> memref<1x64x128xf32, #tpu.memory_space<vmem>>
        %parallel_loop3A_645 = tpu.memref_squeeze %parallel_loop3A_644 : memref<1x64x128xf32, #tpu.memory_space<vmem>> -> memref<64x128xf32, #tpu.memory_space<vmem>>
        %parallel_loop3A_646 = arith.index_cast %parallel_loop3A_641 : i32 to index
        %parallel_loop3A_647 = arith.constant 0 : index
        %parallel_loop3A_648 = tpu.vector_load %parallel_loop3A_645[%parallel_loop3A_646, %parallel_loop3A_647] {strides = array<i32>} : memref<64x128xf32, #tpu.memory_space<vmem>>, vector<16xf32>,
        %parallel_loop3A_649 = math.exp %parallel_loop3A_648 : vector<16xf32>
        %parallel_loop3A_650 = arith.constant 0 : i32
        %parallel_loop3A_651 = arith.addi %parallel_loop3A_650, %parallel_loop3A_631 : i32
        %parallel_loop3A_652 = arith.constant 0 : i32
        %parallel_loop3A_653 = arith.constant 0 : i32
        %parallel_loop3A_654 = tpu.memref_slice %arg15[%parallel_loop3A_463, %parallel_loop3A_652, %parallel_loop3A_653] : memref<4x64x128xf32, #tpu.memory_space<vmem>> -> memref<1x64x128xf32, #tpu.memory_space<vmem>>
        %parallel_loop3A_655 = tpu.memref_squeeze %parallel_loop3A_654 : memref<1x64x128xf32, #tpu.memory_space<vmem>> -> memref<64x128xf32, #tpu.memory_space<vmem>>
        %parallel_loop3A_656 = arith.index_cast %parallel_loop3A_651 : i32 to index
        %parallel_loop3A_657 = arith.constant 16 : index
        %parallel_loop3A_658 = tpu.vector_load %parallel_loop3A_655[%parallel_loop3A_656, %parallel_loop3A_657] {strides = array<i32>} : memref<64x128xf32, #tpu.memory_space<vmem>>, vector<16xf32>,
        %parallel_loop3A_659 = math.exp %parallel_loop3A_658 : vector<16xf32>
        %parallel_loop3A_660 = arith.addf %parallel_loop3A_649, %parallel_loop3A_659 : vector<16xf32>
        %parallel_loop3A_661 = arith.constant 0 : i32
        %parallel_loop3A_662 = arith.addi %parallel_loop3A_661, %parallel_loop3A_631 : i32
        %parallel_loop3A_663 = arith.constant 0 : i32
        %parallel_loop3A_664 = arith.constant 0 : i32
        %parallel_loop3A_665 = tpu.memref_slice %arg15[%parallel_loop3A_463, %parallel_loop3A_663, %parallel_loop3A_664] : memref<4x64x128xf32, #tpu.memory_space<vmem>> -> memref<1x64x128xf32, #tpu.memory_space<vmem>>
        %parallel_loop3A_666 = tpu.memref_squeeze %parallel_loop3A_665 : memref<1x64x128xf32, #tpu.memory_space<vmem>> -> memref<64x128xf32, #tpu.memory_space<vmem>>
        %parallel_loop3A_667 = arith.index_cast %parallel_loop3A_662 : i32 to index
        %parallel_loop3A_668 = arith.constant 32 : index
        %parallel_loop3A_669 = tpu.vector_load %parallel_loop3A_666[%parallel_loop3A_667, %parallel_loop3A_668] {strides = array<i32>} : memref<64x128xf32, #tpu.memory_space<vmem>>, vector<16xf32>,
        %parallel_loop3A_670 = math.exp %parallel_loop3A_669 : vector<16xf32>
        %parallel_loop3A_671 = arith.addf %parallel_loop3A_660, %parallel_loop3A_670 : vector<16xf32>
        %parallel_loop3A_672 = arith.constant 0 : i32
        %parallel_loop3A_673 = arith.addi %parallel_loop3A_672, %parallel_loop3A_631 : i32
        %parallel_loop3A_674 = arith.constant 0 : i32
        %parallel_loop3A_675 = arith.constant 0 : i32
        %parallel_loop3A_676 = tpu.memref_slice %arg15[%parallel_loop3A_463, %parallel_loop3A_674, %parallel_loop3A_675] : memref<4x64x128xf32, #tpu.memory_space<vmem>> -> memref<1x64x128xf32, #tpu.memory_space<vmem>>
        %parallel_loop3A_677 = tpu.memref_squeeze %parallel_loop3A_676 : memref<1x64x128xf32, #tpu.memory_space<vmem>> -> memref<64x128xf32, #tpu.memory_space<vmem>>
        %parallel_loop3A_678 = arith.index_cast %parallel_loop3A_673 : i32 to index
        %parallel_loop3A_679 = arith.constant 48 : index
        %parallel_loop3A_680 = tpu.vector_load %parallel_loop3A_677[%parallel_loop3A_678, %parallel_loop3A_679] {strides = array<i32>} : memref<64x128xf32, #tpu.memory_space<vmem>>, vector<16xf32>,
        %parallel_loop3A_681 = math.exp %parallel_loop3A_680 : vector<16xf32>
        %parallel_loop3A_682 = arith.addf %parallel_loop3A_671, %parallel_loop3A_681 : vector<16xf32>
        %parallel_loop3A_683 = arith.constant 0 : i32
        %parallel_loop3A_684 = arith.addi %parallel_loop3A_683, %parallel_loop3A_631 : i32
        %parallel_loop3A_685 = arith.constant 0 : i32
        %parallel_loop3A_686 = arith.constant 0 : i32
        %parallel_loop3A_687 = tpu.memref_slice %arg15[%parallel_loop3A_463, %parallel_loop3A_685, %parallel_loop3A_686] : memref<4x64x128xf32, #tpu.memory_space<vmem>> -> memref<1x64x128xf32, #tpu.memory_space<vmem>>
        %parallel_loop3A_688 = tpu.memref_squeeze %parallel_loop3A_687 : memref<1x64x128xf32, #tpu.memory_space<vmem>> -> memref<64x128xf32, #tpu.memory_space<vmem>>
        %parallel_loop3A_689 = arith.index_cast %parallel_loop3A_684 : i32 to index
        %parallel_loop3A_690 = arith.constant 64 : index
        %parallel_loop3A_691 = tpu.vector_load %parallel_loop3A_688[%parallel_loop3A_689, %parallel_loop3A_690] {strides = array<i32>} : memref<64x128xf32, #tpu.memory_space<vmem>>, vector<16xf32>,
        %parallel_loop3A_692 = math.exp %parallel_loop3A_691 : vector<16xf32>
        %parallel_loop3A_693 = arith.addf %parallel_loop3A_682, %parallel_loop3A_692 : vector<16xf32>
        %parallel_loop3A_694 = arith.constant 0 : i32
        %parallel_loop3A_695 = arith.addi %parallel_loop3A_694, %parallel_loop3A_631 : i32
        %parallel_loop3A_696 = arith.constant 0 : i32
        %parallel_loop3A_697 = arith.constant 0 : i32
        %parallel_loop3A_698 = tpu.memref_slice %arg15[%parallel_loop3A_463, %parallel_loop3A_696, %parallel_loop3A_697] : memref<4x64x128xf32, #tpu.memory_space<vmem>> -> memref<1x64x128xf32, #tpu.memory_space<vmem>>
        %parallel_loop3A_699 = tpu.memref_squeeze %parallel_loop3A_698 : memref<1x64x128xf32, #tpu.memory_space<vmem>> -> memref<64x128xf32, #tpu.memory_space<vmem>>
        %parallel_loop3A_700 = arith.index_cast %parallel_loop3A_695 : i32 to index
        %parallel_loop3A_701 = arith.constant 80 : index
        %parallel_loop3A_702 = tpu.vector_load %parallel_loop3A_699[%parallel_loop3A_700, %parallel_loop3A_701] {strides = array<i32>} : memref<64x128xf32, #tpu.memory_space<vmem>>, vector<16xf32>,
        %parallel_loop3A_703 = math.exp %parallel_loop3A_702 : vector<16xf32>
        %parallel_loop3A_704 = arith.addf %parallel_loop3A_693, %parallel_loop3A_703 : vector<16xf32>
        %parallel_loop3A_705 = arith.constant 0 : i32
        %parallel_loop3A_706 = arith.addi %parallel_loop3A_705, %parallel_loop3A_631 : i32
        %parallel_loop3A_707 = arith.constant 0 : i32
        %parallel_loop3A_708 = arith.constant 0 : i32
        %parallel_loop3A_709 = tpu.memref_slice %arg15[%parallel_loop3A_463, %parallel_loop3A_707, %parallel_loop3A_708] : memref<4x64x128xf32, #tpu.memory_space<vmem>> -> memref<1x64x128xf32, #tpu.memory_space<vmem>>
        %parallel_loop3A_710 = tpu.memref_squeeze %parallel_loop3A_709 : memref<1x64x128xf32, #tpu.memory_space<vmem>> -> memref<64x128xf32, #tpu.memory_space<vmem>>
        %parallel_loop3A_711 = arith.index_cast %parallel_loop3A_706 : i32 to index
        %parallel_loop3A_712 = arith.constant 96 : index
        %parallel_loop3A_713 = tpu.vector_load %parallel_loop3A_710[%parallel_loop3A_711, %parallel_loop3A_712] {strides = array<i32>} : memref<64x128xf32, #tpu.memory_space<vmem>>, vector<16xf32>,
        %parallel_loop3A_714 = math.exp %parallel_loop3A_713 : vector<16xf32>
        %parallel_loop3A_715 = arith.addf %parallel_loop3A_704, %parallel_loop3A_714 : vector<16xf32>
        %parallel_loop3A_716 = arith.constant 0 : i32
        %parallel_loop3A_717 = arith.addi %parallel_loop3A_716, %parallel_loop3A_631 : i32
        %parallel_loop3A_718 = arith.constant 0 : i32
        %parallel_loop3A_719 = arith.constant 0 : i32
        %parallel_loop3A_720 = tpu.memref_slice %arg15[%parallel_loop3A_463, %parallel_loop3A_718, %parallel_loop3A_719] : memref<4x64x128xf32, #tpu.memory_space<vmem>> -> memref<1x64x128xf32, #tpu.memory_space<vmem>>
        %parallel_loop3A_721 = tpu.memref_squeeze %parallel_loop3A_720 : memref<1x64x128xf32, #tpu.memory_space<vmem>> -> memref<64x128xf32, #tpu.memory_space<vmem>>
        %parallel_loop3A_722 = arith.index_cast %parallel_loop3A_717 : i32 to index
        %parallel_loop3A_723 = arith.constant 112 : index
        %parallel_loop3A_724 = tpu.vector_load %parallel_loop3A_721[%parallel_loop3A_722, %parallel_loop3A_723] {strides = array<i32>} : memref<64x128xf32, #tpu.memory_space<vmem>>, vector<16xf32>,
        %parallel_loop3A_725 = math.exp %parallel_loop3A_724 : vector<16xf32>
        %parallel_loop3A_726 = arith.addf %parallel_loop3A_715, %parallel_loop3A_725 : vector<16xf32>
        %parallel_loop3A_727 = arith.constant true
        %parallel_loop3A_728 = vector.broadcast %parallel_loop3A_727 : i1 to vector<16xi1>
        %parallel_loop3A_729 = tpu.scan <sum>, %parallel_loop3A_726 masked %parallel_loop3A_728 : vector<16xf32>, vector<16xi1> -> vector<16xf32>
        %parallel_loop3A_730 = vector.extract %parallel_loop3A_729[15] : f32 from vector<16xf32>
        %parallel_loop3A_731 = vector.broadcast %parallel_loop3A_730 : f32 to vector<16xf32>
        %parallel_loop3A_732 = arith.divf %broadcast_in_dim3A_443, %parallel_loop3A_731 : vector<16xf32>
        %parallel_loop3A_733 = arith.mulf %parallel_loop3A_649, %parallel_loop3A_732 : vector<16xf32>
        %parallel_loop3A_734 = arith.addf %parallel_loop3A_632, %parallel_loop3A_733 : vector<16xf32>
        %parallel_loop3A_735 = arith.mulf %parallel_loop3A_659, %parallel_loop3A_732 : vector<16xf32>
        %parallel_loop3A_736 = arith.addf %parallel_loop3A_633, %parallel_loop3A_735 : vector<16xf32>
        %parallel_loop3A_737 = arith.mulf %parallel_loop3A_670, %parallel_loop3A_732 : vector<16xf32>
        %parallel_loop3A_738 = arith.addf %parallel_loop3A_634, %parallel_loop3A_737 : vector<16xf32>
        %parallel_loop3A_739 = arith.mulf %parallel_loop3A_681, %parallel_loop3A_732 : vector<16xf32>
        %parallel_loop3A_740 = arith.addf %parallel_loop3A_635, %parallel_loop3A_739 : vector<16xf32>
        %parallel_loop3A_741 = arith.mulf %parallel_loop3A_692, %parallel_loop3A_732 : vector<16xf32>
        %parallel_loop3A_742 = arith.addf %parallel_loop3A_636, %parallel_loop3A_741 : vector<16xf32>
        %parallel_loop3A_743 = arith.mulf %parallel_loop3A_703, %parallel_loop3A_732 : vector<16xf32>
        %parallel_loop3A_744 = arith.addf %parallel_loop3A_637, %parallel_loop3A_743 : vector<16xf32>
        %parallel_loop3A_745 = arith.mulf %parallel_loop3A_714, %parallel_loop3A_732 : vector<16xf32>
        %parallel_loop3A_746 = arith.addf %parallel_loop3A_638, %parallel_loop3A_745 : vector<16xf32>
        %parallel_loop3A_747 = arith.mulf %parallel_loop3A_725, %parallel_loop3A_732 : vector<16xf32>
        %parallel_loop3A_748 = arith.addf %parallel_loop3A_639, %parallel_loop3A_747 : vector<16xf32>
        scf.yield %parallel_loop3A_734, %parallel_loop3A_736, %parallel_loop3A_738, %parallel_loop3A_740, %parallel_loop3A_742, %parallel_loop3A_744, %parallel_loop3A_746, %parallel_loop3A_748 : vector<16xf32>, vector<16xf32>, vector<16xf32>, vector<16xf32>, vector<16xf32>, vector<16xf32>, vector<16xf32>, vector<16xf32>
      } {sc.loop_unroll_factor = 1 : i64, sc.parallel_access}
      %swap3A_465 = arith.index_cast %add3A_394 : i32 to index
      %swap3A_466 = arith.constant 0 : index
      %swap3A_467 = tpu.vector_load %arg17[%swap3A_465, %swap3A_466] {strides = array<i32>} : memref<128x128xf32, #tpu.memory_space<vmem>>, vector<16xf32>,
      tpu.vector_store %arg17[%swap3A_465, %swap3A_466], %parallel_loop3A_464#0 {strides = array<i32>} : memref<128x128xf32, #tpu.memory_space<vmem>>, vector<16xf32>,
      %swap3A_468 = arith.index_cast %add3A_394 : i32 to index
      %swap3A_469 = arith.constant 16 : index
      %swap3A_470 = tpu.vector_load %arg17[%swap3A_468, %swap3A_469] {strides = array<i32>} : memref<128x128xf32, #tpu.memory_space<vmem>>, vector<16xf32>,
      tpu.vector_store %arg17[%swap3A_468, %swap3A_469], %parallel_loop3A_464#1 {strides = array<i32>} : memref<128x128xf32, #tpu.memory_space<vmem>>, vector<16xf32>,
      %swap3A_471 = arith.index_cast %add3A_394 : i32 to index
      %swap3A_472 = arith.constant 32 : index
      %swap3A_473 = tpu.vector_load %arg17[%swap3A_471, %swap3A_472] {strides = array<i32>} : memref<128x128xf32, #tpu.memory_space<vmem>>, vector<16xf32>,
      tpu.vector_store %arg17[%swap3A_471, %swap3A_472], %parallel_loop3A_464#2 {strides = array<i32>} : memref<128x128xf32, #tpu.memory_space<vmem>>, vector<16xf32>,
      %swap3A_474 = arith.index_cast %add3A_394 : i32 to index
      %swap3A_475 = arith.constant 48 : index
      %swap3A_476 = tpu.vector_load %arg17[%swap3A_474, %swap3A_475] {strides = array<i32>} : memref<128x128xf32, #tpu.memory_space<vmem>>, vector<16xf32>,
      tpu.vector_store %arg17[%swap3A_474, %swap3A_475], %parallel_loop3A_464#3 {strides = array<i32>} : memref<128x128xf32, #tpu.memory_space<vmem>>, vector<16xf32>,
      %swap3A_477 = arith.index_cast %add3A_394 : i32 to index
      %swap3A_478 = arith.constant 64 : index
      %swap3A_479 = tpu.vector_load %arg17[%swap3A_477, %swap3A_478] {strides = array<i32>} : memref<128x128xf32, #tpu.memory_space<vmem>>, vector<16xf32>,
      tpu.vector_store %arg17[%swap3A_477, %swap3A_478], %parallel_loop3A_464#4 {strides = array<i32>} : memref<128x128xf32, #tpu.memory_space<vmem>>, vector<16xf32>,
      %swap3A_480 = arith.index_cast %add3A_394 : i32 to index
      %swap3A_481 = arith.constant 80 : index
      %swap3A_482 = tpu.vector_load %arg17[%swap3A_480, %swap3A_481] {strides = array<i32>} : memref<128x128xf32, #tpu.memory_space<vmem>>, vector<16xf32>,
      tpu.vector_store %arg17[%swap3A_480, %swap3A_481], %parallel_loop3A_464#5 {strides = array<i32>} : memref<128x128xf32, #tpu.memory_space<vmem>>, vector<16xf32>,
      %swap3A_483 = arith.index_cast %add3A_394 : i32 to index
      %swap3A_484 = arith.constant 96 : index
      %swap3A_485 = tpu.vector_load %arg17[%swap3A_483, %swap3A_484] {strides = array<i32>} : memref<128x128xf32, #tpu.memory_space<vmem>>, vector<16xf32>,
      tpu.vector_store %arg17[%swap3A_483, %swap3A_484], %parallel_loop3A_464#6 {strides = array<i32>} : memref<128x128xf32, #tpu.memory_space<vmem>>, vector<16xf32>,
      %swap3A_486 = arith.index_cast %add3A_394 : i32 to index
      %swap3A_487 = arith.constant 112 : index
      %swap3A_488 = tpu.vector_load %arg17[%swap3A_486, %swap3A_487] {strides = array<i32>} : memref<128x128xf32, #tpu.memory_space<vmem>>, vector<16xf32>,
      tpu.vector_store %arg17[%swap3A_486, %swap3A_487], %parallel_loop3A_464#7 {strides = array<i32>} : memref<128x128xf32, #tpu.memory_space<vmem>>, vector<16xf32>,
      %add3A_489 = arith.constant 4 : i32
      %add3A_490 = arith.addi %add3A_364, %add3A_489 : i32
      %lt3A_491 = arith.constant 128 : i32
      %lt3A_492 = arith.cmpi slt, %add3A_490, %lt3A_491 : i32
      %convert_element_type3A_493 = arith.extui %lt3A_492 : i1 to i32
      %cond3A_494 = arith.constant 0 : i32
      %cond3A_495 = arith.cmpi ne, %convert_element_type3A_493, %cond3A_494 : i32
      scf.if %cond3A_495 {
        %mul3A_631 = arith.constant 1 : i32
        %mul3A_632 = arith.muli %add3A_490, %mul3A_631 : i32
        %mul3A_633 = arith.constant 32 : i32
        %mul3A_634 = arith.muli %mul3A_632, %mul3A_633 : i32
        %mul3A_635 = arith.constant 1 : i32
        %mul3A_636 = arith.muli %add3A_490, %mul3A_635 : i32
        %mul3A_637 = arith.constant 64 : i32
        %mul3A_638 = arith.muli %mul3A_636, %mul3A_637 : i32
        %dma_start3A_639 = arith.constant 2 : i32
        %dma_start3A_640 = arith.constant 0 : i32
        %dma_start3A_641 = arith.constant 0 : i32
        %dma_start3A_642 = tpu.memref_slice %arg14[%dma_start3A_639, %dma_start3A_640, %dma_start3A_641] : memref<4x32x128xf32, #tpu.memory_space<vmem>> -> memref<1x32x128xf32, #tpu.memory_space<vmem>>
        %dma_start3A_643 = tpu.memref_squeeze %dma_start3A_642 : memref<1x32x128xf32, #tpu.memory_space<vmem>> -> memref<32x128xf32, #tpu.memory_space<vmem>>
        %dma_start3A_644 = tpu.memref_slice %arg11[%mul3A_634] : memref<4096xi32, #tpu.memory_space<vmem>> -> memref<32xi32, #tpu.memory_space<vmem>>
        %dma_start3A_645 = arith.constant 0 : i32
        %dma_start3A_646 = arith.constant 0 : i32
        %dma_start3A_647 = tpu.memref_slice %arg6[%dma_start3A_645, %dma_start3A_646] : memref<100000x128xf32, #tpu.memory_space<hbm>> -> memref<100000x128xf32, #tpu.memory_space<hbm>>
        tpu.enqueue_indirect_dma source(%dma_start3A_647 : memref<100000x128xf32, #tpu.memory_space<hbm>>) target(%dma_start3A_643 : memref<32x128xf32, #tpu.memory_space<vmem>>) offsets(%dma_start3A_644 : memref<32xi32, #tpu.memory_space<vmem>>) semaphore(%arg21 : memref<!tpu.dma_semaphore, #tpu.memory_space<semaphore_mem>>)
        %dma_start3A_648 = arith.constant 2 : i32
        %dma_start3A_649 = arith.constant 0 : i32
        %dma_start3A_650 = arith.constant 0 : i32
        %dma_start3A_651 = tpu.memref_slice %arg15[%dma_start3A_648, %dma_start3A_649, %dma_start3A_650] : memref<4x64x128xf32, #tpu.memory_space<vmem>> -> memref<1x64x128xf32, #tpu.memory_space<vmem>>
        %dma_start3A_652 = tpu.memref_squeeze %dma_start3A_651 : memref<1x64x128xf32, #tpu.memory_space<vmem>> -> memref<64x128xf32, #tpu.memory_space<vmem>>
        %dma_start3A_653 = tpu.memref_slice %arg12[%mul3A_638] : memref<8192xi32, #tpu.memory_space<vmem>> -> memref<64xi32, #tpu.memory_space<vmem>>
        %dma_start3A_654 = arith.constant 0 : i32
        %dma_start3A_655 = arith.constant 0 : i32
        %dma_start3A_656 = tpu.memref_slice %arg5[%dma_start3A_654, %dma_start3A_655] : memref<100000x128xf32, #tpu.memory_space<hbm>> -> memref<100000x128xf32, #tpu.memory_space<hbm>>
        tpu.enqueue_indirect_dma source(%dma_start3A_656 : memref<100000x128xf32, #tpu.memory_space<hbm>>) target(%dma_start3A_652 : memref<64x128xf32, #tpu.memory_space<vmem>>) offsets(%dma_start3A_653 : memref<64xi32, #tpu.memory_space<vmem>>) semaphore(%arg25 : memref<!tpu.dma_semaphore, #tpu.memory_space<semaphore_mem>>)
      } else {
      }
      %mul3A_496 = arith.constant 4 : i32
      %mul3A_497 = arith.muli %mul3A_496, %scan3A_96 : i32
      %add3A_498 = arith.constant 3 : i32
      %add3A_499 = arith.addi %mul3A_497, %add3A_498 : i32
      %mul3A_500 = arith.constant 1 : i32
      %mul3A_501 = arith.muli %add3A_499, %mul3A_500 : i32
      %mul3A_502 = arith.constant 32 : i32
      %mul3A_503 = arith.muli %mul3A_501, %mul3A_502 : i32
      %mul3A_504 = arith.constant 1 : i32
      %mul3A_505 = arith.muli %add3A_499, %mul3A_504 : i32
      %mul3A_506 = arith.constant 64 : i32
      %mul3A_507 = arith.muli %mul3A_505, %mul3A_506 : i32
      %dma_wait3A_508 = arith.constant 3 : i32
      %dma_wait3A_509 = arith.constant 0 : i32
      %dma_wait3A_510 = arith.constant 0 : i32
      %dma_wait3A_511 = tpu.memref_slice %arg14[%dma_wait3A_508, %dma_wait3A_509, %dma_wait3A_510] : memref<4x32x128xf32, #tpu.memory_space<vmem>> -> memref<1x32x128xf32, #tpu.memory_space<vmem>>
      %dma_wait3A_512 = tpu.memref_squeeze %dma_wait3A_511 : memref<1x32x128xf32, #tpu.memory_space<vmem>> -> memref<32x128xf32, #tpu.memory_space<vmem>>
      %dma_wait3A_513 = tpu.memref_slice %arg11[%mul3A_503] : memref<4096xi32, #tpu.memory_space<vmem>> -> memref<32xi32, #tpu.memory_space<vmem>>
      %dma_wait3A_514 = arith.constant 0 : i32
      %dma_wait3A_515 = arith.constant 0 : i32
      %dma_wait3A_516 = tpu.memref_slice %arg6[%dma_wait3A_514, %dma_wait3A_515] : memref<100000x128xf32, #tpu.memory_space<hbm>> -> memref<100000x128xf32, #tpu.memory_space<hbm>>
      tpu.wait_indirect_dma semaphore(%arg22 : memref<!tpu.dma_semaphore, #tpu.memory_space<semaphore_mem>>) src(%dma_wait3A_516 : memref<100000x128xf32, #tpu.memory_space<hbm>>) dst(%dma_wait3A_512 : memref<32x128xf32, #tpu.memory_space<vmem>>)
      %dma_wait3A_517 = arith.constant 3 : i32
      %dma_wait3A_518 = arith.constant 0 : i32
      %dma_wait3A_519 = arith.constant 0 : i32
      %dma_wait3A_520 = tpu.memref_slice %arg15[%dma_wait3A_517, %dma_wait3A_518, %dma_wait3A_519] : memref<4x64x128xf32, #tpu.memory_space<vmem>> -> memref<1x64x128xf32, #tpu.memory_space<vmem>>
      %dma_wait3A_521 = tpu.memref_squeeze %dma_wait3A_520 : memref<1x64x128xf32, #tpu.memory_space<vmem>> -> memref<64x128xf32, #tpu.memory_space<vmem>>
      %dma_wait3A_522 = tpu.memref_slice %arg12[%mul3A_507] : memref<8192xi32, #tpu.memory_space<vmem>> -> memref<64xi32, #tpu.memory_space<vmem>>
      %dma_wait3A_523 = arith.constant 0 : i32
      %dma_wait3A_524 = arith.constant 0 : i32
      %dma_wait3A_525 = tpu.memref_slice %arg5[%dma_wait3A_523, %dma_wait3A_524] : memref<100000x128xf32, #tpu.memory_space<hbm>> -> memref<100000x128xf32, #tpu.memory_space<hbm>>
      tpu.wait_indirect_dma semaphore(%arg26 : memref<!tpu.dma_semaphore, #tpu.memory_space<semaphore_mem>>) src(%dma_wait3A_525 : memref<100000x128xf32, #tpu.memory_space<hbm>>) dst(%dma_wait3A_521 : memref<64x128xf32, #tpu.memory_space<vmem>>)
      %mul3A_526 = arith.constant 1 : i32
      %mul3A_527 = arith.muli %add3A_499, %mul3A_526 : i32
      %add3A_528 = arith.constant 0 : i32
      %add3A_529 = arith.addi %mul3A_527, %add3A_528 : i32
      %broadcast_in_dim3A_530 = arith.constant 3.125000e-02 : f32
      %broadcast_in_dim3A_531 = vector.broadcast %broadcast_in_dim3A_530 : f32 to vector<16xf32>
      %broadcast_in_dim3A_532 = arith.constant 0.000000e+00 : f32
      %broadcast_in_dim3A_533 = vector.broadcast %broadcast_in_dim3A_532 : f32 to vector<16xf32>
      %broadcast_in_dim3A_534 = arith.constant 0.000000e+00 : f32
      %broadcast_in_dim3A_535 = vector.broadcast %broadcast_in_dim3A_534 : f32 to vector<16xf32>
      %broadcast_in_dim3A_536 = arith.constant 0.000000e+00 : f32
      %broadcast_in_dim3A_537 = vector.broadcast %broadcast_in_dim3A_536 : f32 to vector<16xf32>
      %broadcast_in_dim3A_538 = arith.constant 0.000000e+00 : f32
      %broadcast_in_dim3A_539 = vector.broadcast %broadcast_in_dim3A_538 : f32 to vector<16xf32>
      %broadcast_in_dim3A_540 = arith.constant 0.000000e+00 : f32
      %broadcast_in_dim3A_541 = vector.broadcast %broadcast_in_dim3A_540 : f32 to vector<16xf32>
      %broadcast_in_dim3A_542 = arith.constant 0.000000e+00 : f32
      %broadcast_in_dim3A_543 = vector.broadcast %broadcast_in_dim3A_542 : f32 to vector<16xf32>
      %broadcast_in_dim3A_544 = arith.constant 0.000000e+00 : f32
      %broadcast_in_dim3A_545 = vector.broadcast %broadcast_in_dim3A_544 : f32 to vector<16xf32>
      %broadcast_in_dim3A_546 = arith.constant 0.000000e+00 : f32
      %broadcast_in_dim3A_547 = vector.broadcast %broadcast_in_dim3A_546 : f32 to vector<16xf32>
      %parallel_loop3A_548 = arith.constant 0 : i32
      %parallel_loop3A_549 = arith.constant 32 : i32
      %parallel_loop3A_550 = arith.constant 1 : i32
      %parallel_loop3A_551 = arith.constant 3 : i32
      %parallel_loop3A_552:8 = scf.for %parallel_loop3A_631 = %parallel_loop3A_548 to %parallel_loop3A_549 step %parallel_loop3A_550 iter_args(%parallel_loop3A_632 = %broadcast_in_dim3A_533, %parallel_loop3A_633 = %broadcast_in_dim3A_535, %parallel_loop3A_634 = %broadcast_in_dim3A_537, %parallel_loop3A_635 = %broadcast_in_dim3A_539, %parallel_loop3A_636 = %broadcast_in_dim3A_541, %parallel_loop3A_637 = %broadcast_in_dim3A_543, %parallel_loop3A_638 = %broadcast_in_dim3A_545, %parallel_loop3A_639 = %broadcast_in_dim3A_547) -> (vector<16xf32>, vector<16xf32>, vector<16xf32>, vector<16xf32>, vector<16xf32>, vector<16xf32>, vector<16xf32>, vector<16xf32>)  : i32 {
        %parallel_loop3A_640 = arith.constant 0 : i32
        %parallel_loop3A_641 = arith.addi %parallel_loop3A_640, %parallel_loop3A_631 : i32
        %parallel_loop3A_642 = arith.constant 0 : i32
        %parallel_loop3A_643 = arith.constant 0 : i32
        %parallel_loop3A_644 = tpu.memref_slice %arg14[%parallel_loop3A_551, %parallel_loop3A_642, %parallel_loop3A_643] : memref<4x32x128xf32, #tpu.memory_space<vmem>> -> memref<1x32x128xf32, #tpu.memory_space<vmem>>
        %parallel_loop3A_645 = tpu.memref_squeeze %parallel_loop3A_644 : memref<1x32x128xf32, #tpu.memory_space<vmem>> -> memref<32x128xf32, #tpu.memory_space<vmem>>
        %parallel_loop3A_646 = arith.index_cast %parallel_loop3A_641 : i32 to index
        %parallel_loop3A_647 = arith.constant 0 : index
        %parallel_loop3A_648 = tpu.vector_load %parallel_loop3A_645[%parallel_loop3A_646, %parallel_loop3A_647] {strides = array<i32>} : memref<32x128xf32, #tpu.memory_space<vmem>>, vector<16xf32>,
        %parallel_loop3A_649 = math.exp %parallel_loop3A_648 : vector<16xf32>
        %parallel_loop3A_650 = arith.constant 0 : i32
        %parallel_loop3A_651 = arith.addi %parallel_loop3A_650, %parallel_loop3A_631 : i32
        %parallel_loop3A_652 = arith.constant 0 : i32
        %parallel_loop3A_653 = arith.constant 0 : i32
        %parallel_loop3A_654 = tpu.memref_slice %arg14[%parallel_loop3A_551, %parallel_loop3A_652, %parallel_loop3A_653] : memref<4x32x128xf32, #tpu.memory_space<vmem>> -> memref<1x32x128xf32, #tpu.memory_space<vmem>>
        %parallel_loop3A_655 = tpu.memref_squeeze %parallel_loop3A_654 : memref<1x32x128xf32, #tpu.memory_space<vmem>> -> memref<32x128xf32, #tpu.memory_space<vmem>>
        %parallel_loop3A_656 = arith.index_cast %parallel_loop3A_651 : i32 to index
        %parallel_loop3A_657 = arith.constant 16 : index
        %parallel_loop3A_658 = tpu.vector_load %parallel_loop3A_655[%parallel_loop3A_656, %parallel_loop3A_657] {strides = array<i32>} : memref<32x128xf32, #tpu.memory_space<vmem>>, vector<16xf32>,
        %parallel_loop3A_659 = math.exp %parallel_loop3A_658 : vector<16xf32>
        %parallel_loop3A_660 = arith.addf %parallel_loop3A_649, %parallel_loop3A_659 : vector<16xf32>
        %parallel_loop3A_661 = arith.constant 0 : i32
        %parallel_loop3A_662 = arith.addi %parallel_loop3A_661, %parallel_loop3A_631 : i32
        %parallel_loop3A_663 = arith.constant 0 : i32
        %parallel_loop3A_664 = arith.constant 0 : i32
        %parallel_loop3A_665 = tpu.memref_slice %arg14[%parallel_loop3A_551, %parallel_loop3A_663, %parallel_loop3A_664] : memref<4x32x128xf32, #tpu.memory_space<vmem>> -> memref<1x32x128xf32, #tpu.memory_space<vmem>>
        %parallel_loop3A_666 = tpu.memref_squeeze %parallel_loop3A_665 : memref<1x32x128xf32, #tpu.memory_space<vmem>> -> memref<32x128xf32, #tpu.memory_space<vmem>>
        %parallel_loop3A_667 = arith.index_cast %parallel_loop3A_662 : i32 to index
        %parallel_loop3A_668 = arith.constant 32 : index
        %parallel_loop3A_669 = tpu.vector_load %parallel_loop3A_666[%parallel_loop3A_667, %parallel_loop3A_668] {strides = array<i32>} : memref<32x128xf32, #tpu.memory_space<vmem>>, vector<16xf32>,
        %parallel_loop3A_670 = math.exp %parallel_loop3A_669 : vector<16xf32>
        %parallel_loop3A_671 = arith.addf %parallel_loop3A_660, %parallel_loop3A_670 : vector<16xf32>
        %parallel_loop3A_672 = arith.constant 0 : i32
        %parallel_loop3A_673 = arith.addi %parallel_loop3A_672, %parallel_loop3A_631 : i32
        %parallel_loop3A_674 = arith.constant 0 : i32
        %parallel_loop3A_675 = arith.constant 0 : i32
        %parallel_loop3A_676 = tpu.memref_slice %arg14[%parallel_loop3A_551, %parallel_loop3A_674, %parallel_loop3A_675] : memref<4x32x128xf32, #tpu.memory_space<vmem>> -> memref<1x32x128xf32, #tpu.memory_space<vmem>>
        %parallel_loop3A_677 = tpu.memref_squeeze %parallel_loop3A_676 : memref<1x32x128xf32, #tpu.memory_space<vmem>> -> memref<32x128xf32, #tpu.memory_space<vmem>>
        %parallel_loop3A_678 = arith.index_cast %parallel_loop3A_673 : i32 to index
        %parallel_loop3A_679 = arith.constant 48 : index
        %parallel_loop3A_680 = tpu.vector_load %parallel_loop3A_677[%parallel_loop3A_678, %parallel_loop3A_679] {strides = array<i32>} : memref<32x128xf32, #tpu.memory_space<vmem>>, vector<16xf32>,
        %parallel_loop3A_681 = math.exp %parallel_loop3A_680 : vector<16xf32>
        %parallel_loop3A_682 = arith.addf %parallel_loop3A_671, %parallel_loop3A_681 : vector<16xf32>
        %parallel_loop3A_683 = arith.constant 0 : i32
        %parallel_loop3A_684 = arith.addi %parallel_loop3A_683, %parallel_loop3A_631 : i32
        %parallel_loop3A_685 = arith.constant 0 : i32
        %parallel_loop3A_686 = arith.constant 0 : i32
        %parallel_loop3A_687 = tpu.memref_slice %arg14[%parallel_loop3A_551, %parallel_loop3A_685, %parallel_loop3A_686] : memref<4x32x128xf32, #tpu.memory_space<vmem>> -> memref<1x32x128xf32, #tpu.memory_space<vmem>>
        %parallel_loop3A_688 = tpu.memref_squeeze %parallel_loop3A_687 : memref<1x32x128xf32, #tpu.memory_space<vmem>> -> memref<32x128xf32, #tpu.memory_space<vmem>>
        %parallel_loop3A_689 = arith.index_cast %parallel_loop3A_684 : i32 to index
        %parallel_loop3A_690 = arith.constant 64 : index
        %parallel_loop3A_691 = tpu.vector_load %parallel_loop3A_688[%parallel_loop3A_689, %parallel_loop3A_690] {strides = array<i32>} : memref<32x128xf32, #tpu.memory_space<vmem>>, vector<16xf32>,
        %parallel_loop3A_692 = math.exp %parallel_loop3A_691 : vector<16xf32>
        %parallel_loop3A_693 = arith.addf %parallel_loop3A_682, %parallel_loop3A_692 : vector<16xf32>
        %parallel_loop3A_694 = arith.constant 0 : i32
        %parallel_loop3A_695 = arith.addi %parallel_loop3A_694, %parallel_loop3A_631 : i32
        %parallel_loop3A_696 = arith.constant 0 : i32
        %parallel_loop3A_697 = arith.constant 0 : i32
        %parallel_loop3A_698 = tpu.memref_slice %arg14[%parallel_loop3A_551, %parallel_loop3A_696, %parallel_loop3A_697] : memref<4x32x128xf32, #tpu.memory_space<vmem>> -> memref<1x32x128xf32, #tpu.memory_space<vmem>>
        %parallel_loop3A_699 = tpu.memref_squeeze %parallel_loop3A_698 : memref<1x32x128xf32, #tpu.memory_space<vmem>> -> memref<32x128xf32, #tpu.memory_space<vmem>>
        %parallel_loop3A_700 = arith.index_cast %parallel_loop3A_695 : i32 to index
        %parallel_loop3A_701 = arith.constant 80 : index
        %parallel_loop3A_702 = tpu.vector_load %parallel_loop3A_699[%parallel_loop3A_700, %parallel_loop3A_701] {strides = array<i32>} : memref<32x128xf32, #tpu.memory_space<vmem>>, vector<16xf32>,
        %parallel_loop3A_703 = math.exp %parallel_loop3A_702 : vector<16xf32>
        %parallel_loop3A_704 = arith.addf %parallel_loop3A_693, %parallel_loop3A_703 : vector<16xf32>
        %parallel_loop3A_705 = arith.constant 0 : i32
        %parallel_loop3A_706 = arith.addi %parallel_loop3A_705, %parallel_loop3A_631 : i32
        %parallel_loop3A_707 = arith.constant 0 : i32
        %parallel_loop3A_708 = arith.constant 0 : i32
        %parallel_loop3A_709 = tpu.memref_slice %arg14[%parallel_loop3A_551, %parallel_loop3A_707, %parallel_loop3A_708] : memref<4x32x128xf32, #tpu.memory_space<vmem>> -> memref<1x32x128xf32, #tpu.memory_space<vmem>>
        %parallel_loop3A_710 = tpu.memref_squeeze %parallel_loop3A_709 : memref<1x32x128xf32, #tpu.memory_space<vmem>> -> memref<32x128xf32, #tpu.memory_space<vmem>>
        %parallel_loop3A_711 = arith.index_cast %parallel_loop3A_706 : i32 to index
        %parallel_loop3A_712 = arith.constant 96 : index
        %parallel_loop3A_713 = tpu.vector_load %parallel_loop3A_710[%parallel_loop3A_711, %parallel_loop3A_712] {strides = array<i32>} : memref<32x128xf32, #tpu.memory_space<vmem>>, vector<16xf32>,
        %parallel_loop3A_714 = math.exp %parallel_loop3A_713 : vector<16xf32>
        %parallel_loop3A_715 = arith.addf %parallel_loop3A_704, %parallel_loop3A_714 : vector<16xf32>
        %parallel_loop3A_716 = arith.constant 0 : i32
        %parallel_loop3A_717 = arith.addi %parallel_loop3A_716, %parallel_loop3A_631 : i32
        %parallel_loop3A_718 = arith.constant 0 : i32
        %parallel_loop3A_719 = arith.constant 0 : i32
        %parallel_loop3A_720 = tpu.memref_slice %arg14[%parallel_loop3A_551, %parallel_loop3A_718, %parallel_loop3A_719] : memref<4x32x128xf32, #tpu.memory_space<vmem>> -> memref<1x32x128xf32, #tpu.memory_space<vmem>>
        %parallel_loop3A_721 = tpu.memref_squeeze %parallel_loop3A_720 : memref<1x32x128xf32, #tpu.memory_space<vmem>> -> memref<32x128xf32, #tpu.memory_space<vmem>>
        %parallel_loop3A_722 = arith.index_cast %parallel_loop3A_717 : i32 to index
        %parallel_loop3A_723 = arith.constant 112 : index
        %parallel_loop3A_724 = tpu.vector_load %parallel_loop3A_721[%parallel_loop3A_722, %parallel_loop3A_723] {strides = array<i32>} : memref<32x128xf32, #tpu.memory_space<vmem>>, vector<16xf32>,
        %parallel_loop3A_725 = math.exp %parallel_loop3A_724 : vector<16xf32>
        %parallel_loop3A_726 = arith.addf %parallel_loop3A_715, %parallel_loop3A_725 : vector<16xf32>
        %parallel_loop3A_727 = arith.constant true
        %parallel_loop3A_728 = vector.broadcast %parallel_loop3A_727 : i1 to vector<16xi1>
        %parallel_loop3A_729 = tpu.scan <sum>, %parallel_loop3A_726 masked %parallel_loop3A_728 : vector<16xf32>, vector<16xi1> -> vector<16xf32>
        %parallel_loop3A_730 = vector.extract %parallel_loop3A_729[15] : f32 from vector<16xf32>
        %parallel_loop3A_731 = vector.broadcast %parallel_loop3A_730 : f32 to vector<16xf32>
        %parallel_loop3A_732 = arith.divf %broadcast_in_dim3A_531, %parallel_loop3A_731 : vector<16xf32>
        %parallel_loop3A_733 = arith.mulf %parallel_loop3A_649, %parallel_loop3A_732 : vector<16xf32>
        %parallel_loop3A_734 = arith.addf %parallel_loop3A_632, %parallel_loop3A_733 : vector<16xf32>
        %parallel_loop3A_735 = arith.mulf %parallel_loop3A_659, %parallel_loop3A_732 : vector<16xf32>
        %parallel_loop3A_736 = arith.addf %parallel_loop3A_633, %parallel_loop3A_735 : vector<16xf32>
        %parallel_loop3A_737 = arith.mulf %parallel_loop3A_670, %parallel_loop3A_732 : vector<16xf32>
        %parallel_loop3A_738 = arith.addf %parallel_loop3A_634, %parallel_loop3A_737 : vector<16xf32>
        %parallel_loop3A_739 = arith.mulf %parallel_loop3A_681, %parallel_loop3A_732 : vector<16xf32>
        %parallel_loop3A_740 = arith.addf %parallel_loop3A_635, %parallel_loop3A_739 : vector<16xf32>
        %parallel_loop3A_741 = arith.mulf %parallel_loop3A_692, %parallel_loop3A_732 : vector<16xf32>
        %parallel_loop3A_742 = arith.addf %parallel_loop3A_636, %parallel_loop3A_741 : vector<16xf32>
        %parallel_loop3A_743 = arith.mulf %parallel_loop3A_703, %parallel_loop3A_732 : vector<16xf32>
        %parallel_loop3A_744 = arith.addf %parallel_loop3A_637, %parallel_loop3A_743 : vector<16xf32>
        %parallel_loop3A_745 = arith.mulf %parallel_loop3A_714, %parallel_loop3A_732 : vector<16xf32>
        %parallel_loop3A_746 = arith.addf %parallel_loop3A_638, %parallel_loop3A_745 : vector<16xf32>
        %parallel_loop3A_747 = arith.mulf %parallel_loop3A_725, %parallel_loop3A_732 : vector<16xf32>
        %parallel_loop3A_748 = arith.addf %parallel_loop3A_639, %parallel_loop3A_747 : vector<16xf32>
        scf.yield %parallel_loop3A_734, %parallel_loop3A_736, %parallel_loop3A_738, %parallel_loop3A_740, %parallel_loop3A_742, %parallel_loop3A_744, %parallel_loop3A_746, %parallel_loop3A_748 : vector<16xf32>, vector<16xf32>, vector<16xf32>, vector<16xf32>, vector<16xf32>, vector<16xf32>, vector<16xf32>, vector<16xf32>
      } {sc.loop_unroll_factor = 1 : i64, sc.parallel_access}
      %swap3A_553 = arith.index_cast %add3A_529 : i32 to index
      %swap3A_554 = arith.constant 0 : index
      %swap3A_555 = tpu.vector_load %arg16[%swap3A_553, %swap3A_554] {strides = array<i32>} : memref<128x128xf32, #tpu.memory_space<vmem>>, vector<16xf32>,
      tpu.vector_store %arg16[%swap3A_553, %swap3A_554], %parallel_loop3A_552#0 {strides = array<i32>} : memref<128x128xf32, #tpu.memory_space<vmem>>, vector<16xf32>,
      %swap3A_556 = arith.index_cast %add3A_529 : i32 to index
      %swap3A_557 = arith.constant 16 : index
      %swap3A_558 = tpu.vector_load %arg16[%swap3A_556, %swap3A_557] {strides = array<i32>} : memref<128x128xf32, #tpu.memory_space<vmem>>, vector<16xf32>,
      tpu.vector_store %arg16[%swap3A_556, %swap3A_557], %parallel_loop3A_552#1 {strides = array<i32>} : memref<128x128xf32, #tpu.memory_space<vmem>>, vector<16xf32>,
      %swap3A_559 = arith.index_cast %add3A_529 : i32 to index
      %swap3A_560 = arith.constant 32 : index
      %swap3A_561 = tpu.vector_load %arg16[%swap3A_559, %swap3A_560] {strides = array<i32>} : memref<128x128xf32, #tpu.memory_space<vmem>>, vector<16xf32>,
      tpu.vector_store %arg16[%swap3A_559, %swap3A_560], %parallel_loop3A_552#2 {strides = array<i32>} : memref<128x128xf32, #tpu.memory_space<vmem>>, vector<16xf32>,
      %swap3A_562 = arith.index_cast %add3A_529 : i32 to index
      %swap3A_563 = arith.constant 48 : index
      %swap3A_564 = tpu.vector_load %arg16[%swap3A_562, %swap3A_563] {strides = array<i32>} : memref<128x128xf32, #tpu.memory_space<vmem>>, vector<16xf32>,
      tpu.vector_store %arg16[%swap3A_562, %swap3A_563], %parallel_loop3A_552#3 {strides = array<i32>} : memref<128x128xf32, #tpu.memory_space<vmem>>, vector<16xf32>,
      %swap3A_565 = arith.index_cast %add3A_529 : i32 to index
      %swap3A_566 = arith.constant 64 : index
      %swap3A_567 = tpu.vector_load %arg16[%swap3A_565, %swap3A_566] {strides = array<i32>} : memref<128x128xf32, #tpu.memory_space<vmem>>, vector<16xf32>,
      tpu.vector_store %arg16[%swap3A_565, %swap3A_566], %parallel_loop3A_552#4 {strides = array<i32>} : memref<128x128xf32, #tpu.memory_space<vmem>>, vector<16xf32>,
      %swap3A_568 = arith.index_cast %add3A_529 : i32 to index
      %swap3A_569 = arith.constant 80 : index
      %swap3A_570 = tpu.vector_load %arg16[%swap3A_568, %swap3A_569] {strides = array<i32>} : memref<128x128xf32, #tpu.memory_space<vmem>>, vector<16xf32>,
      tpu.vector_store %arg16[%swap3A_568, %swap3A_569], %parallel_loop3A_552#5 {strides = array<i32>} : memref<128x128xf32, #tpu.memory_space<vmem>>, vector<16xf32>,
      %swap3A_571 = arith.index_cast %add3A_529 : i32 to index
      %swap3A_572 = arith.constant 96 : index
      %swap3A_573 = tpu.vector_load %arg16[%swap3A_571, %swap3A_572] {strides = array<i32>} : memref<128x128xf32, #tpu.memory_space<vmem>>, vector<16xf32>,
      tpu.vector_store %arg16[%swap3A_571, %swap3A_572], %parallel_loop3A_552#6 {strides = array<i32>} : memref<128x128xf32, #tpu.memory_space<vmem>>, vector<16xf32>,
      %swap3A_574 = arith.index_cast %add3A_529 : i32 to index
      %swap3A_575 = arith.constant 112 : index
      %swap3A_576 = tpu.vector_load %arg16[%swap3A_574, %swap3A_575] {strides = array<i32>} : memref<128x128xf32, #tpu.memory_space<vmem>>, vector<16xf32>,
      tpu.vector_store %arg16[%swap3A_574, %swap3A_575], %parallel_loop3A_552#7 {strides = array<i32>} : memref<128x128xf32, #tpu.memory_space<vmem>>, vector<16xf32>,
      %broadcast_in_dim3A_577 = arith.constant 1.562500e-02 : f32
      %broadcast_in_dim3A_578 = vector.broadcast %broadcast_in_dim3A_577 : f32 to vector<16xf32>
      %broadcast_in_dim3A_579 = arith.constant 0.000000e+00 : f32
      %broadcast_in_dim3A_580 = vector.broadcast %broadcast_in_dim3A_579 : f32 to vector<16xf32>
      %broadcast_in_dim3A_581 = arith.constant 0.000000e+00 : f32
      %broadcast_in_dim3A_582 = vector.broadcast %broadcast_in_dim3A_581 : f32 to vector<16xf32>
      %broadcast_in_dim3A_583 = arith.constant 0.000000e+00 : f32
      %broadcast_in_dim3A_584 = vector.broadcast %broadcast_in_dim3A_583 : f32 to vector<16xf32>
      %broadcast_in_dim3A_585 = arith.constant 0.000000e+00 : f32
      %broadcast_in_dim3A_586 = vector.broadcast %broadcast_in_dim3A_585 : f32 to vector<16xf32>
      %broadcast_in_dim3A_587 = arith.constant 0.000000e+00 : f32
      %broadcast_in_dim3A_588 = vector.broadcast %broadcast_in_dim3A_587 : f32 to vector<16xf32>
      %broadcast_in_dim3A_589 = arith.constant 0.000000e+00 : f32
      %broadcast_in_dim3A_590 = vector.broadcast %broadcast_in_dim3A_589 : f32 to vector<16xf32>
      %broadcast_in_dim3A_591 = arith.constant 0.000000e+00 : f32
      %broadcast_in_dim3A_592 = vector.broadcast %broadcast_in_dim3A_591 : f32 to vector<16xf32>
      %broadcast_in_dim3A_593 = arith.constant 0.000000e+00 : f32
      %broadcast_in_dim3A_594 = vector.broadcast %broadcast_in_dim3A_593 : f32 to vector<16xf32>
      %parallel_loop3A_595 = arith.constant 0 : i32
      %parallel_loop3A_596 = arith.constant 64 : i32
      %parallel_loop3A_597 = arith.constant 1 : i32
      %parallel_loop3A_598 = arith.constant 3 : i32
      %parallel_loop3A_599:8 = scf.for %parallel_loop3A_631 = %parallel_loop3A_595 to %parallel_loop3A_596 step %parallel_loop3A_597 iter_args(%parallel_loop3A_632 = %broadcast_in_dim3A_580, %parallel_loop3A_633 = %broadcast_in_dim3A_582, %parallel_loop3A_634 = %broadcast_in_dim3A_584, %parallel_loop3A_635 = %broadcast_in_dim3A_586, %parallel_loop3A_636 = %broadcast_in_dim3A_588, %parallel_loop3A_637 = %broadcast_in_dim3A_590, %parallel_loop3A_638 = %broadcast_in_dim3A_592, %parallel_loop3A_639 = %broadcast_in_dim3A_594) -> (vector<16xf32>, vector<16xf32>, vector<16xf32>, vector<16xf32>, vector<16xf32>, vector<16xf32>, vector<16xf32>, vector<16xf32>)  : i32 {
        %parallel_loop3A_640 = arith.constant 0 : i32
        %parallel_loop3A_641 = arith.addi %parallel_loop3A_640, %parallel_loop3A_631 : i32
        %parallel_loop3A_642 = arith.constant 0 : i32
        %parallel_loop3A_643 = arith.constant 0 : i32
        %parallel_loop3A_644 = tpu.memref_slice %arg15[%parallel_loop3A_598, %parallel_loop3A_642, %parallel_loop3A_643] : memref<4x64x128xf32, #tpu.memory_space<vmem>> -> memref<1x64x128xf32, #tpu.memory_space<vmem>>
        %parallel_loop3A_645 = tpu.memref_squeeze %parallel_loop3A_644 : memref<1x64x128xf32, #tpu.memory_space<vmem>> -> memref<64x128xf32, #tpu.memory_space<vmem>>
        %parallel_loop3A_646 = arith.index_cast %parallel_loop3A_641 : i32 to index
        %parallel_loop3A_647 = arith.constant 0 : index
        %parallel_loop3A_648 = tpu.vector_load %parallel_loop3A_645[%parallel_loop3A_646, %parallel_loop3A_647] {strides = array<i32>} : memref<64x128xf32, #tpu.memory_space<vmem>>, vector<16xf32>,
        %parallel_loop3A_649 = math.exp %parallel_loop3A_648 : vector<16xf32>
        %parallel_loop3A_650 = arith.constant 0 : i32
        %parallel_loop3A_651 = arith.addi %parallel_loop3A_650, %parallel_loop3A_631 : i32
        %parallel_loop3A_652 = arith.constant 0 : i32
        %parallel_loop3A_653 = arith.constant 0 : i32
        %parallel_loop3A_654 = tpu.memref_slice %arg15[%parallel_loop3A_598, %parallel_loop3A_652, %parallel_loop3A_653] : memref<4x64x128xf32, #tpu.memory_space<vmem>> -> memref<1x64x128xf32, #tpu.memory_space<vmem>>
        %parallel_loop3A_655 = tpu.memref_squeeze %parallel_loop3A_654 : memref<1x64x128xf32, #tpu.memory_space<vmem>> -> memref<64x128xf32, #tpu.memory_space<vmem>>
        %parallel_loop3A_656 = arith.index_cast %parallel_loop3A_651 : i32 to index
        %parallel_loop3A_657 = arith.constant 16 : index
        %parallel_loop3A_658 = tpu.vector_load %parallel_loop3A_655[%parallel_loop3A_656, %parallel_loop3A_657] {strides = array<i32>} : memref<64x128xf32, #tpu.memory_space<vmem>>, vector<16xf32>,
        %parallel_loop3A_659 = math.exp %parallel_loop3A_658 : vector<16xf32>
        %parallel_loop3A_660 = arith.addf %parallel_loop3A_649, %parallel_loop3A_659 : vector<16xf32>
        %parallel_loop3A_661 = arith.constant 0 : i32
        %parallel_loop3A_662 = arith.addi %parallel_loop3A_661, %parallel_loop3A_631 : i32
        %parallel_loop3A_663 = arith.constant 0 : i32
        %parallel_loop3A_664 = arith.constant 0 : i32
        %parallel_loop3A_665 = tpu.memref_slice %arg15[%parallel_loop3A_598, %parallel_loop3A_663, %parallel_loop3A_664] : memref<4x64x128xf32, #tpu.memory_space<vmem>> -> memref<1x64x128xf32, #tpu.memory_space<vmem>>
        %parallel_loop3A_666 = tpu.memref_squeeze %parallel_loop3A_665 : memref<1x64x128xf32, #tpu.memory_space<vmem>> -> memref<64x128xf32, #tpu.memory_space<vmem>>
        %parallel_loop3A_667 = arith.index_cast %parallel_loop3A_662 : i32 to index
        %parallel_loop3A_668 = arith.constant 32 : index
        %parallel_loop3A_669 = tpu.vector_load %parallel_loop3A_666[%parallel_loop3A_667, %parallel_loop3A_668] {strides = array<i32>} : memref<64x128xf32, #tpu.memory_space<vmem>>, vector<16xf32>,
        %parallel_loop3A_670 = math.exp %parallel_loop3A_669 : vector<16xf32>
        %parallel_loop3A_671 = arith.addf %parallel_loop3A_660, %parallel_loop3A_670 : vector<16xf32>
        %parallel_loop3A_672 = arith.constant 0 : i32
        %parallel_loop3A_673 = arith.addi %parallel_loop3A_672, %parallel_loop3A_631 : i32
        %parallel_loop3A_674 = arith.constant 0 : i32
        %parallel_loop3A_675 = arith.constant 0 : i32
        %parallel_loop3A_676 = tpu.memref_slice %arg15[%parallel_loop3A_598, %parallel_loop3A_674, %parallel_loop3A_675] : memref<4x64x128xf32, #tpu.memory_space<vmem>> -> memref<1x64x128xf32, #tpu.memory_space<vmem>>
        %parallel_loop3A_677 = tpu.memref_squeeze %parallel_loop3A_676 : memref<1x64x128xf32, #tpu.memory_space<vmem>> -> memref<64x128xf32, #tpu.memory_space<vmem>>
        %parallel_loop3A_678 = arith.index_cast %parallel_loop3A_673 : i32 to index
        %parallel_loop3A_679 = arith.constant 48 : index
        %parallel_loop3A_680 = tpu.vector_load %parallel_loop3A_677[%parallel_loop3A_678, %parallel_loop3A_679] {strides = array<i32>} : memref<64x128xf32, #tpu.memory_space<vmem>>, vector<16xf32>,
        %parallel_loop3A_681 = math.exp %parallel_loop3A_680 : vector<16xf32>
        %parallel_loop3A_682 = arith.addf %parallel_loop3A_671, %parallel_loop3A_681 : vector<16xf32>
        %parallel_loop3A_683 = arith.constant 0 : i32
        %parallel_loop3A_684 = arith.addi %parallel_loop3A_683, %parallel_loop3A_631 : i32
        %parallel_loop3A_685 = arith.constant 0 : i32
        %parallel_loop3A_686 = arith.constant 0 : i32
        %parallel_loop3A_687 = tpu.memref_slice %arg15[%parallel_loop3A_598, %parallel_loop3A_685, %parallel_loop3A_686] : memref<4x64x128xf32, #tpu.memory_space<vmem>> -> memref<1x64x128xf32, #tpu.memory_space<vmem>>
        %parallel_loop3A_688 = tpu.memref_squeeze %parallel_loop3A_687 : memref<1x64x128xf32, #tpu.memory_space<vmem>> -> memref<64x128xf32, #tpu.memory_space<vmem>>
        %parallel_loop3A_689 = arith.index_cast %parallel_loop3A_684 : i32 to index
        %parallel_loop3A_690 = arith.constant 64 : index
        %parallel_loop3A_691 = tpu.vector_load %parallel_loop3A_688[%parallel_loop3A_689, %parallel_loop3A_690] {strides = array<i32>} : memref<64x128xf32, #tpu.memory_space<vmem>>, vector<16xf32>,
        %parallel_loop3A_692 = math.exp %parallel_loop3A_691 : vector<16xf32>
        %parallel_loop3A_693 = arith.addf %parallel_loop3A_682, %parallel_loop3A_692 : vector<16xf32>
        %parallel_loop3A_694 = arith.constant 0 : i32
        %parallel_loop3A_695 = arith.addi %parallel_loop3A_694, %parallel_loop3A_631 : i32
        %parallel_loop3A_696 = arith.constant 0 : i32
        %parallel_loop3A_697 = arith.constant 0 : i32
        %parallel_loop3A_698 = tpu.memref_slice %arg15[%parallel_loop3A_598, %parallel_loop3A_696, %parallel_loop3A_697] : memref<4x64x128xf32, #tpu.memory_space<vmem>> -> memref<1x64x128xf32, #tpu.memory_space<vmem>>
        %parallel_loop3A_699 = tpu.memref_squeeze %parallel_loop3A_698 : memref<1x64x128xf32, #tpu.memory_space<vmem>> -> memref<64x128xf32, #tpu.memory_space<vmem>>
        %parallel_loop3A_700 = arith.index_cast %parallel_loop3A_695 : i32 to index
        %parallel_loop3A_701 = arith.constant 80 : index
        %parallel_loop3A_702 = tpu.vector_load %parallel_loop3A_699[%parallel_loop3A_700, %parallel_loop3A_701] {strides = array<i32>} : memref<64x128xf32, #tpu.memory_space<vmem>>, vector<16xf32>,
        %parallel_loop3A_703 = math.exp %parallel_loop3A_702 : vector<16xf32>
        %parallel_loop3A_704 = arith.addf %parallel_loop3A_693, %parallel_loop3A_703 : vector<16xf32>
        %parallel_loop3A_705 = arith.constant 0 : i32
        %parallel_loop3A_706 = arith.addi %parallel_loop3A_705, %parallel_loop3A_631 : i32
        %parallel_loop3A_707 = arith.constant 0 : i32
        %parallel_loop3A_708 = arith.constant 0 : i32
        %parallel_loop3A_709 = tpu.memref_slice %arg15[%parallel_loop3A_598, %parallel_loop3A_707, %parallel_loop3A_708] : memref<4x64x128xf32, #tpu.memory_space<vmem>> -> memref<1x64x128xf32, #tpu.memory_space<vmem>>
        %parallel_loop3A_710 = tpu.memref_squeeze %parallel_loop3A_709 : memref<1x64x128xf32, #tpu.memory_space<vmem>> -> memref<64x128xf32, #tpu.memory_space<vmem>>
        %parallel_loop3A_711 = arith.index_cast %parallel_loop3A_706 : i32 to index
        %parallel_loop3A_712 = arith.constant 96 : index
        %parallel_loop3A_713 = tpu.vector_load %parallel_loop3A_710[%parallel_loop3A_711, %parallel_loop3A_712] {strides = array<i32>} : memref<64x128xf32, #tpu.memory_space<vmem>>, vector<16xf32>,
        %parallel_loop3A_714 = math.exp %parallel_loop3A_713 : vector<16xf32>
        %parallel_loop3A_715 = arith.addf %parallel_loop3A_704, %parallel_loop3A_714 : vector<16xf32>
        %parallel_loop3A_716 = arith.constant 0 : i32
        %parallel_loop3A_717 = arith.addi %parallel_loop3A_716, %parallel_loop3A_631 : i32
        %parallel_loop3A_718 = arith.constant 0 : i32
        %parallel_loop3A_719 = arith.constant 0 : i32
        %parallel_loop3A_720 = tpu.memref_slice %arg15[%parallel_loop3A_598, %parallel_loop3A_718, %parallel_loop3A_719] : memref<4x64x128xf32, #tpu.memory_space<vmem>> -> memref<1x64x128xf32, #tpu.memory_space<vmem>>
        %parallel_loop3A_721 = tpu.memref_squeeze %parallel_loop3A_720 : memref<1x64x128xf32, #tpu.memory_space<vmem>> -> memref<64x128xf32, #tpu.memory_space<vmem>>
        %parallel_loop3A_722 = arith.index_cast %parallel_loop3A_717 : i32 to index
        %parallel_loop3A_723 = arith.constant 112 : index
        %parallel_loop3A_724 = tpu.vector_load %parallel_loop3A_721[%parallel_loop3A_722, %parallel_loop3A_723] {strides = array<i32>} : memref<64x128xf32, #tpu.memory_space<vmem>>, vector<16xf32>,
        %parallel_loop3A_725 = math.exp %parallel_loop3A_724 : vector<16xf32>
        %parallel_loop3A_726 = arith.addf %parallel_loop3A_715, %parallel_loop3A_725 : vector<16xf32>
        %parallel_loop3A_727 = arith.constant true
        %parallel_loop3A_728 = vector.broadcast %parallel_loop3A_727 : i1 to vector<16xi1>
        %parallel_loop3A_729 = tpu.scan <sum>, %parallel_loop3A_726 masked %parallel_loop3A_728 : vector<16xf32>, vector<16xi1> -> vector<16xf32>
        %parallel_loop3A_730 = vector.extract %parallel_loop3A_729[15] : f32 from vector<16xf32>
        %parallel_loop3A_731 = vector.broadcast %parallel_loop3A_730 : f32 to vector<16xf32>
        %parallel_loop3A_732 = arith.divf %broadcast_in_dim3A_578, %parallel_loop3A_731 : vector<16xf32>
        %parallel_loop3A_733 = arith.mulf %parallel_loop3A_649, %parallel_loop3A_732 : vector<16xf32>
        %parallel_loop3A_734 = arith.addf %parallel_loop3A_632, %parallel_loop3A_733 : vector<16xf32>
        %parallel_loop3A_735 = arith.mulf %parallel_loop3A_659, %parallel_loop3A_732 : vector<16xf32>
        %parallel_loop3A_736 = arith.addf %parallel_loop3A_633, %parallel_loop3A_735 : vector<16xf32>
        %parallel_loop3A_737 = arith.mulf %parallel_loop3A_670, %parallel_loop3A_732 : vector<16xf32>
        %parallel_loop3A_738 = arith.addf %parallel_loop3A_634, %parallel_loop3A_737 : vector<16xf32>
        %parallel_loop3A_739 = arith.mulf %parallel_loop3A_681, %parallel_loop3A_732 : vector<16xf32>
        %parallel_loop3A_740 = arith.addf %parallel_loop3A_635, %parallel_loop3A_739 : vector<16xf32>
        %parallel_loop3A_741 = arith.mulf %parallel_loop3A_692, %parallel_loop3A_732 : vector<16xf32>
        %parallel_loop3A_742 = arith.addf %parallel_loop3A_636, %parallel_loop3A_741 : vector<16xf32>
        %parallel_loop3A_743 = arith.mulf %parallel_loop3A_703, %parallel_loop3A_732 : vector<16xf32>
        %parallel_loop3A_744 = arith.addf %parallel_loop3A_637, %parallel_loop3A_743 : vector<16xf32>
        %parallel_loop3A_745 = arith.mulf %parallel_loop3A_714, %parallel_loop3A_732 : vector<16xf32>
        %parallel_loop3A_746 = arith.addf %parallel_loop3A_638, %parallel_loop3A_745 : vector<16xf32>
        %parallel_loop3A_747 = arith.mulf %parallel_loop3A_725, %parallel_loop3A_732 : vector<16xf32>
        %parallel_loop3A_748 = arith.addf %parallel_loop3A_639, %parallel_loop3A_747 : vector<16xf32>
        scf.yield %parallel_loop3A_734, %parallel_loop3A_736, %parallel_loop3A_738, %parallel_loop3A_740, %parallel_loop3A_742, %parallel_loop3A_744, %parallel_loop3A_746, %parallel_loop3A_748 : vector<16xf32>, vector<16xf32>, vector<16xf32>, vector<16xf32>, vector<16xf32>, vector<16xf32>, vector<16xf32>, vector<16xf32>
      } {sc.loop_unroll_factor = 1 : i64, sc.parallel_access}
      %swap3A_600 = arith.index_cast %add3A_529 : i32 to index
      %swap3A_601 = arith.constant 0 : index
      %swap3A_602 = tpu.vector_load %arg17[%swap3A_600, %swap3A_601] {strides = array<i32>} : memref<128x128xf32, #tpu.memory_space<vmem>>, vector<16xf32>,
      tpu.vector_store %arg17[%swap3A_600, %swap3A_601], %parallel_loop3A_599#0 {strides = array<i32>} : memref<128x128xf32, #tpu.memory_space<vmem>>, vector<16xf32>,
      %swap3A_603 = arith.index_cast %add3A_529 : i32 to index
      %swap3A_604 = arith.constant 16 : index
      %swap3A_605 = tpu.vector_load %arg17[%swap3A_603, %swap3A_604] {strides = array<i32>} : memref<128x128xf32, #tpu.memory_space<vmem>>, vector<16xf32>,
      tpu.vector_store %arg17[%swap3A_603, %swap3A_604], %parallel_loop3A_599#1 {strides = array<i32>} : memref<128x128xf32, #tpu.memory_space<vmem>>, vector<16xf32>,
      %swap3A_606 = arith.index_cast %add3A_529 : i32 to index
      %swap3A_607 = arith.constant 32 : index
      %swap3A_608 = tpu.vector_load %arg17[%swap3A_606, %swap3A_607] {strides = array<i32>} : memref<128x128xf32, #tpu.memory_space<vmem>>, vector<16xf32>,
      tpu.vector_store %arg17[%swap3A_606, %swap3A_607], %parallel_loop3A_599#2 {strides = array<i32>} : memref<128x128xf32, #tpu.memory_space<vmem>>, vector<16xf32>,
      %swap3A_609 = arith.index_cast %add3A_529 : i32 to index
      %swap3A_610 = arith.constant 48 : index
      %swap3A_611 = tpu.vector_load %arg17[%swap3A_609, %swap3A_610] {strides = array<i32>} : memref<128x128xf32, #tpu.memory_space<vmem>>, vector<16xf32>,
      tpu.vector_store %arg17[%swap3A_609, %swap3A_610], %parallel_loop3A_599#3 {strides = array<i32>} : memref<128x128xf32, #tpu.memory_space<vmem>>, vector<16xf32>,
      %swap3A_612 = arith.index_cast %add3A_529 : i32 to index
      %swap3A_613 = arith.constant 64 : index
      %swap3A_614 = tpu.vector_load %arg17[%swap3A_612, %swap3A_613] {strides = array<i32>} : memref<128x128xf32, #tpu.memory_space<vmem>>, vector<16xf32>,
      tpu.vector_store %arg17[%swap3A_612, %swap3A_613], %parallel_loop3A_599#4 {strides = array<i32>} : memref<128x128xf32, #tpu.memory_space<vmem>>, vector<16xf32>,
      %swap3A_615 = arith.index_cast %add3A_529 : i32 to index
      %swap3A_616 = arith.constant 80 : index
      %swap3A_617 = tpu.vector_load %arg17[%swap3A_615, %swap3A_616] {strides = array<i32>} : memref<128x128xf32, #tpu.memory_space<vmem>>, vector<16xf32>,
      tpu.vector_store %arg17[%swap3A_615, %swap3A_616], %parallel_loop3A_599#5 {strides = array<i32>} : memref<128x128xf32, #tpu.memory_space<vmem>>, vector<16xf32>,
      %swap3A_618 = arith.index_cast %add3A_529 : i32 to index
      %swap3A_619 = arith.constant 96 : index
      %swap3A_620 = tpu.vector_load %arg17[%swap3A_618, %swap3A_619] {strides = array<i32>} : memref<128x128xf32, #tpu.memory_space<vmem>>, vector<16xf32>,
      tpu.vector_store %arg17[%swap3A_618, %swap3A_619], %parallel_loop3A_599#6 {strides = array<i32>} : memref<128x128xf32, #tpu.memory_space<vmem>>, vector<16xf32>,
      %swap3A_621 = arith.index_cast %add3A_529 : i32 to index
      %swap3A_622 = arith.constant 112 : index
      %swap3A_623 = tpu.vector_load %arg17[%swap3A_621, %swap3A_622] {strides = array<i32>} : memref<128x128xf32, #tpu.memory_space<vmem>>, vector<16xf32>,
      tpu.vector_store %arg17[%swap3A_621, %swap3A_622], %parallel_loop3A_599#7 {strides = array<i32>} : memref<128x128xf32, #tpu.memory_space<vmem>>, vector<16xf32>,
      %add3A_624 = arith.constant 4 : i32
      %add3A_625 = arith.addi %add3A_499, %add3A_624 : i32
      %lt3A_626 = arith.constant 128 : i32
      %lt3A_627 = arith.cmpi slt, %add3A_625, %lt3A_626 : i32
      %convert_element_type3A_628 = arith.extui %lt3A_627 : i1 to i32
      %cond3A_629 = arith.constant 0 : i32
      %cond3A_630 = arith.cmpi ne, %convert_element_type3A_628, %cond3A_629 : i32
      scf.if %cond3A_630 {
        %mul3A_631 = arith.constant 1 : i32
        %mul3A_632 = arith.muli %add3A_625, %mul3A_631 : i32
        %mul3A_633 = arith.constant 32 : i32
        %mul3A_634 = arith.muli %mul3A_632, %mul3A_633 : i32
        %mul3A_635 = arith.constant 1 : i32
        %mul3A_636 = arith.muli %add3A_625, %mul3A_635 : i32
        %mul3A_637 = arith.constant 64 : i32
        %mul3A_638 = arith.muli %mul3A_636, %mul3A_637 : i32
        %dma_start3A_639 = arith.constant 3 : i32
        %dma_start3A_640 = arith.constant 0 : i32
        %dma_start3A_641 = arith.constant 0 : i32
        %dma_start3A_642 = tpu.memref_slice %arg14[%dma_start3A_639, %dma_start3A_640, %dma_start3A_641] : memref<4x32x128xf32, #tpu.memory_space<vmem>> -> memref<1x32x128xf32, #tpu.memory_space<vmem>>
        %dma_start3A_643 = tpu.memref_squeeze %dma_start3A_642 : memref<1x32x128xf32, #tpu.memory_space<vmem>> -> memref<32x128xf32, #tpu.memory_space<vmem>>
        %dma_start3A_644 = tpu.memref_slice %arg11[%mul3A_634] : memref<4096xi32, #tpu.memory_space<vmem>> -> memref<32xi32, #tpu.memory_space<vmem>>
        %dma_start3A_645 = arith.constant 0 : i32
        %dma_start3A_646 = arith.constant 0 : i32
        %dma_start3A_647 = tpu.memref_slice %arg6[%dma_start3A_645, %dma_start3A_646] : memref<100000x128xf32, #tpu.memory_space<hbm>> -> memref<100000x128xf32, #tpu.memory_space<hbm>>
        tpu.enqueue_indirect_dma source(%dma_start3A_647 : memref<100000x128xf32, #tpu.memory_space<hbm>>) target(%dma_start3A_643 : memref<32x128xf32, #tpu.memory_space<vmem>>) offsets(%dma_start3A_644 : memref<32xi32, #tpu.memory_space<vmem>>) semaphore(%arg22 : memref<!tpu.dma_semaphore, #tpu.memory_space<semaphore_mem>>)
        %dma_start3A_648 = arith.constant 3 : i32
        %dma_start3A_649 = arith.constant 0 : i32
        %dma_start3A_650 = arith.constant 0 : i32
        %dma_start3A_651 = tpu.memref_slice %arg15[%dma_start3A_648, %dma_start3A_649, %dma_start3A_650] : memref<4x64x128xf32, #tpu.memory_space<vmem>> -> memref<1x64x128xf32, #tpu.memory_space<vmem>>
        %dma_start3A_652 = tpu.memref_squeeze %dma_start3A_651 : memref<1x64x128xf32, #tpu.memory_space<vmem>> -> memref<64x128xf32, #tpu.memory_space<vmem>>
        %dma_start3A_653 = tpu.memref_slice %arg12[%mul3A_638] : memref<8192xi32, #tpu.memory_space<vmem>> -> memref<64xi32, #tpu.memory_space<vmem>>
        %dma_start3A_654 = arith.constant 0 : i32
        %dma_start3A_655 = arith.constant 0 : i32
        %dma_start3A_656 = tpu.memref_slice %arg5[%dma_start3A_654, %dma_start3A_655] : memref<100000x128xf32, #tpu.memory_space<hbm>> -> memref<100000x128xf32, #tpu.memory_space<hbm>>
        tpu.enqueue_indirect_dma source(%dma_start3A_656 : memref<100000x128xf32, #tpu.memory_space<hbm>>) target(%dma_start3A_652 : memref<64x128xf32, #tpu.memory_space<vmem>>) offsets(%dma_start3A_653 : memref<64xi32, #tpu.memory_space<vmem>>) semaphore(%arg26 : memref<!tpu.dma_semaphore, #tpu.memory_space<semaphore_mem>>)
      } else {
      }
    }
    %scan3A_93 = arith.constant 32 : i32
    %dma_wait3A = arith.constant 0 : i32
    %dma_wait3A_94 = arith.constant 0 : i32
    %dma_wait3A_95 = tpu.memref_slice %arg5[%dma_wait3A, %dma_wait3A_94] : memref<100000x128xf32, #tpu.memory_space<hbm>> -> memref<100000x128xf32, #tpu.memory_space<hbm>>
    tpu.wait_indirect_dma semaphore(%arg18 : memref<!tpu.dma_semaphore, #tpu.memory_space<semaphore_mem>>) src(%dma_wait3A_95 : memref<100000x128xf32, #tpu.memory_space<hbm>>) dst(%arg13 : memref<128x128xf32, #tpu.memory_space<vmem>>)
    "tpu.region"() ({
      %run_scoped3A = tpu.sem_alloc : memref<!tpu.dma_semaphore, #tpu.memory_space<semaphore_mem>>
      %dma_start3A_96 = arith.constant 0 : i32
      %dma_start3A_97 = tpu.memref_slice %arg7[%mul3A_2, %dma_start3A_96] : memref<4096x128xf32, #tpu.memory_space<hbm>> -> memref<128x128xf32, #tpu.memory_space<hbm>>
      %dma_start3A_98 = arith.constant 0 : i32
      %dma_start3A_99 = tpu.memref_slice %arg7[%mul3A_2, %dma_start3A_98] : memref<4096x128xf32, #tpu.memory_space<hbm>> -> memref<128x128xf32, #tpu.memory_space<hbm>>
      tpu.enqueue_dma source(%arg13 : memref<128x128xf32, #tpu.memory_space<vmem>>) target(%dma_start3A_99 : memref<128x128xf32, #tpu.memory_space<hbm>>) target_semaphore(%run_scoped3A : memref<!tpu.dma_semaphore, #tpu.memory_space<semaphore_mem>>)
      %dma_wait3A_100 = arith.constant 0 : i32
      %dma_wait3A_101 = tpu.memref_slice %arg7[%mul3A_2, %dma_wait3A_100] : memref<4096x128xf32, #tpu.memory_space<hbm>> -> memref<128x128xf32, #tpu.memory_space<hbm>>
      %dma_wait3A_102 = arith.constant 0 : i32
      %dma_wait3A_103 = tpu.memref_slice %arg7[%mul3A_2, %dma_wait3A_102] : memref<4096x128xf32, #tpu.memory_space<hbm>> -> memref<128x128xf32, #tpu.memory_space<hbm>>
      tpu.wait_dma2 semaphore(%run_scoped3A : memref<!tpu.dma_semaphore, #tpu.memory_space<semaphore_mem>>) src(%arg13 : memref<128x128xf32, #tpu.memory_space<vmem>>) dst(%dma_wait3A_103 : memref<128x128xf32, #tpu.memory_space<hbm>>)
      tpu.yield
    }) : () -> ()
    "tpu.region"() ({
      %run_scoped3A = tpu.sem_alloc : memref<!tpu.dma_semaphore, #tpu.memory_space<semaphore_mem>>
      %dma_start3A_96 = arith.constant 0 : i32
      %dma_start3A_97 = tpu.memref_slice %arg8[%mul3A_2, %dma_start3A_96] : memref<4096x128xf32, #tpu.memory_space<hbm>> -> memref<128x128xf32, #tpu.memory_space<hbm>>
      %dma_start3A_98 = arith.constant 0 : i32
      %dma_start3A_99 = tpu.memref_slice %arg8[%mul3A_2, %dma_start3A_98] : memref<4096x128xf32, #tpu.memory_space<hbm>> -> memref<128x128xf32, #tpu.memory_space<hbm>>
      tpu.enqueue_dma source(%arg16 : memref<128x128xf32, #tpu.memory_space<vmem>>) target(%dma_start3A_99 : memref<128x128xf32, #tpu.memory_space<hbm>>) target_semaphore(%run_scoped3A : memref<!tpu.dma_semaphore, #tpu.memory_space<semaphore_mem>>)
      %dma_wait3A_100 = arith.constant 0 : i32
      %dma_wait3A_101 = tpu.memref_slice %arg8[%mul3A_2, %dma_wait3A_100] : memref<4096x128xf32, #tpu.memory_space<hbm>> -> memref<128x128xf32, #tpu.memory_space<hbm>>
      %dma_wait3A_102 = arith.constant 0 : i32
      %dma_wait3A_103 = tpu.memref_slice %arg8[%mul3A_2, %dma_wait3A_102] : memref<4096x128xf32, #tpu.memory_space<hbm>> -> memref<128x128xf32, #tpu.memory_space<hbm>>
      tpu.wait_dma2 semaphore(%run_scoped3A : memref<!tpu.dma_semaphore, #tpu.memory_space<semaphore_mem>>) src(%arg16 : memref<128x128xf32, #tpu.memory_space<vmem>>) dst(%dma_wait3A_103 : memref<128x128xf32, #tpu.memory_space<hbm>>)
      tpu.yield
    }) : () -> ()
    "tpu.region"() ({
      %run_scoped3A = tpu.sem_alloc : memref<!tpu.dma_semaphore, #tpu.memory_space<semaphore_mem>>
      %dma_start3A_96 = arith.constant 0 : i32
      %dma_start3A_97 = tpu.memref_slice %arg9[%mul3A_2, %dma_start3A_96] : memref<4096x128xf32, #tpu.memory_space<hbm>> -> memref<128x128xf32, #tpu.memory_space<hbm>>
      %dma_start3A_98 = arith.constant 0 : i32
      %dma_start3A_99 = tpu.memref_slice %arg9[%mul3A_2, %dma_start3A_98] : memref<4096x128xf32, #tpu.memory_space<hbm>> -> memref<128x128xf32, #tpu.memory_space<hbm>>
      tpu.enqueue_dma source(%arg17 : memref<128x128xf32, #tpu.memory_space<vmem>>) target(%dma_start3A_99 : memref<128x128xf32, #tpu.memory_space<hbm>>) target_semaphore(%run_scoped3A : memref<!tpu.dma_semaphore, #tpu.memory_space<semaphore_mem>>)
      %dma_wait3A_100 = arith.constant 0 : i32
      %dma_wait3A_101 = tpu.memref_slice %arg9[%mul3A_2, %dma_wait3A_100] : memref<4096x128xf32, #tpu.memory_space<hbm>> -> memref<128x128xf32, #tpu.memory_space<hbm>>
      %dma_wait3A_102 = arith.constant 0 : i32
      %dma_wait3A_103 = tpu.memref_slice %arg9[%mul3A_2, %dma_wait3A_102] : memref<4096x128xf32, #tpu.memory_space<hbm>> -> memref<128x128xf32, #tpu.memory_space<hbm>>
      tpu.wait_dma2 semaphore(%run_scoped3A : memref<!tpu.dma_semaphore, #tpu.memory_space<semaphore_mem>>) src(%arg17 : memref<128x128xf32, #tpu.memory_space<vmem>>) dst(%dma_wait3A_103 : memref<128x128xf32, #tpu.memory_space<hbm>>)
      tpu.yield
    }) : () -> ()
    return
  }
}

module attributes {stable_mosaic.version = 14 : i64} {
  func.func @_tc_body(%arg0: i32, %arg1: memref<512x128xf32, #tpu.memory_space<vmem>>, %arg2: memref<512x128xf32, #tpu.memory_space<vmem>>, %arg3: memref<512x128xf32, #tpu.memory_space<vmem>>, %arg4: memref<128x128xf32, #tpu.memory_space<vmem>>, %arg5: memref<128x128xf32, #tpu.memory_space<vmem>>, %arg6: memref<128x128xf32, #tpu.memory_space<vmem>>, %arg7: memref<512x128xf32, #tpu.memory_space<vmem>>) attributes {dimension_semantics = [#tpu.dimension_semantics<arbitrary>], iteration_bounds = array<i64: 8>, scalar_prefetch = 0 : i64, scratch_operands = 0 : i64, tpu.core_type = #tpu.core_type<tc>, window_params = [{transform_indices = @transform_0, window_bounds = array<i64: 512, 128>}, {transform_indices = @transform_1, window_bounds = array<i64: 512, 128>}, {transform_indices = @transform_2, window_bounds = array<i64: 512, 128>}, {pipeline_mode = #tpu.pipeline_mode<synchronous>, transform_indices = @transform_3, window_bounds = array<i64: 128, 128>}, {pipeline_mode = #tpu.pipeline_mode<synchronous>, transform_indices = @transform_4, window_bounds = array<i64: 128, 128>}, {pipeline_mode = #tpu.pipeline_mode<synchronous>, transform_indices = @transform_5, window_bounds = array<i64: 128, 128>}, {transform_indices = @transform_6, window_bounds = array<i64: 512, 128>}]} {
    %get3A = arith.constant 0 : index
    %get3A_0 = arith.constant 0 : index
    %get3A_1 = vector.load %arg1[%get3A, %get3A_0] : memref<512x128xf32, #tpu.memory_space<vmem>>, vector<512x128xf32>
    %reduce_max3A = arith.constant dense<0xFF800000> : vector<512xf32>
    %reduce_max3A_2 = vector.multi_reduction <maximumf>, %get3A_1, %reduce_max3A [1] : vector<512x128xf32> to vector<512xf32>
    %broadcast_in_dim3A = vector.shape_cast %reduce_max3A_2 : vector<512xf32> to vector<512x1xf32>
    %sub3A = vector.broadcast %broadcast_in_dim3A : vector<512x1xf32> to vector<512x128xf32>
    %sub3A_3 = arith.subf %get3A_1, %sub3A : vector<512x128xf32>
    %exp3A = math.exp %sub3A_3 : vector<512x128xf32>
    %reduce_sum3A = arith.constant dense<0.000000e+00> : vector<512xf32>
    %reduce_sum3A_4 = vector.multi_reduction <add>, %exp3A, %reduce_sum3A [1] : vector<512x128xf32> to vector<512xf32>
    %broadcast_in_dim3A_5 = vector.shape_cast %reduce_sum3A_4 : vector<512xf32> to vector<512x1xf32>
    %div3A = vector.broadcast %broadcast_in_dim3A_5 : vector<512x1xf32> to vector<512x128xf32>
    %div3A_6 = arith.divf %exp3A, %div3A : vector<512x128xf32>
    %get3A_7 = arith.constant 0 : index
    %get3A_8 = arith.constant 0 : index
    %get3A_9 = vector.load %arg4[%get3A_7, %get3A_8] : memref<128x128xf32, #tpu.memory_space<vmem>>, vector<128x128xf32>
    %dot_general3A = arith.constant dense<0.000000e+00> : vector<512x128xf32>
    %dot_general3A_10 = tpu.matmul %div3A_6, %get3A_9, %dot_general3A {dimension_numbers = #tpu.dot_dimension_numbers<[1], [0], [0], [1], [0, 0, 1, 1], [], []>, transpose_lhs_hint = false} : vector<512x128xf32>, vector<128x128xf32>, vector<512x128xf32> -> vector<512x128xf32>
    %get3A_11 = arith.constant 0 : index
    %get3A_12 = arith.constant 0 : index
    %get3A_13 = vector.load %arg2[%get3A_11, %get3A_12] : memref<512x128xf32, #tpu.memory_space<vmem>>, vector<512x128xf32>
    %get3A_14 = arith.constant 0 : index
    %get3A_15 = arith.constant 0 : index
    %get3A_16 = vector.load %arg5[%get3A_14, %get3A_15] : memref<128x128xf32, #tpu.memory_space<vmem>>, vector<128x128xf32>
    %dot_general3A_17 = arith.constant dense<0.000000e+00> : vector<512x128xf32>
    %dot_general3A_18 = tpu.matmul %get3A_13, %get3A_16, %dot_general3A_17 {dimension_numbers = #tpu.dot_dimension_numbers<[1], [0], [0], [1], [0, 0, 1, 1], [], []>, transpose_lhs_hint = false} : vector<512x128xf32>, vector<128x128xf32>, vector<512x128xf32> -> vector<512x128xf32>
    %add3A = arith.addf %dot_general3A_10, %dot_general3A_18 : vector<512x128xf32>
    %get3A_19 = arith.constant 0 : index
    %get3A_20 = arith.constant 0 : index
    %get3A_21 = vector.load %arg3[%get3A_19, %get3A_20] : memref<512x128xf32, #tpu.memory_space<vmem>>, vector<512x128xf32>
    %get3A_22 = arith.constant 0 : index
    %get3A_23 = arith.constant 0 : index
    %get3A_24 = vector.load %arg6[%get3A_22, %get3A_23] : memref<128x128xf32, #tpu.memory_space<vmem>>, vector<128x128xf32>
    %dot_general3A_25 = arith.constant dense<0.000000e+00> : vector<512x128xf32>
    %dot_general3A_26 = tpu.matmul %get3A_21, %get3A_24, %dot_general3A_25 {dimension_numbers = #tpu.dot_dimension_numbers<[1], [0], [0], [1], [0, 0, 1, 1], [], []>, transpose_lhs_hint = false} : vector<512x128xf32>, vector<128x128xf32>, vector<512x128xf32> -> vector<512x128xf32>
    %add3A_27 = arith.addf %add3A, %dot_general3A_26 : vector<512x128xf32>
    %reduce_max3A_28 = arith.constant dense<0xFF800000> : vector<512xf32>
    %reduce_max3A_29 = vector.multi_reduction <maximumf>, %add3A_27, %reduce_max3A_28 [1] : vector<512x128xf32> to vector<512xf32>
    %broadcast_in_dim3A_30 = vector.shape_cast %reduce_max3A_29 : vector<512xf32> to vector<512x1xf32>
    %sub3A_31 = vector.broadcast %broadcast_in_dim3A_30 : vector<512x1xf32> to vector<512x128xf32>
    %sub3A_32 = arith.subf %add3A_27, %sub3A_31 : vector<512x128xf32>
    %exp3A_33 = math.exp %sub3A_32 : vector<512x128xf32>
    %reduce_sum3A_34 = arith.constant dense<0.000000e+00> : vector<512xf32>
    %reduce_sum3A_35 = vector.multi_reduction <add>, %exp3A_33, %reduce_sum3A_34 [1] : vector<512x128xf32> to vector<512xf32>
    %broadcast_in_dim3A_36 = vector.shape_cast %reduce_sum3A_35 : vector<512xf32> to vector<512x1xf32>
    %div3A_37 = vector.broadcast %broadcast_in_dim3A_36 : vector<512x1xf32> to vector<512x128xf32>
    %div3A_38 = arith.divf %exp3A_33, %div3A_37 : vector<512x128xf32>
    %swap3A = arith.constant 0 : index
    %swap3A_39 = arith.constant 0 : index
    %swap3A_40 = vector.load %arg7[%swap3A, %swap3A_39] : memref<512x128xf32, #tpu.memory_space<vmem>>, vector<512x128xf32>
    tpu.vector_store %arg7[%swap3A, %swap3A_39], %div3A_38 {strides = array<i32>} : memref<512x128xf32, #tpu.memory_space<vmem>>, vector<512x128xf32>,
    return
  }
  func.func @transform_0(%arg0: i32) -> (i32, i32) {
    %c0_i32 = arith.constant 0 : i32
    %c0_i32_0 = arith.constant 0 : i32
    return %arg0, %c0_i32 : i32, i32
  }
  func.func @transform_1(%arg0: i32) -> (i32, i32) {
    %c0_i32 = arith.constant 0 : i32
    %c0_i32_0 = arith.constant 0 : i32
    return %arg0, %c0_i32 : i32, i32
  }
  func.func @transform_2(%arg0: i32) -> (i32, i32) {
    %c0_i32 = arith.constant 0 : i32
    %c0_i32_0 = arith.constant 0 : i32
    return %arg0, %c0_i32 : i32, i32
  }
  func.func @transform_3(%arg0: i32) -> (i32, i32) {
    %c0_i32 = arith.constant 0 : i32
    %c0_i32_0 = arith.constant 0 : i32
    %c0_i32_1 = arith.constant 0 : i32
    return %c0_i32, %c0_i32_0 : i32, i32
  }
  func.func @transform_4(%arg0: i32) -> (i32, i32) {
    %c0_i32 = arith.constant 0 : i32
    %c0_i32_0 = arith.constant 0 : i32
    %c0_i32_1 = arith.constant 0 : i32
    return %c0_i32, %c0_i32_0 : i32, i32
  }
  func.func @transform_5(%arg0: i32) -> (i32, i32) {
    %c0_i32 = arith.constant 0 : i32
    %c0_i32_0 = arith.constant 0 : i32
    %c0_i32_1 = arith.constant 0 : i32
    return %c0_i32, %c0_i32_0 : i32, i32
  }
  func.func @transform_6(%arg0: i32) -> (i32, i32) {
    %c0_i32 = arith.constant 0 : i32
    %c0_i32_0 = arith.constant 0 : i32
    return %arg0, %c0_i32 : i32, i32
  }
}

</mosaic_0001>

<sc_bundles>
// kernel: kernel.4.cloned.1.call-start
scs
__scs_entry_jumppad:
0x0: {  	(pc) =	sbr.rel $0x88, $3  }
0x1: {  	(tag) =	ssettag $0x0;
	lr =	simm.s32 $0x1  }
0x2: {  	[smem:$0x3F99] =	sst lr;
	_ =	strace $0xD0000000  }
0x3: {  	_ = 	snop  }
0x4: {  	_ = 	snop  }
0x5: {  	_ = 	snop  }
0x6: {  	_ = 	snop  }
0x7: {  	_ = 	snop  }
__scs_overlays_trampoline_lowered:
0x8: {  	[smem:$0x3FA8] =	sst s0  }
0x9: {  	[smem:$0x3FA9] =	sst s1  }
0xa: {  	[smem:$0x3FAA] =	sst s2  }
0xb: {  	[smem:$0x3FAB] =	sst s3  }
0xc: {  	[smem:$0x3FAC] =	sst s4  }
0xd: {  	[smem:$0x3FAD] =	sst s5  }
0xe: {  	[smem:$0x3FAE] =	sst s6  }
0xf: {  	[smem:$0x3FAF] =	sst s7  }
0x10: {  	[smem:$0x3FB0] =	sst s8  }
0x11: {  	[smem:$0x3FB1] =	sst s9;
	s0 =	simm.s32 @!p0 $0x0  }
0x12: {  	s1 =	sld [smem:$0x3F97];
	s0 =	simm.s32 @p0 $0x1  }
0x13: {  	[smem:$0x3FB2] =	sst s0;
	s0 =	simm.s32 @!p1 $0x0  }
0x14: {  	s2 =	sld [smem:$0x3F96];
	s0 =	simm.s32 @p1 $0x1  }
0x15: {  	[smem:$0x3FB3] =	sst s0;
	s0 =	simm.s32 @!p2 $0x0  }
0x16: {  	s3 =	sld [smem:$0x3FDB];
	s0 =	simm.s32 @p2 $0x1  }
0x17: {  	s4 =	simm.s32 $0x1BF5;
	[smem:$0x3FB5] =	sst s0  }
0x18: {  	s0 =	sld [smem:$0x3F98];
	_ =	swait.ge [sflag:s4], $0x0  }
0x19: {  	s7 =	sld [smem:$0x3F99]  }
0x1a: {  	s8 =	sadd.s32 $0xFFFFE003, lr  }
0x1b: {  	s9 =	sadd.s32 $0xFFFFFEF7, lr;
	s5 =	simm.s32 $0xFFFFFFFF;
	p2 =	slt.u32 s8, $0xFFFFF086  }
0x1c: {  	p1 =	slt.u32 s9, $0xF7A;
	s5 =	simm.s32 @!p2 $0x0  }
0x1d: {  	s5 =	simm.s32 @p1 $0x1;
	p0 =	seq.s32 s7, s2  }
0x1e: {  	s7 =	smul.u32 @!p0 $0xF7A, s2;
	p2 =	seq.s32 @!p0 s5, $0x0  }
0x1f: {  	s9 =	smul.u32 $0xF7A, s1;
	s8 =	simm.s32 @!p0 $0x1BF5;
	p2 =	por !p2, p0  }
0x20: {  	[sflag:s8] =	ssyncset.s32 @!p0 $0xFFFFF086;
	s6 =	sadd.s32 @!p0 s3, s7;
	s7 =	simm.s32 @!p0 $0x108  }
0x21: {  	s3 =	sadd.s32 s3, s9;
	s6 =	sadd.s32 @!p0 $0x88, s6;
	s7 =	simm.s32 @p2 $0x1082  }
0x22: {  	[simem:s7], [sflag:s8] =	dma.local @!p0 [hbm:s6], $0xF7A  }
0x23: {  	s9 =	sor.u32 $0xD0000000, s2;
	s6 =	simm.s32 $0x108;
	_ =	swait.ge @!p0 [sflag:s8], $0x0  }
0x24: {  	s3 =	sadd.s32 $0x88, s3;
	s6 =	simm.s32 @!p1 $0x1082;
	[sflag:s4] =	ssyncset.s32 $0xFFFFF086  }
0x25: {  	[simem:s6], [sflag:s4] =	dma.local [hbm:s3], $0xF7A  }
0x26: {  	[smem:$0x3F99] =	sst s1;
	(tag) =	ssettag s2;
	_ =	strace s9  }
0x27: {  	s1 =	sld [smem:$0x3FA9]  }
0x28: {  	s2 =	sld [smem:$0x3FAA]  }
0x29: {  	s4 =	sld [smem:$0x3FAC]  }
0x2a: {  	p0 =	seq.s32 s5, $0x0;
	s5 =	sld [smem:$0x3FAD]  }
0x2b: {  	s6 =	sld [smem:$0x3FAE]  }
0x2c: {  	s7 =	sld [smem:$0x3FAF]  }
0x2d: {  	s3 =	simm.s32 $0x108;
	s8 =	sld [smem:$0x3FB0]  }
0x2e: {  	s3 =	simm.s32 @!p0 $0x1082;
	s9 =	sld [smem:$0x3FB1]  }
0x2f: {  	lr =	sadd.s32 s0, s3;
	s0 =	sld [smem:$0x3FA8]  }
0x30: {  	s3 =	sld [smem:$0x3FAB]  }
0x31: {  	[smem:$0x3FB4] =	sst s10  }
0x32: {  	s10 =	sld [smem:$0x3FB2];
	_ =	sdelay $0x3  }
0x33: {  	p0 =	seq.s32 s10, $0x1;
	s10 =	sld [smem:$0x3FB4];
	_ =	sdelay $0x3  }
0x34: {  	[smem:$0x3FB4] =	sst s10  }
0x35: {  	s10 =	sld [smem:$0x3FB3];
	_ =	sdelay $0x3  }
0x36: {  	p1 =	seq.s32 s10, $0x1;
	s10 =	sld [smem:$0x3FB4];
	_ =	sdelay $0x3  }
0x37: {  	[smem:$0x3FB4] =	sst s10  }
0x38: {  	s10 =	sld [smem:$0x3FB5]  }
0x39: {  	_ = 	snop;
	(pc) =	sbr.ind lr, $3  }
0x3a: {  	_ = 	snop  }
0x3b: {  	_ = 	snop  }
0x3c: {  	p2 =	seq.s32 s10, $0x1;
	s10 =	sld [smem:$0x3FB4]  }
0x3d: {  	_ =	shalt  }
0x3e: {  	_ =	shalt  }
0x3f: {  	_ =	shalt  }
0x40: {  	_ =	shalt  }
0x41: {  	_ =	shalt  }
0x42: {  	_ =	shalt  }
0x43: {  	_ =	shalt  }
0x44: {  	_ =	shalt  }
0x45: {  	_ =	shalt  }
0x46: {  	_ =	shalt  }
0x47: {  	_ =	shalt  }
0x48: {  	_ =	shalt  }
0x49: {  	_ =	shalt  }
0x4a: {  	_ =	shalt  }
0x4b: {  	_ =	shalt  }
0x4c: {  	_ =	shalt  }
0x4d: {  	_ =	shalt  }
0x4e: {  	_ =	shalt  }
0x4f: {  	_ =	shalt  }
0x50: {  	_ =	shalt  }
0x51: {  	_ =	shalt  }
0x52: {  	_ =	shalt  }
0x53: {  	_ =	shalt  }
0x54: {  	_ =	shalt  }
0x55: {  	_ =	shalt  }
0x56: {  	_ =	shalt  }
0x57: {  	_ =	shalt  }
0x58: {  	_ =	shalt  }
0x59: {  	_ =	shalt  }
0x5a: {  	_ =	shalt  }
0x5b: {  	_ =	shalt  }
0x5c: {  	_ =	shalt  }
0x5d: {  	_ =	shalt  }
0x5e: {  	_ =	shalt  }
0x5f: {  	_ =	shalt  }
0x60: {  	_ =	shalt  }
0x61: {  	_ =	shalt  }
0x62: {  	_ =	shalt  }
0x63: {  	_ =	shalt  }
0x64: {  	_ =	shalt  }
0x65: {  	_ =	shalt  }
0x66: {  	_ =	shalt  }
0x67: {  	_ =	shalt  }
0x68: {  	_ =	shalt  }
0x69: {  	_ =	shalt  }
0x6a: {  	_ =	shalt  }
0x6b: {  	_ =	shalt  }
0x6c: {  	_ =	shalt  }
0x6d: {  	_ =	shalt  }
0x6e: {  	_ =	shalt  }
0x6f: {  	_ =	shalt  }
0x70: {  	_ =	shalt  }
0x71: {  	_ =	shalt  }
0x72: {  	_ =	shalt  }
0x73: {  	_ =	shalt  }
0x74: {  	_ =	shalt  }
0x75: {  	_ =	shalt  }
0x76: {  	_ =	shalt  }
0x77: {  	_ =	shalt  }
0x78: {  	_ =	shalt  }
0x79: {  	_ =	shalt  }
0x7a: {  	_ =	shalt  }
0x7b: {  	_ =	shalt  }
0x7c: {  	_ =	shalt  }
0x7d: {  	_ =	shalt  }
0x7e: {  	_ =	shalt  }
0x7f: {  	_ =	shalt  }
0x80: {  	_ =	shalt  }
0x81: {  	_ =	shalt  }
0x82: {  	_ =	shalt  }
0x83: {  	_ =	shalt  }
0x84: {  	_ =	shalt  }
0x85: {  	_ =	shalt  }
0x86: {  	_ =	shalt  }
0x87: {  	_ =	shalt  }
.Lfunc_end0:
.L_simem_size_0:
called_computation_lowered:
.L_overlay_start_0:
0x88: {  	s2 =	sld [smem:$0x3FD9]  }
0x89: {  	s3 =	sld [smem:$0x3FFE];
	_ =	sdelay $0x1  }
0x8a: {  	s1 =	srdreg.scid  }
0x8b: {  	s0 =	sand.u32 $0x1, s1  }
0x8c: {  	s17 =	sshll.u32 s0, $0xA;
	s2 =	sadd.s32 s3, s2  }
0x8d: {  	s2 =	sadd.s32 s2, s17  }
0x8e: {  	[smem:$0x3FC0] =	sst s2  }
0x8f: {  	_ = 	snop  }
0x90: {  	s2 =	sld [smem:$0x3FC9]  }
0x91: {  	s18 =	sld [smem:$0x3FC6]  }
0x92: {  	s4 =	sld [smem:$0x3FC5]  }
0x93: {  	s5 =	sld [smem:$0x3FD0];
	(tm) =	ssettm $0x1  }
0x94: {  	s6 =	sld [smem:$0x3FFB];
	_ =	sdelay $0x3  }
0x95: {  	_ =	strace s6  }
0x96: {  	s6 =	sld [smem:$0x3FFC];
	_ =	sdelay $0x3  }
0x97: {  	_ =	strace s6  }
0x98: {  	s6 =	sld [smem:$0x3FFD];
	_ =	sdelay $0x3  }
0x99: {  	_ =	strace s6  }
0x9a: {  	_ =	strace $0x8FFFFFFF  }
0x9b: {  	s19 =	sld [smem:$0x3FDB];
	_ =	sdelay $0x1  }
0x9c: {  	s7 =	simm.s32 $_scs_section_size  }
0x9d: {  	s8 =	simm.s32 $_size__tile_overlayer_lowered;
	s9 =	simm.s32 $_tile_overlayer_lowered  }
0x9e: {  	s22 =	simm.s32 $0x1BFF;
	s21 =	sshll.u32 s9, $0x1;
	s6 =	sadd.s32 s7, s19  }
0x9f: {  	s10 =	simm.s32 $0x0;
	s20 =	sshll.u32 s8, $0x1;
	s8 =	sadd.s32 s21, s6  }
0xa0: {  	[timem:s10], [sflag:s22] =	dma.local [hbm:s8], s20  }
0xa1: {  	_ =	swait.ge [sflag:s22], s20  }
0xa2: {  	s7 =	ssub.s32 $0x0, s20;
	[sflag:s22] =	ssyncset.done $0x0  }
0xa3: {  	[sflag:s22] =	ssyncadd.s32 s7;
	_ =	sdelay $0x1  }
0xa4: {  	s23 =	simm.s32 $0x1B8B  }
0xa5: {  	_ =	swait.ge [sflag:s23], $0x1  }
0xa6: {  	[sflag:s23] =	ssyncset.done $0x0  }
0xa7: {  	s25 =	simm.s32 $0x1B8E;
	s24 =	sld [smem:$0x3FFE];
	[sflag:s23] =	ssyncadd.s32 $0xFFFFFFFF  }
0xa8: {  	s26 =	simm.s32 $execute0_lowered;
	[smem:$0x3FD2] =	sst s25  }
0xa9: {  	s8 =	sshll.u32 s26, $0x1;
	_ =	strace $0x80000046;
	[dreg:$0x1] =	wrdreg $0xFFFFFFFF  }
0xaa: {  	s28 =	simm.s32 $_size_execute0_lowered;
	s6 =	sadd.s32 s6, s8;
	[dreg:$0x0] =	wrdreg $0x0  }
0xab: {  	s8 =	sshll.u32 s28, $0x1;
	[dreg:$0x2] =	wrdreg s6  }
0xac: {  	[dreg:$0x3] =	wrdreg s8  }
0xad: {  	[dreg:$0x4] =	wrdreg $0xC0  }
0xae: {  	_ =	task [dreg:s10], $0x5FFFF  }
0xaf: {  	[dreg:$0x1] =	wrdreg $0xFFFFFFFF  }
0xb0: {  	[dreg:$0x0] =	wrdreg $0x60  }
0xb1: {  	[dreg:$0x2] =	wrdreg s2  }
0xb2: {  	[dreg:$0x3] =	wrdreg s24  }
0xb3: {  	[dreg:$0x4] =	wrdreg s18  }
0xb4: {  	[dreg:$0x5] =	wrdreg s4  }
0xb5: {  	[dreg:$0x6] =	wrdreg s5  }
0xb6: {  	[dreg:$0x7] =	wrdreg $0x9  }
0xb7: {  	_ =	task.clear_ibuf [dreg:s10], $0x8FFFF;
	_ =	strace $0x90000046  }
0xb8: {  	s29 =	simm.s32 $0x9;
	_ =	strace $0x80000048  }
0xb9: {  	_ =	swait.ge [sflag:s29], $0x1  }
0xba: {  	[sflag:s29] =	ssyncadd.s32 $0xFFFFFFFF  }
0xbb: {  	_ =	strace $0x90000048  }
0xbc: {  	_ =	sfence  }
0xbd: {  	s30 =	sld [smem:$0x0];
	_ =	sdelay $0x2  }
0xbe: {  	s31 =	sshll.u32 s1, $0xD;
	s1 =	sshrl.u32 s1, $0x2  }
0xbf: {  	s3 =	sand.u32 $0x4000, s31;
	s1 =	sadd.s32 s1, s30  }
0xc0: {  	s0 =	sor.u32 s3, s0;
	s1 =	sshll.u32 s1, $0x11  }
0xc1: {  	s0 =	sor.u32 s1, s0  }
0xc2: {  	s0 =	sadd.s32 $0x8F2B, s0  }
0xc3: {  	[sflag:s0] =	ssyncadd.remote.s32 $0x1  }
0xc4: {  	_ =	sfence.sel $0xFFFF  }
0xc5: {  	[dreg:$0x0] =	wrdreg $0xFFFFFFFF;
	(pc) =	sbr.abs _section_cstart, $3  }
0xc6: {  	[dreg:$0x1] =	wrdreg $0xFFFFFFFF  }
0xc7: {  	_ =	task.clear_ibuf [dreg:s10], $0x2FFFF;
	_ =	strace $0x9FFFFFFF  }
0xc8: {  	(tm) =	ssettm $0x7FFFFFFF  }
0xc9: {  	_ =	shalt  }
tec
execute0_lowered:
.L_overlay_start_1:
0x0: {  	(tag) =	ssettag $0x1  }
0x1: {  	s0 =	rddreg [dreg:$0x0]  }
0x2: {  	s2 =	rddreg [dreg:$0x1]  }
0x3: {  	s1 =	rddreg [dreg:$0x2]  }
0x4: {  	s3 =	rddreg [dreg:$0x3]  }
0x5: {  	s5 =	rddreg [dreg:$0x4];
	s6 =	srdreg.scid  }
0x6: {  	s7 =	stileid.u32;
	s4 =	simm.s32 $0x0;
	s12 =	simm.s32 $0xA  }
0x7: {  	s16 =	simm.s32 $0x20;
	s18 =	simm.s32 $0x40;
	s30 =	simm.s32 $0xA080  }
0x8: {  	s17 =	simm.s32 $0x6;
	s19 =	simm.s32 $0x3;
	s20 =	simm.s32 $0x7  }
0x9: {  	s21 =	simm.s32 $0x4;
	s22 =	simm.s32 $0x8;
	s29 =	simm.s32 $0x0  }
0xa: {  	s6 =	sand.u32 $0x1, s6;
	s7 =	sshll.u32 s7, $0x1;
	[smem:$0x7FF] =	sst s4  }
0xb: {  	s7 =	sor.u32 s6, s7;
	_ =	strace $0x80000047;
	s6 =	ssub.s32 $0x2, s6  }
0xc: {  	s8 =	sshll.u32 s7, $0x9;
	s9 =	sshll.u32 s7, $0xA;
	s10 =	sshll.u32 s7, $0xB  }
0xd: {  	s11 =	sshrl.u32 s6, $0x1;
	s7 =	sshll.u32 s7, $0x4;
	s8 =	sadd.s32 s8, s2  }
0xe: {  	s9 =	sadd.s32 s9, s2;
	s2 =	sadd.s32 s10, s2;
	s0 =	sadd.s32 s0, s7  }
0xf: {  	s6 =	ssub.s32 s6, s11;
	s25 =	sadd.s32 s5, s10;
	[dreg:$0x6] =	wrdreg s0  }
0x10: {  	s23 =	sadd.s32 $0x1600, s8;
	s24 =	sadd.s32 $0x5600, s9;
	[dreg:$0x9] =	wrdreg s25  }
.Ltmp0:
0x11: {  	s26 =	sadd.s32 $0xD600, s2;
	[dreg:$0x7] =	wrdreg s23;
	(pc) =	sbr.rel .LBB2_1-.Ltmp0, $4  }
0x12: {  	s28 =	sadd.s32 $0x1D600, s2;
	s31 =	smax.u32 s6, $0x1;
	[dreg:$0x8] =	wrdreg s24  }
0x13: {  	s8 =	simm.s32 $0x3080;
	s0 =	simm.s32 $0x11080;
	[dreg:$0xa] =	wrdreg s26  }
0x14: {  	s2 =	simm.s32 $0x2;
	s25 =	simm.s32 $0x1;
	[dreg:$0xb] =	wrdreg s28  }
0x15: {  	[dreg:$0xc] =	wrdreg s31;
	s23 =	simm.s32 $0x5;
	s24 =	simm.s32 $0x9  }
.LBB2_20:
0x16: {  	_ =	swait.ge [sflag:s25], $0x4000  }
0x17: {  	[sflag:s25] =	ssyncset.done $0x0  }
0x18: {  	s8 =	simm.s32 $0x3080;
	s5 =	rddreg [dreg:$0x9];
	[sflag:s25] =	ssyncadd.s32 $0xFFFFC000  }
0x19: {  	[hbm4b:s5+s4] =	stream.linear.scatter [tilespmem:s8], [sflag:$0xA], $0x4000, $0x38;
	[tilespmem:$0x1B080] =	vst v63  }
0x1a: {  	_ =	swait.ge [sflag:s12], $0x4000  }
0x1b: {  	[sflag:s12] =	ssyncset.done $0x0  }
0x1c: {  	s6 =	simm.s32 $0x13080;
	s15 =	rddreg [dreg:$0xa];
	[sflag:s12] =	ssyncadd.s32 $0xFFFFC000  }
0x1d: {  	[hbm4b:s15+s4] =	stream.linear.scatter [tilespmem:s6], [sflag:$0xA], $0x4000, $0x38;
	[tilespmem:$0x1B080] =	vst v63  }
0x1e: {  	_ =	swait.ge [sflag:s12], $0x4000  }
0x1f: {  	[sflag:s12] =	ssyncset.done $0x0  }
0x20: {  	s28 =	simm.s32 $0x17080;
	s26 =	rddreg [dreg:$0xb];
	[sflag:s12] =	ssyncadd.s32 $0xFFFFC000  }
0x21: {  	[hbm4b:s26+s4] =	stream.linear.scatter [tilespmem:s28], [sflag:$0xA], $0x4000, $0x38;
	[tilespmem:$0x1B080] =	vst v63  }
0x22: {  	_ =	swait.ge [sflag:s12], $0x4000  }
0x23: {  	s29 =	sadd.s32 $0x1, s29;
	s31 =	rddreg [dreg:$0xc]  }
0x24: {  	p0 =	sne.s32 s29, s31  }
.Ltmp1:
0x25: {  	_ = 	snop;
	(pc) =	sbr.rel @!p0 .LBB2_21-.Ltmp1, $3  }
0x26: {  	_ =	sdelay $0x1  }
0x27: {  	[sflag:s12] =	ssyncset.done $0x0  }
0x28: {  	[sflag:s12] =	ssyncadd.s32 $0xFFFFC000  }
.LBB2_1:
0x29: {  	s5 =	rddreg [dreg:$0x6]  }
0x2a: {  	[tilespmem:s4], [sflag:$0xA] =	stream.linear.gather [hbm4b:s5+s4], $0x80, $0x38;
	[tilespmem:$0x1B080] =	vst v63  }
0x2b: {  	_ =	swait.ge [sflag:s12], $0x80  }
0x2c: {  	[sflag:s12] =	ssyncset.done $0x0  }
0x2d: {  	s6 =	simm.s32 $0x80;
	s15 =	rddreg [dreg:$0x7];
	[sflag:s12] =	ssyncadd.s32 $0xFFFFFF80  }
0x2e: {  	[tilespmem:s6], [sflag:$0xA] =	stream.linear.gather [hbm4b:s15+s4], $0x1000, $0x38;
	[tilespmem:$0x1B080] =	vst v63  }
0x2f: {  	_ =	swait.ge [sflag:s12], $0x1000  }
0x30: {  	[sflag:s12] =	ssyncset.done $0x0  }
0x31: {  	s7 =	simm.s32 $0x1080;
	s26 =	rddreg [dreg:$0x8];
	[sflag:s12] =	ssyncadd.s32 $0xFFFFF000  }
0x32: {  	[tilespmem:s7], [sflag:$0xA] =	stream.linear.gather [hbm4b:s26+s4], $0x2000, $0x38;
	[tilespmem:$0x1B080] =	vst v63  }
0x33: {  	_ =	swait.ge [sflag:s12], $0x2000  }
0x34: {  	[sflag:s12] =	ssyncset.done $0x0  }
0x35: {  	[sflag:s12] =	ssyncadd.s32 $0xFFFFE000  }
0x36: {  	[tilespmem:s8], [sflag:$0x1] =	stream.indirect.gather [hbm4b:s1+s6], $0x80, s4, s6, $0xb8;
	[tilespmem:$0x1B080] =	vst v63  }
0x37: {  	s28 =	simm.s32 $0x7080  }
0x38: {  	[tilespmem:s28], [sflag:$0x2] =	stream.indirect.gather [hbm4b:s3+s16], $0x80, s6, s16, $0xb8;
	[tilespmem:$0x1B080] =	vst v63  }
0x39: {  	s6 =	simm.s32 $0xB080  }
0x3a: {  	[tilespmem:s6], [sflag:$0x6] =	stream.indirect.gather [hbm4b:s1+s18], $0x80, s7, s18, $0xb8;
	[tilespmem:$0x1B080] =	vst v63  }
0x3b: {  	s8 =	simm.s32 $0x8080;
	s7 =	simm.s32 $0xA0  }
0x3c: {  	[tilespmem:s8], [sflag:$0x3] =	stream.indirect.gather [hbm4b:s3+s16], $0x80, s7, s16, $0xb8;
	[tilespmem:$0x1B080] =	vst v63  }
0x3d: {  	s9 =	simm.s32 $0x10C0;
	s10 =	simm.s32 $0xD080  }
0x3e: {  	[tilespmem:s10], [sflag:$0x7] =	stream.indirect.gather [hbm4b:s1+s18], $0x80, s9, s18, $0xb8;
	[tilespmem:$0x1B080] =	vst v63  }
0x3f: {  	s11 =	simm.s32 $0xC0;
	s13 =	simm.s32 $0x9080  }
0x40: {  	[tilespmem:s13], [sflag:$0x4] =	stream.indirect.gather [hbm4b:s3+s16], $0x80, s11, s16, $0xb8;
	[tilespmem:$0x1B080] =	vst v63  }
0x41: {  	s14 =	simm.s32 $0x1100;
	s15 =	simm.s32 $0xF080  }
0x42: {  	[tilespmem:s15], [sflag:$0x8] =	stream.indirect.gather [hbm4b:s1+s18], $0x80, s14, s18, $0xb8;
	[tilespmem:$0x1B080] =	vst v63  }
0x43: {  	s26 =	simm.s32 $0xE0  }
0x44: {  	[tilespmem:s30], [sflag:$0x5] =	stream.indirect.gather [hbm4b:s3+s16], $0x80, s26, s16, $0xb8;
	[tilespmem:$0x1B080] =	vst v63  }
0x45: {  	s31 =	simm.s32 $0x0;
	s28 =	simm.s32 $0x1140  }
0x46: {  	[tilespmem:s0], [sflag:$0x9] =	stream.indirect.gather [hbm4b:s1+s18], $0x80, s28, s18, $0xb8;
	[tilespmem:$0x1B080] =	vst v63  }
.LBB2_2:
0x47: {  	_ =	swait.ge [sflag:s2], $0x1000  }
0x48: {  	[sflag:s2] =	ssyncset.done $0x0  }
0x49: {  	[sflag:s2] =	ssyncadd.s32 $0xFFFFF000  }
0x4a: {  	_ =	swait.ge [sflag:s17], $0x2000  }
0x4b: {  	[sflag:s17] =	ssyncset.done $0x0  }
0x4c: {  	s5 =	simm.s32 $0x0;
	[sflag:s17] =	ssyncadd.s32 $0xFFFFE000  }
0x4d: {  	v0 =	vld [tilespmem:s5+$0x7080]  }
0x4e: {  	v1 =	vld [tilespmem:s5+$0x7090];
	_ =	sdelay $0x1  }
0x4f: {  	v2 =	vld [tilespmem:s5+$0x70A0];
	_ =	sdelay $0x1  }
0x50: {  	v3 =	vld [tilespmem:s5+$0x70B0];
	v0 =	vmul.f32 $1.442695020e+00, v0  }
0x51: {  	v1 =	vmul.f32 $1.442695020e+00, v1  }
0x52: {  	v4 =	vld [tilespmem:s5+$0x70C0];
	(erf) = vpow2.f32 v0  }
0x53: {  	v0 =	vmul.f32 $1.442695020e+00, v2;
	(erf) = vpow2.f32 v1  }
0x54: {  	v1 =	vld [tilespmem:s5+$0x70D0]  }
0x55: {  	v2 =	vmul.f32 $1.442695020e+00, v3;
	(erf) = vpow2.f32 v0  }
0x56: {  	v0 =	vld [tilespmem:s5+$0x70E0]  }
0x57: {  	v3 =	vmul.f32 $1.442695020e+00, v4;
	(erf) = vpow2.f32 v2;
	v2 =	vld [tilespmem:s5+$0x70F0]  }
0x58: {  	s15 =	simm.s32 $0x80  }
0x59: {  	v5 =	vld [tilespmem:s15+$0x7090];
	(erf) = vpow2.f32 v3;
	v1 =	vmul.f32 $1.442695020e+00, v1  }
0x5a: {  	v3 =	vld [tilespmem:s15+$0x7080]  }
0x5b: {  	v4 =	vmul.f32 $1.442695020e+00, v0;
	(erf) = vpow2.f32 v1;
	v20 =	vpop (erf)  }
0x5c: {  	v2 =	vmul.f32 $1.442695020e+00, v2;
	v0 =	vpop (erf)  }
0x5d: {  	(erf) = vpow2.f32 v4;
	v4 =	vld [tilespmem:s15+$0x70A0];
	v6 =	vadd.f32 v0, v20  }
0x5e: {  	v5 =	vmul.f32 $1.442695020e+00, v5;
	v1 =	vpop (erf)  }
0x5f: {  	v7 =	vld [tilespmem:s15+$0x70B0];
	v3 =	vmul.f32 $1.442695020e+00, v3;
	v6 =	vadd.f32 v1, v6  }
0x60: {  	(erf) = vpow2.f32 v2;
	v2 =	vpop (erf)  }
0x61: {  	v8 =	vld [tilespmem:s15+$0x70C0];
	(erf) = vpow2.f32 v3;
	v3 =	vadd.f32 v2, v6  }
0x62: {  	(erf) = vpow2.f32 v5;
	v5 =	vpop (erf);
	v4 =	vmul.f32 $1.442695020e+00, v4  }
0x63: {  	v3 =	vadd.f32 v5, v3  }
0x64: {  	v9 =	vmul.f32 $1.442695020e+00, v7;
	v6 =	vld [tilespmem:s15+$0x70D0];
	(erf) = vpow2.f32 v4;
	v7 =	vpop (erf)  }
0x65: {  	v10 =	vld [tilespmem:s15+$0x70E0];
	v3 =	vadd.f32 v7, v3  }
0x66: {  	v4 =	vmul.f32 $1.442695020e+00, v8;
	(erf) = vpow2.f32 v9;
	v19 =	vpop (erf)  }
0x67: {  	v3 =	vadd.f32 v19, v3  }
0x68: {  	(erf) = vpow2.f32 v4  }
0x69: {  	s26 =	simm.s32 $0x100;
	v8 =	vld [tilespmem:s15+$0x70F0];
	v6 =	vmul.f32 $1.442695020e+00, v6;
	v22 =	vpop (erf)  }
0x6a: {  	v10 =	vmul.f32 $1.442695020e+00, v10;
	v9 =	vld [tilespmem:s26+$0x7080];
	v4 =	vpop (erf);
	v11 =	vadd.f32 v22, v3  }
0x6b: {  	v12 =	vld [tilespmem:s26+$0x7090];
	(erf) = vpow2.f32 v6;
	v3 =	vpop (erf)  }
0x6c: {  	(erf) = vpow2.f32 v10;
	v10 =	vld [tilespmem:s26+$0x70A0];
	(xrf2) =	vadd.scan.msk.f32 $0xffff, v11;
	v11 =	vadd.f32 v3, v4  }
0x6d: {  	v13 =	vld [tilespmem:s26+$0x70B0];
	v6 =	vpop (erf)  }
0x6e: {  	v8 =	vmul.f32 $1.442695020e+00, v8;
	v11 =	vadd.f32 v6, v11  }
0x6f: {  	v14 =	vmul.f32 $1.442695020e+00, v9;
	v9 =	vpop (erf)  }
0x70: {  	(erf) = vpow2.f32 v8;
	v8 =	vmul.f32 $1.442695020e+00, v12;
	v11 =	vadd.f32 v9, v11  }
0x71: {  	(erf) = vpow2.f32 v14;
	v14 =	vmul.f32 $1.442695020e+00, v10;
	v10 =	vpop (erf)  }
0x72: {  	(erf) = vpow2.f32 v8;
	v8 =	vadd.f32 v10, v11;
	v11 =	vmul.f32 $1.442695020e+00, v13  }
0x73: {  	v12 =	vld [tilespmem:s26+$0x70C0]  }
0x74: {  	v15 =	vld [tilespmem:s26+$0x70D0]  }
0x75: {  	(erf) = vpow2.f32 v14;
	v14 =	vpop (erf)  }
0x76: {  	v13 =	vld [tilespmem:s26+$0x70E0];
	v16 =	vadd.f32 v14, v8;
	(erf) = vpow2.f32 v11;
	v11, _, _ =	vpop (xrf2)  }
0x77: {  	v8 =	vpop (erf);
	v11 =	vbroadcast v11, $0xF  }
0x78: {  	s28 =	simm.s32 $0x180;
	v17 =	vld [tilespmem:s26+$0x70F0];
	v12 =	vmul.f32 $1.442695020e+00, v12;
	v16 =	vadd.f32 v8, v16  }
0x79: {  	v21 =	vld [tilespmem:s28+$0x7080];
	v18 =	vmul.f32 $1.442695020e+00, v15;
	v15 =	vpop (erf)  }
0x7a: {  	v23 =	vld [tilespmem:s28+$0x70A0];
	(erf) = vpow2.f32 v12;
	v16 =	vadd.f32 v15, v16  }
0x7b: {  	v24 =	vld [tilespmem:s28+$0x70B0];
	v13 =	vmul.f32 $1.442695020e+00, v13;
	(erf) = vrcp.f32 v11;
	v11 =	vpop (erf)  }
0x7c: {  	(erf) = vpow2.f32 v18;
	v18 =	vld [tilespmem:s28+$0x7090];
	(xrf2) =	vadd.scan.msk.f32 $0xffff, v16;
	v12 =	vpop (erf)  }
0x7d: {  	v26 =	vld [tilespmem:s28+$0x70D0];
	v17 =	vmul.f32 $1.442695020e+00, v17;
	v16 =	vadd.f32 v12, v11  }
0x7e: {  	v29 =	vld [tilespmem:s28+$0x70E0];
	(erf) = vpow2.f32 v13  }
0x7f: {  	v13 =	vpop (erf);
	(erf) = vpow2.f32 v17;
	v17 =	vmul.f32 $1.442695020e+00, v21;
	v21 =	vld [tilespmem:s28+$0x70C0]  }
0x80: {  	v23 =	vmul.f32 $1.442695020e+00, v23;
	v25 =	vadd.f32 v13, v16  }
0x81: {  	v24 =	vmul.f32 $1.442695020e+00, v24;
	v18 =	vmul.f32 $1.442695020e+00, v18;
	v16 =	vpop (erf)  }
0x82: {  	v35 =	vmul.f32 $1.442695020e+00, v26;
	(erf) = vpow2.f32 v17;
	v25 =	vadd.f32 v16, v25  }
0x83: {  	v34 =	vmul.f32 $1.442695020e+00, v29;
	v17 =	vpop (erf);
	(erf) = vpow2.f32 v18  }
0x84: {  	v27 =	vpop (erf);
	(erf) = vpow2.f32 v23;
	v23 =	vmul.f32 $1.442695020e+00, v21;
	v25 =	vadd.f32 v17, v25  }
0x85: {  	v29 =	vimm.f32 $0.0e+00;
	v18 =	vpop (erf);
	v27 =	vmul.f32 $3.125000000e-02, v27;
	(erf) = vpow2.f32 v24  }
0x86: {  	v26 =	vimm.f32 $0.0e+00;
	v24, _, _ =	vpop (xrf2);
	(erf) = vpow2.f32 v23;
	v25 =	vadd.f32 v18, v25  }
0x87: {  	v21 =	vimm.f32 $0.0e+00;
	v28 =	vpop (erf);
	v22 =	vmul.f32 v27, v22;
	v24 =	vbroadcast v24, $0xF  }
0x88: {  	v23 =	vimm.f32 $0.0e+00;
	v31 =	vmul.f32 v27, v20;
	v25 =	vadd.f32 v28, v25  }
0x89: {  	v32 =	vld [tilespmem:s28+$0x70F0];
	s5 =	simm.s32 $0x200;
	v30 =	vpop (erf);
	v20 =	vadd.f32 v22, v21;
	(erf) = vrcp.f32 v24;
	v24 =	vimm.f32 $0.0e+00  }
0x8a: {  	s6 =	simm.s32 $0xA00;
	v33 =	vld [tilespmem:s5+$0x7080];
	v22 =	vimm.f32 $0.0e+00;
	v36 =	vadd.f32 v30, v25;
	v25 =	vimm.f32 $0.0e+00  }
.LBB2_3:
0x8b: {  	v38 =	vpop (erf);
	(erf) = vpow2.f32 v35;
	v21 =	vadd.f32 v31, v21;
	v31 =	vmul.f32 v27, v0  }
0x8c: {  	p0 =	sne.s32 s6, $0x3E00;
	v37 =	vld [tilespmem:s5+$0x7090];
	v0 =	vmovc v3;
	v3 =	vmovc v12;
	v39 =	vmov v28;
	v35 =	vmov v15;
	v15 =	vmov v30  }
0x8d: {  	v28 =	vmul.f32 v27, v1;
	v1 =	vmov v6;
	v12 =	vpop (erf);
	(erf) = vpow2.f32 v34;
	(xrf2) =	vadd.scan.msk.f32 $0xffff, v36  }
0x8e: {  	v6 =	vmovc v13;
	v36 =	vmul.f32 v27, v2;
	v2 =	vmovc v9;
	v30 =	vld [tilespmem:s5+$0x70A0];
	v34 =	vadd.f32 v12, v38;
	v32 =	vmul.f32 $1.442695020e+00, v32  }
0x8f: {  	v41 =	vmul.f32 v27, v7;
	v29 =	vadd.f32 v31, v29;
	v31 =	vmul.f32 v27, v5;
	v40 =	vld [tilespmem:s5+$0x70B0];
	v13 =	vpop (erf)  }
0x90: {  	v9 =	vmovc v16;
	v5 =	vmovc v10;
	v42 =	vmul.f32 $1.442695020e+00, v33;
	v33 =	vadd.f32 v13, v34;
	(erf) = vpow2.f32 v32  }
0x91: {  	v19 =	vmul.f32 v27, v19;
	v26 =	vadd.f32 v28, v26;
	v32 =	vmul.f32 $1.442695020e+00, v37;
	v34 =	vld [tilespmem:s5+$0x70C0];
	v16 =	vpop (erf)  }
0x92: {  	v7 =	vmovc v14;
	v10 =	vmovc v17;
	v23 =	vadd.f32 v36, v23;
	(erf) = vpow2.f32 v42;
	v37 =	vadd.f32 v16, v33  }
0x93: {  	v25 =	vadd.f32 v31, v25;
	v42 =	vmul.f32 $1.442695020e+00, v30;
	(erf) = vpow2.f32 v32;
	v17 =	vpop (erf)  }
0x94: {  	v24 =	vadd.f32 v41, v24;
	v40 =	vmul.f32 $1.442695020e+00, v40;
	v33 =	vld [tilespmem:s5+$0x70D0];
	v32 =	vadd.f32 v17, v37;
	v27 =	vpop (erf)  }
0x95: {  	v22 =	vadd.f32 v19, v22;
	v36 =	vld [tilespmem:s5+$0x70E0];
	(erf) = vpow2.f32 v42;
	v31 =	vpop (erf);
	v27 =	vmul.f32 $3.125000000e-02, v27  }
.Ltmp2:
0x96: {  	v14 =	vmov v18;
	v19 =	vmul.f32 $1.442695020e+00, v34;
	v34 =	vadd.f32 v31, v32;
	v28 =	vpop (erf);
	(pc) =	sbr.rel @p0 .LBB2_3-.Ltmp2, $4  }
0x97: {  	v18 =	vmov v31;
	(erf) = vpow2.f32 v40;
	v30, _, _ =	vpop (xrf2);
	v37 =	vmul.f32 v27, v35  }
0x98: {  	v31 =	vmul.f32 v27, v4;
	v4 =	vmovc v11;
	v11 =	vmovc v38;
	v32 =	vld [tilespmem:s5+$0x70F0];
	v40 =	vadd.f32 v28, v34;
	v41 =	vbroadcast v30, $0xF  }
0x99: {  	s5 =	sshra.s32 s6, $0x2;
	v35 =	vmul.f32 $1.442695020e+00, v33;
	(erf) = vpow2.f32 v19;
	v30 =	vpop (erf);
	v20 =	vadd.f32 v37, v20  }
0x9a: {  	s6 =	sadd.s32 $0x200, s6;
	v33 =	vld [tilespmem:s5+$0x7080];
	v34 =	vmul.f32 $1.442695020e+00, v36;
	v36 =	vadd.f32 v30, v40;
	(erf) = vrcp.f32 v41;
	v19 =	vmovc v8;
	v8 =	vmovc v39  }
0x9b: {  	v37 =	vld [tilespmem:s5+$0x7090]  }
0x9c: {  	(xrf2) =	vadd.scan.msk.f32 $0xffff, v36  }
0x9d: {  	v51 =	vld [tilespmem:s5+$0x70A0]  }
0x9e: {  	(erf) = vpow2.f32 v35;
	v32 =	vmul.f32 $1.442695020e+00, v32  }
0x9f: {  	v52 =	vld [tilespmem:s5+$0x70B0];
	(erf) = vpow2.f32 v34;
	v33 =	vmul.f32 $1.442695020e+00, v33  }
0xa0: {  	v35 =	vpop (erf);
	(erf) = vpow2.f32 v32;
	v53 =	vmul.f32 $1.442695020e+00, v37  }
0xa1: {  	v38 =	vld [tilespmem:s5+$0x70C0];
	v37 =	vpop (erf);
	(erf) = vpow2.f32 v33  }
0xa2: {  	v36 =	vmul.f32 $1.442695020e+00, v51;
	v54 =	vpop (erf);
	(erf) = vpow2.f32 v53  }
0xa3: {  	v39 =	vld [tilespmem:s5+$0x70D0];
	v55 =	vpop (erf)  }
0xa4: {  	v34 =	vmul.f32 $1.442695020e+00, v52;
	v40 =	vpop (erf);
	(erf) = vpow2.f32 v36  }
0xa5: {  	v41 =	vld [tilespmem:s5+$0x70E0];
	v56 =	vpop (erf)  }
0xa6: {  	v38 =	vmul.f32 $1.442695020e+00, v38;
	(erf) = vpow2.f32 v34;
	v57, _, _ =	vpop (xrf2)  }
0xa7: {  	v43 =	vld [tilespmem:s5+$0x70F0];
	v42 =	vpop (erf);
	v34 =	vbroadcast v57, $0xF  }
0xa8: {  	v39 =	vmul.f32 $1.442695020e+00, v39;
	(erf) = vpow2.f32 v38;
	v44 =	vpop (erf)  }
0xa9: {  	v61 =	vadd.f32 v37, v35;
	v58 =	vpop (erf);
	(erf) = vrcp.f32 v34  }
0xaa: {  	v59 =	vmul.f32 $1.442695020e+00, v41;
	v60 =	vpop (erf);
	(erf) = vpow2.f32 v39  }
0xab: {  	v39 =	vadd.f32 v54, v61;
	v45 =	vpop (erf)  }
0xac: {  	v43 =	vmul.f32 $1.442695020e+00, v43;
	(erf) = vpow2.f32 v59;
	v62 =	vadd.f32 v45, v60  }
0xad: {  	v46 =	vpop (erf);
	v39 =	vadd.f32 v55, v39  }
0xae: {  	(erf) = vpow2.f32 v43;
	v34 =	vadd.f32 v46, v62  }
0xaf: {  	v63 =	vpop (erf);
	v39 =	vadd.f32 v40, v39  }
0xb0: {  	v34 =	vadd.f32 v63, v34  }
0xb1: {  	v47 =	vpop (erf);
	v39 =	vadd.f32 v42, v39  }
0xb2: {  	v34 =	vadd.f32 v47, v34;
	v48 =	vpop (erf)  }
0xb3: {  	v39 =	vadd.f32 v44, v39;
	v49 =	vpop (erf)  }
0xb4: {  	v34 =	vadd.f32 v49, v34  }
0xb5: {  	v50 =	vpop (erf);
	v39 =	vadd.f32 v58, v39  }
0xb6: {  	v34 =	vadd.f32 v50, v34  }
0xb7: {  	v51 =	vpop (erf);
	(xrf2) =	vadd.scan.msk.f32 $0xffff, v39  }
0xb8: {  	v34 =	vadd.f32 v51, v34;
	_ =	sdelay $0x1  }
0xb9: {  	(xrf2) =	vadd.scan.msk.f32 $0xffff, v34;
	_ =	sdelay $0x4  }
0xba: {  	v0 =	vmul.f32 v27, v0;
	v1 =	vmul.f32 v27, v1  }
0xbb: {  	v21 =	vadd.f32 v31, v21;
	v2 =	vmul.f32 v27, v2;
	v5 =	vmul.f32 v27, v5  }
0xbc: {  	v7 =	vmul.f32 v27, v7;
	v1 =	vadd.f32 v1, v26;
	v26 =	vmul.f32 $3.125000000e-02, v56;
	v31, _, _ =	vpop (xrf2)  }
0xbd: {  	v19 =	vmul.f32 v27, v19;
	v0 =	vadd.f32 v0, v29;
	v27 =	vbroadcast v31, $0xF  }
0xbe: {  	v2 =	vadd.f32 v2, v23;
	v15 =	vmul.f32 v26, v15;
	v4 =	vmul.f32 v26, v4  }
0xbf: {  	v5 =	vadd.f32 v5, v25;
	v3 =	vmul.f32 v26, v3;
	(erf) = vrcp.f32 v27;
	v29, _, _ =	vpop (xrf2)  }
0xc0: {  	v7 =	vadd.f32 v7, v24;
	v6 =	vmul.f32 v26, v6;
	v23 =	vbroadcast v29, $0xF  }
0xc1: {  	v19 =	vadd.f32 v19, v22;
	v9 =	vmul.f32 v26, v9;
	v10 =	vmul.f32 v26, v10  }
0xc2: {  	v15 =	vadd.f32 v15, v20;
	v4 =	vadd.f32 v4, v21;
	(erf) = vrcp.f32 v23  }
0xc3: {  	v0 =	vadd.f32 v3, v0;
	v3 =	vmul.f32 v26, v14;
	v14 =	vmul.f32 $3.125000000e-02, v48  }
0xc4: {  	v1 =	vadd.f32 v6, v1;
	v6 =	vmul.f32 v26, v8;
	v2 =	vadd.f32 v9, v2  }
0xc5: {  	v5 =	vadd.f32 v10, v5;
	v3 =	vadd.f32 v3, v7;
	v9 =	vmul.f32 v14, v11  }
0xc6: {  	v6 =	vadd.f32 v6, v19;
	v8 =	vmul.f32 v14, v30;
	v7 =	vmul.f32 v14, v12  }
0xc7: {  	v12 =	vmul.f32 v14, v18;
	v4 =	vadd.f32 v9, v4;
	v9 =	vmul.f32 v14, v13  }
0xc8: {  	v10 =	vmul.f32 v14, v16;
	v8 =	vadd.f32 v8, v15;
	v0 =	vadd.f32 v7, v0;
	v11 =	vpop (erf)  }
0xc9: {  	v7 =	vmul.f32 v14, v17;
	v1 =	vadd.f32 v9, v1;
	v9 =	vmul.f32 $3.125000000e-02, v11  }
0xca: {  	v2 =	vadd.f32 v10, v2;
	v3 =	vadd.f32 v12, v3;
	v11 =	vmul.f32 v14, v28  }
0xcb: {  	v5 =	vadd.f32 v7, v5;
	v7 =	vmul.f32 v9, v58;
	v10 =	vmul.f32 v9, v35;
	v12 =	vpop (erf)  }
0xcc: {  	v6 =	vadd.f32 v11, v6;
	v11 =	vmul.f32 v9, v37;
	v12 =	vmul.f32 $3.125000000e-02, v12  }
0xcd: {  	v13 =	vmul.f32 v9, v55;
	v4 =	vadd.f32 v10, v4;
	v10 =	vmul.f32 v9, v54  }
0xce: {  	v15 =	vmul.f32 v9, v42;
	v0 =	vadd.f32 v11, v0;
	v14 =	vmul.f32 v12, v60  }
0xcf: {  	v11 =	vmul.f32 v9, v40;
	v1 =	vadd.f32 v10, v1;
	v10 =	vmul.f32 v12, v45  }
0xd0: {  	v2 =	vadd.f32 v13, v2;
	v13 =	vmul.f32 v12, v63;
	v4 =	vadd.f32 v14, v4  }
0xd1: {  	s26 =	sshll.u32 s31, $0x9;
	v9 =	vmul.f32 v9, v44;
	v14 =	vmul.f32 v12, v46;
	v0 =	vadd.f32 v10, v0  }
0xd2: {  	v5 =	vadd.f32 v11, v5;
	v10 =	vmul.f32 v12, v47;
	v2 =	vadd.f32 v13, v2;
	[tilespmem:s26+$0x13080] =	vst v4  }
0xd3: {  	v3 =	vadd.f32 v15, v3;
	v1 =	vadd.f32 v14, v1;
	v4 =	vmul.f32 v12, v49;
	[tilespmem:s26+$0x13090] =	vst v0  }
0xd4: {  	v0 =	vadd.f32 v9, v6;
	v6 =	vmul.f32 v12, v50;
	v5 =	vadd.f32 v10, v5;
	[tilespmem:s26+$0x130B0] =	vst v2  }
0xd5: {  	[tilespmem:s26+$0x130A0] =	vst v1;
	v1 =	vadd.f32 v7, v8;
	v7 =	vmul.f32 v12, v51;
	v3 =	vadd.f32 v4, v3  }
0xd6: {  	v0 =	vadd.f32 v6, v0;
	[tilespmem:s26+$0x130C0] =	vst v5  }
0xd7: {  	v1 =	vadd.f32 v7, v1;
	[tilespmem:s26+$0x130D0] =	vst v3  }
0xd8: {  	[tilespmem:s26+$0x130E0] =	vst v0  }
0xd9: {  	s13 =	simm.s32 $0x0;
	[tilespmem:s26+$0x130F0] =	vst v1  }
0xda: {  	v0 =	vld [tilespmem:s13+$0xB080]  }
0xdb: {  	v1 =	vld [tilespmem:s13+$0xB090];
	_ =	sdelay $0x1  }
0xdc: {  	v2 =	vld [tilespmem:s13+$0xB0A0];
	_ =	sdelay $0x1  }
0xdd: {  	v3 =	vld [tilespmem:s13+$0xB0B0];
	v0 =	vmul.f32 $1.442695020e+00, v0  }
0xde: {  	v1 =	vmul.f32 $1.442695020e+00, v1  }
0xdf: {  	v4 =	vld [tilespmem:s13+$0xB0C0];
	(erf) = vpow2.f32 v0  }
0xe0: {  	v0 =	vmul.f32 $1.442695020e+00, v2;
	(erf) = vpow2.f32 v1  }
0xe1: {  	v1 =	vld [tilespmem:s13+$0xB0D0]  }
0xe2: {  	v2 =	vmul.f32 $1.442695020e+00, v3;
	(erf) = vpow2.f32 v0  }
0xe3: {  	v0 =	vld [tilespmem:s13+$0xB0E0]  }
0xe4: {  	v3 =	vmul.f32 $1.442695020e+00, v4;
	(erf) = vpow2.f32 v2;
	v2 =	vld [tilespmem:s13+$0xB0F0]  }
0xe5: {  	s14 =	simm.s32 $0x80  }
0xe6: {  	v5 =	vld [tilespmem:s14+$0xB090];
	(erf) = vpow2.f32 v3;
	v1 =	vmul.f32 $1.442695020e+00, v1  }
0xe7: {  	v3 =	vld [tilespmem:s14+$0xB080]  }
0xe8: {  	v4 =	vmul.f32 $1.442695020e+00, v0;
	(erf) = vpow2.f32 v1;
	v20 =	vpop (erf)  }
0xe9: {  	v2 =	vmul.f32 $1.442695020e+00, v2;
	v0 =	vpop (erf)  }
0xea: {  	(erf) = vpow2.f32 v4;
	v4 =	vld [tilespmem:s14+$0xB0A0];
	v6 =	vadd.f32 v0, v20  }
0xeb: {  	v5 =	vmul.f32 $1.442695020e+00, v5;
	v1 =	vpop (erf)  }
0xec: {  	v7 =	vld [tilespmem:s14+$0xB0B0];
	v3 =	vmul.f32 $1.442695020e+00, v3;
	v6 =	vadd.f32 v1, v6  }
0xed: {  	(erf) = vpow2.f32 v2;
	v2 =	vpop (erf)  }
0xee: {  	v8 =	vld [tilespmem:s14+$0xB0C0];
	(erf) = vpow2.f32 v3;
	v3 =	vadd.f32 v2, v6  }
0xef: {  	(erf) = vpow2.f32 v5;
	v5 =	vpop (erf);
	v4 =	vmul.f32 $1.442695020e+00, v4  }
0xf0: {  	v3 =	vadd.f32 v5, v3  }
0xf1: {  	v9 =	vmul.f32 $1.442695020e+00, v7;
	v6 =	vld [tilespmem:s14+$0xB0D0];
	(erf) = vpow2.f32 v4;
	v7 =	vpop (erf)  }
0xf2: {  	v10 =	vld [tilespmem:s14+$0xB0E0];
	v3 =	vadd.f32 v7, v3  }
0xf3: {  	v4 =	vmul.f32 $1.442695020e+00, v8;
	(erf) = vpow2.f32 v9;
	v19 =	vpop (erf)  }
0xf4: {  	v3 =	vadd.f32 v19, v3  }
0xf5: {  	(erf) = vpow2.f32 v4  }
0xf6: {  	s15 =	simm.s32 $0x100;
	v8 =	vld [tilespmem:s14+$0xB0F0];
	v24 =	vpop (erf);
	v6 =	vmul.f32 $1.442695020e+00, v6  }
0xf7: {  	v10 =	vmul.f32 $1.442695020e+00, v10;
	v9 =	vld [tilespmem:s15+$0xB080];
	v4 =	vpop (erf);
	v11 =	vadd.f32 v24, v3  }
0xf8: {  	v12 =	vld [tilespmem:s15+$0xB090];
	(erf) = vpow2.f32 v6;
	v3 =	vpop (erf)  }
0xf9: {  	(erf) = vpow2.f32 v10;
	(xrf2) =	vadd.scan.msk.f32 $0xffff, v11;
	v10 =	vld [tilespmem:s15+$0xB0A0];
	v11 =	vadd.f32 v3, v4  }
0xfa: {  	v13 =	vld [tilespmem:s15+$0xB0B0];
	v6 =	vpop (erf)  }
0xfb: {  	v8 =	vmul.f32 $1.442695020e+00, v8;
	v11 =	vadd.f32 v6, v11  }
0xfc: {  	v14 =	vmul.f32 $1.442695020e+00, v9;
	v9 =	vpop (erf)  }
0xfd: {  	(erf) = vpow2.f32 v8;
	v8 =	vmul.f32 $1.442695020e+00, v12;
	v11 =	vadd.f32 v9, v11  }
0xfe: {  	(erf) = vpow2.f32 v14;
	v14 =	vmul.f32 $1.442695020e+00, v10;
	v10 =	vpop (erf)  }
0xff: {  	(erf) = vpow2.f32 v8;
	v8 =	vadd.f32 v10, v11;
	v11 =	vmul.f32 $1.442695020e+00, v13  }
0x100: {  	v12 =	vld [tilespmem:s15+$0xB0C0]  }
0x101: {  	v15 =	vld [tilespmem:s15+$0xB0D0]  }
0x102: {  	(erf) = vpow2.f32 v14;
	v14 =	vpop (erf)  }
0x103: {  	v13 =	vld [tilespmem:s15+$0xB0E0];
	(erf) = vpow2.f32 v11;
	v16 =	vadd.f32 v14, v8;
	v11, _, _ =	vpop (xrf2)  }
0x104: {  	v8 =	vpop (erf);
	v11 =	vbroadcast v11, $0xF  }
0x105: {  	s6 =	simm.s32 $0x180;
	v17 =	vld [tilespmem:s15+$0xB0F0];
	v12 =	vmul.f32 $1.442695020e+00, v12;
	v16 =	vadd.f32 v8, v16  }
0x106: {  	v21 =	vld [tilespmem:s6+$0xB080];
	v18 =	vmul.f32 $1.442695020e+00, v15;
	v15 =	vpop (erf)  }
0x107: {  	v22 =	vld [tilespmem:s6+$0xB0A0];
	(erf) = vpow2.f32 v12;
	v16 =	vadd.f32 v15, v16  }
0x108: {  	v23 =	vld [tilespmem:s6+$0xB0B0];
	v13 =	vmul.f32 $1.442695020e+00, v13;
	(erf) = vrcp.f32 v11;
	v11 =	vpop (erf)  }
0x109: {  	(erf) = vpow2.f32 v18;
	v18 =	vld [tilespmem:s6+$0xB090];
	(xrf2) =	vadd.scan.msk.f32 $0xffff, v16;
	v12 =	vpop (erf)  }
0x10a: {  	v27 =	vld [tilespmem:s6+$0xB0D0];
	v17 =	vmul.f32 $1.442695020e+00, v17;
	v16 =	vadd.f32 v12, v11  }
0x10b: {  	v29 =	vld [tilespmem:s6+$0xB0E0];
	(erf) = vpow2.f32 v13  }
0x10c: {  	v13 =	vpop (erf);
	(erf) = vpow2.f32 v17;
	v17 =	vmul.f32 $1.442695020e+00, v21;
	v21 =	vld [tilespmem:s6+$0xB0C0]  }
0x10d: {  	v26 =	vmul.f32 $1.442695020e+00, v22;
	v25 =	vadd.f32 v13, v16  }
0x10e: {  	v28 =	vmul.f32 $1.442695020e+00, v23;
	v18 =	vmul.f32 $1.442695020e+00, v18;
	v16 =	vpop (erf)  }
0x10f: {  	v34 =	vmul.f32 $1.442695020e+00, v27;
	(erf) = vpow2.f32 v17;
	v25 =	vadd.f32 v16, v25  }
0x110: {  	v35 =	vmul.f32 $1.442695020e+00, v29;
	v17 =	vpop (erf);
	(erf) = vpow2.f32 v18  }
0x111: {  	v22 =	vpop (erf);
	(erf) = vpow2.f32 v26;
	v26 =	vmul.f32 $1.442695020e+00, v21;
	v25 =	vadd.f32 v17, v25  }
0x112: {  	v29 =	vimm.f32 $0.0e+00;
	v18 =	vpop (erf);
	v22 =	vmul.f32 $1.562500000e-02, v22;
	(erf) = vpow2.f32 v28  }
0x113: {  	v27 =	vimm.f32 $0.0e+00;
	v28, _, _ =	vpop (xrf2);
	(erf) = vpow2.f32 v26;
	v25 =	vadd.f32 v18, v25  }
0x114: {  	v21 =	vimm.f32 $0.0e+00;
	v23 =	vpop (erf);
	v24 =	vmul.f32 v22, v24;
	v28 =	vbroadcast v28, $0xF  }
0x115: {  	s9 =	simm.s32 $0x200;
	s10 =	simm.s32 $0xA00;
	s8 =	sor.u32 $0x10, s26;
	v26 =	vimm.f32 $0.0e+00;
	v31 =	vmul.f32 v22, v20;
	v25 =	vadd.f32 v23, v25  }
0x116: {  	s28 =	sor.u32 $0x20, s26;
	s5 =	sor.u32 $0x40, s26;
	s7 =	sor.u32 $0x60, s26;
	v32 =	vld [tilespmem:s6+$0xB0F0];
	v30 =	vpop (erf);
	v20 =	vadd.f32 v24, v21;
	(erf) = vrcp.f32 v28;
	v24 =	vimm.f32 $0.0e+00  }
0x117: {  	v33 =	vld [tilespmem:s9+$0xB080];
	s14 =	sor.u32 $0x50, s26;
	s15 =	sor.u32 $0x30, s26;
	s6 =	sor.u32 $0x70, s26;
	v28 =	vimm.f32 $0.0e+00;
	v36 =	vadd.f32 v30, v25;
	v25 =	vimm.f32 $0.0e+00  }
.LBB2_5:
0x118: {  	v38 =	vpop (erf);
	(erf) = vpow2.f32 v34;
	v21 =	vadd.f32 v31, v21;
	v31 =	vmul.f32 v22, v0  }
0x119: {  	p0 =	sne.s32 s10, $0x7E00;
	v37 =	vld [tilespmem:s9+$0xB090];
	v0 =	vmovc v3;
	v3 =	vmovc v12;
	v39 =	vmov v23;
	v34 =	vmov v15;
	v15 =	vmov v30  }
0x11a: {  	v23 =	vmul.f32 v22, v1;
	v1 =	vmov v6;
	v12 =	vpop (erf);
	(erf) = vpow2.f32 v35;
	(xrf2) =	vadd.scan.msk.f32 $0xffff, v36  }
0x11b: {  	v6 =	vmovc v13;
	v36 =	vmul.f32 v22, v2;
	v2 =	vmovc v9;
	v30 =	vld [tilespmem:s9+$0xB0A0];
	v35 =	vadd.f32 v12, v38;
	v32 =	vmul.f32 $1.442695020e+00, v32  }
0x11c: {  	v41 =	vmul.f32 v22, v7;
	v29 =	vadd.f32 v31, v29;
	v31 =	vmul.f32 v22, v5;
	v40 =	vld [tilespmem:s9+$0xB0B0];
	v13 =	vpop (erf)  }
0x11d: {  	v9 =	vmovc v16;
	v5 =	vmovc v10;
	v42 =	vmul.f32 $1.442695020e+00, v33;
	v33 =	vadd.f32 v13, v35;
	(erf) = vpow2.f32 v32  }
0x11e: {  	v19 =	vmul.f32 v22, v19;
	v26 =	vadd.f32 v23, v26;
	v32 =	vmul.f32 $1.442695020e+00, v37;
	v35 =	vld [tilespmem:s9+$0xB0C0];
	v16 =	vpop (erf)  }
0x11f: {  	v7 =	vmovc v14;
	v10 =	vmovc v17;
	v24 =	vadd.f32 v36, v24;
	(erf) = vpow2.f32 v42;
	v37 =	vadd.f32 v16, v33  }
0x120: {  	v28 =	vadd.f32 v31, v28;
	v42 =	vmul.f32 $1.442695020e+00, v30;
	(erf) = vpow2.f32 v32;
	v17 =	vpop (erf)  }
0x121: {  	v27 =	vadd.f32 v41, v27;
	v40 =	vmul.f32 $1.442695020e+00, v40;
	v33 =	vld [tilespmem:s9+$0xB0D0];
	v32 =	vadd.f32 v17, v37;
	v22 =	vpop (erf)  }
0x122: {  	v25 =	vadd.f32 v19, v25;
	v36 =	vld [tilespmem:s9+$0xB0E0];
	(erf) = vpow2.f32 v42;
	v31 =	vpop (erf);
	v22 =	vmul.f32 $1.562500000e-02, v22  }
.Ltmp3:
0x123: {  	v14 =	vmov v18;
	v19 =	vmul.f32 $1.442695020e+00, v35;
	v35 =	vadd.f32 v31, v32;
	v23 =	vpop (erf);
	(pc) =	sbr.rel @p0 .LBB2_5-.Ltmp3, $4  }
0x124: {  	v18 =	vmov v31;
	(erf) = vpow2.f32 v40;
	v30, _, _ =	vpop (xrf2);
	v37 =	vmul.f32 v22, v34  }
0x125: {  	v31 =	vmul.f32 v22, v4;
	v4 =	vmovc v11;
	v11 =	vmovc v38;
	v32 =	vld [tilespmem:s9+$0xB0F0];
	v40 =	vadd.f32 v23, v35;
	v41 =	vbroadcast v30, $0xF  }
0x126: {  	s9 =	sshra.s32 s10, $0x2;
	v34 =	vmul.f32 $1.442695020e+00, v33;
	(erf) = vpow2.f32 v19;
	v30 =	vpop (erf);
	v20 =	vadd.f32 v37, v20  }
0x127: {  	s10 =	sadd.s32 $0x200, s10;
	v33 =	vld [tilespmem:s9+$0xB080];
	v35 =	vmul.f32 $1.442695020e+00, v36;
	v36 =	vadd.f32 v30, v40;
	(erf) = vrcp.f32 v41;
	v19 =	vmovc v8;
	v8 =	vmovc v39  }
0x128: {  	v37 =	vld [tilespmem:s9+$0xB090]  }
0x129: {  	(xrf2) =	vadd.scan.msk.f32 $0xffff, v36  }
0x12a: {  	v51 =	vld [tilespmem:s9+$0xB0A0]  }
0x12b: {  	(erf) = vpow2.f32 v34;
	v32 =	vmul.f32 $1.442695020e+00, v32  }
0x12c: {  	v52 =	vld [tilespmem:s9+$0xB0B0];
	(erf) = vpow2.f32 v35;
	v33 =	vmul.f32 $1.442695020e+00, v33  }
0x12d: {  	v35 =	vpop (erf);
	(erf) = vpow2.f32 v32;
	v53 =	vmul.f32 $1.442695020e+00, v37  }
0x12e: {  	v38 =	vld [tilespmem:s9+$0xB0C0];
	v37 =	vpop (erf);
	(erf) = vpow2.f32 v33  }
0x12f: {  	v36 =	vmul.f32 $1.442695020e+00, v51;
	v54 =	vpop (erf);
	(erf) = vpow2.f32 v53  }
0x130: {  	v39 =	vld [tilespmem:s9+$0xB0D0];
	v55 =	vpop (erf)  }
0x131: {  	v34 =	vmul.f32 $1.442695020e+00, v52;
	v40 =	vpop (erf);
	(erf) = vpow2.f32 v36  }
0x132: {  	v41 =	vld [tilespmem:s9+$0xB0E0];
	v56 =	vpop (erf)  }
0x133: {  	v38 =	vmul.f32 $1.442695020e+00, v38;
	(erf) = vpow2.f32 v34;
	v57, _, _ =	vpop (xrf2)  }
0x134: {  	v43 =	vld [tilespmem:s9+$0xB0F0];
	v42 =	vpop (erf);
	v34 =	vbroadcast v57, $0xF  }
0x135: {  	v39 =	vmul.f32 $1.442695020e+00, v39;
	(erf) = vpow2.f32 v38;
	v44 =	vpop (erf)  }
0x136: {  	v61 =	vadd.f32 v37, v35;
	v58 =	vpop (erf);
	(erf) = vrcp.f32 v34  }
0x137: {  	v59 =	vmul.f32 $1.442695020e+00, v41;
	v60 =	vpop (erf);
	(erf) = vpow2.f32 v39  }
0x138: {  	v39 =	vadd.f32 v54, v61;
	v45 =	vpop (erf)  }
0x139: {  	v43 =	vmul.f32 $1.442695020e+00, v43;
	(erf) = vpow2.f32 v59;
	v62 =	vadd.f32 v45, v60  }
0x13a: {  	v46 =	vpop (erf);
	v39 =	vadd.f32 v55, v39  }
0x13b: {  	(erf) = vpow2.f32 v43;
	v34 =	vadd.f32 v46, v62  }
0x13c: {  	v63 =	vpop (erf);
	v39 =	vadd.f32 v40, v39  }
0x13d: {  	v34 =	vadd.f32 v63, v34  }
0x13e: {  	v47 =	vpop (erf);
	v39 =	vadd.f32 v42, v39  }
0x13f: {  	v34 =	vadd.f32 v47, v34;
	v48 =	vpop (erf)  }
0x140: {  	v39 =	vadd.f32 v44, v39;
	v49 =	vpop (erf)  }
0x141: {  	v34 =	vadd.f32 v49, v34  }
0x142: {  	v50 =	vpop (erf);
	v39 =	vadd.f32 v58, v39  }
0x143: {  	v34 =	vadd.f32 v50, v34  }
0x144: {  	v51 =	vpop (erf);
	(xrf2) =	vadd.scan.msk.f32 $0xffff, v39  }
0x145: {  	v34 =	vadd.f32 v51, v34;
	_ =	sdelay $0x1  }
0x146: {  	(xrf2) =	vadd.scan.msk.f32 $0xffff, v34;
	_ =	sdelay $0x3  }
0x147: {  	v0 =	vmul.f32 v22, v0  }
0x148: {  	v1 =	vmul.f32 v22, v1;
	v2 =	vmul.f32 v22, v2  }
0x149: {  	v5 =	vmul.f32 v22, v5;
	v7 =	vmul.f32 v22, v7  }
0x14a: {  	v21 =	vadd.f32 v31, v21;
	v19 =	vmul.f32 v22, v19;
	v22 =	vmul.f32 $1.562500000e-02, v56;
	v31, _, _ =	vpop (xrf2)  }
0x14b: {  	v0 =	vadd.f32 v0, v29;
	v1 =	vadd.f32 v1, v26;
	v26 =	vbroadcast v31, $0xF  }
0x14c: {  	v2 =	vadd.f32 v2, v24;
	v15 =	vmul.f32 v22, v15;
	v4 =	vmul.f32 v22, v4  }
0x14d: {  	v5 =	vadd.f32 v5, v28;
	v3 =	vmul.f32 v22, v3;
	(erf) = vrcp.f32 v26;
	v29, _, _ =	vpop (xrf2)  }
0x14e: {  	v7 =	vadd.f32 v7, v27;
	v6 =	vmul.f32 v22, v6;
	v24 =	vbroadcast v29, $0xF  }
0x14f: {  	v19 =	vadd.f32 v19, v25;
	v9 =	vmul.f32 v22, v9;
	v10 =	vmul.f32 v22, v10  }
0x150: {  	v15 =	vadd.f32 v15, v20;
	v4 =	vadd.f32 v4, v21;
	(erf) = vrcp.f32 v24  }
0x151: {  	v0 =	vadd.f32 v3, v0;
	v3 =	vmul.f32 v22, v14;
	v14 =	vmul.f32 $1.562500000e-02, v48  }
0x152: {  	v1 =	vadd.f32 v6, v1;
	v6 =	vmul.f32 v22, v8;
	v2 =	vadd.f32 v9, v2  }
0x153: {  	v5 =	vadd.f32 v10, v5;
	v3 =	vadd.f32 v3, v7;
	v9 =	vmul.f32 v14, v11  }
0x154: {  	v6 =	vadd.f32 v6, v19;
	v8 =	vmul.f32 v14, v30;
	v7 =	vmul.f32 v14, v12  }
0x155: {  	v12 =	vmul.f32 v14, v18;
	v4 =	vadd.f32 v9, v4;
	v9 =	vmul.f32 v14, v13  }
0x156: {  	v10 =	vmul.f32 v14, v16;
	v8 =	vadd.f32 v8, v15;
	v0 =	vadd.f32 v7, v0;
	v11 =	vpop (erf)  }
0x157: {  	v7 =	vmul.f32 v14, v17;
	v1 =	vadd.f32 v9, v1;
	v9 =	vmul.f32 $1.562500000e-02, v11  }
0x158: {  	v2 =	vadd.f32 v10, v2;
	v3 =	vadd.f32 v12, v3;
	v11 =	vmul.f32 v14, v23  }
0x159: {  	v5 =	vadd.f32 v7, v5;
	v7 =	vmul.f32 v9, v58;
	v10 =	vmul.f32 v9, v35;
	v12 =	vpop (erf)  }
0x15a: {  	v6 =	vadd.f32 v11, v6;
	v11 =	vmul.f32 v9, v37;
	v12 =	vmul.f32 $1.562500000e-02, v12  }
0x15b: {  	v13 =	vmul.f32 v9, v55;
	v4 =	vadd.f32 v10, v4;
	v10 =	vmul.f32 v9, v54  }
0x15c: {  	v15 =	vmul.f32 v9, v42;
	v0 =	vadd.f32 v11, v0;
	v14 =	vmul.f32 v12, v60  }
0x15d: {  	v11 =	vmul.f32 v9, v40;
	v1 =	vadd.f32 v10, v1;
	v10 =	vmul.f32 v12, v45  }
0x15e: {  	v9 =	vmul.f32 v9, v44;
	v4 =	vadd.f32 v14, v4;
	v14 =	vmul.f32 v12, v46  }
0x15f: {  	v2 =	vadd.f32 v13, v2;
	v13 =	vmul.f32 v12, v63;
	v0 =	vadd.f32 v10, v0  }
0x160: {  	v5 =	vadd.f32 v11, v5;
	v10 =	vmul.f32 v12, v47;
	v1 =	vadd.f32 v14, v1;
	[tilespmem:s26+$0x17080] =	vst v4  }
0x161: {  	v3 =	vadd.f32 v15, v3;
	v2 =	vadd.f32 v13, v2;
	v4 =	vmul.f32 v12, v49;
	[tilespmem:s8+$0x17080] =	vst v0  }
0x162: {  	v5 =	vadd.f32 v10, v5;
	v0 =	vadd.f32 v9, v6;
	v6 =	vmul.f32 v12, v50;
	[tilespmem:s28+$0x17080] =	vst v1  }
0x163: {  	p0 =	seq.s32 s31, $0x1F;
	v1 =	vadd.f32 v7, v8;
	v7 =	vmul.f32 v12, v51;
	v3 =	vadd.f32 v4, v3;
	s28 =	sshll.u32 s31, $0x2;
	[tilespmem:s15+$0x17080] =	vst v2  }
0x164: {  	v0 =	vadd.f32 v6, v0;
	[tilespmem:s5+$0x17080] =	vst v5;
	s5 =	sadd.s32 @!p0 $0x4, s28  }
0x165: {  	v1 =	vadd.f32 v7, v1;
	[tilespmem:s14+$0x17080] =	vst v3;
	s8 =	sshll.u32 @!p0 s5, $0x5  }
0x166: {  	s5 =	sshll.u32 @!p0 s5, $0x6;
	[tilespmem:s7+$0x17080] =	vst v0;
	s7 =	sand.u32 @!p0 $0x3FFFFFE0, s8;
	s8 =	simm.s32 @!p0 $0x7080  }
0x167: {  	s5 =	sand.u32 @!p0 $0x3FFFFFC0, s5;
	[tilespmem:s6+$0x17080] =	vst v1;
	s6 =	sadd.s32 @!p0 $0x80, s7;
	s7 =	simm.s32 @!p0 $0x20  }
0x168: {  	[tilespmem:s8], [sflag:$0x2] =	stream.indirect.gather @!p0 [hbm4b:s3+s7], $0x80, s6, s7, $0xb8;
	[tilespmem:$0x1B080] =	vst v63  }
0x169: {  	s5 =	sadd.s32 @!p0 $0x1080, s5;
	s6 =	simm.s32 @!p0 $0x40;
	s7 =	simm.s32 @!p0 $0xB080  }
0x16a: {  	[tilespmem:s7], [sflag:$0x6] =	stream.indirect.gather @!p0 [hbm4b:s1+s6], $0x80, s5, s6, $0xb8;
	[tilespmem:$0x1B080] =	vst v63  }
0x16b: {  	_ =	swait.ge [sflag:s19], $0x1000  }
0x16c: {  	[sflag:s19] =	ssyncset.done $0x0  }
0x16d: {  	[sflag:s19] =	ssyncadd.s32 $0xFFFFF000  }
0x16e: {  	_ =	swait.ge [sflag:s20], $0x2000  }
0x16f: {  	[sflag:s20] =	ssyncset.done $0x0  }
0x170: {  	s11 =	simm.s32 $0x0;
	[sflag:s20] =	ssyncadd.s32 $0xFFFFE000  }
0x171: {  	v0 =	vld [tilespmem:s11+$0x8080]  }
0x172: {  	v1 =	vld [tilespmem:s11+$0x8090];
	_ =	sdelay $0x1  }
0x173: {  	v2 =	vld [tilespmem:s11+$0x80A0];
	_ =	sdelay $0x1  }
0x174: {  	v3 =	vld [tilespmem:s11+$0x80B0];
	v0 =	vmul.f32 $1.442695020e+00, v0  }
0x175: {  	v1 =	vmul.f32 $1.442695020e+00, v1  }
0x176: {  	v4 =	vld [tilespmem:s11+$0x80C0];
	(erf) = vpow2.f32 v0  }
0x177: {  	v0 =	vmul.f32 $1.442695020e+00, v2;
	(erf) = vpow2.f32 v1  }
0x178: {  	v1 =	vld [tilespmem:s11+$0x80D0]  }
0x179: {  	v2 =	vmul.f32 $1.442695020e+00, v3;
	(erf) = vpow2.f32 v0  }
0x17a: {  	v0 =	vld [tilespmem:s11+$0x80E0]  }
0x17b: {  	v3 =	vmul.f32 $1.442695020e+00, v4;
	(erf) = vpow2.f32 v2;
	v2 =	vld [tilespmem:s11+$0x80F0]  }
0x17c: {  	s13 =	simm.s32 $0x80  }
0x17d: {  	v5 =	vld [tilespmem:s13+$0x8090];
	(erf) = vpow2.f32 v3;
	v1 =	vmul.f32 $1.442695020e+00, v1  }
0x17e: {  	v3 =	vld [tilespmem:s13+$0x8080]  }
0x17f: {  	v4 =	vmul.f32 $1.442695020e+00, v0;
	(erf) = vpow2.f32 v1;
	v20 =	vpop (erf)  }
0x180: {  	v2 =	vmul.f32 $1.442695020e+00, v2;
	v0 =	vpop (erf)  }
0x181: {  	(erf) = vpow2.f32 v4;
	v4 =	vld [tilespmem:s13+$0x80A0];
	v6 =	vadd.f32 v0, v20  }
0x182: {  	v5 =	vmul.f32 $1.442695020e+00, v5;
	v1 =	vpop (erf)  }
0x183: {  	v7 =	vld [tilespmem:s13+$0x80B0];
	v3 =	vmul.f32 $1.442695020e+00, v3;
	v6 =	vadd.f32 v1, v6  }
0x184: {  	(erf) = vpow2.f32 v2;
	v2 =	vpop (erf)  }
0x185: {  	v8 =	vld [tilespmem:s13+$0x80C0];
	(erf) = vpow2.f32 v3;
	v3 =	vadd.f32 v2, v6  }
0x186: {  	(erf) = vpow2.f32 v5;
	v5 =	vpop (erf);
	v4 =	vmul.f32 $1.442695020e+00, v4  }
0x187: {  	v3 =	vadd.f32 v5, v3  }
0x188: {  	v9 =	vmul.f32 $1.442695020e+00, v7;
	v6 =	vld [tilespmem:s13+$0x80D0];
	(erf) = vpow2.f32 v4;
	v7 =	vpop (erf)  }
0x189: {  	v10 =	vld [tilespmem:s13+$0x80E0];
	v3 =	vadd.f32 v7, v3  }
0x18a: {  	v4 =	vmul.f32 $1.442695020e+00, v8;
	(erf) = vpow2.f32 v9;
	v19 =	vpop (erf)  }
0x18b: {  	v3 =	vadd.f32 v19, v3  }
0x18c: {  	(erf) = vpow2.f32 v4  }
0x18d: {  	s14 =	simm.s32 $0x100;
	v8 =	vld [tilespmem:s13+$0x80F0];
	v22 =	vpop (erf);
	v6 =	vmul.f32 $1.442695020e+00, v6  }
0x18e: {  	v10 =	vmul.f32 $1.442695020e+00, v10;
	v9 =	vld [tilespmem:s14+$0x8080];
	v4 =	vpop (erf);
	v11 =	vadd.f32 v22, v3  }
0x18f: {  	v12 =	vld [tilespmem:s14+$0x8090];
	(erf) = vpow2.f32 v6;
	v3 =	vpop (erf)  }
0x190: {  	(erf) = vpow2.f32 v10;
	(xrf2) =	vadd.scan.msk.f32 $0xffff, v11;
	v10 =	vld [tilespmem:s14+$0x80A0];
	v11 =	vadd.f32 v3, v4  }
0x191: {  	v13 =	vld [tilespmem:s14+$0x80B0];
	v6 =	vpop (erf)  }
0x192: {  	v8 =	vmul.f32 $1.442695020e+00, v8;
	v11 =	vadd.f32 v6, v11  }
0x193: {  	v14 =	vmul.f32 $1.442695020e+00, v9;
	v9 =	vpop (erf)  }
0x194: {  	(erf) = vpow2.f32 v8;
	v8 =	vmul.f32 $1.442695020e+00, v12;
	v11 =	vadd.f32 v9, v11  }
0x195: {  	(erf) = vpow2.f32 v14;
	v14 =	vmul.f32 $1.442695020e+00, v10;
	v10 =	vpop (erf)  }
0x196: {  	(erf) = vpow2.f32 v8;
	v8 =	vadd.f32 v10, v11;
	v11 =	vmul.f32 $1.442695020e+00, v13  }
0x197: {  	v12 =	vld [tilespmem:s14+$0x80C0]  }
0x198: {  	v15 =	vld [tilespmem:s14+$0x80D0]  }
0x199: {  	(erf) = vpow2.f32 v14;
	v14 =	vpop (erf)  }
0x19a: {  	v13 =	vld [tilespmem:s14+$0x80E0];
	(erf) = vpow2.f32 v11;
	v16 =	vadd.f32 v14, v8;
	v11, _, _ =	vpop (xrf2)  }
0x19b: {  	v8 =	vpop (erf);
	v11 =	vbroadcast v11, $0xF  }
0x19c: {  	s15 =	simm.s32 $0x180;
	v17 =	vld [tilespmem:s14+$0x80F0];
	v12 =	vmul.f32 $1.442695020e+00, v12;
	v16 =	vadd.f32 v8, v16  }
0x19d: {  	v21 =	vld [tilespmem:s15+$0x8080];
	v18 =	vmul.f32 $1.442695020e+00, v15;
	v15 =	vpop (erf)  }
0x19e: {  	v23 =	vld [tilespmem:s15+$0x80A0];
	(erf) = vpow2.f32 v12;
	v16 =	vadd.f32 v15, v16  }
0x19f: {  	v24 =	vld [tilespmem:s15+$0x80B0];
	v13 =	vmul.f32 $1.442695020e+00, v13;
	(erf) = vrcp.f32 v11;
	v11 =	vpop (erf)  }
0x1a0: {  	(erf) = vpow2.f32 v18;
	v18 =	vld [tilespmem:s15+$0x8090];
	(xrf2) =	vadd.scan.msk.f32 $0xffff, v16;
	v12 =	vpop (erf)  }
0x1a1: {  	v26 =	vld [tilespmem:s15+$0x80D0];
	v17 =	vmul.f32 $1.442695020e+00, v17;
	v16 =	vadd.f32 v12, v11  }
0x1a2: {  	v29 =	vld [tilespmem:s15+$0x80E0];
	(erf) = vpow2.f32 v13  }
0x1a3: {  	v13 =	vpop (erf);
	(erf) = vpow2.f32 v17;
	v17 =	vmul.f32 $1.442695020e+00, v21;
	v21 =	vld [tilespmem:s15+$0x80C0]  }
0x1a4: {  	v23 =	vmul.f32 $1.442695020e+00, v23;
	v25 =	vadd.f32 v13, v16  }
0x1a5: {  	v24 =	vmul.f32 $1.442695020e+00, v24;
	v18 =	vmul.f32 $1.442695020e+00, v18;
	v16 =	vpop (erf)  }
0x1a6: {  	v35 =	vmul.f32 $1.442695020e+00, v26;
	(erf) = vpow2.f32 v17;
	v25 =	vadd.f32 v16, v25  }
0x1a7: {  	v34 =	vmul.f32 $1.442695020e+00, v29;
	v17 =	vpop (erf);
	(erf) = vpow2.f32 v18  }
0x1a8: {  	v27 =	vpop (erf);
	(erf) = vpow2.f32 v23;
	v23 =	vmul.f32 $1.442695020e+00, v21;
	v25 =	vadd.f32 v17, v25  }
0x1a9: {  	v29 =	vimm.f32 $0.0e+00;
	v18 =	vpop (erf);
	v27 =	vmul.f32 $3.125000000e-02, v27;
	(erf) = vpow2.f32 v24  }
0x1aa: {  	v26 =	vimm.f32 $0.0e+00;
	v24, _, _ =	vpop (xrf2);
	(erf) = vpow2.f32 v23;
	v25 =	vadd.f32 v18, v25  }
0x1ab: {  	v21 =	vimm.f32 $0.0e+00;
	v28 =	vpop (erf);
	v22 =	vmul.f32 v27, v22;
	v24 =	vbroadcast v24, $0xF  }
0x1ac: {  	v23 =	vimm.f32 $0.0e+00;
	v31 =	vmul.f32 v27, v20;
	v25 =	vadd.f32 v28, v25  }
0x1ad: {  	s5 =	simm.s32 $0x200;
	v32 =	vld [tilespmem:s15+$0x80F0];
	v30 =	vpop (erf);
	v20 =	vadd.f32 v22, v21;
	(erf) = vrcp.f32 v24;
	v24 =	vimm.f32 $0.0e+00  }
0x1ae: {  	s6 =	simm.s32 $0xA00;
	v33 =	vld [tilespmem:s5+$0x8080];
	v22 =	vimm.f32 $0.0e+00;
	v36 =	vadd.f32 v30, v25;
	v25 =	vimm.f32 $0.0e+00  }
.LBB2_7:
0x1af: {  	v38 =	vpop (erf);
	(erf) = vpow2.f32 v35;
	v21 =	vadd.f32 v31, v21;
	v31 =	vmul.f32 v27, v0  }
0x1b0: {  	p1 =	sne.s32 s6, $0x3E00;
	v37 =	vld [tilespmem:s5+$0x8090];
	v0 =	vmovc v3;
	v3 =	vmovc v12;
	v39 =	vmov v28;
	v35 =	vmov v15;
	v15 =	vmov v30  }
0x1b1: {  	v28 =	vmul.f32 v27, v1;
	v1 =	vmov v6;
	v12 =	vpop (erf);
	(erf) = vpow2.f32 v34;
	(xrf2) =	vadd.scan.msk.f32 $0xffff, v36  }
0x1b2: {  	v6 =	vmovc v13;
	v36 =	vmul.f32 v27, v2;
	v2 =	vmovc v9;
	v30 =	vld [tilespmem:s5+$0x80A0];
	v34 =	vadd.f32 v12, v38;
	v32 =	vmul.f32 $1.442695020e+00, v32  }
0x1b3: {  	v41 =	vmul.f32 v27, v7;
	v29 =	vadd.f32 v31, v29;
	v31 =	vmul.f32 v27, v5;
	v40 =	vld [tilespmem:s5+$0x80B0];
	v13 =	vpop (erf)  }
0x1b4: {  	v9 =	vmovc v16;
	v5 =	vmovc v10;
	v42 =	vmul.f32 $1.442695020e+00, v33;
	v33 =	vadd.f32 v13, v34;
	(erf) = vpow2.f32 v32  }
0x1b5: {  	v19 =	vmul.f32 v27, v19;
	v26 =	vadd.f32 v28, v26;
	v32 =	vmul.f32 $1.442695020e+00, v37;
	v34 =	vld [tilespmem:s5+$0x80C0];
	v16 =	vpop (erf)  }
0x1b6: {  	v7 =	vmovc v14;
	v10 =	vmovc v17;
	v23 =	vadd.f32 v36, v23;
	(erf) = vpow2.f32 v42;
	v37 =	vadd.f32 v16, v33  }
0x1b7: {  	v25 =	vadd.f32 v31, v25;
	v42 =	vmul.f32 $1.442695020e+00, v30;
	(erf) = vpow2.f32 v32;
	v17 =	vpop (erf)  }
0x1b8: {  	v24 =	vadd.f32 v41, v24;
	v40 =	vmul.f32 $1.442695020e+00, v40;
	v33 =	vld [tilespmem:s5+$0x80D0];
	v32 =	vadd.f32 v17, v37;
	v27 =	vpop (erf)  }
0x1b9: {  	v22 =	vadd.f32 v19, v22;
	v36 =	vld [tilespmem:s5+$0x80E0];
	(erf) = vpow2.f32 v42;
	v31 =	vpop (erf);
	v27 =	vmul.f32 $3.125000000e-02, v27  }
.Ltmp4:
0x1ba: {  	v14 =	vmov v18;
	v19 =	vmul.f32 $1.442695020e+00, v34;
	v34 =	vadd.f32 v31, v32;
	v28 =	vpop (erf);
	(pc) =	sbr.rel @p1 .LBB2_7-.Ltmp4, $4  }
0x1bb: {  	v18 =	vmov v31;
	(erf) = vpow2.f32 v40;
	v30, _, _ =	vpop (xrf2);
	v37 =	vmul.f32 v27, v35  }
0x1bc: {  	v31 =	vmul.f32 v27, v4;
	v4 =	vmovc v11;
	v11 =	vmovc v38;
	v32 =	vld [tilespmem:s5+$0x80F0];
	v40 =	vadd.f32 v28, v34;
	v41 =	vbroadcast v30, $0xF  }
0x1bd: {  	s5 =	sshra.s32 s6, $0x2;
	v35 =	vmul.f32 $1.442695020e+00, v33;
	(erf) = vpow2.f32 v19;
	v30 =	vpop (erf);
	v20 =	vadd.f32 v37, v20  }
0x1be: {  	s6 =	sadd.s32 $0x200, s6;
	v33 =	vld [tilespmem:s5+$0x8080];
	v34 =	vmul.f32 $1.442695020e+00, v36;
	v36 =	vadd.f32 v30, v40;
	(erf) = vrcp.f32 v41;
	v19 =	vmovc v8;
	v8 =	vmovc v39  }
0x1bf: {  	v37 =	vld [tilespmem:s5+$0x8090]  }
0x1c0: {  	(xrf2) =	vadd.scan.msk.f32 $0xffff, v36  }
0x1c1: {  	v51 =	vld [tilespmem:s5+$0x80A0]  }
0x1c2: {  	(erf) = vpow2.f32 v35;
	v32 =	vmul.f32 $1.442695020e+00, v32  }
0x1c3: {  	v52 =	vld [tilespmem:s5+$0x80B0];
	(erf) = vpow2.f32 v34;
	v33 =	vmul.f32 $1.442695020e+00, v33  }
0x1c4: {  	v35 =	vpop (erf);
	(erf) = vpow2.f32 v32;
	v53 =	vmul.f32 $1.442695020e+00, v37  }
0x1c5: {  	v38 =	vld [tilespmem:s5+$0x80C0];
	v37 =	vpop (erf);
	(erf) = vpow2.f32 v33  }
0x1c6: {  	v36 =	vmul.f32 $1.442695020e+00, v51;
	v54 =	vpop (erf);
	(erf) = vpow2.f32 v53  }
0x1c7: {  	v39 =	vld [tilespmem:s5+$0x80D0];
	v55 =	vpop (erf)  }
0x1c8: {  	v34 =	vmul.f32 $1.442695020e+00, v52;
	v40 =	vpop (erf);
	(erf) = vpow2.f32 v36  }
0x1c9: {  	v41 =	vld [tilespmem:s5+$0x80E0];
	v56 =	vpop (erf)  }
0x1ca: {  	v38 =	vmul.f32 $1.442695020e+00, v38;
	(erf) = vpow2.f32 v34;
	v57, _, _ =	vpop (xrf2)  }
0x1cb: {  	v43 =	vld [tilespmem:s5+$0x80F0];
	v42 =	vpop (erf);
	v34 =	vbroadcast v57, $0xF  }
0x1cc: {  	v39 =	vmul.f32 $1.442695020e+00, v39;
	(erf) = vpow2.f32 v38;
	v44 =	vpop (erf)  }
0x1cd: {  	v61 =	vadd.f32 v37, v35;
	v58 =	vpop (erf);
	(erf) = vrcp.f32 v34  }
0x1ce: {  	v59 =	vmul.f32 $1.442695020e+00, v41;
	v60 =	vpop (erf);
	(erf) = vpow2.f32 v39  }
0x1cf: {  	v39 =	vadd.f32 v54, v61;
	v45 =	vpop (erf)  }
0x1d0: {  	v43 =	vmul.f32 $1.442695020e+00, v43;
	(erf) = vpow2.f32 v59;
	v62 =	vadd.f32 v45, v60  }
0x1d1: {  	v46 =	vpop (erf);
	v39 =	vadd.f32 v55, v39  }
0x1d2: {  	(erf) = vpow2.f32 v43;
	v34 =	vadd.f32 v46, v62  }
0x1d3: {  	v63 =	vpop (erf);
	v39 =	vadd.f32 v40, v39  }
0x1d4: {  	v34 =	vadd.f32 v63, v34  }
0x1d5: {  	v47 =	vpop (erf);
	v39 =	vadd.f32 v42, v39  }
0x1d6: {  	v34 =	vadd.f32 v47, v34;
	v48 =	vpop (erf)  }
0x1d7: {  	v39 =	vadd.f32 v44, v39;
	v49 =	vpop (erf)  }
0x1d8: {  	v34 =	vadd.f32 v49, v34  }
0x1d9: {  	v50 =	vpop (erf);
	v39 =	vadd.f32 v58, v39  }
0x1da: {  	v34 =	vadd.f32 v50, v34  }
0x1db: {  	v51 =	vpop (erf);
	(xrf2) =	vadd.scan.msk.f32 $0xffff, v39  }
0x1dc: {  	v34 =	vadd.f32 v51, v34;
	_ =	sdelay $0x1  }
0x1dd: {  	(xrf2) =	vadd.scan.msk.f32 $0xffff, v34;
	_ =	sdelay $0x4  }
0x1de: {  	v0 =	vmul.f32 v27, v0;
	v1 =	vmul.f32 v27, v1  }
0x1df: {  	v21 =	vadd.f32 v31, v21;
	v2 =	vmul.f32 v27, v2;
	v5 =	vmul.f32 v27, v5  }
0x1e0: {  	v7 =	vmul.f32 v27, v7;
	v1 =	vadd.f32 v1, v26;
	v26 =	vmul.f32 $3.125000000e-02, v56;
	v31, _, _ =	vpop (xrf2)  }
0x1e1: {  	v19 =	vmul.f32 v27, v19;
	v0 =	vadd.f32 v0, v29;
	v27 =	vbroadcast v31, $0xF  }
0x1e2: {  	v2 =	vadd.f32 v2, v23;
	v15 =	vmul.f32 v26, v15;
	v4 =	vmul.f32 v26, v4  }
0x1e3: {  	v5 =	vadd.f32 v5, v25;
	v3 =	vmul.f32 v26, v3;
	(erf) = vrcp.f32 v27;
	v29, _, _ =	vpop (xrf2)  }
0x1e4: {  	v7 =	vadd.f32 v7, v24;
	v6 =	vmul.f32 v26, v6;
	v23 =	vbroadcast v29, $0xF  }
0x1e5: {  	v19 =	vadd.f32 v19, v22;
	v9 =	vmul.f32 v26, v9;
	v10 =	vmul.f32 v26, v10  }
0x1e6: {  	v15 =	vadd.f32 v15, v20;
	v4 =	vadd.f32 v4, v21;
	(erf) = vrcp.f32 v23  }
0x1e7: {  	v0 =	vadd.f32 v3, v0;
	v3 =	vmul.f32 v26, v14;
	v14 =	vmul.f32 $3.125000000e-02, v48  }
0x1e8: {  	v1 =	vadd.f32 v6, v1;
	v6 =	vmul.f32 v26, v8;
	v2 =	vadd.f32 v9, v2  }
0x1e9: {  	v5 =	vadd.f32 v10, v5;
	v3 =	vadd.f32 v3, v7;
	v9 =	vmul.f32 v14, v11  }
0x1ea: {  	v6 =	vadd.f32 v6, v19;
	v8 =	vmul.f32 v14, v30;
	v7 =	vmul.f32 v14, v12  }
0x1eb: {  	v12 =	vmul.f32 v14, v18;
	v4 =	vadd.f32 v9, v4;
	v9 =	vmul.f32 v14, v13  }
0x1ec: {  	v10 =	vmul.f32 v14, v16;
	v8 =	vadd.f32 v8, v15;
	v0 =	vadd.f32 v7, v0;
	v11 =	vpop (erf)  }
0x1ed: {  	v7 =	vmul.f32 v14, v17;
	v1 =	vadd.f32 v9, v1;
	v9 =	vmul.f32 $3.125000000e-02, v11  }
0x1ee: {  	v2 =	vadd.f32 v10, v2;
	v3 =	vadd.f32 v12, v3;
	v11 =	vmul.f32 v14, v28  }
0x1ef: {  	v5 =	vadd.f32 v7, v5;
	v7 =	vmul.f32 v9, v58;
	v10 =	vmul.f32 v9, v35;
	v12 =	vpop (erf)  }
0x1f0: {  	v6 =	vadd.f32 v11, v6;
	v11 =	vmul.f32 v9, v37;
	v12 =	vmul.f32 $3.125000000e-02, v12  }
0x1f1: {  	v13 =	vmul.f32 v9, v55;
	v4 =	vadd.f32 v10, v4;
	v10 =	vmul.f32 v9, v54  }
0x1f2: {  	v15 =	vmul.f32 v9, v42;
	v0 =	vadd.f32 v11, v0;
	v14 =	vmul.f32 v12, v60  }
0x1f3: {  	v11 =	vmul.f32 v9, v40;
	v1 =	vadd.f32 v10, v1;
	v10 =	vmul.f32 v12, v45  }
0x1f4: {  	v2 =	vadd.f32 v13, v2;
	v13 =	vmul.f32 v12, v63;
	v4 =	vadd.f32 v14, v4  }
0x1f5: {  	v9 =	vmul.f32 v9, v44;
	v14 =	vmul.f32 v12, v46;
	v0 =	vadd.f32 v10, v0  }
0x1f6: {  	v5 =	vadd.f32 v11, v5;
	v10 =	vmul.f32 v12, v47;
	v2 =	vadd.f32 v13, v2;
	[tilespmem:s26+$0x13100] =	vst v4  }
0x1f7: {  	v3 =	vadd.f32 v15, v3;
	v1 =	vadd.f32 v14, v1;
	v4 =	vmul.f32 v12, v49;
	[tilespmem:s26+$0x13110] =	vst v0  }
0x1f8: {  	v0 =	vadd.f32 v9, v6;
	v6 =	vmul.f32 v12, v50;
	v5 =	vadd.f32 v10, v5;
	[tilespmem:s26+$0x13130] =	vst v2  }
0x1f9: {  	[tilespmem:s26+$0x13120] =	vst v1;
	v1 =	vadd.f32 v7, v8;
	v7 =	vmul.f32 v12, v51;
	v3 =	vadd.f32 v4, v3  }
0x1fa: {  	v0 =	vadd.f32 v6, v0;
	[tilespmem:s26+$0x13140] =	vst v5  }
0x1fb: {  	v1 =	vadd.f32 v7, v1;
	[tilespmem:s26+$0x13150] =	vst v3  }
0x1fc: {  	[tilespmem:s26+$0x13160] =	vst v0  }
0x1fd: {  	s13 =	simm.s32 $0x0;
	[tilespmem:s26+$0x13170] =	vst v1  }
0x1fe: {  	v0 =	vld [tilespmem:s13+$0xD080]  }
0x1ff: {  	v1 =	vld [tilespmem:s13+$0xD090];
	_ =	sdelay $0x1  }
0x200: {  	v2 =	vld [tilespmem:s13+$0xD0A0];
	_ =	sdelay $0x1  }
0x201: {  	v3 =	vld [tilespmem:s13+$0xD0B0];
	v0 =	vmul.f32 $1.442695020e+00, v0  }
0x202: {  	v1 =	vmul.f32 $1.442695020e+00, v1  }
0x203: {  	v4 =	vld [tilespmem:s13+$0xD0C0];
	(erf) = vpow2.f32 v0  }
0x204: {  	v0 =	vmul.f32 $1.442695020e+00, v2;
	(erf) = vpow2.f32 v1  }
0x205: {  	v1 =	vld [tilespmem:s13+$0xD0D0]  }
0x206: {  	v2 =	vmul.f32 $1.442695020e+00, v3;
	(erf) = vpow2.f32 v0  }
0x207: {  	v0 =	vld [tilespmem:s13+$0xD0E0]  }
0x208: {  	v3 =	vmul.f32 $1.442695020e+00, v4;
	(erf) = vpow2.f32 v2;
	v2 =	vld [tilespmem:s13+$0xD0F0]  }
0x209: {  	s14 =	simm.s32 $0x80  }
0x20a: {  	v5 =	vld [tilespmem:s14+$0xD090];
	(erf) = vpow2.f32 v3;
	v1 =	vmul.f32 $1.442695020e+00, v1  }
0x20b: {  	v3 =	vld [tilespmem:s14+$0xD080]  }
0x20c: {  	v4 =	vmul.f32 $1.442695020e+00, v0;
	(erf) = vpow2.f32 v1;
	v20 =	vpop (erf)  }
0x20d: {  	v2 =	vmul.f32 $1.442695020e+00, v2;
	v0 =	vpop (erf)  }
0x20e: {  	(erf) = vpow2.f32 v4;
	v4 =	vld [tilespmem:s14+$0xD0A0];
	v6 =	vadd.f32 v0, v20  }
0x20f: {  	v5 =	vmul.f32 $1.442695020e+00, v5;
	v1 =	vpop (erf)  }
0x210: {  	v7 =	vld [tilespmem:s14+$0xD0B0];
	v3 =	vmul.f32 $1.442695020e+00, v3;
	v6 =	vadd.f32 v1, v6  }
0x211: {  	(erf) = vpow2.f32 v2;
	v2 =	vpop (erf)  }
0x212: {  	v8 =	vld [tilespmem:s14+$0xD0C0];
	(erf) = vpow2.f32 v3;
	v3 =	vadd.f32 v2, v6  }
0x213: {  	(erf) = vpow2.f32 v5;
	v5 =	vpop (erf);
	v4 =	vmul.f32 $1.442695020e+00, v4  }
0x214: {  	v3 =	vadd.f32 v5, v3  }
0x215: {  	v9 =	vmul.f32 $1.442695020e+00, v7;
	v6 =	vld [tilespmem:s14+$0xD0D0];
	(erf) = vpow2.f32 v4;
	v7 =	vpop (erf)  }
0x216: {  	v10 =	vld [tilespmem:s14+$0xD0E0];
	v3 =	vadd.f32 v7, v3  }
0x217: {  	v4 =	vmul.f32 $1.442695020e+00, v8;
	(erf) = vpow2.f32 v9;
	v19 =	vpop (erf)  }
0x218: {  	v3 =	vadd.f32 v19, v3  }
0x219: {  	(erf) = vpow2.f32 v4  }
0x21a: {  	s15 =	simm.s32 $0x100;
	v8 =	vld [tilespmem:s14+$0xD0F0];
	v24 =	vpop (erf);
	v6 =	vmul.f32 $1.442695020e+00, v6  }
0x21b: {  	v10 =	vmul.f32 $1.442695020e+00, v10;
	v9 =	vld [tilespmem:s15+$0xD080];
	v4 =	vpop (erf);
	v11 =	vadd.f32 v24, v3  }
0x21c: {  	v12 =	vld [tilespmem:s15+$0xD090];
	(erf) = vpow2.f32 v6;
	v3 =	vpop (erf)  }
0x21d: {  	(erf) = vpow2.f32 v10;
	(xrf2) =	vadd.scan.msk.f32 $0xffff, v11;
	v10 =	vld [tilespmem:s15+$0xD0A0];
	v11 =	vadd.f32 v3, v4  }
0x21e: {  	v13 =	vld [tilespmem:s15+$0xD0B0];
	v6 =	vpop (erf)  }
0x21f: {  	v8 =	vmul.f32 $1.442695020e+00, v8;
	v11 =	vadd.f32 v6, v11  }
0x220: {  	v14 =	vmul.f32 $1.442695020e+00, v9;
	v9 =	vpop (erf)  }
0x221: {  	(erf) = vpow2.f32 v8;
	v8 =	vmul.f32 $1.442695020e+00, v12;
	v11 =	vadd.f32 v9, v11  }
0x222: {  	(erf) = vpow2.f32 v14;
	v14 =	vmul.f32 $1.442695020e+00, v10;
	v10 =	vpop (erf)  }
0x223: {  	(erf) = vpow2.f32 v8;
	v8 =	vadd.f32 v10, v11;
	v11 =	vmul.f32 $1.442695020e+00, v13  }
0x224: {  	v12 =	vld [tilespmem:s15+$0xD0C0]  }
0x225: {  	v15 =	vld [tilespmem:s15+$0xD0D0]  }
0x226: {  	(erf) = vpow2.f32 v14;
	v14 =	vpop (erf)  }
0x227: {  	v13 =	vld [tilespmem:s15+$0xD0E0];
	(erf) = vpow2.f32 v11;
	v16 =	vadd.f32 v14, v8;
	v11, _, _ =	vpop (xrf2)  }
0x228: {  	v8 =	vpop (erf);
	v11 =	vbroadcast v11, $0xF  }
0x229: {  	s8 =	simm.s32 $0x180;
	v17 =	vld [tilespmem:s15+$0xD0F0];
	v12 =	vmul.f32 $1.442695020e+00, v12;
	v16 =	vadd.f32 v8, v16  }
0x22a: {  	v21 =	vld [tilespmem:s8+$0xD080];
	v18 =	vmul.f32 $1.442695020e+00, v15;
	v15 =	vpop (erf)  }
0x22b: {  	v22 =	vld [tilespmem:s8+$0xD0A0];
	(erf) = vpow2.f32 v12;
	v16 =	vadd.f32 v15, v16  }
0x22c: {  	v23 =	vld [tilespmem:s8+$0xD0B0];
	v13 =	vmul.f32 $1.442695020e+00, v13;
	(erf) = vrcp.f32 v11;
	v11 =	vpop (erf)  }
0x22d: {  	(erf) = vpow2.f32 v18;
	v18 =	vld [tilespmem:s8+$0xD090];
	(xrf2) =	vadd.scan.msk.f32 $0xffff, v16;
	v12 =	vpop (erf)  }
0x22e: {  	v27 =	vld [tilespmem:s8+$0xD0D0];
	v17 =	vmul.f32 $1.442695020e+00, v17;
	v16 =	vadd.f32 v12, v11  }
0x22f: {  	v29 =	vld [tilespmem:s8+$0xD0E0];
	(erf) = vpow2.f32 v13  }
0x230: {  	v13 =	vpop (erf);
	(erf) = vpow2.f32 v17;
	v17 =	vmul.f32 $1.442695020e+00, v21;
	v21 =	vld [tilespmem:s8+$0xD0C0]  }
0x231: {  	v26 =	vmul.f32 $1.442695020e+00, v22;
	v25 =	vadd.f32 v13, v16  }
0x232: {  	v28 =	vmul.f32 $1.442695020e+00, v23;
	v18 =	vmul.f32 $1.442695020e+00, v18;
	v16 =	vpop (erf)  }
0x233: {  	v34 =	vmul.f32 $1.442695020e+00, v27;
	(erf) = vpow2.f32 v17;
	v25 =	vadd.f32 v16, v25  }
0x234: {  	v35 =	vmul.f32 $1.442695020e+00, v29;
	v17 =	vpop (erf);
	(erf) = vpow2.f32 v18  }
0x235: {  	v22 =	vpop (erf);
	(erf) = vpow2.f32 v26;
	v26 =	vmul.f32 $1.442695020e+00, v21;
	v25 =	vadd.f32 v17, v25  }
0x236: {  	v29 =	vimm.f32 $0.0e+00;
	v18 =	vpop (erf);
	v22 =	vmul.f32 $1.562500000e-02, v22;
	(erf) = vpow2.f32 v28  }
0x237: {  	v27 =	vimm.f32 $0.0e+00;
	v28, _, _ =	vpop (xrf2);
	(erf) = vpow2.f32 v26;
	v25 =	vadd.f32 v18, v25  }
0x238: {  	s9 =	sor.u32 $0x80, s26;
	v21 =	vimm.f32 $0.0e+00;
	v23 =	vpop (erf);
	v24 =	vmul.f32 v22, v24;
	v28 =	vbroadcast v28, $0xF  }
0x239: {  	s10 =	sor.u32 $0x90, s26;
	s7 =	sor.u32 $0xA0, s26;
	s5 =	sor.u32 $0xB0, s26;
	v26 =	vimm.f32 $0.0e+00;
	v31 =	vmul.f32 v22, v20;
	v25 =	vadd.f32 v23, v25  }
0x23a: {  	s6 =	sor.u32 $0xC0, s26;
	s11 =	simm.s32 $0x200;
	v32 =	vld [tilespmem:s8+$0xD0F0];
	s13 =	simm.s32 $0xA00;
	v30 =	vpop (erf);
	v20 =	vadd.f32 v24, v21;
	(erf) = vrcp.f32 v28;
	v24 =	vimm.f32 $0.0e+00  }
0x23b: {  	v33 =	vld [tilespmem:s11+$0xD080];
	s14 =	sor.u32 $0xD0, s26;
	s15 =	sor.u32 $0xF0, s26;
	s8 =	sor.u32 $0xE0, s26;
	v28 =	vimm.f32 $0.0e+00;
	v36 =	vadd.f32 v30, v25;
	v25 =	vimm.f32 $0.0e+00  }
.LBB2_9:
0x23c: {  	v38 =	vpop (erf);
	(erf) = vpow2.f32 v34;
	v21 =	vadd.f32 v31, v21;
	v31 =	vmul.f32 v22, v0  }
0x23d: {  	p1 =	sne.s32 s13, $0x7E00;
	v37 =	vld [tilespmem:s11+$0xD090];
	v0 =	vmovc v3;
	v3 =	vmovc v12;
	v39 =	vmov v23;
	v34 =	vmov v15;
	v15 =	vmov v30  }
0x23e: {  	v23 =	vmul.f32 v22, v1;
	v1 =	vmov v6;
	v12 =	vpop (erf);
	(erf) = vpow2.f32 v35;
	(xrf2) =	vadd.scan.msk.f32 $0xffff, v36  }
0x23f: {  	v6 =	vmovc v13;
	v36 =	vmul.f32 v22, v2;
	v2 =	vmovc v9;
	v30 =	vld [tilespmem:s11+$0xD0A0];
	v35 =	vadd.f32 v12, v38;
	v32 =	vmul.f32 $1.442695020e+00, v32  }
0x240: {  	v41 =	vmul.f32 v22, v7;
	v29 =	vadd.f32 v31, v29;
	v31 =	vmul.f32 v22, v5;
	v40 =	vld [tilespmem:s11+$0xD0B0];
	v13 =	vpop (erf)  }
0x241: {  	v9 =	vmovc v16;
	v5 =	vmovc v10;
	v42 =	vmul.f32 $1.442695020e+00, v33;
	v33 =	vadd.f32 v13, v35;
	(erf) = vpow2.f32 v32  }
0x242: {  	v19 =	vmul.f32 v22, v19;
	v26 =	vadd.f32 v23, v26;
	v32 =	vmul.f32 $1.442695020e+00, v37;
	v35 =	vld [tilespmem:s11+$0xD0C0];
	v16 =	vpop (erf)  }
0x243: {  	v7 =	vmovc v14;
	v10 =	vmovc v17;
	v24 =	vadd.f32 v36, v24;
	(erf) = vpow2.f32 v42;
	v37 =	vadd.f32 v16, v33  }
0x244: {  	v28 =	vadd.f32 v31, v28;
	v42 =	vmul.f32 $1.442695020e+00, v30;
	(erf) = vpow2.f32 v32;
	v17 =	vpop (erf)  }
0x245: {  	v27 =	vadd.f32 v41, v27;
	v40 =	vmul.f32 $1.442695020e+00, v40;
	v33 =	vld [tilespmem:s11+$0xD0D0];
	v32 =	vadd.f32 v17, v37;
	v22 =	vpop (erf)  }
0x246: {  	v25 =	vadd.f32 v19, v25;
	v36 =	vld [tilespmem:s11+$0xD0E0];
	(erf) = vpow2.f32 v42;
	v31 =	vpop (erf);
	v22 =	vmul.f32 $1.562500000e-02, v22  }
.Ltmp5:
0x247: {  	v14 =	vmov v18;
	v19 =	vmul.f32 $1.442695020e+00, v35;
	v35 =	vadd.f32 v31, v32;
	v23 =	vpop (erf);
	(pc) =	sbr.rel @p1 .LBB2_9-.Ltmp5, $4  }
0x248: {  	v18 =	vmov v31;
	(erf) = vpow2.f32 v40;
	v30, _, _ =	vpop (xrf2);
	v37 =	vmul.f32 v22, v34  }
0x249: {  	v31 =	vmul.f32 v22, v4;
	v4 =	vmovc v11;
	v11 =	vmovc v38;
	v32 =	vld [tilespmem:s11+$0xD0F0];
	v40 =	vadd.f32 v23, v35;
	v41 =	vbroadcast v30, $0xF  }
0x24a: {  	s11 =	sshra.s32 s13, $0x2;
	v34 =	vmul.f32 $1.442695020e+00, v33;
	(erf) = vpow2.f32 v19;
	v30 =	vpop (erf);
	v20 =	vadd.f32 v37, v20  }
0x24b: {  	s13 =	sadd.s32 $0x200, s13;
	v33 =	vld [tilespmem:s11+$0xD080];
	v35 =	vmul.f32 $1.442695020e+00, v36;
	v36 =	vadd.f32 v30, v40;
	(erf) = vrcp.f32 v41;
	v19 =	vmovc v8;
	v8 =	vmovc v39  }
0x24c: {  	v37 =	vld [tilespmem:s11+$0xD090]  }
0x24d: {  	(xrf2) =	vadd.scan.msk.f32 $0xffff, v36  }
0x24e: {  	v51 =	vld [tilespmem:s11+$0xD0A0]  }
0x24f: {  	(erf) = vpow2.f32 v34;
	v32 =	vmul.f32 $1.442695020e+00, v32  }
0x250: {  	v52 =	vld [tilespmem:s11+$0xD0B0];
	(erf) = vpow2.f32 v35;
	v33 =	vmul.f32 $1.442695020e+00, v33  }
0x251: {  	v35 =	vpop (erf);
	(erf) = vpow2.f32 v32;
	v53 =	vmul.f32 $1.442695020e+00, v37  }
0x252: {  	v38 =	vld [tilespmem:s11+$0xD0C0];
	v37 =	vpop (erf);
	(erf) = vpow2.f32 v33  }
0x253: {  	v36 =	vmul.f32 $1.442695020e+00, v51;
	v54 =	vpop (erf);
	(erf) = vpow2.f32 v53  }
0x254: {  	v39 =	vld [tilespmem:s11+$0xD0D0];
	v55 =	vpop (erf)  }
0x255: {  	v34 =	vmul.f32 $1.442695020e+00, v52;
	v40 =	vpop (erf);
	(erf) = vpow2.f32 v36  }
0x256: {  	v41 =	vld [tilespmem:s11+$0xD0E0];
	v56 =	vpop (erf)  }
0x257: {  	v38 =	vmul.f32 $1.442695020e+00, v38;
	(erf) = vpow2.f32 v34;
	v57, _, _ =	vpop (xrf2)  }
0x258: {  	v43 =	vld [tilespmem:s11+$0xD0F0];
	v42 =	vpop (erf);
	v34 =	vbroadcast v57, $0xF  }
0x259: {  	v39 =	vmul.f32 $1.442695020e+00, v39;
	(erf) = vpow2.f32 v38;
	v44 =	vpop (erf)  }
0x25a: {  	v61 =	vadd.f32 v37, v35;
	v58 =	vpop (erf);
	(erf) = vrcp.f32 v34  }
0x25b: {  	v59 =	vmul.f32 $1.442695020e+00, v41;
	v60 =	vpop (erf);
	(erf) = vpow2.f32 v39  }
0x25c: {  	v39 =	vadd.f32 v54, v61;
	v45 =	vpop (erf)  }
0x25d: {  	v43 =	vmul.f32 $1.442695020e+00, v43;
	(erf) = vpow2.f32 v59;
	v62 =	vadd.f32 v45, v60  }
0x25e: {  	v46 =	vpop (erf);
	v39 =	vadd.f32 v55, v39  }
0x25f: {  	(erf) = vpow2.f32 v43;
	v34 =	vadd.f32 v46, v62  }
0x260: {  	v63 =	vpop (erf);
	v39 =	vadd.f32 v40, v39  }
0x261: {  	v34 =	vadd.f32 v63, v34  }
0x262: {  	v47 =	vpop (erf);
	v39 =	vadd.f32 v42, v39  }
0x263: {  	v34 =	vadd.f32 v47, v34;
	v48 =	vpop (erf)  }
0x264: {  	v39 =	vadd.f32 v44, v39;
	v49 =	vpop (erf)  }
0x265: {  	v34 =	vadd.f32 v49, v34  }
0x266: {  	v50 =	vpop (erf);
	v39 =	vadd.f32 v58, v39  }
0x267: {  	v34 =	vadd.f32 v50, v34  }
0x268: {  	v51 =	vpop (erf);
	(xrf2) =	vadd.scan.msk.f32 $0xffff, v39  }
0x269: {  	v34 =	vadd.f32 v51, v34;
	_ =	sdelay $0x1  }
0x26a: {  	(xrf2) =	vadd.scan.msk.f32 $0xffff, v34;
	_ =	sdelay $0x3  }
0x26b: {  	v0 =	vmul.f32 v22, v0  }
0x26c: {  	v1 =	vmul.f32 v22, v1;
	v2 =	vmul.f32 v22, v2  }
0x26d: {  	v5 =	vmul.f32 v22, v5;
	v7 =	vmul.f32 v22, v7  }
0x26e: {  	v21 =	vadd.f32 v31, v21;
	v19 =	vmul.f32 v22, v19;
	v22 =	vmul.f32 $1.562500000e-02, v56;
	v31, _, _ =	vpop (xrf2)  }
0x26f: {  	v0 =	vadd.f32 v0, v29;
	v1 =	vadd.f32 v1, v26;
	v26 =	vbroadcast v31, $0xF  }
0x270: {  	v2 =	vadd.f32 v2, v24;
	v15 =	vmul.f32 v22, v15;
	v4 =	vmul.f32 v22, v4  }
0x271: {  	v5 =	vadd.f32 v5, v28;
	v3 =	vmul.f32 v22, v3;
	(erf) = vrcp.f32 v26;
	v29, _, _ =	vpop (xrf2)  }
0x272: {  	v7 =	vadd.f32 v7, v27;
	v6 =	vmul.f32 v22, v6;
	v24 =	vbroadcast v29, $0xF  }
0x273: {  	v19 =	vadd.f32 v19, v25;
	v9 =	vmul.f32 v22, v9;
	v10 =	vmul.f32 v22, v10  }
0x274: {  	v15 =	vadd.f32 v15, v20;
	v4 =	vadd.f32 v4, v21;
	(erf) = vrcp.f32 v24  }
0x275: {  	v0 =	vadd.f32 v3, v0;
	v3 =	vmul.f32 v22, v14;
	v14 =	vmul.f32 $1.562500000e-02, v48  }
0x276: {  	v1 =	vadd.f32 v6, v1;
	v6 =	vmul.f32 v22, v8;
	v2 =	vadd.f32 v9, v2  }
0x277: {  	v5 =	vadd.f32 v10, v5;
	v3 =	vadd.f32 v3, v7;
	v9 =	vmul.f32 v14, v11  }
0x278: {  	v6 =	vadd.f32 v6, v19;
	v8 =	vmul.f32 v14, v30;
	v7 =	vmul.f32 v14, v12  }
0x279: {  	v12 =	vmul.f32 v14, v18;
	v4 =	vadd.f32 v9, v4;
	v9 =	vmul.f32 v14, v13  }
0x27a: {  	v10 =	vmul.f32 v14, v16;
	v8 =	vadd.f32 v8, v15;
	v0 =	vadd.f32 v7, v0;
	v11 =	vpop (erf)  }
0x27b: {  	v7 =	vmul.f32 v14, v17;
	v1 =	vadd.f32 v9, v1;
	v9 =	vmul.f32 $1.562500000e-02, v11  }
0x27c: {  	v2 =	vadd.f32 v10, v2;
	v3 =	vadd.f32 v12, v3;
	v11 =	vmul.f32 v14, v23  }
0x27d: {  	v5 =	vadd.f32 v7, v5;
	v7 =	vmul.f32 v9, v58;
	v10 =	vmul.f32 v9, v35;
	v12 =	vpop (erf)  }
0x27e: {  	v6 =	vadd.f32 v11, v6;
	v11 =	vmul.f32 v9, v37;
	v12 =	vmul.f32 $1.562500000e-02, v12  }
0x27f: {  	v13 =	vmul.f32 v9, v55;
	v4 =	vadd.f32 v10, v4;
	v10 =	vmul.f32 v9, v54  }
0x280: {  	v15 =	vmul.f32 v9, v42;
	v0 =	vadd.f32 v11, v0;
	v14 =	vmul.f32 v12, v60  }
0x281: {  	v11 =	vmul.f32 v9, v40;
	v1 =	vadd.f32 v10, v1;
	v10 =	vmul.f32 v12, v45  }
0x282: {  	v9 =	vmul.f32 v9, v44;
	v4 =	vadd.f32 v14, v4;
	v14 =	vmul.f32 v12, v46  }
0x283: {  	v2 =	vadd.f32 v13, v2;
	v13 =	vmul.f32 v12, v63;
	v0 =	vadd.f32 v10, v0  }
0x284: {  	v5 =	vadd.f32 v11, v5;
	v10 =	vmul.f32 v12, v47;
	v1 =	vadd.f32 v14, v1;
	[tilespmem:s9+$0x17080] =	vst v4  }
0x285: {  	v3 =	vadd.f32 v15, v3;
	v2 =	vadd.f32 v13, v2;
	v4 =	vmul.f32 v12, v49;
	[tilespmem:s10+$0x17080] =	vst v0  }
0x286: {  	v5 =	vadd.f32 v10, v5;
	v0 =	vadd.f32 v9, v6;
	v6 =	vmul.f32 v12, v50;
	[tilespmem:s7+$0x17080] =	vst v1  }
0x287: {  	v1 =	vadd.f32 v7, v8;
	v7 =	vmul.f32 v12, v51;
	v3 =	vadd.f32 v4, v3;
	[tilespmem:s5+$0x17080] =	vst v2  }
0x288: {  	v0 =	vadd.f32 v6, v0;
	s5 =	sadd.s32 @!p0 $0x5, s28;
	[tilespmem:s6+$0x17080] =	vst v5  }
0x289: {  	v1 =	vadd.f32 v7, v1;
	s6 =	sshll.u32 @!p0 s5, $0x5;
	[tilespmem:s14+$0x17080] =	vst v3  }
0x28a: {  	s7 =	simm.s32 @!p0 $0x20;
	s5 =	sshll.u32 @!p0 s5, $0x6;
	s6 =	sand.u32 @!p0 $0x3FFFFFE0, s6;
	[tilespmem:s8+$0x17080] =	vst v0  }
0x28b: {  	s5 =	sand.u32 @!p0 $0x3FFFFFC0, s5;
	s6 =	sadd.s32 @!p0 $0x80, s6;
	s8 =	simm.s32 @!p0 $0x8080;
	[tilespmem:s15+$0x17080] =	vst v1  }
0x28c: {  	[tilespmem:s8], [sflag:$0x3] =	stream.indirect.gather @!p0 [hbm4b:s3+s7], $0x80, s6, s7, $0xb8;
	[tilespmem:$0x1B080] =	vst v63  }
0x28d: {  	s5 =	sadd.s32 @!p0 $0x1080, s5;
	s6 =	simm.s32 @!p0 $0x40;
	s7 =	simm.s32 @!p0 $0xD080  }
0x28e: {  	[tilespmem:s7], [sflag:$0x7] =	stream.indirect.gather @!p0 [hbm4b:s1+s6], $0x80, s5, s6, $0xb8;
	[tilespmem:$0x1B080] =	vst v63  }
0x28f: {  	_ =	swait.ge [sflag:s21], $0x1000  }
0x290: {  	[sflag:s21] =	ssyncset.done $0x0  }
0x291: {  	[sflag:s21] =	ssyncadd.s32 $0xFFFFF000  }
0x292: {  	_ =	swait.ge [sflag:s22], $0x2000  }
0x293: {  	[sflag:s22] =	ssyncset.done $0x0  }
0x294: {  	s11 =	simm.s32 $0x0;
	[sflag:s22] =	ssyncadd.s32 $0xFFFFE000  }
0x295: {  	v0 =	vld [tilespmem:s11+$0x9080]  }
0x296: {  	v1 =	vld [tilespmem:s11+$0x9090];
	_ =	sdelay $0x1  }
0x297: {  	v2 =	vld [tilespmem:s11+$0x90A0];
	_ =	sdelay $0x1  }
0x298: {  	v3 =	vld [tilespmem:s11+$0x90B0];
	v0 =	vmul.f32 $1.442695020e+00, v0  }
0x299: {  	v1 =	vmul.f32 $1.442695020e+00, v1  }
0x29a: {  	v4 =	vld [tilespmem:s11+$0x90C0];
	(erf) = vpow2.f32 v0  }
0x29b: {  	v0 =	vmul.f32 $1.442695020e+00, v2;
	(erf) = vpow2.f32 v1  }
0x29c: {  	v1 =	vld [tilespmem:s11+$0x90D0]  }
0x29d: {  	v2 =	vmul.f32 $1.442695020e+00, v3;
	(erf) = vpow2.f32 v0  }
0x29e: {  	v0 =	vld [tilespmem:s11+$0x90E0]  }
0x29f: {  	v3 =	vmul.f32 $1.442695020e+00, v4;
	(erf) = vpow2.f32 v2;
	v2 =	vld [tilespmem:s11+$0x90F0]  }
0x2a0: {  	s13 =	simm.s32 $0x80  }
0x2a1: {  	v5 =	vld [tilespmem:s13+$0x9090];
	(erf) = vpow2.f32 v3;
	v1 =	vmul.f32 $1.442695020e+00, v1  }
0x2a2: {  	v3 =	vld [tilespmem:s13+$0x9080]  }
0x2a3: {  	v4 =	vmul.f32 $1.442695020e+00, v0;
	(erf) = vpow2.f32 v1;
	v20 =	vpop (erf)  }
0x2a4: {  	v2 =	vmul.f32 $1.442695020e+00, v2;
	v0 =	vpop (erf)  }
0x2a5: {  	(erf) = vpow2.f32 v4;
	v4 =	vld [tilespmem:s13+$0x90A0];
	v6 =	vadd.f32 v0, v20  }
0x2a6: {  	v5 =	vmul.f32 $1.442695020e+00, v5;
	v1 =	vpop (erf)  }
0x2a7: {  	v7 =	vld [tilespmem:s13+$0x90B0];
	v3 =	vmul.f32 $1.442695020e+00, v3;
	v6 =	vadd.f32 v1, v6  }
0x2a8: {  	(erf) = vpow2.f32 v2;
	v2 =	vpop (erf)  }
0x2a9: {  	v8 =	vld [tilespmem:s13+$0x90C0];
	(erf) = vpow2.f32 v3;
	v3 =	vadd.f32 v2, v6  }
0x2aa: {  	(erf) = vpow2.f32 v5;
	v5 =	vpop (erf);
	v4 =	vmul.f32 $1.442695020e+00, v4  }
0x2ab: {  	v3 =	vadd.f32 v5, v3  }
0x2ac: {  	v9 =	vmul.f32 $1.442695020e+00, v7;
	v6 =	vld [tilespmem:s13+$0x90D0];
	(erf) = vpow2.f32 v4;
	v7 =	vpop (erf)  }
0x2ad: {  	v10 =	vld [tilespmem:s13+$0x90E0];
	v3 =	vadd.f32 v7, v3  }
0x2ae: {  	v4 =	vmul.f32 $1.442695020e+00, v8;
	(erf) = vpow2.f32 v9;
	v19 =	vpop (erf)  }
0x2af: {  	v3 =	vadd.f32 v19, v3  }
0x2b0: {  	(erf) = vpow2.f32 v4  }
0x2b1: {  	s14 =	simm.s32 $0x100;
	v8 =	vld [tilespmem:s13+$0x90F0];
	v22 =	vpop (erf);
	v6 =	vmul.f32 $1.442695020e+00, v6  }
0x2b2: {  	v10 =	vmul.f32 $1.442695020e+00, v10;
	v9 =	vld [tilespmem:s14+$0x9080];
	v4 =	vpop (erf);
	v11 =	vadd.f32 v22, v3  }
0x2b3: {  	v12 =	vld [tilespmem:s14+$0x9090];
	(erf) = vpow2.f32 v6;
	v3 =	vpop (erf)  }
0x2b4: {  	(erf) = vpow2.f32 v10;
	(xrf2) =	vadd.scan.msk.f32 $0xffff, v11;
	v10 =	vld [tilespmem:s14+$0x90A0];
	v11 =	vadd.f32 v3, v4  }
0x2b5: {  	v13 =	vld [tilespmem:s14+$0x90B0];
	v6 =	vpop (erf)  }
0x2b6: {  	v8 =	vmul.f32 $1.442695020e+00, v8;
	v11 =	vadd.f32 v6, v11  }
0x2b7: {  	v14 =	vmul.f32 $1.442695020e+00, v9;
	v9 =	vpop (erf)  }
0x2b8: {  	(erf) = vpow2.f32 v8;
	v8 =	vmul.f32 $1.442695020e+00, v12;
	v11 =	vadd.f32 v9, v11  }
0x2b9: {  	(erf) = vpow2.f32 v14;
	v14 =	vmul.f32 $1.442695020e+00, v10;
	v10 =	vpop (erf)  }
0x2ba: {  	(erf) = vpow2.f32 v8;
	v8 =	vadd.f32 v10, v11;
	v11 =	vmul.f32 $1.442695020e+00, v13  }
0x2bb: {  	v12 =	vld [tilespmem:s14+$0x90C0]  }
0x2bc: {  	v15 =	vld [tilespmem:s14+$0x90D0]  }
0x2bd: {  	(erf) = vpow2.f32 v14;
	v14 =	vpop (erf)  }
0x2be: {  	v13 =	vld [tilespmem:s14+$0x90E0];
	(erf) = vpow2.f32 v11;
	v16 =	vadd.f32 v14, v8;
	v11, _, _ =	vpop (xrf2)  }
0x2bf: {  	v8 =	vpop (erf);
	v11 =	vbroadcast v11, $0xF  }
0x2c0: {  	s15 =	simm.s32 $0x180;
	v17 =	vld [tilespmem:s14+$0x90F0];
	v12 =	vmul.f32 $1.442695020e+00, v12;
	v16 =	vadd.f32 v8, v16  }
0x2c1: {  	v21 =	vld [tilespmem:s15+$0x9080];
	v18 =	vmul.f32 $1.442695020e+00, v15;
	v15 =	vpop (erf)  }
0x2c2: {  	v23 =	vld [tilespmem:s15+$0x90A0];
	(erf) = vpow2.f32 v12;
	v16 =	vadd.f32 v15, v16  }
0x2c3: {  	v24 =	vld [tilespmem:s15+$0x90B0];
	v13 =	vmul.f32 $1.442695020e+00, v13;
	(erf) = vrcp.f32 v11;
	v11 =	vpop (erf)  }
0x2c4: {  	(erf) = vpow2.f32 v18;
	v18 =	vld [tilespmem:s15+$0x9090];
	(xrf2) =	vadd.scan.msk.f32 $0xffff, v16;
	v12 =	vpop (erf)  }
0x2c5: {  	v26 =	vld [tilespmem:s15+$0x90D0];
	v17 =	vmul.f32 $1.442695020e+00, v17;
	v16 =	vadd.f32 v12, v11  }
0x2c6: {  	v29 =	vld [tilespmem:s15+$0x90E0];
	(erf) = vpow2.f32 v13  }
0x2c7: {  	v13 =	vpop (erf);
	(erf) = vpow2.f32 v17;
	v17 =	vmul.f32 $1.442695020e+00, v21;
	v21 =	vld [tilespmem:s15+$0x90C0]  }
0x2c8: {  	v23 =	vmul.f32 $1.442695020e+00, v23;
	v25 =	vadd.f32 v13, v16  }
0x2c9: {  	v24 =	vmul.f32 $1.442695020e+00, v24;
	v18 =	vmul.f32 $1.442695020e+00, v18;
	v16 =	vpop (erf)  }
0x2ca: {  	v35 =	vmul.f32 $1.442695020e+00, v26;
	(erf) = vpow2.f32 v17;
	v25 =	vadd.f32 v16, v25  }
0x2cb: {  	v34 =	vmul.f32 $1.442695020e+00, v29;
	v17 =	vpop (erf);
	(erf) = vpow2.f32 v18  }
0x2cc: {  	v27 =	vpop (erf);
	(erf) = vpow2.f32 v23;
	v23 =	vmul.f32 $1.442695020e+00, v21;
	v25 =	vadd.f32 v17, v25  }
0x2cd: {  	v29 =	vimm.f32 $0.0e+00;
	v18 =	vpop (erf);
	v27 =	vmul.f32 $3.125000000e-02, v27;
	(erf) = vpow2.f32 v24  }
0x2ce: {  	v26 =	vimm.f32 $0.0e+00;
	v24, _, _ =	vpop (xrf2);
	(erf) = vpow2.f32 v23;
	v25 =	vadd.f32 v18, v25  }
0x2cf: {  	v21 =	vimm.f32 $0.0e+00;
	v28 =	vpop (erf);
	v22 =	vmul.f32 v27, v22;
	v24 =	vbroadcast v24, $0xF  }
0x2d0: {  	v23 =	vimm.f32 $0.0e+00;
	v31 =	vmul.f32 v27, v20;
	v25 =	vadd.f32 v28, v25  }
0x2d1: {  	s5 =	simm.s32 $0x200;
	v32 =	vld [tilespmem:s15+$0x90F0];
	v30 =	vpop (erf);
	v20 =	vadd.f32 v22, v21;
	(erf) = vrcp.f32 v24;
	v24 =	vimm.f32 $0.0e+00  }
0x2d2: {  	s6 =	simm.s32 $0xA00;
	v33 =	vld [tilespmem:s5+$0x9080];
	v22 =	vimm.f32 $0.0e+00;
	v36 =	vadd.f32 v30, v25;
	v25 =	vimm.f32 $0.0e+00  }
.LBB2_11:
0x2d3: {  	v38 =	vpop (erf);
	(erf) = vpow2.f32 v35;
	v21 =	vadd.f32 v31, v21;
	v31 =	vmul.f32 v27, v0  }
0x2d4: {  	p1 =	sne.s32 s6, $0x3E00;
	v37 =	vld [tilespmem:s5+$0x9090];
	v0 =	vmovc v3;
	v3 =	vmovc v12;
	v39 =	vmov v28;
	v35 =	vmov v15;
	v15 =	vmov v30  }
0x2d5: {  	v28 =	vmul.f32 v27, v1;
	v1 =	vmov v6;
	v12 =	vpop (erf);
	(erf) = vpow2.f32 v34;
	(xrf2) =	vadd.scan.msk.f32 $0xffff, v36  }
0x2d6: {  	v6 =	vmovc v13;
	v36 =	vmul.f32 v27, v2;
	v2 =	vmovc v9;
	v30 =	vld [tilespmem:s5+$0x90A0];
	v34 =	vadd.f32 v12, v38;
	v32 =	vmul.f32 $1.442695020e+00, v32  }
0x2d7: {  	v41 =	vmul.f32 v27, v7;
	v29 =	vadd.f32 v31, v29;
	v31 =	vmul.f32 v27, v5;
	v40 =	vld [tilespmem:s5+$0x90B0];
	v13 =	vpop (erf)  }
0x2d8: {  	v9 =	vmovc v16;
	v5 =	vmovc v10;
	v42 =	vmul.f32 $1.442695020e+00, v33;
	v33 =	vadd.f32 v13, v34;
	(erf) = vpow2.f32 v32  }
0x2d9: {  	v19 =	vmul.f32 v27, v19;
	v26 =	vadd.f32 v28, v26;
	v32 =	vmul.f32 $1.442695020e+00, v37;
	v34 =	vld [tilespmem:s5+$0x90C0];
	v16 =	vpop (erf)  }
0x2da: {  	v7 =	vmovc v14;
	v10 =	vmovc v17;
	v23 =	vadd.f32 v36, v23;
	(erf) = vpow2.f32 v42;
	v37 =	vadd.f32 v16, v33  }
0x2db: {  	v25 =	vadd.f32 v31, v25;
	v42 =	vmul.f32 $1.442695020e+00, v30;
	(erf) = vpow2.f32 v32;
	v17 =	vpop (erf)  }
0x2dc: {  	v24 =	vadd.f32 v41, v24;
	v40 =	vmul.f32 $1.442695020e+00, v40;
	v33 =	vld [tilespmem:s5+$0x90D0];
	v32 =	vadd.f32 v17, v37;
	v27 =	vpop (erf)  }
0x2dd: {  	v22 =	vadd.f32 v19, v22;
	v36 =	vld [tilespmem:s5+$0x90E0];
	(erf) = vpow2.f32 v42;
	v31 =	vpop (erf);
	v27 =	vmul.f32 $3.125000000e-02, v27  }
.Ltmp6:
0x2de: {  	v14 =	vmov v18;
	v19 =	vmul.f32 $1.442695020e+00, v34;
	v34 =	vadd.f32 v31, v32;
	v28 =	vpop (erf);
	(pc) =	sbr.rel @p1 .LBB2_11-.Ltmp6, $4  }
0x2df: {  	v18 =	vmov v31;
	(erf) = vpow2.f32 v40;
	v30, _, _ =	vpop (xrf2);
	v37 =	vmul.f32 v27, v35  }
0x2e0: {  	v31 =	vmul.f32 v27, v4;
	v4 =	vmovc v11;
	v11 =	vmovc v38;
	v32 =	vld [tilespmem:s5+$0x90F0];
	v40 =	vadd.f32 v28, v34;
	v41 =	vbroadcast v30, $0xF  }
0x2e1: {  	s5 =	sshra.s32 s6, $0x2;
	v35 =	vmul.f32 $1.442695020e+00, v33;
	(erf) = vpow2.f32 v19;
	v30 =	vpop (erf);
	v20 =	vadd.f32 v37, v20  }
0x2e2: {  	s6 =	sadd.s32 $0x200, s6;
	v33 =	vld [tilespmem:s5+$0x9080];
	v34 =	vmul.f32 $1.442695020e+00, v36;
	v36 =	vadd.f32 v30, v40;
	(erf) = vrcp.f32 v41;
	v19 =	vmovc v8;
	v8 =	vmovc v39  }
0x2e3: {  	v37 =	vld [tilespmem:s5+$0x9090]  }
0x2e4: {  	(xrf2) =	vadd.scan.msk.f32 $0xffff, v36  }
0x2e5: {  	v51 =	vld [tilespmem:s5+$0x90A0]  }
0x2e6: {  	(erf) = vpow2.f32 v35;
	v32 =	vmul.f32 $1.442695020e+00, v32  }
0x2e7: {  	v52 =	vld [tilespmem:s5+$0x90B0];
	(erf) = vpow2.f32 v34;
	v33 =	vmul.f32 $1.442695020e+00, v33  }
0x2e8: {  	v35 =	vpop (erf);
	(erf) = vpow2.f32 v32;
	v53 =	vmul.f32 $1.442695020e+00, v37  }
0x2e9: {  	v38 =	vld [tilespmem:s5+$0x90C0];
	v37 =	vpop (erf);
	(erf) = vpow2.f32 v33  }
0x2ea: {  	v36 =	vmul.f32 $1.442695020e+00, v51;
	v54 =	vpop (erf);
	(erf) = vpow2.f32 v53  }
0x2eb: {  	v39 =	vld [tilespmem:s5+$0x90D0];
	v55 =	vpop (erf)  }
0x2ec: {  	v34 =	vmul.f32 $1.442695020e+00, v52;
	v40 =	vpop (erf);
	(erf) = vpow2.f32 v36  }
0x2ed: {  	v41 =	vld [tilespmem:s5+$0x90E0];
	v56 =	vpop (erf)  }
0x2ee: {  	v38 =	vmul.f32 $1.442695020e+00, v38;
	(erf) = vpow2.f32 v34;
	v57, _, _ =	vpop (xrf2)  }
0x2ef: {  	v43 =	vld [tilespmem:s5+$0x90F0];
	v42 =	vpop (erf);
	v34 =	vbroadcast v57, $0xF  }
0x2f0: {  	v39 =	vmul.f32 $1.442695020e+00, v39;
	(erf) = vpow2.f32 v38;
	v44 =	vpop (erf)  }
0x2f1: {  	v61 =	vadd.f32 v37, v35;
	v58 =	vpop (erf);
	(erf) = vrcp.f32 v34  }
0x2f2: {  	v59 =	vmul.f32 $1.442695020e+00, v41;
	v60 =	vpop (erf);
	(erf) = vpow2.f32 v39  }
0x2f3: {  	v39 =	vadd.f32 v54, v61;
	v45 =	vpop (erf)  }
0x2f4: {  	v43 =	vmul.f32 $1.442695020e+00, v43;
	(erf) = vpow2.f32 v59;
	v62 =	vadd.f32 v45, v60  }
0x2f5: {  	v46 =	vpop (erf);
	v39 =	vadd.f32 v55, v39  }
0x2f6: {  	(erf) = vpow2.f32 v43;
	v34 =	vadd.f32 v46, v62  }
0x2f7: {  	v63 =	vpop (erf);
	v39 =	vadd.f32 v40, v39  }
0x2f8: {  	v34 =	vadd.f32 v63, v34  }
0x2f9: {  	v47 =	vpop (erf);
	v39 =	vadd.f32 v42, v39  }
0x2fa: {  	v34 =	vadd.f32 v47, v34;
	v48 =	vpop (erf)  }
0x2fb: {  	v39 =	vadd.f32 v44, v39;
	v49 =	vpop (erf)  }
0x2fc: {  	v34 =	vadd.f32 v49, v34  }
0x2fd: {  	v50 =	vpop (erf);
	v39 =	vadd.f32 v58, v39  }
0x2fe: {  	v34 =	vadd.f32 v50, v34  }
0x2ff: {  	v51 =	vpop (erf);
	(xrf2) =	vadd.scan.msk.f32 $0xffff, v39  }
0x300: {  	v34 =	vadd.f32 v51, v34;
	_ =	sdelay $0x1  }
0x301: {  	(xrf2) =	vadd.scan.msk.f32 $0xffff, v34;
	_ =	sdelay $0x4  }
0x302: {  	v0 =	vmul.f32 v27, v0;
	v1 =	vmul.f32 v27, v1  }
0x303: {  	v21 =	vadd.f32 v31, v21;
	v2 =	vmul.f32 v27, v2;
	v5 =	vmul.f32 v27, v5  }
0x304: {  	v7 =	vmul.f32 v27, v7;
	v1 =	vadd.f32 v1, v26;
	v26 =	vmul.f32 $3.125000000e-02, v56;
	v31, _, _ =	vpop (xrf2)  }
0x305: {  	v19 =	vmul.f32 v27, v19;
	v0 =	vadd.f32 v0, v29;
	v27 =	vbroadcast v31, $0xF  }
0x306: {  	v2 =	vadd.f32 v2, v23;
	v15 =	vmul.f32 v26, v15;
	v4 =	vmul.f32 v26, v4  }
0x307: {  	v5 =	vadd.f32 v5, v25;
	v3 =	vmul.f32 v26, v3;
	(erf) = vrcp.f32 v27;
	v29, _, _ =	vpop (xrf2)  }
0x308: {  	v7 =	vadd.f32 v7, v24;
	v6 =	vmul.f32 v26, v6;
	v23 =	vbroadcast v29, $0xF  }
0x309: {  	v19 =	vadd.f32 v19, v22;
	v9 =	vmul.f32 v26, v9;
	v10 =	vmul.f32 v26, v10  }
0x30a: {  	v15 =	vadd.f32 v15, v20;
	v4 =	vadd.f32 v4, v21;
	(erf) = vrcp.f32 v23  }
0x30b: {  	v0 =	vadd.f32 v3, v0;
	v3 =	vmul.f32 v26, v14;
	v14 =	vmul.f32 $3.125000000e-02, v48  }
0x30c: {  	v1 =	vadd.f32 v6, v1;
	v6 =	vmul.f32 v26, v8;
	v2 =	vadd.f32 v9, v2  }
0x30d: {  	v5 =	vadd.f32 v10, v5;
	v3 =	vadd.f32 v3, v7;
	v9 =	vmul.f32 v14, v11  }
0x30e: {  	v6 =	vadd.f32 v6, v19;
	v8 =	vmul.f32 v14, v30;
	v7 =	vmul.f32 v14, v12  }
0x30f: {  	v12 =	vmul.f32 v14, v18;
	v4 =	vadd.f32 v9, v4;
	v9 =	vmul.f32 v14, v13  }
0x310: {  	v10 =	vmul.f32 v14, v16;
	v8 =	vadd.f32 v8, v15;
	v0 =	vadd.f32 v7, v0;
	v11 =	vpop (erf)  }
0x311: {  	v7 =	vmul.f32 v14, v17;
	v1 =	vadd.f32 v9, v1;
	v9 =	vmul.f32 $3.125000000e-02, v11  }
0x312: {  	v2 =	vadd.f32 v10, v2;
	v3 =	vadd.f32 v12, v3;
	v11 =	vmul.f32 v14, v28  }
0x313: {  	v5 =	vadd.f32 v7, v5;
	v7 =	vmul.f32 v9, v58;
	v10 =	vmul.f32 v9, v35;
	v12 =	vpop (erf)  }
0x314: {  	v6 =	vadd.f32 v11, v6;
	v11 =	vmul.f32 v9, v37;
	v12 =	vmul.f32 $3.125000000e-02, v12  }
0x315: {  	v13 =	vmul.f32 v9, v55;
	v4 =	vadd.f32 v10, v4;
	v10 =	vmul.f32 v9, v54  }
0x316: {  	v15 =	vmul.f32 v9, v42;
	v0 =	vadd.f32 v11, v0;
	v14 =	vmul.f32 v12, v60  }
0x317: {  	v11 =	vmul.f32 v9, v40;
	v1 =	vadd.f32 v10, v1;
	v10 =	vmul.f32 v12, v45  }
0x318: {  	v2 =	vadd.f32 v13, v2;
	v13 =	vmul.f32 v12, v63;
	v4 =	vadd.f32 v14, v4  }
0x319: {  	v9 =	vmul.f32 v9, v44;
	v14 =	vmul.f32 v12, v46;
	v0 =	vadd.f32 v10, v0  }
0x31a: {  	v5 =	vadd.f32 v11, v5;
	v10 =	vmul.f32 v12, v47;
	v2 =	vadd.f32 v13, v2;
	[tilespmem:s26+$0x13180] =	vst v4  }
0x31b: {  	v3 =	vadd.f32 v15, v3;
	v1 =	vadd.f32 v14, v1;
	v4 =	vmul.f32 v12, v49;
	[tilespmem:s26+$0x13190] =	vst v0  }
0x31c: {  	v0 =	vadd.f32 v9, v6;
	v6 =	vmul.f32 v12, v50;
	v5 =	vadd.f32 v10, v5;
	[tilespmem:s26+$0x131B0] =	vst v2  }
0x31d: {  	[tilespmem:s26+$0x131A0] =	vst v1;
	v1 =	vadd.f32 v7, v8;
	v7 =	vmul.f32 v12, v51;
	v3 =	vadd.f32 v4, v3  }
0x31e: {  	v0 =	vadd.f32 v6, v0;
	[tilespmem:s26+$0x131C0] =	vst v5  }
0x31f: {  	v1 =	vadd.f32 v7, v1;
	[tilespmem:s26+$0x131D0] =	vst v3  }
0x320: {  	[tilespmem:s26+$0x131E0] =	vst v0  }
0x321: {  	s13 =	simm.s32 $0x0;
	[tilespmem:s26+$0x131F0] =	vst v1  }
0x322: {  	v0 =	vld [tilespmem:s13+$0xF080]  }
0x323: {  	v1 =	vld [tilespmem:s13+$0xF090];
	_ =	sdelay $0x1  }
0x324: {  	v2 =	vld [tilespmem:s13+$0xF0A0];
	_ =	sdelay $0x1  }
0x325: {  	v3 =	vld [tilespmem:s13+$0xF0B0];
	v0 =	vmul.f32 $1.442695020e+00, v0  }
0x326: {  	v1 =	vmul.f32 $1.442695020e+00, v1  }
0x327: {  	v4 =	vld [tilespmem:s13+$0xF0C0];
	(erf) = vpow2.f32 v0  }
0x328: {  	v0 =	vmul.f32 $1.442695020e+00, v2;
	(erf) = vpow2.f32 v1  }
0x329: {  	v1 =	vld [tilespmem:s13+$0xF0D0]  }
0x32a: {  	v2 =	vmul.f32 $1.442695020e+00, v3;
	(erf) = vpow2.f32 v0  }
0x32b: {  	v0 =	vld [tilespmem:s13+$0xF0E0]  }
0x32c: {  	v3 =	vmul.f32 $1.442695020e+00, v4;
	(erf) = vpow2.f32 v2;
	v2 =	vld [tilespmem:s13+$0xF0F0]  }
0x32d: {  	s14 =	simm.s32 $0x80  }
0x32e: {  	v5 =	vld [tilespmem:s14+$0xF090];
	(erf) = vpow2.f32 v3;
	v1 =	vmul.f32 $1.442695020e+00, v1  }
0x32f: {  	v3 =	vld [tilespmem:s14+$0xF080]  }
0x330: {  	v4 =	vmul.f32 $1.442695020e+00, v0;
	(erf) = vpow2.f32 v1;
	v20 =	vpop (erf)  }
0x331: {  	v2 =	vmul.f32 $1.442695020e+00, v2;
	v0 =	vpop (erf)  }
0x332: {  	(erf) = vpow2.f32 v4;
	v4 =	vld [tilespmem:s14+$0xF0A0];
	v6 =	vadd.f32 v0, v20  }
0x333: {  	v5 =	vmul.f32 $1.442695020e+00, v5;
	v1 =	vpop (erf)  }
0x334: {  	v7 =	vld [tilespmem:s14+$0xF0B0];
	v3 =	vmul.f32 $1.442695020e+00, v3;
	v6 =	vadd.f32 v1, v6  }
0x335: {  	(erf) = vpow2.f32 v2;
	v2 =	vpop (erf)  }
0x336: {  	v8 =	vld [tilespmem:s14+$0xF0C0];
	(erf) = vpow2.f32 v3;
	v3 =	vadd.f32 v2, v6  }
0x337: {  	(erf) = vpow2.f32 v5;
	v5 =	vpop (erf);
	v4 =	vmul.f32 $1.442695020e+00, v4  }
0x338: {  	v3 =	vadd.f32 v5, v3  }
0x339: {  	v9 =	vmul.f32 $1.442695020e+00, v7;
	v6 =	vld [tilespmem:s14+$0xF0D0];
	(erf) = vpow2.f32 v4;
	v7 =	vpop (erf)  }
0x33a: {  	v10 =	vld [tilespmem:s14+$0xF0E0];
	v3 =	vadd.f32 v7, v3  }
0x33b: {  	v4 =	vmul.f32 $1.442695020e+00, v8;
	(erf) = vpow2.f32 v9;
	v19 =	vpop (erf)  }
0x33c: {  	v3 =	vadd.f32 v19, v3  }
0x33d: {  	(erf) = vpow2.f32 v4  }
0x33e: {  	s15 =	simm.s32 $0x100;
	v8 =	vld [tilespmem:s14+$0xF0F0];
	v24 =	vpop (erf);
	v6 =	vmul.f32 $1.442695020e+00, v6  }
0x33f: {  	v10 =	vmul.f32 $1.442695020e+00, v10;
	v9 =	vld [tilespmem:s15+$0xF080];
	v4 =	vpop (erf);
	v11 =	vadd.f32 v24, v3  }
0x340: {  	v12 =	vld [tilespmem:s15+$0xF090];
	(erf) = vpow2.f32 v6;
	v3 =	vpop (erf)  }
0x341: {  	(erf) = vpow2.f32 v10;
	(xrf2) =	vadd.scan.msk.f32 $0xffff, v11;
	v10 =	vld [tilespmem:s15+$0xF0A0];
	v11 =	vadd.f32 v3, v4  }
0x342: {  	v13 =	vld [tilespmem:s15+$0xF0B0];
	v6 =	vpop (erf)  }
0x343: {  	v8 =	vmul.f32 $1.442695020e+00, v8;
	v11 =	vadd.f32 v6, v11  }
0x344: {  	v14 =	vmul.f32 $1.442695020e+00, v9;
	v9 =	vpop (erf)  }
0x345: {  	(erf) = vpow2.f32 v8;
	v8 =	vmul.f32 $1.442695020e+00, v12;
	v11 =	vadd.f32 v9, v11  }
0x346: {  	(erf) = vpow2.f32 v14;
	v14 =	vmul.f32 $1.442695020e+00, v10;
	v10 =	vpop (erf)  }
0x347: {  	(erf) = vpow2.f32 v8;
	v8 =	vadd.f32 v10, v11;
	v11 =	vmul.f32 $1.442695020e+00, v13  }
0x348: {  	v12 =	vld [tilespmem:s15+$0xF0C0]  }
0x349: {  	v15 =	vld [tilespmem:s15+$0xF0D0]  }
0x34a: {  	(erf) = vpow2.f32 v14;
	v14 =	vpop (erf)  }
0x34b: {  	v13 =	vld [tilespmem:s15+$0xF0E0];
	(erf) = vpow2.f32 v11;
	v16 =	vadd.f32 v14, v8;
	v11, _, _ =	vpop (xrf2)  }
0x34c: {  	v8 =	vpop (erf);
	v11 =	vbroadcast v11, $0xF  }
0x34d: {  	s8 =	simm.s32 $0x180;
	v17 =	vld [tilespmem:s15+$0xF0F0];
	v12 =	vmul.f32 $1.442695020e+00, v12;
	v16 =	vadd.f32 v8, v16  }
0x34e: {  	v21 =	vld [tilespmem:s8+$0xF080];
	v18 =	vmul.f32 $1.442695020e+00, v15;
	v15 =	vpop (erf)  }
0x34f: {  	v22 =	vld [tilespmem:s8+$0xF0A0];
	(erf) = vpow2.f32 v12;
	v16 =	vadd.f32 v15, v16  }
0x350: {  	v23 =	vld [tilespmem:s8+$0xF0B0];
	v13 =	vmul.f32 $1.442695020e+00, v13;
	(erf) = vrcp.f32 v11;
	v11 =	vpop (erf)  }
0x351: {  	(erf) = vpow2.f32 v18;
	v18 =	vld [tilespmem:s8+$0xF090];
	(xrf2) =	vadd.scan.msk.f32 $0xffff, v16;
	v12 =	vpop (erf)  }
0x352: {  	v27 =	vld [tilespmem:s8+$0xF0D0];
	v17 =	vmul.f32 $1.442695020e+00, v17;
	v16 =	vadd.f32 v12, v11  }
0x353: {  	v29 =	vld [tilespmem:s8+$0xF0E0];
	(erf) = vpow2.f32 v13  }
0x354: {  	v13 =	vpop (erf);
	(erf) = vpow2.f32 v17;
	v17 =	vmul.f32 $1.442695020e+00, v21;
	v21 =	vld [tilespmem:s8+$0xF0C0]  }
0x355: {  	v26 =	vmul.f32 $1.442695020e+00, v22;
	v25 =	vadd.f32 v13, v16  }
0x356: {  	v28 =	vmul.f32 $1.442695020e+00, v23;
	v18 =	vmul.f32 $1.442695020e+00, v18;
	v16 =	vpop (erf)  }
0x357: {  	v34 =	vmul.f32 $1.442695020e+00, v27;
	(erf) = vpow2.f32 v17;
	v25 =	vadd.f32 v16, v25  }
0x358: {  	v35 =	vmul.f32 $1.442695020e+00, v29;
	v17 =	vpop (erf);
	(erf) = vpow2.f32 v18  }
0x359: {  	v22 =	vpop (erf);
	(erf) = vpow2.f32 v26;
	v26 =	vmul.f32 $1.442695020e+00, v21;
	v25 =	vadd.f32 v17, v25  }
0x35a: {  	v29 =	vimm.f32 $0.0e+00;
	v18 =	vpop (erf);
	v22 =	vmul.f32 $1.562500000e-02, v22;
	(erf) = vpow2.f32 v28  }
0x35b: {  	v27 =	vimm.f32 $0.0e+00;
	v28, _, _ =	vpop (xrf2);
	(erf) = vpow2.f32 v26;
	v25 =	vadd.f32 v18, v25  }
0x35c: {  	s9 =	sor.u32 $0x100, s26;
	v21 =	vimm.f32 $0.0e+00;
	v23 =	vpop (erf);
	v24 =	vmul.f32 v22, v24;
	v28 =	vbroadcast v28, $0xF  }
0x35d: {  	s10 =	sor.u32 $0x110, s26;
	s7 =	sor.u32 $0x120, s26;
	s5 =	sor.u32 $0x130, s26;
	v26 =	vimm.f32 $0.0e+00;
	v31 =	vmul.f32 v22, v20;
	v25 =	vadd.f32 v23, v25  }
0x35e: {  	s6 =	sor.u32 $0x140, s26;
	s11 =	simm.s32 $0x200;
	v32 =	vld [tilespmem:s8+$0xF0F0];
	s13 =	simm.s32 $0xA00;
	v30 =	vpop (erf);
	v20 =	vadd.f32 v24, v21;
	(erf) = vrcp.f32 v28;
	v24 =	vimm.f32 $0.0e+00  }
0x35f: {  	v33 =	vld [tilespmem:s11+$0xF080];
	s14 =	sor.u32 $0x150, s26;
	s15 =	sor.u32 $0x170, s26;
	s8 =	sor.u32 $0x160, s26;
	v28 =	vimm.f32 $0.0e+00;
	v36 =	vadd.f32 v30, v25;
	v25 =	vimm.f32 $0.0e+00  }
.LBB2_13:
0x360: {  	v38 =	vpop (erf);
	(erf) = vpow2.f32 v34;
	v21 =	vadd.f32 v31, v21;
	v31 =	vmul.f32 v22, v0  }
0x361: {  	p1 =	sne.s32 s13, $0x7E00;
	v37 =	vld [tilespmem:s11+$0xF090];
	v0 =	vmovc v3;
	v3 =	vmovc v12;
	v39 =	vmov v23;
	v34 =	vmov v15;
	v15 =	vmov v30  }
0x362: {  	v23 =	vmul.f32 v22, v1;
	v1 =	vmov v6;
	v12 =	vpop (erf);
	(erf) = vpow2.f32 v35;
	(xrf2) =	vadd.scan.msk.f32 $0xffff, v36  }
0x363: {  	v6 =	vmovc v13;
	v36 =	vmul.f32 v22, v2;
	v2 =	vmovc v9;
	v30 =	vld [tilespmem:s11+$0xF0A0];
	v35 =	vadd.f32 v12, v38;
	v32 =	vmul.f32 $1.442695020e+00, v32  }
0x364: {  	v41 =	vmul.f32 v22, v7;
	v29 =	vadd.f32 v31, v29;
	v31 =	vmul.f32 v22, v5;
	v40 =	vld [tilespmem:s11+$0xF0B0];
	v13 =	vpop (erf)  }
0x365: {  	v9 =	vmovc v16;
	v5 =	vmovc v10;
	v42 =	vmul.f32 $1.442695020e+00, v33;
	v33 =	vadd.f32 v13, v35;
	(erf) = vpow2.f32 v32  }
0x366: {  	v19 =	vmul.f32 v22, v19;
	v26 =	vadd.f32 v23, v26;
	v32 =	vmul.f32 $1.442695020e+00, v37;
	v35 =	vld [tilespmem:s11+$0xF0C0];
	v16 =	vpop (erf)  }
0x367: {  	v7 =	vmovc v14;
	v10 =	vmovc v17;
	v24 =	vadd.f32 v36, v24;
	(erf) = vpow2.f32 v42;
	v37 =	vadd.f32 v16, v33  }
0x368: {  	v28 =	vadd.f32 v31, v28;
	v42 =	vmul.f32 $1.442695020e+00, v30;
	(erf) = vpow2.f32 v32;
	v17 =	vpop (erf)  }
0x369: {  	v27 =	vadd.f32 v41, v27;
	v40 =	vmul.f32 $1.442695020e+00, v40;
	v33 =	vld [tilespmem:s11+$0xF0D0];
	v32 =	vadd.f32 v17, v37;
	v22 =	vpop (erf)  }
0x36a: {  	v25 =	vadd.f32 v19, v25;
	v36 =	vld [tilespmem:s11+$0xF0E0];
	(erf) = vpow2.f32 v42;
	v31 =	vpop (erf);
	v22 =	vmul.f32 $1.562500000e-02, v22  }
.Ltmp7:
0x36b: {  	v14 =	vmov v18;
	v19 =	vmul.f32 $1.442695020e+00, v35;
	v35 =	vadd.f32 v31, v32;
	v23 =	vpop (erf);
	(pc) =	sbr.rel @p1 .LBB2_13-.Ltmp7, $4  }
0x36c: {  	v18 =	vmov v31;
	(erf) = vpow2.f32 v40;
	v30, _, _ =	vpop (xrf2);
	v37 =	vmul.f32 v22, v34  }
0x36d: {  	v31 =	vmul.f32 v22, v4;
	v4 =	vmovc v11;
	v11 =	vmovc v38;
	v32 =	vld [tilespmem:s11+$0xF0F0];
	v40 =	vadd.f32 v23, v35;
	v41 =	vbroadcast v30, $0xF  }
0x36e: {  	s11 =	sshra.s32 s13, $0x2;
	v34 =	vmul.f32 $1.442695020e+00, v33;
	(erf) = vpow2.f32 v19;
	v30 =	vpop (erf);
	v20 =	vadd.f32 v37, v20  }
0x36f: {  	s13 =	sadd.s32 $0x200, s13;
	v33 =	vld [tilespmem:s11+$0xF080];
	v35 =	vmul.f32 $1.442695020e+00, v36;
	v36 =	vadd.f32 v30, v40;
	(erf) = vrcp.f32 v41;
	v19 =	vmovc v8;
	v8 =	vmovc v39  }
0x370: {  	v37 =	vld [tilespmem:s11+$0xF090]  }
0x371: {  	(xrf2) =	vadd.scan.msk.f32 $0xffff, v36  }
0x372: {  	v51 =	vld [tilespmem:s11+$0xF0A0]  }
0x373: {  	(erf) = vpow2.f32 v34;
	v32 =	vmul.f32 $1.442695020e+00, v32  }
0x374: {  	v52 =	vld [tilespmem:s11+$0xF0B0];
	(erf) = vpow2.f32 v35;
	v33 =	vmul.f32 $1.442695020e+00, v33  }
0x375: {  	v35 =	vpop (erf);
	(erf) = vpow2.f32 v32;
	v53 =	vmul.f32 $1.442695020e+00, v37  }
0x376: {  	v38 =	vld [tilespmem:s11+$0xF0C0];
	v37 =	vpop (erf);
	(erf) = vpow2.f32 v33  }
0x377: {  	v36 =	vmul.f32 $1.442695020e+00, v51;
	v54 =	vpop (erf);
	(erf) = vpow2.f32 v53  }
0x378: {  	v39 =	vld [tilespmem:s11+$0xF0D0];
	v55 =	vpop (erf)  }
0x379: {  	v34 =	vmul.f32 $1.442695020e+00, v52;
	v40 =	vpop (erf);
	(erf) = vpow2.f32 v36  }
0x37a: {  	v41 =	vld [tilespmem:s11+$0xF0E0];
	v56 =	vpop (erf)  }
0x37b: {  	v38 =	vmul.f32 $1.442695020e+00, v38;
	(erf) = vpow2.f32 v34;
	v57, _, _ =	vpop (xrf2)  }
0x37c: {  	v43 =	vld [tilespmem:s11+$0xF0F0];
	v42 =	vpop (erf);
	v34 =	vbroadcast v57, $0xF  }
0x37d: {  	v39 =	vmul.f32 $1.442695020e+00, v39;
	(erf) = vpow2.f32 v38;
	v44 =	vpop (erf)  }
0x37e: {  	v61 =	vadd.f32 v37, v35;
	v58 =	vpop (erf);
	(erf) = vrcp.f32 v34  }
0x37f: {  	v59 =	vmul.f32 $1.442695020e+00, v41;
	v60 =	vpop (erf);
	(erf) = vpow2.f32 v39  }
0x380: {  	v39 =	vadd.f32 v54, v61;
	v45 =	vpop (erf)  }
0x381: {  	v43 =	vmul.f32 $1.442695020e+00, v43;
	(erf) = vpow2.f32 v59;
	v62 =	vadd.f32 v45, v60  }
0x382: {  	v46 =	vpop (erf);
	v39 =	vadd.f32 v55, v39  }
0x383: {  	(erf) = vpow2.f32 v43;
	v34 =	vadd.f32 v46, v62  }
0x384: {  	v63 =	vpop (erf);
	v39 =	vadd.f32 v40, v39  }
0x385: {  	v34 =	vadd.f32 v63, v34  }
0x386: {  	v47 =	vpop (erf);
	v39 =	vadd.f32 v42, v39  }
0x387: {  	v34 =	vadd.f32 v47, v34;
	v48 =	vpop (erf)  }
0x388: {  	v39 =	vadd.f32 v44, v39;
	v49 =	vpop (erf)  }
0x389: {  	v34 =	vadd.f32 v49, v34  }
0x38a: {  	v50 =	vpop (erf);
	v39 =	vadd.f32 v58, v39  }
0x38b: {  	v34 =	vadd.f32 v50, v34  }
0x38c: {  	v51 =	vpop (erf);
	(xrf2) =	vadd.scan.msk.f32 $0xffff, v39  }
0x38d: {  	v34 =	vadd.f32 v51, v34;
	_ =	sdelay $0x1  }
0x38e: {  	(xrf2) =	vadd.scan.msk.f32 $0xffff, v34;
	_ =	sdelay $0x3  }
0x38f: {  	v0 =	vmul.f32 v22, v0  }
0x390: {  	v1 =	vmul.f32 v22, v1;
	v2 =	vmul.f32 v22, v2  }
0x391: {  	v5 =	vmul.f32 v22, v5;
	v7 =	vmul.f32 v22, v7  }
0x392: {  	v21 =	vadd.f32 v31, v21;
	v19 =	vmul.f32 v22, v19;
	v22 =	vmul.f32 $1.562500000e-02, v56;
	v31, _, _ =	vpop (xrf2)  }
0x393: {  	v0 =	vadd.f32 v0, v29;
	v1 =	vadd.f32 v1, v26;
	v26 =	vbroadcast v31, $0xF  }
0x394: {  	v2 =	vadd.f32 v2, v24;
	v15 =	vmul.f32 v22, v15;
	v4 =	vmul.f32 v22, v4  }
0x395: {  	v5 =	vadd.f32 v5, v28;
	v3 =	vmul.f32 v22, v3;
	(erf) = vrcp.f32 v26;
	v29, _, _ =	vpop (xrf2)  }
0x396: {  	v7 =	vadd.f32 v7, v27;
	v6 =	vmul.f32 v22, v6;
	v24 =	vbroadcast v29, $0xF  }
0x397: {  	v19 =	vadd.f32 v19, v25;
	v9 =	vmul.f32 v22, v9;
	v10 =	vmul.f32 v22, v10  }
0x398: {  	v15 =	vadd.f32 v15, v20;
	v4 =	vadd.f32 v4, v21;
	(erf) = vrcp.f32 v24  }
0x399: {  	v0 =	vadd.f32 v3, v0;
	v3 =	vmul.f32 v22, v14;
	v14 =	vmul.f32 $1.562500000e-02, v48  }
0x39a: {  	v1 =	vadd.f32 v6, v1;
	v6 =	vmul.f32 v22, v8;
	v2 =	vadd.f32 v9, v2  }
0x39b: {  	v5 =	vadd.f32 v10, v5;
	v3 =	vadd.f32 v3, v7;
	v9 =	vmul.f32 v14, v11  }
0x39c: {  	v6 =	vadd.f32 v6, v19;
	v8 =	vmul.f32 v14, v30;
	v7 =	vmul.f32 v14, v12  }
0x39d: {  	v12 =	vmul.f32 v14, v18;
	v4 =	vadd.f32 v9, v4;
	v9 =	vmul.f32 v14, v13  }
0x39e: {  	v10 =	vmul.f32 v14, v16;
	v8 =	vadd.f32 v8, v15;
	v0 =	vadd.f32 v7, v0;
	v11 =	vpop (erf)  }
0x39f: {  	v7 =	vmul.f32 v14, v17;
	v1 =	vadd.f32 v9, v1;
	v9 =	vmul.f32 $1.562500000e-02, v11  }
0x3a0: {  	v2 =	vadd.f32 v10, v2;
	v3 =	vadd.f32 v12, v3;
	v11 =	vmul.f32 v14, v23  }
0x3a1: {  	v5 =	vadd.f32 v7, v5;
	v7 =	vmul.f32 v9, v58;
	v10 =	vmul.f32 v9, v35;
	v12 =	vpop (erf)  }
0x3a2: {  	v6 =	vadd.f32 v11, v6;
	v11 =	vmul.f32 v9, v37;
	v12 =	vmul.f32 $1.562500000e-02, v12  }
0x3a3: {  	v13 =	vmul.f32 v9, v55;
	v4 =	vadd.f32 v10, v4;
	v10 =	vmul.f32 v9, v54  }
0x3a4: {  	v15 =	vmul.f32 v9, v42;
	v0 =	vadd.f32 v11, v0;
	v14 =	vmul.f32 v12, v60  }
0x3a5: {  	v11 =	vmul.f32 v9, v40;
	v1 =	vadd.f32 v10, v1;
	v10 =	vmul.f32 v12, v45  }
0x3a6: {  	v9 =	vmul.f32 v9, v44;
	v4 =	vadd.f32 v14, v4;
	v14 =	vmul.f32 v12, v46  }
0x3a7: {  	v2 =	vadd.f32 v13, v2;
	v13 =	vmul.f32 v12, v63;
	v0 =	vadd.f32 v10, v0  }
0x3a8: {  	v5 =	vadd.f32 v11, v5;
	v10 =	vmul.f32 v12, v47;
	v1 =	vadd.f32 v14, v1;
	[tilespmem:s9+$0x17080] =	vst v4  }
0x3a9: {  	v3 =	vadd.f32 v15, v3;
	v2 =	vadd.f32 v13, v2;
	v4 =	vmul.f32 v12, v49;
	[tilespmem:s10+$0x17080] =	vst v0  }
0x3aa: {  	v5 =	vadd.f32 v10, v5;
	v0 =	vadd.f32 v9, v6;
	v6 =	vmul.f32 v12, v50;
	[tilespmem:s7+$0x17080] =	vst v1  }
0x3ab: {  	v1 =	vadd.f32 v7, v8;
	v7 =	vmul.f32 v12, v51;
	v3 =	vadd.f32 v4, v3;
	[tilespmem:s5+$0x17080] =	vst v2  }
0x3ac: {  	v0 =	vadd.f32 v6, v0;
	s5 =	sadd.s32 @!p0 $0x6, s28;
	[tilespmem:s6+$0x17080] =	vst v5  }
0x3ad: {  	v1 =	vadd.f32 v7, v1;
	s6 =	sshll.u32 @!p0 s5, $0x5;
	[tilespmem:s14+$0x17080] =	vst v3  }
0x3ae: {  	s7 =	simm.s32 @!p0 $0x20;
	s5 =	sshll.u32 @!p0 s5, $0x6;
	s6 =	sand.u32 @!p0 $0x3FFFFFE0, s6;
	[tilespmem:s8+$0x17080] =	vst v0  }
0x3af: {  	s5 =	sand.u32 @!p0 $0x3FFFFFC0, s5;
	s6 =	sadd.s32 @!p0 $0x80, s6;
	s8 =	simm.s32 @!p0 $0x9080;
	[tilespmem:s15+$0x17080] =	vst v1  }
0x3b0: {  	[tilespmem:s8], [sflag:$0x4] =	stream.indirect.gather @!p0 [hbm4b:s3+s7], $0x80, s6, s7, $0xb8;
	[tilespmem:$0x1B080] =	vst v63  }
0x3b1: {  	s5 =	sadd.s32 @!p0 $0x1080, s5;
	s6 =	simm.s32 @!p0 $0x40;
	s7 =	simm.s32 @!p0 $0xF080  }
0x3b2: {  	[tilespmem:s7], [sflag:$0x8] =	stream.indirect.gather @!p0 [hbm4b:s1+s6], $0x80, s5, s6, $0xb8;
	[tilespmem:$0x1B080] =	vst v63  }
0x3b3: {  	_ =	swait.ge [sflag:s23], $0x1000  }
0x3b4: {  	[sflag:s23] =	ssyncset.done $0x0  }
0x3b5: {  	[sflag:s23] =	ssyncadd.s32 $0xFFFFF000  }
0x3b6: {  	_ =	swait.ge [sflag:s24], $0x2000  }
0x3b7: {  	[sflag:s24] =	ssyncset.done $0x0  }
0x3b8: {  	s11 =	simm.s32 $0x0;
	[sflag:s24] =	ssyncadd.s32 $0xFFFFE000  }
0x3b9: {  	v0 =	vld [tilespmem:s11+$0xA080]  }
0x3ba: {  	v1 =	vld [tilespmem:s11+$0xA090];
	_ =	sdelay $0x1  }
0x3bb: {  	v2 =	vld [tilespmem:s11+$0xA0A0];
	_ =	sdelay $0x1  }
0x3bc: {  	v3 =	vld [tilespmem:s11+$0xA0B0];
	v0 =	vmul.f32 $1.442695020e+00, v0  }
0x3bd: {  	v1 =	vmul.f32 $1.442695020e+00, v1  }
0x3be: {  	v4 =	vld [tilespmem:s11+$0xA0C0];
	(erf) = vpow2.f32 v0  }
0x3bf: {  	v0 =	vmul.f32 $1.442695020e+00, v2;
	(erf) = vpow2.f32 v1  }
0x3c0: {  	v1 =	vld [tilespmem:s11+$0xA0D0]  }
0x3c1: {  	v2 =	vmul.f32 $1.442695020e+00, v3;
	(erf) = vpow2.f32 v0  }
0x3c2: {  	v0 =	vld [tilespmem:s11+$0xA0E0]  }
0x3c3: {  	v3 =	vmul.f32 $1.442695020e+00, v4;
	(erf) = vpow2.f32 v2;
	v2 =	vld [tilespmem:s11+$0xA0F0]  }
0x3c4: {  	s13 =	simm.s32 $0x80  }
0x3c5: {  	v5 =	vld [tilespmem:s13+$0xA090];
	(erf) = vpow2.f32 v3;
	v1 =	vmul.f32 $1.442695020e+00, v1  }
0x3c6: {  	v3 =	vld [tilespmem:s13+$0xA080]  }
0x3c7: {  	v4 =	vmul.f32 $1.442695020e+00, v0;
	(erf) = vpow2.f32 v1;
	v20 =	vpop (erf)  }
0x3c8: {  	v2 =	vmul.f32 $1.442695020e+00, v2;
	v0 =	vpop (erf)  }
0x3c9: {  	(erf) = vpow2.f32 v4;
	v4 =	vld [tilespmem:s13+$0xA0A0];
	v6 =	vadd.f32 v0, v20  }
0x3ca: {  	v5 =	vmul.f32 $1.442695020e+00, v5;
	v1 =	vpop (erf)  }
0x3cb: {  	v7 =	vld [tilespmem:s13+$0xA0B0];
	v3 =	vmul.f32 $1.442695020e+00, v3;
	v6 =	vadd.f32 v1, v6  }
0x3cc: {  	(erf) = vpow2.f32 v2;
	v2 =	vpop (erf)  }
0x3cd: {  	v8 =	vld [tilespmem:s13+$0xA0C0];
	(erf) = vpow2.f32 v3;
	v3 =	vadd.f32 v2, v6  }
0x3ce: {  	(erf) = vpow2.f32 v5;
	v5 =	vpop (erf);
	v4 =	vmul.f32 $1.442695020e+00, v4  }
0x3cf: {  	v3 =	vadd.f32 v5, v3  }
0x3d0: {  	v9 =	vmul.f32 $1.442695020e+00, v7;
	v6 =	vld [tilespmem:s13+$0xA0D0];
	(erf) = vpow2.f32 v4;
	v7 =	vpop (erf)  }
0x3d1: {  	v10 =	vld [tilespmem:s13+$0xA0E0];
	v3 =	vadd.f32 v7, v3  }
0x3d2: {  	v4 =	vmul.f32 $1.442695020e+00, v8;
	(erf) = vpow2.f32 v9;
	v19 =	vpop (erf)  }
0x3d3: {  	v3 =	vadd.f32 v19, v3  }
0x3d4: {  	(erf) = vpow2.f32 v4  }
0x3d5: {  	s14 =	simm.s32 $0x100;
	v8 =	vld [tilespmem:s13+$0xA0F0];
	v22 =	vpop (erf);
	v6 =	vmul.f32 $1.442695020e+00, v6  }
0x3d6: {  	v10 =	vmul.f32 $1.442695020e+00, v10;
	v9 =	vld [tilespmem:s14+$0xA080];
	v4 =	vpop (erf);
	v11 =	vadd.f32 v22, v3  }
0x3d7: {  	v12 =	vld [tilespmem:s14+$0xA090];
	(erf) = vpow2.f32 v6;
	v3 =	vpop (erf)  }
0x3d8: {  	(erf) = vpow2.f32 v10;
	(xrf2) =	vadd.scan.msk.f32 $0xffff, v11;
	v10 =	vld [tilespmem:s14+$0xA0A0];
	v11 =	vadd.f32 v3, v4  }
0x3d9: {  	v13 =	vld [tilespmem:s14+$0xA0B0];
	v6 =	vpop (erf)  }
0x3da: {  	v8 =	vmul.f32 $1.442695020e+00, v8;
	v11 =	vadd.f32 v6, v11  }
0x3db: {  	v14 =	vmul.f32 $1.442695020e+00, v9;
	v9 =	vpop (erf)  }
0x3dc: {  	(erf) = vpow2.f32 v8;
	v8 =	vmul.f32 $1.442695020e+00, v12;
	v11 =	vadd.f32 v9, v11  }
0x3dd: {  	(erf) = vpow2.f32 v14;
	v14 =	vmul.f32 $1.442695020e+00, v10;
	v10 =	vpop (erf)  }
0x3de: {  	(erf) = vpow2.f32 v8;
	v8 =	vadd.f32 v10, v11;
	v11 =	vmul.f32 $1.442695020e+00, v13  }
0x3df: {  	v12 =	vld [tilespmem:s14+$0xA0C0]  }
0x3e0: {  	v15 =	vld [tilespmem:s14+$0xA0D0]  }
0x3e1: {  	(erf) = vpow2.f32 v14;
	v14 =	vpop (erf)  }
0x3e2: {  	v13 =	vld [tilespmem:s14+$0xA0E0];
	(erf) = vpow2.f32 v11;
	v16 =	vadd.f32 v14, v8;
	v11, _, _ =	vpop (xrf2)  }
0x3e3: {  	v8 =	vpop (erf);
	v11 =	vbroadcast v11, $0xF  }
0x3e4: {  	s15 =	simm.s32 $0x180;
	v17 =	vld [tilespmem:s14+$0xA0F0];
	v12 =	vmul.f32 $1.442695020e+00, v12;
	v16 =	vadd.f32 v8, v16  }
0x3e5: {  	v21 =	vld [tilespmem:s15+$0xA080];
	v18 =	vmul.f32 $1.442695020e+00, v15;
	v15 =	vpop (erf)  }
0x3e6: {  	v23 =	vld [tilespmem:s15+$0xA0A0];
	(erf) = vpow2.f32 v12;
	v16 =	vadd.f32 v15, v16  }
0x3e7: {  	v24 =	vld [tilespmem:s15+$0xA0B0];
	v13 =	vmul.f32 $1.442695020e+00, v13;
	(erf) = vrcp.f32 v11;
	v11 =	vpop (erf)  }
0x3e8: {  	(erf) = vpow2.f32 v18;
	v18 =	vld [tilespmem:s15+$0xA090];
	(xrf2) =	vadd.scan.msk.f32 $0xffff, v16;
	v12 =	vpop (erf)  }
0x3e9: {  	v26 =	vld [tilespmem:s15+$0xA0D0];
	v17 =	vmul.f32 $1.442695020e+00, v17;
	v16 =	vadd.f32 v12, v11  }
0x3ea: {  	v29 =	vld [tilespmem:s15+$0xA0E0];
	(erf) = vpow2.f32 v13  }
0x3eb: {  	v13 =	vpop (erf);
	(erf) = vpow2.f32 v17;
	v17 =	vmul.f32 $1.442695020e+00, v21;
	v21 =	vld [tilespmem:s15+$0xA0C0]  }
0x3ec: {  	v23 =	vmul.f32 $1.442695020e+00, v23;
	v25 =	vadd.f32 v13, v16  }
0x3ed: {  	v24 =	vmul.f32 $1.442695020e+00, v24;
	v18 =	vmul.f32 $1.442695020e+00, v18;
	v16 =	vpop (erf)  }
0x3ee: {  	v35 =	vmul.f32 $1.442695020e+00, v26;
	(erf) = vpow2.f32 v17;
	v25 =	vadd.f32 v16, v25  }
0x3ef: {  	v34 =	vmul.f32 $1.442695020e+00, v29;
	v17 =	vpop (erf);
	(erf) = vpow2.f32 v18  }
0x3f0: {  	v27 =	vpop (erf);
	(erf) = vpow2.f32 v23;
	v23 =	vmul.f32 $1.442695020e+00, v21;
	v25 =	vadd.f32 v17, v25  }
0x3f1: {  	v29 =	vimm.f32 $0.0e+00;
	v18 =	vpop (erf);
	v27 =	vmul.f32 $3.125000000e-02, v27;
	(erf) = vpow2.f32 v24  }
0x3f2: {  	v26 =	vimm.f32 $0.0e+00;
	v24, _, _ =	vpop (xrf2);
	(erf) = vpow2.f32 v23;
	v25 =	vadd.f32 v18, v25  }
0x3f3: {  	v21 =	vimm.f32 $0.0e+00;
	v28 =	vpop (erf);
	v22 =	vmul.f32 v27, v22;
	v24 =	vbroadcast v24, $0xF  }
0x3f4: {  	v23 =	vimm.f32 $0.0e+00;
	v31 =	vmul.f32 v27, v20;
	v25 =	vadd.f32 v28, v25  }
0x3f5: {  	s5 =	simm.s32 $0x200;
	v32 =	vld [tilespmem:s15+$0xA0F0];
	v30 =	vpop (erf);
	v20 =	vadd.f32 v22, v21;
	(erf) = vrcp.f32 v24;
	v24 =	vimm.f32 $0.0e+00  }
0x3f6: {  	s6 =	simm.s32 $0xA00;
	v33 =	vld [tilespmem:s5+$0xA080];
	v22 =	vimm.f32 $0.0e+00;
	v36 =	vadd.f32 v30, v25;
	v25 =	vimm.f32 $0.0e+00  }
.LBB2_15:
0x3f7: {  	v38 =	vpop (erf);
	(erf) = vpow2.f32 v35;
	v21 =	vadd.f32 v31, v21;
	v31 =	vmul.f32 v27, v0  }
0x3f8: {  	p1 =	sne.s32 s6, $0x3E00;
	v37 =	vld [tilespmem:s5+$0xA090];
	v0 =	vmovc v3;
	v3 =	vmovc v12;
	v39 =	vmov v28;
	v35 =	vmov v15;
	v15 =	vmov v30  }
0x3f9: {  	v28 =	vmul.f32 v27, v1;
	v1 =	vmov v6;
	v12 =	vpop (erf);
	(erf) = vpow2.f32 v34;
	(xrf2) =	vadd.scan.msk.f32 $0xffff, v36  }
0x3fa: {  	v6 =	vmovc v13;
	v36 =	vmul.f32 v27, v2;
	v2 =	vmovc v9;
	v30 =	vld [tilespmem:s5+$0xA0A0];
	v34 =	vadd.f32 v12, v38;
	v32 =	vmul.f32 $1.442695020e+00, v32  }
0x3fb: {  	v41 =	vmul.f32 v27, v7;
	v29 =	vadd.f32 v31, v29;
	v31 =	vmul.f32 v27, v5;
	v40 =	vld [tilespmem:s5+$0xA0B0];
	v13 =	vpop (erf)  }
0x3fc: {  	v9 =	vmovc v16;
	v5 =	vmovc v10;
	v42 =	vmul.f32 $1.442695020e+00, v33;
	v33 =	vadd.f32 v13, v34;
	(erf) = vpow2.f32 v32  }
0x3fd: {  	v19 =	vmul.f32 v27, v19;
	v26 =	vadd.f32 v28, v26;
	v32 =	vmul.f32 $1.442695020e+00, v37;
	v34 =	vld [tilespmem:s5+$0xA0C0];
	v16 =	vpop (erf)  }
0x3fe: {  	v7 =	vmovc v14;
	v10 =	vmovc v17;
	v23 =	vadd.f32 v36, v23;
	(erf) = vpow2.f32 v42;
	v37 =	vadd.f32 v16, v33  }
0x3ff: {  	v25 =	vadd.f32 v31, v25;
	v42 =	vmul.f32 $1.442695020e+00, v30;
	(erf) = vpow2.f32 v32;
	v17 =	vpop (erf)  }
0x400: {  	v24 =	vadd.f32 v41, v24;
	v40 =	vmul.f32 $1.442695020e+00, v40;
	v33 =	vld [tilespmem:s5+$0xA0D0];
	v32 =	vadd.f32 v17, v37;
	v27 =	vpop (erf)  }
0x401: {  	v22 =	vadd.f32 v19, v22;
	v36 =	vld [tilespmem:s5+$0xA0E0];
	(erf) = vpow2.f32 v42;
	v31 =	vpop (erf);
	v27 =	vmul.f32 $3.125000000e-02, v27  }
.Ltmp8:
0x402: {  	v14 =	vmov v18;
	v19 =	vmul.f32 $1.442695020e+00, v34;
	v34 =	vadd.f32 v31, v32;
	v28 =	vpop (erf);
	(pc) =	sbr.rel @p1 .LBB2_15-.Ltmp8, $4  }
0x403: {  	v18 =	vmov v31;
	(erf) = vpow2.f32 v40;
	v30, _, _ =	vpop (xrf2);
	v37 =	vmul.f32 v27, v35  }
0x404: {  	v31 =	vmul.f32 v27, v4;
	v4 =	vmovc v11;
	v11 =	vmovc v38;
	v32 =	vld [tilespmem:s5+$0xA0F0];
	v40 =	vadd.f32 v28, v34;
	v41 =	vbroadcast v30, $0xF  }
0x405: {  	s5 =	sshra.s32 s6, $0x2;
	v35 =	vmul.f32 $1.442695020e+00, v33;
	(erf) = vpow2.f32 v19;
	v30 =	vpop (erf);
	v20 =	vadd.f32 v37, v20  }
0x406: {  	s6 =	sadd.s32 $0x200, s6;
	v33 =	vld [tilespmem:s5+$0xA080];
	v34 =	vmul.f32 $1.442695020e+00, v36;
	v36 =	vadd.f32 v30, v40;
	(erf) = vrcp.f32 v41;
	v19 =	vmovc v8;
	v8 =	vmovc v39  }
0x407: {  	v37 =	vld [tilespmem:s5+$0xA090]  }
0x408: {  	(xrf2) =	vadd.scan.msk.f32 $0xffff, v36  }
0x409: {  	v51 =	vld [tilespmem:s5+$0xA0A0]  }
0x40a: {  	(erf) = vpow2.f32 v35;
	v32 =	vmul.f32 $1.442695020e+00, v32  }
0x40b: {  	v52 =	vld [tilespmem:s5+$0xA0B0];
	(erf) = vpow2.f32 v34;
	v33 =	vmul.f32 $1.442695020e+00, v33  }
0x40c: {  	v35 =	vpop (erf);
	(erf) = vpow2.f32 v32;
	v53 =	vmul.f32 $1.442695020e+00, v37  }
0x40d: {  	v38 =	vld [tilespmem:s5+$0xA0C0];
	v37 =	vpop (erf);
	(erf) = vpow2.f32 v33  }
0x40e: {  	v36 =	vmul.f32 $1.442695020e+00, v51;
	v54 =	vpop (erf);
	(erf) = vpow2.f32 v53  }
0x40f: {  	v39 =	vld [tilespmem:s5+$0xA0D0];
	v55 =	vpop (erf)  }
0x410: {  	v34 =	vmul.f32 $1.442695020e+00, v52;
	v40 =	vpop (erf);
	(erf) = vpow2.f32 v36  }
0x411: {  	v41 =	vld [tilespmem:s5+$0xA0E0];
	v56 =	vpop (erf)  }
0x412: {  	v38 =	vmul.f32 $1.442695020e+00, v38;
	(erf) = vpow2.f32 v34;
	v57, _, _ =	vpop (xrf2)  }
0x413: {  	v43 =	vld [tilespmem:s5+$0xA0F0];
	v42 =	vpop (erf);
	v34 =	vbroadcast v57, $0xF  }
0x414: {  	v39 =	vmul.f32 $1.442695020e+00, v39;
	(erf) = vpow2.f32 v38;
	v44 =	vpop (erf)  }
0x415: {  	v61 =	vadd.f32 v37, v35;
	v58 =	vpop (erf);
	(erf) = vrcp.f32 v34  }
0x416: {  	v59 =	vmul.f32 $1.442695020e+00, v41;
	v60 =	vpop (erf);
	(erf) = vpow2.f32 v39  }
0x417: {  	v39 =	vadd.f32 v54, v61;
	v45 =	vpop (erf)  }
0x418: {  	v43 =	vmul.f32 $1.442695020e+00, v43;
	(erf) = vpow2.f32 v59;
	v62 =	vadd.f32 v45, v60  }
0x419: {  	v46 =	vpop (erf);
	v39 =	vadd.f32 v55, v39  }
0x41a: {  	(erf) = vpow2.f32 v43;
	v34 =	vadd.f32 v46, v62  }
0x41b: {  	v63 =	vpop (erf);
	v39 =	vadd.f32 v40, v39  }
0x41c: {  	v34 =	vadd.f32 v63, v34  }
0x41d: {  	v47 =	vpop (erf);
	v39 =	vadd.f32 v42, v39  }
0x41e: {  	v34 =	vadd.f32 v47, v34;
	v48 =	vpop (erf)  }
0x41f: {  	v39 =	vadd.f32 v44, v39;
	v49 =	vpop (erf)  }
0x420: {  	v34 =	vadd.f32 v49, v34  }
0x421: {  	v50 =	vpop (erf);
	v39 =	vadd.f32 v58, v39  }
0x422: {  	v34 =	vadd.f32 v50, v34  }
0x423: {  	v51 =	vpop (erf);
	(xrf2) =	vadd.scan.msk.f32 $0xffff, v39  }
0x424: {  	v34 =	vadd.f32 v51, v34;
	_ =	sdelay $0x1  }
0x425: {  	(xrf2) =	vadd.scan.msk.f32 $0xffff, v34;
	_ =	sdelay $0x4  }
0x426: {  	v0 =	vmul.f32 v27, v0;
	v1 =	vmul.f32 v27, v1  }
0x427: {  	v21 =	vadd.f32 v31, v21;
	v2 =	vmul.f32 v27, v2;
	v5 =	vmul.f32 v27, v5  }
0x428: {  	v7 =	vmul.f32 v27, v7;
	v1 =	vadd.f32 v1, v26;
	v26 =	vmul.f32 $3.125000000e-02, v56;
	v31, _, _ =	vpop (xrf2)  }
0x429: {  	v19 =	vmul.f32 v27, v19;
	v0 =	vadd.f32 v0, v29;
	v27 =	vbroadcast v31, $0xF  }
0x42a: {  	v2 =	vadd.f32 v2, v23;
	v15 =	vmul.f32 v26, v15;
	v4 =	vmul.f32 v26, v4  }
0x42b: {  	v5 =	vadd.f32 v5, v25;
	v3 =	vmul.f32 v26, v3;
	(erf) = vrcp.f32 v27;
	v29, _, _ =	vpop (xrf2)  }
0x42c: {  	v7 =	vadd.f32 v7, v24;
	v6 =	vmul.f32 v26, v6;
	v23 =	vbroadcast v29, $0xF  }
0x42d: {  	v19 =	vadd.f32 v19, v22;
	v9 =	vmul.f32 v26, v9;
	v10 =	vmul.f32 v26, v10  }
0x42e: {  	v15 =	vadd.f32 v15, v20;
	v4 =	vadd.f32 v4, v21;
	(erf) = vrcp.f32 v23  }
0x42f: {  	v0 =	vadd.f32 v3, v0;
	v3 =	vmul.f32 v26, v14;
	v14 =	vmul.f32 $3.125000000e-02, v48  }
0x430: {  	v1 =	vadd.f32 v6, v1;
	v6 =	vmul.f32 v26, v8;
	v2 =	vadd.f32 v9, v2  }
0x431: {  	v5 =	vadd.f32 v10, v5;
	v3 =	vadd.f32 v3, v7;
	v9 =	vmul.f32 v14, v11  }
0x432: {  	v6 =	vadd.f32 v6, v19;
	v8 =	vmul.f32 v14, v30;
	v7 =	vmul.f32 v14, v12  }
0x433: {  	v12 =	vmul.f32 v14, v18;
	v4 =	vadd.f32 v9, v4;
	v9 =	vmul.f32 v14, v13  }
0x434: {  	v10 =	vmul.f32 v14, v16;
	v8 =	vadd.f32 v8, v15;
	v0 =	vadd.f32 v7, v0;
	v11 =	vpop (erf)  }
0x435: {  	v7 =	vmul.f32 v14, v17;
	v1 =	vadd.f32 v9, v1;
	v9 =	vmul.f32 $3.125000000e-02, v11  }
0x436: {  	v2 =	vadd.f32 v10, v2;
	v3 =	vadd.f32 v12, v3;
	v11 =	vmul.f32 v14, v28  }
0x437: {  	v5 =	vadd.f32 v7, v5;
	v7 =	vmul.f32 v9, v58;
	v10 =	vmul.f32 v9, v35;
	v12 =	vpop (erf)  }
0x438: {  	v6 =	vadd.f32 v11, v6;
	v11 =	vmul.f32 v9, v37;
	v12 =	vmul.f32 $3.125000000e-02, v12  }
0x439: {  	v13 =	vmul.f32 v9, v55;
	v4 =	vadd.f32 v10, v4;
	v10 =	vmul.f32 v9, v54  }
0x43a: {  	v15 =	vmul.f32 v9, v42;
	v0 =	vadd.f32 v11, v0;
	v14 =	vmul.f32 v12, v60  }
0x43b: {  	v11 =	vmul.f32 v9, v40;
	v1 =	vadd.f32 v10, v1;
	v10 =	vmul.f32 v12, v45  }
0x43c: {  	v2 =	vadd.f32 v13, v2;
	v13 =	vmul.f32 v12, v63;
	v4 =	vadd.f32 v14, v4  }
0x43d: {  	v9 =	vmul.f32 v9, v44;
	v14 =	vmul.f32 v12, v46;
	v0 =	vadd.f32 v10, v0  }
0x43e: {  	v5 =	vadd.f32 v11, v5;
	v10 =	vmul.f32 v12, v47;
	v2 =	vadd.f32 v13, v2;
	[tilespmem:s26+$0x13200] =	vst v4  }
0x43f: {  	v3 =	vadd.f32 v15, v3;
	v1 =	vadd.f32 v14, v1;
	v4 =	vmul.f32 v12, v49;
	[tilespmem:s26+$0x13210] =	vst v0  }
0x440: {  	v0 =	vadd.f32 v9, v6;
	v6 =	vmul.f32 v12, v50;
	v5 =	vadd.f32 v10, v5;
	[tilespmem:s26+$0x13230] =	vst v2  }
0x441: {  	[tilespmem:s26+$0x13220] =	vst v1;
	v1 =	vadd.f32 v7, v8;
	v7 =	vmul.f32 v12, v51;
	v3 =	vadd.f32 v4, v3  }
0x442: {  	v0 =	vadd.f32 v6, v0;
	[tilespmem:s26+$0x13240] =	vst v5  }
0x443: {  	v1 =	vadd.f32 v7, v1;
	[tilespmem:s26+$0x13250] =	vst v3  }
0x444: {  	[tilespmem:s26+$0x13260] =	vst v0  }
0x445: {  	s13 =	simm.s32 $0x0;
	[tilespmem:s26+$0x13270] =	vst v1  }
0x446: {  	v0 =	vld [tilespmem:s13+$0x11080]  }
0x447: {  	v1 =	vld [tilespmem:s13+$0x11090];
	_ =	sdelay $0x1  }
0x448: {  	v2 =	vld [tilespmem:s13+$0x110A0];
	_ =	sdelay $0x1  }
0x449: {  	v3 =	vld [tilespmem:s13+$0x110B0];
	v0 =	vmul.f32 $1.442695020e+00, v0  }
0x44a: {  	v1 =	vmul.f32 $1.442695020e+00, v1  }
0x44b: {  	v4 =	vld [tilespmem:s13+$0x110C0];
	(erf) = vpow2.f32 v0  }
0x44c: {  	v0 =	vmul.f32 $1.442695020e+00, v2;
	(erf) = vpow2.f32 v1  }
0x44d: {  	v1 =	vld [tilespmem:s13+$0x110D0]  }
0x44e: {  	v2 =	vmul.f32 $1.442695020e+00, v3;
	(erf) = vpow2.f32 v0  }
0x44f: {  	v0 =	vld [tilespmem:s13+$0x110E0]  }
0x450: {  	v3 =	vmul.f32 $1.442695020e+00, v4;
	(erf) = vpow2.f32 v2;
	v2 =	vld [tilespmem:s13+$0x110F0]  }
0x451: {  	s14 =	simm.s32 $0x80  }
0x452: {  	v5 =	vld [tilespmem:s14+$0x11090];
	(erf) = vpow2.f32 v3;
	v1 =	vmul.f32 $1.442695020e+00, v1  }
0x453: {  	v3 =	vld [tilespmem:s14+$0x11080]  }
0x454: {  	v4 =	vmul.f32 $1.442695020e+00, v0;
	(erf) = vpow2.f32 v1;
	v20 =	vpop (erf)  }
0x455: {  	v2 =	vmul.f32 $1.442695020e+00, v2;
	v0 =	vpop (erf)  }
0x456: {  	(erf) = vpow2.f32 v4;
	v4 =	vld [tilespmem:s14+$0x110A0];
	v6 =	vadd.f32 v0, v20  }
0x457: {  	v5 =	vmul.f32 $1.442695020e+00, v5;
	v1 =	vpop (erf)  }
0x458: {  	v7 =	vld [tilespmem:s14+$0x110B0];
	v3 =	vmul.f32 $1.442695020e+00, v3;
	v6 =	vadd.f32 v1, v6  }
0x459: {  	(erf) = vpow2.f32 v2;
	v2 =	vpop (erf)  }
0x45a: {  	v8 =	vld [tilespmem:s14+$0x110C0];
	(erf) = vpow2.f32 v3;
	v3 =	vadd.f32 v2, v6  }
0x45b: {  	(erf) = vpow2.f32 v5;
	v5 =	vpop (erf);
	v4 =	vmul.f32 $1.442695020e+00, v4  }
0x45c: {  	v3 =	vadd.f32 v5, v3  }
0x45d: {  	v9 =	vmul.f32 $1.442695020e+00, v7;
	v6 =	vld [tilespmem:s14+$0x110D0];
	(erf) = vpow2.f32 v4;
	v7 =	vpop (erf)  }
0x45e: {  	v10 =	vld [tilespmem:s14+$0x110E0];
	v3 =	vadd.f32 v7, v3  }
0x45f: {  	v4 =	vmul.f32 $1.442695020e+00, v8;
	(erf) = vpow2.f32 v9;
	v19 =	vpop (erf)  }
0x460: {  	v3 =	vadd.f32 v19, v3  }
0x461: {  	(erf) = vpow2.f32 v4  }
0x462: {  	s15 =	simm.s32 $0x100;
	v8 =	vld [tilespmem:s14+$0x110F0];
	v24 =	vpop (erf);
	v6 =	vmul.f32 $1.442695020e+00, v6  }
0x463: {  	v10 =	vmul.f32 $1.442695020e+00, v10;
	v9 =	vld [tilespmem:s15+$0x11080];
	v4 =	vpop (erf);
	v11 =	vadd.f32 v24, v3  }
0x464: {  	v12 =	vld [tilespmem:s15+$0x11090];
	(erf) = vpow2.f32 v6;
	v3 =	vpop (erf)  }
0x465: {  	(erf) = vpow2.f32 v10;
	(xrf2) =	vadd.scan.msk.f32 $0xffff, v11;
	v10 =	vld [tilespmem:s15+$0x110A0];
	v11 =	vadd.f32 v3, v4  }
0x466: {  	v13 =	vld [tilespmem:s15+$0x110B0];
	v6 =	vpop (erf)  }
0x467: {  	v8 =	vmul.f32 $1.442695020e+00, v8;
	v11 =	vadd.f32 v6, v11  }
0x468: {  	v14 =	vmul.f32 $1.442695020e+00, v9;
	v9 =	vpop (erf)  }
0x469: {  	(erf) = vpow2.f32 v8;
	v8 =	vmul.f32 $1.442695020e+00, v12;
	v11 =	vadd.f32 v9, v11  }
0x46a: {  	(erf) = vpow2.f32 v14;
	v14 =	vmul.f32 $1.442695020e+00, v10;
	v10 =	vpop (erf)  }
0x46b: {  	(erf) = vpow2.f32 v8;
	v8 =	vadd.f32 v10, v11;
	v11 =	vmul.f32 $1.442695020e+00, v13  }
0x46c: {  	v12 =	vld [tilespmem:s15+$0x110C0]  }
0x46d: {  	v15 =	vld [tilespmem:s15+$0x110D0]  }
0x46e: {  	(erf) = vpow2.f32 v14;
	v14 =	vpop (erf)  }
0x46f: {  	v13 =	vld [tilespmem:s15+$0x110E0];
	(erf) = vpow2.f32 v11;
	v16 =	vadd.f32 v14, v8;
	v11, _, _ =	vpop (xrf2)  }
0x470: {  	v8 =	vpop (erf);
	v11 =	vbroadcast v11, $0xF  }
0x471: {  	s10 =	simm.s32 $0x180;
	v17 =	vld [tilespmem:s15+$0x110F0];
	v12 =	vmul.f32 $1.442695020e+00, v12;
	v16 =	vadd.f32 v8, v16  }
0x472: {  	v21 =	vld [tilespmem:s10+$0x11080];
	v18 =	vmul.f32 $1.442695020e+00, v15;
	v15 =	vpop (erf)  }
0x473: {  	v22 =	vld [tilespmem:s10+$0x110A0];
	(erf) = vpow2.f32 v12;
	v16 =	vadd.f32 v15, v16  }
0x474: {  	v23 =	vld [tilespmem:s10+$0x110B0];
	v13 =	vmul.f32 $1.442695020e+00, v13;
	(erf) = vrcp.f32 v11;
	v11 =	vpop (erf)  }
0x475: {  	(erf) = vpow2.f32 v18;
	v18 =	vld [tilespmem:s10+$0x11090];
	(xrf2) =	vadd.scan.msk.f32 $0xffff, v16;
	v12 =	vpop (erf)  }
0x476: {  	v27 =	vld [tilespmem:s10+$0x110D0];
	v17 =	vmul.f32 $1.442695020e+00, v17;
	v16 =	vadd.f32 v12, v11  }
0x477: {  	v29 =	vld [tilespmem:s10+$0x110E0];
	(erf) = vpow2.f32 v13  }
0x478: {  	v13 =	vpop (erf);
	(erf) = vpow2.f32 v17;
	v17 =	vmul.f32 $1.442695020e+00, v21;
	v21 =	vld [tilespmem:s10+$0x110C0]  }
0x479: {  	v26 =	vmul.f32 $1.442695020e+00, v22;
	v25 =	vadd.f32 v13, v16  }
0x47a: {  	v28 =	vmul.f32 $1.442695020e+00, v23;
	v18 =	vmul.f32 $1.442695020e+00, v18;
	v16 =	vpop (erf)  }
0x47b: {  	v34 =	vmul.f32 $1.442695020e+00, v27;
	(erf) = vpow2.f32 v17;
	v25 =	vadd.f32 v16, v25  }
0x47c: {  	v35 =	vmul.f32 $1.442695020e+00, v29;
	v17 =	vpop (erf);
	(erf) = vpow2.f32 v18  }
0x47d: {  	v22 =	vpop (erf);
	(erf) = vpow2.f32 v26;
	v26 =	vmul.f32 $1.442695020e+00, v21;
	v25 =	vadd.f32 v17, v25  }
0x47e: {  	v29 =	vimm.f32 $0.0e+00;
	v18 =	vpop (erf);
	v22 =	vmul.f32 $1.562500000e-02, v22;
	(erf) = vpow2.f32 v28  }
0x47f: {  	v27 =	vimm.f32 $0.0e+00;
	v28, _, _ =	vpop (xrf2);
	(erf) = vpow2.f32 v26;
	v25 =	vadd.f32 v18, v25  }
0x480: {  	s8 =	sor.u32 $0x180, s26;
	v21 =	vimm.f32 $0.0e+00;
	v23 =	vpop (erf);
	v24 =	vmul.f32 v22, v24;
	v28 =	vbroadcast v28, $0xF  }
0x481: {  	s9 =	sor.u32 $0x190, s26;
	s5 =	sor.u32 $0x1B0, s26;
	s7 =	sor.u32 $0x1C0, s26;
	v26 =	vimm.f32 $0.0e+00;
	v31 =	vmul.f32 v22, v20;
	v25 =	vadd.f32 v23, v25  }
0x482: {  	s6 =	sor.u32 $0x1D0, s26;
	s11 =	simm.s32 $0x200;
	v32 =	vld [tilespmem:s10+$0x110F0];
	s13 =	simm.s32 $0xA00;
	v30 =	vpop (erf);
	v20 =	vadd.f32 v24, v21;
	(erf) = vrcp.f32 v28;
	v24 =	vimm.f32 $0.0e+00  }
0x483: {  	v33 =	vld [tilespmem:s11+$0x11080];
	s14 =	sor.u32 $0x1A0, s26;
	s15 =	sor.u32 $0x1F0, s26;
	s10 =	sor.u32 $0x1E0, s26;
	v28 =	vimm.f32 $0.0e+00;
	v36 =	vadd.f32 v30, v25;
	v25 =	vimm.f32 $0.0e+00  }
.LBB2_17:
0x484: {  	v38 =	vpop (erf);
	(erf) = vpow2.f32 v34;
	v21 =	vadd.f32 v31, v21;
	v31 =	vmul.f32 v22, v0  }
0x485: {  	p1 =	sne.s32 s13, $0x7E00;
	v37 =	vld [tilespmem:s11+$0x11090];
	v0 =	vmovc v3;
	v3 =	vmovc v12;
	v39 =	vmov v23;
	v34 =	vmov v15;
	v15 =	vmov v30  }
0x486: {  	v23 =	vmul.f32 v22, v1;
	v1 =	vmov v6;
	v12 =	vpop (erf);
	(erf) = vpow2.f32 v35;
	(xrf2) =	vadd.scan.msk.f32 $0xffff, v36  }
0x487: {  	v6 =	vmovc v13;
	v36 =	vmul.f32 v22, v2;
	v2 =	vmovc v9;
	v30 =	vld [tilespmem:s11+$0x110A0];
	v35 =	vadd.f32 v12, v38;
	v32 =	vmul.f32 $1.442695020e+00, v32  }
0x488: {  	v41 =	vmul.f32 v22, v7;
	v29 =	vadd.f32 v31, v29;
	v31 =	vmul.f32 v22, v5;
	v40 =	vld [tilespmem:s11+$0x110B0];
	v13 =	vpop (erf)  }
0x489: {  	v9 =	vmovc v16;
	v5 =	vmovc v10;
	v42 =	vmul.f32 $1.442695020e+00, v33;
	v33 =	vadd.f32 v13, v35;
	(erf) = vpow2.f32 v32  }
0x48a: {  	v19 =	vmul.f32 v22, v19;
	v26 =	vadd.f32 v23, v26;
	v32 =	vmul.f32 $1.442695020e+00, v37;
	v35 =	vld [tilespmem:s11+$0x110C0];
	v16 =	vpop (erf)  }
0x48b: {  	v7 =	vmovc v14;
	v10 =	vmovc v17;
	v24 =	vadd.f32 v36, v24;
	(erf) = vpow2.f32 v42;
	v37 =	vadd.f32 v16, v33  }
0x48c: {  	v28 =	vadd.f32 v31, v28;
	v42 =	vmul.f32 $1.442695020e+00, v30;
	(erf) = vpow2.f32 v32;
	v17 =	vpop (erf)  }
0x48d: {  	v27 =	vadd.f32 v41, v27;
	v40 =	vmul.f32 $1.442695020e+00, v40;
	v33 =	vld [tilespmem:s11+$0x110D0];
	v32 =	vadd.f32 v17, v37;
	v22 =	vpop (erf)  }
0x48e: {  	v25 =	vadd.f32 v19, v25;
	v36 =	vld [tilespmem:s11+$0x110E0];
	(erf) = vpow2.f32 v42;
	v31 =	vpop (erf);
	v22 =	vmul.f32 $1.562500000e-02, v22  }
.Ltmp9:
0x48f: {  	v14 =	vmov v18;
	v19 =	vmul.f32 $1.442695020e+00, v35;
	v35 =	vadd.f32 v31, v32;
	v23 =	vpop (erf);
	(pc) =	sbr.rel @p1 .LBB2_17-.Ltmp9, $4  }
0x490: {  	v18 =	vmov v31;
	(erf) = vpow2.f32 v40;
	v30, _, _ =	vpop (xrf2);
	v37 =	vmul.f32 v22, v34  }
0x491: {  	v31 =	vmul.f32 v22, v4;
	v4 =	vmovc v11;
	v11 =	vmovc v38;
	v32 =	vld [tilespmem:s11+$0x110F0];
	v40 =	vadd.f32 v23, v35;
	v41 =	vbroadcast v30, $0xF  }
0x492: {  	s11 =	sshra.s32 s13, $0x2;
	v34 =	vmul.f32 $1.442695020e+00, v33;
	(erf) = vpow2.f32 v19;
	v30 =	vpop (erf);
	v20 =	vadd.f32 v37, v20  }
0x493: {  	s13 =	sadd.s32 $0x200, s13;
	v33 =	vld [tilespmem:s11+$0x11080];
	v35 =	vmul.f32 $1.442695020e+00, v36;
	v36 =	vadd.f32 v30, v40;
	(erf) = vrcp.f32 v41;
	v19 =	vmovc v8;
	v8 =	vmovc v39  }
0x494: {  	_ = 	snop  }
0x495: {  	v37 =	vld [tilespmem:s11+$0x11090]  }
0x496: {  	(xrf2) =	vadd.scan.msk.f32 $0xffff, v36  }
0x497: {  	v60 =	vld [tilespmem:s11+$0x110A0];
	(erf) = vpow2.f32 v34  }
0x498: {  	v32 =	vmul.f32 $1.442695020e+00, v32;
	v33 =	vmul.f32 $1.442695020e+00, v33  }
0x499: {  	v61 =	vld [tilespmem:s11+$0x110B0];
	(erf) = vpow2.f32 v35  }
0x49a: {  	v38 =	vld [tilespmem:s11+$0x110C0];
	v35 =	vpop (erf);
	(erf) = vpow2.f32 v32;
	v62 =	vmul.f32 $1.442695020e+00, v37  }
0x49b: {  	v37 =	vpop (erf);
	(erf) = vpow2.f32 v33  }
0x49c: {  	v36 =	vmul.f32 $1.442695020e+00, v60;
	v33 =	vpop (erf);
	(erf) = vpow2.f32 v62  }
0x49d: {  	v39 =	vld [tilespmem:s11+$0x110D0];
	v32 =	vpop (erf)  }
0x49e: {  	v34 =	vmul.f32 $1.442695020e+00, v61;
	(erf) = vpow2.f32 v36;
	v40 =	vpop (erf)  }
0x49f: {  	v41 =	vld [tilespmem:s11+$0x110E0];
	v38 =	vmul.f32 $1.442695020e+00, v38;
	v63 =	vpop (erf)  }
0x4a0: {  	v43 =	vld [tilespmem:s11+$0x110F0];
	(erf) = vpow2.f32 v34;
	v52, _, _ =	vpop (xrf2)  }
0x4a1: {  	v42 =	vpop (erf);
	v34 =	vbroadcast v52, $0xF  }
0x4a2: {  	v39 =	vmul.f32 $1.442695020e+00, v39;
	v55 =	vadd.f32 v37, v35;
	(erf) = vpow2.f32 v38;
	v44 =	vpop (erf)  }
0x4a3: {  	v38 =	vpop (erf);
	(erf) = vrcp.f32 v34  }
0x4a4: {  	v53 =	vmul.f32 $1.442695020e+00, v41;
	v54 =	vpop (erf);
	(erf) = vpow2.f32 v39;
	v39 =	vadd.f32 v33, v55  }
0x4a5: {  	v43 =	vmul.f32 $1.442695020e+00, v43;
	v45 =	vpop (erf)  }
0x4a6: {  	(erf) = vpow2.f32 v53;
	v39 =	vadd.f32 v32, v39;
	v56 =	vadd.f32 v45, v54  }
0x4a7: {  	v46 =	vpop (erf)  }
0x4a8: {  	(erf) = vpow2.f32 v43;
	v39 =	vadd.f32 v40, v39;
	v34 =	vadd.f32 v46, v56  }
0x4a9: {  	v43 =	vpop (erf)  }
0x4aa: {  	v39 =	vadd.f32 v42, v39;
	v34 =	vadd.f32 v43, v34  }
0x4ab: {  	v47 =	vpop (erf)  }
0x4ac: {  	v48 =	vpop (erf);
	v39 =	vadd.f32 v44, v39;
	v34 =	vadd.f32 v47, v34  }
0x4ad: {  	v49 =	vpop (erf)  }
0x4ae: {  	v39 =	vadd.f32 v38, v39;
	v34 =	vadd.f32 v49, v34  }
0x4af: {  	v50 =	vpop (erf)  }
0x4b0: {  	(xrf2) =	vadd.scan.msk.f32 $0xffff, v39;
	v34 =	vadd.f32 v50, v34  }
0x4b1: {  	v51 =	vpop (erf)  }
0x4b2: {  	v34 =	vadd.f32 v51, v34;
	_ =	sdelay $0x1  }
0x4b3: {  	(xrf2) =	vadd.scan.msk.f32 $0xffff, v34;
	_ =	sdelay $0x3  }
0x4b4: {  	v0 =	vmul.f32 v22, v0  }
0x4b5: {  	v1 =	vmul.f32 v22, v1;
	v2 =	vmul.f32 v22, v2  }
0x4b6: {  	v5 =	vmul.f32 v22, v5;
	v7 =	vmul.f32 v22, v7;
	v57, _, _ =	vpop (xrf2)  }
0x4b7: {  	v21 =	vadd.f32 v31, v21;
	v58 =	vmul.f32 $1.562500000e-02, v63;
	v59 =	vbroadcast v57, $0xF  }
0x4b8: {  	v19 =	vmul.f32 v22, v19;
	v0 =	vadd.f32 v0, v29;
	v1 =	vadd.f32 v1, v26  }
0x4b9: {  	v2 =	vadd.f32 v2, v24;
	v15 =	vmul.f32 v58, v15;
	(erf) = vrcp.f32 v59  }
0x4ba: {  	v5 =	vadd.f32 v5, v28;
	v4 =	vmul.f32 v58, v4;
	v3 =	vmul.f32 v58, v3;
	v60, _, _ =	vpop (xrf2)  }
0x4bb: {  	v7 =	vadd.f32 v7, v27;
	v6 =	vmul.f32 v58, v6;
	v61 =	vbroadcast v60, $0xF  }
0x4bc: {  	v19 =	vadd.f32 v19, v25;
	v9 =	vmul.f32 v58, v9;
	v10 =	vmul.f32 v58, v10  }
0x4bd: {  	v62 =	vmul.f32 v58, v14;
	v15 =	vadd.f32 v15, v20;
	(erf) = vrcp.f32 v61  }
0x4be: {  	v4 =	vadd.f32 v4, v21;
	v0 =	vadd.f32 v3, v0;
	v63 =	vmul.f32 $1.562500000e-02, v48  }
0x4bf: {  	v1 =	vadd.f32 v6, v1;
	v20 =	vmul.f32 v58, v8;
	v2 =	vadd.f32 v9, v2  }
0x4c0: {  	v5 =	vadd.f32 v10, v5;
	v21 =	vmul.f32 v63, v30;
	v22 =	vmul.f32 v63, v11  }
0x4c1: {  	v3 =	vadd.f32 v62, v7;
	v24 =	vmul.f32 v63, v12;
	v25 =	vmul.f32 v63, v13  }
0x4c2: {  	v6 =	vadd.f32 v20, v19;
	v26 =	vmul.f32 v63, v16;
	v27 =	vmul.f32 v63, v17;
	v28 =	vpop (erf)  }
0x4c3: {  	v29 =	vmul.f32 v63, v18;
	v8 =	vadd.f32 v21, v15;
	v30 =	vmul.f32 $1.562500000e-02, v28  }
0x4c4: {  	v31 =	vmul.f32 v63, v23;
	v4 =	vadd.f32 v22, v4;
	v0 =	vadd.f32 v24, v0  }
0x4c5: {  	v1 =	vadd.f32 v25, v1;
	v2 =	vadd.f32 v26, v2;
	v34 =	vmul.f32 v30, v38  }
0x4c6: {  	v5 =	vadd.f32 v27, v5;
	v35 =	vmul.f32 v30, v35;
	v38 =	vmul.f32 v30, v37;
	v36 =	vpop (erf)  }
0x4c7: {  	v3 =	vadd.f32 v29, v3;
	v39 =	vmul.f32 v30, v33;
	v12 =	vmul.f32 $1.562500000e-02, v36  }
0x4c8: {  	v6 =	vadd.f32 v31, v6;
	v48 =	vmul.f32 v30, v32;
	v52 =	vmul.f32 v30, v40  }
0x4c9: {  	v9 =	vmul.f32 v30, v44;
	v4 =	vadd.f32 v35, v4;
	v53 =	vmul.f32 v12, v54  }
0x4ca: {  	v0 =	vadd.f32 v38, v0;
	v1 =	vadd.f32 v39, v1;
	v55 =	vmul.f32 v12, v45  }
0x4cb: {  	v2 =	vadd.f32 v48, v2;
	v56 =	vmul.f32 v12, v46;
	v4 =	vadd.f32 v53, v4  }
0x4cc: {  	v54 =	vmul.f32 v30, v42;
	v57 =	vmul.f32 v12, v43;
	v0 =	vadd.f32 v55, v0  }
0x4cd: {  	v5 =	vadd.f32 v52, v5;
	v58 =	vmul.f32 v12, v47;
	v1 =	vadd.f32 v56, v1;
	[tilespmem:s8+$0x17080] =	vst v4  }
0x4ce: {  	v59 =	vmul.f32 v12, v49;
	v3 =	vadd.f32 v54, v3;
	v2 =	vadd.f32 v57, v2;
	[tilespmem:s9+$0x17080] =	vst v0  }
0x4cf: {  	v60 =	vadd.f32 v9, v6;
	v61 =	vmul.f32 v12, v50;
	v5 =	vadd.f32 v58, v5;
	[tilespmem:s14+$0x17080] =	vst v1  }
.Ltmp10:
0x4d0: {  	v62 =	vadd.f32 v34, v8;
	v63 =	vmul.f32 v12, v51;
	v3 =	vadd.f32 v59, v3;
	[tilespmem:s5+$0x17080] =	vst v2;
	(pc) =	sbr.rel @p0 .LBB2_20-.Ltmp10, $4  }
0x4d1: {  	v0 =	vadd.f32 v61, v60;
	[tilespmem:s7+$0x17080] =	vst v5  }
0x4d2: {  	v1 =	vadd.f32 v63, v62;
	[tilespmem:s6+$0x17080] =	vst v3  }
0x4d3: {  	[tilespmem:s10+$0x17080] =	vst v0  }
0x4d4: {  	[tilespmem:s15+$0x17080] =	vst v1  }
0x4d5: {  	s5 =	sadd.s32 $0x7, s28  }
0x4d6: {  	s6 =	sshll.u32 s5, $0x5  }
.Ltmp11:
0x4d7: {  	s5 =	sshll.u32 s5, $0x6;
	s6 =	sand.u32 $0x3FFFFFE0, s6;
	(pc) =	sbr.rel .LBB2_2-.Ltmp11, $4  }
0x4d8: {  	s5 =	sand.u32 $0x3FFFFFC0, s5;
	s6 =	sadd.s32 $0x80, s6  }
0x4d9: {  	[tilespmem:s30], [sflag:$0x5] =	stream.indirect.gather [hbm4b:s3+s16], $0x80, s6, s16, $0xb8;
	[tilespmem:$0x1B080] =	vst v63  }
0x4da: {  	s31 =	sadd.s32 $0x1, s31;
	s5 =	sadd.s32 $0x1080, s5  }
0x4db: {  	[tilespmem:s0], [sflag:$0x9] =	stream.indirect.gather [hbm4b:s1+s18], $0x80, s5, s18, $0xb8;
	[tilespmem:$0x1B080] =	vst v63  }
.LBB2_21:
0x4dc: {  	_ =	sfence.sel $0x180000  }
0x4dd: {  	[bflag:$0x0] =	sbarrier.arrive $0xFFFF  }
0x4de: {  	_ =	strace $0x90000047  }
0x4df: {  	s0 =	stileid.u32;
	[bflag:$0x2] =	sbarrier.arrive $0xFFFF  }
0x4e0: {  	p0 =	sne.s32 s0, $0x0;
	s0 =	rddreg [dreg:$0x5]  }
0x4e1: {  	s0 =	sadd.s32 @!p0 $0x100000, s0  }
0x4e2: {  	[sflag:s0] =	ssyncadd.tile.s32 @!p0 $0x1;
	_ =	shalt  }
.Lfunc_end2:
_tile_overlayer_lowered:
.L_overlay_start_2:
0x4e3: {  	(tag) =	ssettag $0x2  }
0x4e4: {  	s0 =	rddreg [dreg:$0x0];
	s2 =	stileid.u32  }
0x4e5: {  	s1 =	rddreg [dreg:$0x1];
	p0 =	sne.s32 s2, $0x0  }
0x4e6: {  	s3 =	rddreg [dreg:$0x2];
	[bflag:$0x3] =	sbarrier.arrive $0xFFFF;
	s2 =	simm.s32 @!p0 $0x1C0A  }
0x4e7: {  	[timem:s3], [sflag:s2] =	dma.local @!p0 [hbm:s0], s1  }
0x4e8: {  	s0 =	simm.s32 @!p0 $0xA  }
0x4e9: {  	_ =	swait.ge @!p0 [sflag:s0], s1  }
0x4ea: {  	s1 =	ssub.s32 @!p0 $0x0, s1;
	[sflag:s0] =	ssyncset.done @!p0 $0x0  }
0x4eb: {  	[sflag:s0] =	ssyncadd.s32 @!p0 s1  }
0x4ec: {  	[bflag:$0x3] =	sbarrier.arrive $0xFFFF  }
0x4ed: {  	_ =	shalt  }

</sc_bundles>
